<compile_context>
chip_gen: v7x
topology: tpu7x:2x2x1
jax: 0.10.2.dev20260603
libtpu: 0.0.44.dev20260713+nightly
codegen_flags: <defaults>
</compile_context>

<pallas_src>
import functools

import jax
import jax.numpy as jnp
import numpy as np
from jax import lax
from jax.experimental import pallas as pl
from jax.experimental.pallas import tpu as pltpu
from jax.experimental.pallas import tpu_sc as plsc

_N = 10000
_E = 320000
_D = 128
_H = 128
_B = 64
_OUT = 40
_L = 3

_NC = 2
_NS = 16
_NW = _NC * _NS
_CHUNK = 128
_NCHUNK = 80
_HC = 40
_EPAD = _NW * _NCHUNK * _CHUNK
_NPAD = 10240
_RPT = _NPAD // _NS


_PAD_LANES = np.arange(_EPAD - _E, dtype=np.int32) % 128
_PAD_BLOCK = np.stack([_PAD_LANES * (_N // 128), _N + _PAD_LANES])


def _seg_sum_body(h_hbm, edges_hbm, out_hbm,
                  accum, idx_s, idx_d, rows, sems):
    c = lax.axis_index("c")
    s = lax.axis_index("s")
    wid = c * _NS + s

    @pl.loop(0, _CHUNK)
    def _zero_rows(r):
        @pl.loop(0, _D // 16)
        def _zero_lanes(k):
            rows[0, r, pl.ds(k * 16, 16)] = jnp.zeros((16,), jnp.float32)

    for k in range(_RPT // _CHUNK):
        pltpu.sync_copy(rows.at[0],
                        accum.at[pl.ds(s * _RPT + k * _CHUNK, _CHUNK)])
    plsc.subcore_barrier()

    def start(j, b):
        pltpu.async_copy(h_hbm.at[idx_s.at[j]], rows.at[b], sems.at[b])

    def finish(j, b):
        pltpu.make_async_copy(h_hbm.at[idx_s.at[j]], rows.at[b],
                              sems.at[b]).wait()
        pltpu.sync_copy(rows.at[b], accum.at[idx_d.at[j]], add=True)

    for stage in range(_NCHUNK // _HC):
        pltpu.sync_copy(edges_hbm.at[0].at[wid].at[stage], idx_s)
        pltpu.sync_copy(edges_hbm.at[1].at[wid].at[stage], idx_d)

        start(0, 0)
        start(1, 1)

        @pl.loop(0, _HC - 2, step=2)
        def _edge_loop(k):
            for b in range(2):
                j = k + b
                finish(j, b)
                start(j + 2, b)

        for b in range(2):
            finish(_HC - 2 + b, b)

    plsc.subcore_barrier()
    pltpu.sync_copy(accum.at[pl.ds(s * _RPT, _RPT)],
                    out_hbm.at[c].at[pl.ds(s * _RPT, _RPT)])


_segment_sum_sc = functools.partial(
    pl.kernel,
    out_type=jax.ShapeDtypeStruct((_NC, _NPAD, _D), jnp.float32),
    mesh=plsc.VectorSubcoreMesh(core_axis_name="c", subcore_axis_name="s"),
    scratch_types=[
        pltpu.VMEM_SHARED((_NPAD, _D), jnp.float32),
        pltpu.VMEM((_HC, _CHUNK), jnp.int32),
        pltpu.VMEM((_HC, _CHUNK), jnp.int32),
        pltpu.VMEM((2, _CHUNK, _D), jnp.float32),
        pltpu.SemaphoreType.DMA((2,)),
    ],
)(_seg_sum_body)



def _bn_relu(z, g, b):
    m = jnp.mean(z, axis=0, keepdims=True)
    v = jnp.mean((z - m) ** 2, axis=0, keepdims=True)
    return jnp.maximum((z - m) / jnp.sqrt(v + 1e-5) * g + b, 0.0)


def _dot_bf16(a, b):
    return jnp.dot(a.astype(jnp.bfloat16), b.astype(jnp.bfloat16),
                   preferred_element_type=jnp.float32)


_BLK = 5000
_NB = _N // _BLK


def _phase_a(i, h_ref, agg_ref, eps_ref, w1_ref, b1_ref, z_acc, s1, s2):
    @pl.when(i == 0)
    def _init():
        s1[...] = jnp.zeros_like(s1)
        s2[...] = jnp.zeros_like(s2)

    @pl.when(i < _NB)
    def _stream():
        y = (1.0 + eps_ref[0, 0]) * h_ref[...] + agg_ref[0] + agg_ref[1]
        z = _dot_bf16(y, w1_ref[...]) + b1_ref[...]
        z_acc[pl.ds(i * _BLK, _BLK), :] = z
        s1[...] += jnp.sum(z, axis=0, keepdims=True)
        s2[...] += jnp.sum(z * z, axis=0, keepdims=True)


def _phase_b(g1_ref, be1_ref, w2_ref, b2_ref, g_ref, be_ref, z_acc, s1, s2):
    m = s1[...] / _N
    v = s2[...] / _N - m * m
    z = jnp.maximum((z_acc[...] - m) / jnp.sqrt(v + 1e-5) * g1_ref[...]
                    + be1_ref[...], 0.0)
    a = _dot_bf16(z, w2_ref[...]) + b2_ref[...]
    return _bn_relu(a, g_ref[...], be_ref[...])


def _gin_layer_body(h_ref, agg_ref, eps_ref, w1_ref, b1_ref, g1_ref, be1_ref,
                    w2_ref, b2_ref, g_ref, be_ref, out_ref, z_acc, s1, s2):
    i = pl.program_id(0)
    _phase_a(i, h_ref, agg_ref, eps_ref, w1_ref, b1_ref, z_acc, s1, s2)

    @pl.when(i == _NB)
    def _final():
        out_ref[...] = _phase_b(g1_ref, be1_ref, w2_ref, b2_ref, g_ref,
                                be_ref, z_acc, s1, s2)


def _final_body(h_ref, agg_ref, batch_ref, eps_ref, w1_ref, b1_ref, g1_ref,
                be1_ref, w2_ref, b2_ref, g_ref, be_ref, l1w_ref, l1b_ref,
                bng_ref, bnb_ref, l2w_ref, l2b_ref, out_ref, z_acc, s1, s2):
    i = pl.program_id(0)
    _phase_a(i, h_ref, agg_ref, eps_ref, w1_ref, b1_ref, z_acc, s1, s2)

    @pl.when(i == _NB)
    def _final():
        hl = _phase_b(g1_ref, be1_ref, w2_ref, b2_ref, g_ref, be_ref,
                      z_acc, s1, s2)
        seg_ids = lax.broadcasted_iota(jnp.int32, (_B, _N), 0)
        onehot = (seg_ids == batch_ref[...]).astype(jnp.float32)
        pooled = _dot_bf16(onehot, hl)
        z = jnp.dot(pooled, l1w_ref[...], preferred_element_type=jnp.float32)
        z = _bn_relu(z + l1b_ref[...], bng_ref[...], bnb_ref[...])
        z = jnp.dot(z, l2w_ref[...],
                    preferred_element_type=jnp.float32) + l2b_ref[...]
        zm = z - jnp.max(z, axis=1, keepdims=True)
        out_ref[...] = zm - jnp.log(jnp.sum(jnp.exp(zm), axis=1,
                                            keepdims=True))


def _row_block(i):
    return (jnp.minimum(i, _NB - 1), 0)


_LAYER_SPECS = [
    pl.BlockSpec((_BLK, _D), _row_block),
    pl.BlockSpec((2, _BLK, _D), lambda i: (0,) + _row_block(i)),
    pl.BlockSpec(memory_space=pltpu.SMEM),
] + [pl.BlockSpec(memory_space=pltpu.VMEM)] * 8

_SCRATCH = [
    pltpu.VMEM((_N, 2 * _H), jnp.float32),
    pltpu.VMEM((1, 2 * _H), jnp.float32),
    pltpu.VMEM((1, 2 * _H), jnp.float32),
]


def _gin_layer(h, agg, eps, w1, b1, g1, be1, w2, b2, g, be):
    return pl.pallas_call(
        _gin_layer_body,
        grid=(_NB + 1,),
        out_shape=jax.ShapeDtypeStruct((_N, _H), jnp.float32),
        in_specs=_LAYER_SPECS,
        out_specs=pl.BlockSpec((_N, _H), lambda i: (0, 0)),
        scratch_shapes=_SCRATCH,
    )(h, agg, eps, w1, b1, g1, be1, w2, b2, g, be)


def _final_layer(h, agg, batch2d, eps, w1, b1, g1, be1, w2, b2, g, be,
                 l1w, l1b, bng, bnb, l2w, l2b):
    in_specs = (_LAYER_SPECS[:2]
                + [pl.BlockSpec(memory_space=pltpu.VMEM)]
                + _LAYER_SPECS[2:]
                + [pl.BlockSpec(memory_space=pltpu.VMEM)] * 6)
    return pl.pallas_call(
        _final_body,
        grid=(_NB + 1,),
        out_shape=jax.ShapeDtypeStruct((_B, _OUT), jnp.float32),
        in_specs=in_specs,
        out_specs=pl.BlockSpec((_B, _OUT), lambda i: (0, 0)),
        scratch_shapes=_SCRATCH,
    )(h, agg, batch2d, eps, w1, b1, g1, be1, w2, b2, g, be,
      l1w, l1b, bng, bnb, l2w, l2b)


def kernel(x, edge_index, batch, params):
    edges = jnp.concatenate(
        [edge_index, jnp.asarray(_PAD_BLOCK)], axis=1,
    ).reshape(2, _NW, _NCHUNK // _HC, _HC, _CHUNK)
    batch2d = batch.reshape(1, _N)

    def vec(name):
        p = params[name]
        return p.reshape(1, p.shape[0])

    h = x
    out = None
    for i in range(_L):
        agg = _segment_sum_sc(h, edges)
        eps = params[f"eps_{i}"].reshape(1, 1)
        layer_args = (eps, params[f"w1_{i}"], vec(f"b1_{i}"), vec(f"g1_{i}"),
                      vec(f"be1_{i}"), params[f"w2_{i}"], vec(f"b2_{i}"),
                      vec(f"g_{i}"), vec(f"be_{i}"))
        if i < _L - 1:
            h = _gin_layer(h, agg, *layer_args)
        else:
            out = _final_layer(h, agg, batch2d, *layer_args,
                               params["lin1_w"], vec("lin1_b"), vec("bn1_g"),
                               vec("bn1_b"), params["lin2_w"], vec("lin2_b"))
    return out

# --- scband reference (transcript-rebuilt; emitter-appended) ---
"""Pipeline reference for scband-net-4518305595713 (READ-ONLY COPY).

The authoritative reference and input builder live on the scoring server;
editing this copy changes nothing except your own understanding.
"""

import jax, jax.numpy as jnp
import numpy as np

N = 10000
E = 320000
D = 128
H = 128
L = 3
B = 64
OUT = 40


def _bn(x, g, b):
    m = x.mean(axis=0)
    v = x.var(axis=0)
    return (x - m) / jnp.sqrt(v + 1e-5) * g + b


def setup_inputs(seed: int = 0) -> dict:
    key = jax.random.key(seed)
    ks = jax.random.split(key, 8)
    x = jax.random.normal(ks[0], (N, D), dtype=jnp.float32)
    edge_index = jax.random.randint(ks[1], (2, E), 0, N, dtype=jnp.int32)
    batch = jnp.sort(jax.random.randint(ks[2], (N,), 0, B, dtype=jnp.int32))
    params = {}
    pk = ks[3]
    in_c = D
    for i in range(L):
        pk, k1, k2, k3 = jax.random.split(pk, 4)
        params[f"eps_{i}"] = jnp.zeros((), dtype=jnp.float32)
        params[f"w1_{i}"] = jax.random.normal(k1, (in_c, 2 * H), dtype=jnp.float32) * 0.05
        params[f"b1_{i}"] = jnp.zeros((2 * H,), dtype=jnp.float32)
        params[f"g1_{i}"] = jnp.ones((2 * H,), dtype=jnp.float32)
        params[f"be1_{i}"] = jnp.zeros((2 * H,), dtype=jnp.float32)
        params[f"w2_{i}"] = jax.random.normal(k2, (2 * H, H), dtype=jnp.float32) * 0.05
        params[f"b2_{i}"] = jnp.zeros((H,), dtype=jnp.float32)
        params[f"g_{i}"] = jnp.ones((H,), dtype=jnp.float32)
        params[f"be_{i}"] = jnp.zeros((H,), dtype=jnp.float32)
        in_c = H
    pk, k1, k2 = jax.random.split(pk, 3)
    params["lin1_w"] = jax.random.normal(k1, (H, H), dtype=jnp.float32) * 0.05
    params["lin1_b"] = jnp.zeros((H,), dtype=jnp.float32)
    params["bn1_g"] = jnp.ones((H,), dtype=jnp.float32)
    params["bn1_b"] = jnp.zeros((H,), dtype=jnp.float32)
    params["lin2_w"] = jax.random.normal(k2, (H, OUT), dtype=jnp.float32) * 0.05
    params["lin2_b"] = jnp.zeros((OUT,), dtype=jnp.float32)
    return {"x": x, "edge_index": edge_index, "batch": batch, "params": params}


def reference(x, edge_index, batch, params):
    src = edge_index[0]
    dst = edge_index[1]
    h = x
    for i in range(L):
        # GINConv: out = MLP((1 + eps) * x + sum_{j->i} x_j)
        agg = jax.ops.segment_sum(h[src], dst, num_segments=N)
        z = (1.0 + params[f"eps_{i}"]) * h + agg
        z = z @ params[f"w1_{i}"] + params[f"b1_{i}"]
        z = jax.nn.relu(_bn(z, params[f"g1_{i}"], params[f"be1_{i}"]))
        z = z @ params[f"w2_{i}"] + params[f"b2_{i}"]
        # outer BatchNorm + ReLU from forward loop
        h = jax.nn.relu(_bn(z, params[f"g_{i}"], params[f"be_{i}"]))
    pooled = jax.ops.segment_sum(h, batch, num_segments=B)
    z = pooled @ params["lin1_w"] + params["lin1_b"]
    z = jax.nn.relu(_bn(z, params["bn1_g"], params["bn1_b"]))
    # dropout(p=0.5) is identity in eval mode
    z = z @ params["lin2_w"] + params["lin2_b"]
    return jax.nn.log_softmax(z, axis=-1)

if __name__ == "__main__":
    import jax
    _d = setup_inputs()
    print(jax.jit(kernel)(*tuple(_d.values())))

</pallas_src>

<mosaic_0001>
#map = affine_map<(d0, d1) -> (0, 0)>
#map1 = affine_map<(d0, d1) -> (0, 0, 0, 0, 0)>
#map2 = affine_map<(d0, d1) -> (0, 0, 0)>
module attributes {stable_mosaic.version = 14 : i64} {
  func.func @_seg_sum_body(%arg0: i32, %arg1: i32, %arg2: memref<10000x128xf32, #tpu.memory_space<hbm>>, %arg3: memref<2x32x2x40x128xi32, #tpu.memory_space<hbm>>, %arg4: memref<2x10240x128xf32, #tpu.memory_space<hbm>>, %arg5: memref<10240x128xf32, #tpu.memory_space<vmem_shared>>, %arg6: memref<40x128xi32, #tpu.memory_space<vmem>>, %arg7: memref<40x128xi32, #tpu.memory_space<vmem>>, %arg8: memref<2x128x128xf32, #tpu.memory_space<vmem>>, %arg9: memref<2x!tpu.dma_semaphore, #tpu.memory_space<semaphore_mem>>) attributes {dimension_semantics = [#tpu.dimension_semantics<core_parallel>, #tpu.dimension_semantics<subcore_parallel>], iteration_bounds = array<i64: 2, 16>, scalar_prefetch = 0 : i64, scratch_operands = 5 : i64, tpu.core_type = #tpu.core_type<sc_vector_subcore>, window_params = [{transform_indices = #map}, {transform_indices = #map1}, {transform_indices = #map2}]} {
    %mul3A = arith.constant 16 : i32
    %mul3A_0 = arith.muli %arg0, %mul3A : i32
    %add3A = arith.addi %mul3A_0, %arg1 : i32
    %scan3A = arith.constant 0 : i32
    %scan3A_1 = arith.constant 128 : i32
    %scan3A_2 = arith.addi %scan3A, %scan3A_1 : i32
    %scan3A_3 = arith.constant 1 : i32
    scf.for %scan3A_178 = %scan3A to %scan3A_2 step %scan3A_3  : i32 {
      %mul3A_179 = arith.constant 1 : i32
      %mul3A_180 = arith.muli %scan3A_178, %mul3A_179 : i32
      %add3A_181 = arith.constant 0 : i32
      %add3A_182 = arith.addi %add3A_181, %mul3A_180 : i32
      %scan3A_183 = arith.constant 0 : i32
      %scan3A_184 = arith.constant 8 : i32
      %scan3A_185 = arith.addi %scan3A_183, %scan3A_184 : i32
      %scan3A_186 = arith.constant 1 : i32
      scf.for %scan3A_188 = %scan3A_183 to %scan3A_185 step %scan3A_186  : i32 {
        %mul3A_189 = arith.constant 1 : i32
        %mul3A_190 = arith.muli %scan3A_188, %mul3A_189 : i32
        %add3A_191 = arith.constant 0 : i32
        %add3A_192 = arith.addi %add3A_191, %mul3A_190 : i32
        %broadcast_in_dim3A = arith.constant 0.000000e+00 : f32
        %broadcast_in_dim3A_193 = vector.broadcast %broadcast_in_dim3A : f32 to vector<16xf32>
        %mul3A_194 = arith.constant 16 : i32
        %mul3A_195 = arith.muli %add3A_192, %mul3A_194 : i32
        %swap3A = arith.constant 0 : i32
        %swap3A_196 = arith.index_cast %swap3A : i32 to index
        %swap3A_197 = arith.index_cast %add3A_182 : i32 to index
        %swap3A_198 = arith.index_cast %mul3A_195 : i32 to index
        %swap3A_199 = tpu.vector_load %arg8[%swap3A_196, %swap3A_197, %swap3A_198] {strides = array<i32>} : memref<2x128x128xf32, #tpu.memory_space<vmem>>, vector<1x1x16xf32>,
        %swap3A_200 = vector.shape_cast %swap3A_199 : vector<1x1x16xf32> to vector<16xf32>
        %swap3A_201 = vector.shape_cast %broadcast_in_dim3A_193 : vector<16xf32> to vector<1x1x16xf32>
        tpu.vector_store %arg8[%swap3A_196, %swap3A_197, %swap3A_198], %swap3A_201 {strides = array<i32>} : memref<2x128x128xf32, #tpu.memory_space<vmem>>, vector<1x1x16xf32>,
      }
      %scan3A_187 = arith.constant 8 : i32
    }
    %scan3A_4 = arith.constant 128 : i32
    %mul3A_5 = arith.constant 640 : i32
    %mul3A_6 = arith.muli %arg1, %mul3A_5 : i32
    %add3A_7 = arith.constant 0 : i32
    %add3A_8 = arith.addi %mul3A_6, %add3A_7 : i32
    %run_scoped3A = arith.constant 0 : i32
    "tpu.region"() ({
      %run_scoped3A_178 = tpu.sem_alloc : memref<!tpu.dma_semaphore, #tpu.memory_space<semaphore_mem>>
      %dma_start3A_179 = arith.constant 0 : i32
      %dma_start3A_180 = arith.constant 0 : i32
      %dma_start3A_181 = tpu.memref_slice %arg8[%run_scoped3A, %dma_start3A_179, %dma_start3A_180] : memref<2x128x128xf32, #tpu.memory_space<vmem>> -> memref<1x128x128xf32, #tpu.memory_space<vmem>>
      %dma_start3A_182 = tpu.memref_squeeze %dma_start3A_181 : memref<1x128x128xf32, #tpu.memory_space<vmem>> -> memref<128x128xf32, #tpu.memory_space<vmem>>
      %dma_start3A_183 = arith.constant 0 : i32
      %dma_start3A_184 = tpu.memref_slice %arg5[%add3A_8, %dma_start3A_183] : memref<10240x128xf32, #tpu.memory_space<vmem_shared>> -> memref<128x128xf32, #tpu.memory_space<vmem_shared>>
      %dma_start3A_185 = arith.constant 0 : i32
      %dma_start3A_186 = tpu.memref_slice %arg5[%add3A_8, %dma_start3A_185] : memref<10240x128xf32, #tpu.memory_space<vmem_shared>> -> memref<128x128xf32, #tpu.memory_space<vmem_shared>>
      %dma_start3A_187 = arith.constant 0 : i32
      %dma_start3A_188 = arith.constant 0 : i32
      %dma_start3A_189 = tpu.memref_slice %arg8[%run_scoped3A, %dma_start3A_187, %dma_start3A_188] : memref<2x128x128xf32, #tpu.memory_space<vmem>> -> memref<1x128x128xf32, #tpu.memory_space<vmem>>
      %dma_start3A_190 = tpu.memref_squeeze %dma_start3A_189 : memref<1x128x128xf32, #tpu.memory_space<vmem>> -> memref<128x128xf32, #tpu.memory_space<vmem>>
      tpu.enqueue_dma source(%dma_start3A_190 : memref<128x128xf32, #tpu.memory_space<vmem>>) target(%dma_start3A_186 : memref<128x128xf32, #tpu.memory_space<vmem_shared>>) target_semaphore(%run_scoped3A_178 : memref<!tpu.dma_semaphore, #tpu.memory_space<semaphore_mem>>)
      %dma_wait3A_191 = arith.constant 0 : i32
      %dma_wait3A_192 = arith.constant 0 : i32
      %dma_wait3A_193 = tpu.memref_slice %arg8[%run_scoped3A, %dma_wait3A_191, %dma_wait3A_192] : memref<2x128x128xf32, #tpu.memory_space<vmem>> -> memref<1x128x128xf32, #tpu.memory_space<vmem>>
      %dma_wait3A_194 = tpu.memref_squeeze %dma_wait3A_193 : memref<1x128x128xf32, #tpu.memory_space<vmem>> -> memref<128x128xf32, #tpu.memory_space<vmem>>
      %dma_wait3A_195 = arith.constant 0 : i32
      %dma_wait3A_196 = tpu.memref_slice %arg5[%add3A_8, %dma_wait3A_195] : memref<10240x128xf32, #tpu.memory_space<vmem_shared>> -> memref<128x128xf32, #tpu.memory_space<vmem_shared>>
      %dma_wait3A_197 = arith.constant 0 : i32
      %dma_wait3A_198 = tpu.memref_slice %arg5[%add3A_8, %dma_wait3A_197] : memref<10240x128xf32, #tpu.memory_space<vmem_shared>> -> memref<128x128xf32, #tpu.memory_space<vmem_shared>>
      %dma_wait3A_199 = arith.constant 0 : i32
      %dma_wait3A_200 = arith.constant 0 : i32
      %dma_wait3A_201 = tpu.memref_slice %arg8[%run_scoped3A, %dma_wait3A_199, %dma_wait3A_200] : memref<2x128x128xf32, #tpu.memory_space<vmem>> -> memref<1x128x128xf32, #tpu.memory_space<vmem>>
      %dma_wait3A_202 = tpu.memref_squeeze %dma_wait3A_201 : memref<1x128x128xf32, #tpu.memory_space<vmem>> -> memref<128x128xf32, #tpu.memory_space<vmem>>
      tpu.wait_dma2 semaphore(%run_scoped3A_178 : memref<!tpu.dma_semaphore, #tpu.memory_space<semaphore_mem>>) src(%dma_wait3A_202 : memref<128x128xf32, #tpu.memory_space<vmem>>) dst(%dma_wait3A_198 : memref<128x128xf32, #tpu.memory_space<vmem_shared>>)
      tpu.yield
    }) : () -> ()
    %mul3A_9 = arith.constant 640 : i32
    %mul3A_10 = arith.muli %arg1, %mul3A_9 : i32
    %add3A_11 = arith.constant 128 : i32
    %add3A_12 = arith.addi %mul3A_10, %add3A_11 : i32
    %run_scoped3A_13 = arith.constant 0 : i32
    "tpu.region"() ({
      %run_scoped3A_178 = tpu.sem_alloc : memref<!tpu.dma_semaphore, #tpu.memory_space<semaphore_mem>>
      %dma_start3A_179 = arith.constant 0 : i32
      %dma_start3A_180 = arith.constant 0 : i32
      %dma_start3A_181 = tpu.memref_slice %arg8[%run_scoped3A_13, %dma_start3A_179, %dma_start3A_180] : memref<2x128x128xf32, #tpu.memory_space<vmem>> -> memref<1x128x128xf32, #tpu.memory_space<vmem>>
      %dma_start3A_182 = tpu.memref_squeeze %dma_start3A_181 : memref<1x128x128xf32, #tpu.memory_space<vmem>> -> memref<128x128xf32, #tpu.memory_space<vmem>>
      %dma_start3A_183 = arith.constant 0 : i32
      %dma_start3A_184 = tpu.memref_slice %arg5[%add3A_12, %dma_start3A_183] : memref<10240x128xf32, #tpu.memory_space<vmem_shared>> -> memref<128x128xf32, #tpu.memory_space<vmem_shared>>
      %dma_start3A_185 = arith.constant 0 : i32
      %dma_start3A_186 = tpu.memref_slice %arg5[%add3A_12, %dma_start3A_185] : memref<10240x128xf32, #tpu.memory_space<vmem_shared>> -> memref<128x128xf32, #tpu.memory_space<vmem_shared>>
      %dma_start3A_187 = arith.constant 0 : i32
      %dma_start3A_188 = arith.constant 0 : i32
      %dma_start3A_189 = tpu.memref_slice %arg8[%run_scoped3A_13, %dma_start3A_187, %dma_start3A_188] : memref<2x128x128xf32, #tpu.memory_space<vmem>> -> memref<1x128x128xf32, #tpu.memory_space<vmem>>
      %dma_start3A_190 = tpu.memref_squeeze %dma_start3A_189 : memref<1x128x128xf32, #tpu.memory_space<vmem>> -> memref<128x128xf32, #tpu.memory_space<vmem>>
      tpu.enqueue_dma source(%dma_start3A_190 : memref<128x128xf32, #tpu.memory_space<vmem>>) target(%dma_start3A_186 : memref<128x128xf32, #tpu.memory_space<vmem_shared>>) target_semaphore(%run_scoped3A_178 : memref<!tpu.dma_semaphore, #tpu.memory_space<semaphore_mem>>)
      %dma_wait3A_191 = arith.constant 0 : i32
      %dma_wait3A_192 = arith.constant 0 : i32
      %dma_wait3A_193 = tpu.memref_slice %arg8[%run_scoped3A_13, %dma_wait3A_191, %dma_wait3A_192] : memref<2x128x128xf32, #tpu.memory_space<vmem>> -> memref<1x128x128xf32, #tpu.memory_space<vmem>>
      %dma_wait3A_194 = tpu.memref_squeeze %dma_wait3A_193 : memref<1x128x128xf32, #tpu.memory_space<vmem>> -> memref<128x128xf32, #tpu.memory_space<vmem>>
      %dma_wait3A_195 = arith.constant 0 : i32
      %dma_wait3A_196 = tpu.memref_slice %arg5[%add3A_12, %dma_wait3A_195] : memref<10240x128xf32, #tpu.memory_space<vmem_shared>> -> memref<128x128xf32, #tpu.memory_space<vmem_shared>>
      %dma_wait3A_197 = arith.constant 0 : i32
      %dma_wait3A_198 = tpu.memref_slice %arg5[%add3A_12, %dma_wait3A_197] : memref<10240x128xf32, #tpu.memory_space<vmem_shared>> -> memref<128x128xf32, #tpu.memory_space<vmem_shared>>
      %dma_wait3A_199 = arith.constant 0 : i32
      %dma_wait3A_200 = arith.constant 0 : i32
      %dma_wait3A_201 = tpu.memref_slice %arg8[%run_scoped3A_13, %dma_wait3A_199, %dma_wait3A_200] : memref<2x128x128xf32, #tpu.memory_space<vmem>> -> memref<1x128x128xf32, #tpu.memory_space<vmem>>
      %dma_wait3A_202 = tpu.memref_squeeze %dma_wait3A_201 : memref<1x128x128xf32, #tpu.memory_space<vmem>> -> memref<128x128xf32, #tpu.memory_space<vmem>>
      tpu.wait_dma2 semaphore(%run_scoped3A_178 : memref<!tpu.dma_semaphore, #tpu.memory_space<semaphore_mem>>) src(%dma_wait3A_202 : memref<128x128xf32, #tpu.memory_space<vmem>>) dst(%dma_wait3A_198 : memref<128x128xf32, #tpu.memory_space<vmem_shared>>)
      tpu.yield
    }) : () -> ()
    %mul3A_14 = arith.constant 640 : i32
    %mul3A_15 = arith.muli %arg1, %mul3A_14 : i32
    %add3A_16 = arith.constant 256 : i32
    %add3A_17 = arith.addi %mul3A_15, %add3A_16 : i32
    %run_scoped3A_18 = arith.constant 0 : i32
    "tpu.region"() ({
      %run_scoped3A_178 = tpu.sem_alloc : memref<!tpu.dma_semaphore, #tpu.memory_space<semaphore_mem>>
      %dma_start3A_179 = arith.constant 0 : i32
      %dma_start3A_180 = arith.constant 0 : i32
      %dma_start3A_181 = tpu.memref_slice %arg8[%run_scoped3A_18, %dma_start3A_179, %dma_start3A_180] : memref<2x128x128xf32, #tpu.memory_space<vmem>> -> memref<1x128x128xf32, #tpu.memory_space<vmem>>
      %dma_start3A_182 = tpu.memref_squeeze %dma_start3A_181 : memref<1x128x128xf32, #tpu.memory_space<vmem>> -> memref<128x128xf32, #tpu.memory_space<vmem>>
      %dma_start3A_183 = arith.constant 0 : i32
      %dma_start3A_184 = tpu.memref_slice %arg5[%add3A_17, %dma_start3A_183] : memref<10240x128xf32, #tpu.memory_space<vmem_shared>> -> memref<128x128xf32, #tpu.memory_space<vmem_shared>>
      %dma_start3A_185 = arith.constant 0 : i32
      %dma_start3A_186 = tpu.memref_slice %arg5[%add3A_17, %dma_start3A_185] : memref<10240x128xf32, #tpu.memory_space<vmem_shared>> -> memref<128x128xf32, #tpu.memory_space<vmem_shared>>
      %dma_start3A_187 = arith.constant 0 : i32
      %dma_start3A_188 = arith.constant 0 : i32
      %dma_start3A_189 = tpu.memref_slice %arg8[%run_scoped3A_18, %dma_start3A_187, %dma_start3A_188] : memref<2x128x128xf32, #tpu.memory_space<vmem>> -> memref<1x128x128xf32, #tpu.memory_space<vmem>>
      %dma_start3A_190 = tpu.memref_squeeze %dma_start3A_189 : memref<1x128x128xf32, #tpu.memory_space<vmem>> -> memref<128x128xf32, #tpu.memory_space<vmem>>
      tpu.enqueue_dma source(%dma_start3A_190 : memref<128x128xf32, #tpu.memory_space<vmem>>) target(%dma_start3A_186 : memref<128x128xf32, #tpu.memory_space<vmem_shared>>) target_semaphore(%run_scoped3A_178 : memref<!tpu.dma_semaphore, #tpu.memory_space<semaphore_mem>>)
      %dma_wait3A_191 = arith.constant 0 : i32
      %dma_wait3A_192 = arith.constant 0 : i32
      %dma_wait3A_193 = tpu.memref_slice %arg8[%run_scoped3A_18, %dma_wait3A_191, %dma_wait3A_192] : memref<2x128x128xf32, #tpu.memory_space<vmem>> -> memref<1x128x128xf32, #tpu.memory_space<vmem>>
      %dma_wait3A_194 = tpu.memref_squeeze %dma_wait3A_193 : memref<1x128x128xf32, #tpu.memory_space<vmem>> -> memref<128x128xf32, #tpu.memory_space<vmem>>
      %dma_wait3A_195 = arith.constant 0 : i32
      %dma_wait3A_196 = tpu.memref_slice %arg5[%add3A_17, %dma_wait3A_195] : memref<10240x128xf32, #tpu.memory_space<vmem_shared>> -> memref<128x128xf32, #tpu.memory_space<vmem_shared>>
      %dma_wait3A_197 = arith.constant 0 : i32
      %dma_wait3A_198 = tpu.memref_slice %arg5[%add3A_17, %dma_wait3A_197] : memref<10240x128xf32, #tpu.memory_space<vmem_shared>> -> memref<128x128xf32, #tpu.memory_space<vmem_shared>>
      %dma_wait3A_199 = arith.constant 0 : i32
      %dma_wait3A_200 = arith.constant 0 : i32
      %dma_wait3A_201 = tpu.memref_slice %arg8[%run_scoped3A_18, %dma_wait3A_199, %dma_wait3A_200] : memref<2x128x128xf32, #tpu.memory_space<vmem>> -> memref<1x128x128xf32, #tpu.memory_space<vmem>>
      %dma_wait3A_202 = tpu.memref_squeeze %dma_wait3A_201 : memref<1x128x128xf32, #tpu.memory_space<vmem>> -> memref<128x128xf32, #tpu.memory_space<vmem>>
      tpu.wait_dma2 semaphore(%run_scoped3A_178 : memref<!tpu.dma_semaphore, #tpu.memory_space<semaphore_mem>>) src(%dma_wait3A_202 : memref<128x128xf32, #tpu.memory_space<vmem>>) dst(%dma_wait3A_198 : memref<128x128xf32, #tpu.memory_space<vmem_shared>>)
      tpu.yield
    }) : () -> ()
    %mul3A_19 = arith.constant 640 : i32
    %mul3A_20 = arith.muli %arg1, %mul3A_19 : i32
    %add3A_21 = arith.constant 384 : i32
    %add3A_22 = arith.addi %mul3A_20, %add3A_21 : i32
    %run_scoped3A_23 = arith.constant 0 : i32
    "tpu.region"() ({
      %run_scoped3A_178 = tpu.sem_alloc : memref<!tpu.dma_semaphore, #tpu.memory_space<semaphore_mem>>
      %dma_start3A_179 = arith.constant 0 : i32
      %dma_start3A_180 = arith.constant 0 : i32
      %dma_start3A_181 = tpu.memref_slice %arg8[%run_scoped3A_23, %dma_start3A_179, %dma_start3A_180] : memref<2x128x128xf32, #tpu.memory_space<vmem>> -> memref<1x128x128xf32, #tpu.memory_space<vmem>>
      %dma_start3A_182 = tpu.memref_squeeze %dma_start3A_181 : memref<1x128x128xf32, #tpu.memory_space<vmem>> -> memref<128x128xf32, #tpu.memory_space<vmem>>
      %dma_start3A_183 = arith.constant 0 : i32
      %dma_start3A_184 = tpu.memref_slice %arg5[%add3A_22, %dma_start3A_183] : memref<10240x128xf32, #tpu.memory_space<vmem_shared>> -> memref<128x128xf32, #tpu.memory_space<vmem_shared>>
      %dma_start3A_185 = arith.constant 0 : i32
      %dma_start3A_186 = tpu.memref_slice %arg5[%add3A_22, %dma_start3A_185] : memref<10240x128xf32, #tpu.memory_space<vmem_shared>> -> memref<128x128xf32, #tpu.memory_space<vmem_shared>>
      %dma_start3A_187 = arith.constant 0 : i32
      %dma_start3A_188 = arith.constant 0 : i32
      %dma_start3A_189 = tpu.memref_slice %arg8[%run_scoped3A_23, %dma_start3A_187, %dma_start3A_188] : memref<2x128x128xf32, #tpu.memory_space<vmem>> -> memref<1x128x128xf32, #tpu.memory_space<vmem>>
      %dma_start3A_190 = tpu.memref_squeeze %dma_start3A_189 : memref<1x128x128xf32, #tpu.memory_space<vmem>> -> memref<128x128xf32, #tpu.memory_space<vmem>>
      tpu.enqueue_dma source(%dma_start3A_190 : memref<128x128xf32, #tpu.memory_space<vmem>>) target(%dma_start3A_186 : memref<128x128xf32, #tpu.memory_space<vmem_shared>>) target_semaphore(%run_scoped3A_178 : memref<!tpu.dma_semaphore, #tpu.memory_space<semaphore_mem>>)
      %dma_wait3A_191 = arith.constant 0 : i32
      %dma_wait3A_192 = arith.constant 0 : i32
      %dma_wait3A_193 = tpu.memref_slice %arg8[%run_scoped3A_23, %dma_wait3A_191, %dma_wait3A_192] : memref<2x128x128xf32, #tpu.memory_space<vmem>> -> memref<1x128x128xf32, #tpu.memory_space<vmem>>
      %dma_wait3A_194 = tpu.memref_squeeze %dma_wait3A_193 : memref<1x128x128xf32, #tpu.memory_space<vmem>> -> memref<128x128xf32, #tpu.memory_space<vmem>>
      %dma_wait3A_195 = arith.constant 0 : i32
      %dma_wait3A_196 = tpu.memref_slice %arg5[%add3A_22, %dma_wait3A_195] : memref<10240x128xf32, #tpu.memory_space<vmem_shared>> -> memref<128x128xf32, #tpu.memory_space<vmem_shared>>
      %dma_wait3A_197 = arith.constant 0 : i32
      %dma_wait3A_198 = tpu.memref_slice %arg5[%add3A_22, %dma_wait3A_197] : memref<10240x128xf32, #tpu.memory_space<vmem_shared>> -> memref<128x128xf32, #tpu.memory_space<vmem_shared>>
      %dma_wait3A_199 = arith.constant 0 : i32
      %dma_wait3A_200 = arith.constant 0 : i32
      %dma_wait3A_201 = tpu.memref_slice %arg8[%run_scoped3A_23, %dma_wait3A_199, %dma_wait3A_200] : memref<2x128x128xf32, #tpu.memory_space<vmem>> -> memref<1x128x128xf32, #tpu.memory_space<vmem>>
      %dma_wait3A_202 = tpu.memref_squeeze %dma_wait3A_201 : memref<1x128x128xf32, #tpu.memory_space<vmem>> -> memref<128x128xf32, #tpu.memory_space<vmem>>
      tpu.wait_dma2 semaphore(%run_scoped3A_178 : memref<!tpu.dma_semaphore, #tpu.memory_space<semaphore_mem>>) src(%dma_wait3A_202 : memref<128x128xf32, #tpu.memory_space<vmem>>) dst(%dma_wait3A_198 : memref<128x128xf32, #tpu.memory_space<vmem_shared>>)
      tpu.yield
    }) : () -> ()
    %mul3A_24 = arith.constant 640 : i32
    %mul3A_25 = arith.muli %arg1, %mul3A_24 : i32
    %add3A_26 = arith.constant 512 : i32
    %add3A_27 = arith.addi %mul3A_25, %add3A_26 : i32
    %run_scoped3A_28 = arith.constant 0 : i32
    "tpu.region"() ({
      %run_scoped3A_178 = tpu.sem_alloc : memref<!tpu.dma_semaphore, #tpu.memory_space<semaphore_mem>>
      %dma_start3A_179 = arith.constant 0 : i32
      %dma_start3A_180 = arith.constant 0 : i32
      %dma_start3A_181 = tpu.memref_slice %arg8[%run_scoped3A_28, %dma_start3A_179, %dma_start3A_180] : memref<2x128x128xf32, #tpu.memory_space<vmem>> -> memref<1x128x128xf32, #tpu.memory_space<vmem>>
      %dma_start3A_182 = tpu.memref_squeeze %dma_start3A_181 : memref<1x128x128xf32, #tpu.memory_space<vmem>> -> memref<128x128xf32, #tpu.memory_space<vmem>>
      %dma_start3A_183 = arith.constant 0 : i32
      %dma_start3A_184 = tpu.memref_slice %arg5[%add3A_27, %dma_start3A_183] : memref<10240x128xf32, #tpu.memory_space<vmem_shared>> -> memref<128x128xf32, #tpu.memory_space<vmem_shared>>
      %dma_start3A_185 = arith.constant 0 : i32
      %dma_start3A_186 = tpu.memref_slice %arg5[%add3A_27, %dma_start3A_185] : memref<10240x128xf32, #tpu.memory_space<vmem_shared>> -> memref<128x128xf32, #tpu.memory_space<vmem_shared>>
      %dma_start3A_187 = arith.constant 0 : i32
      %dma_start3A_188 = arith.constant 0 : i32
      %dma_start3A_189 = tpu.memref_slice %arg8[%run_scoped3A_28, %dma_start3A_187, %dma_start3A_188] : memref<2x128x128xf32, #tpu.memory_space<vmem>> -> memref<1x128x128xf32, #tpu.memory_space<vmem>>
      %dma_start3A_190 = tpu.memref_squeeze %dma_start3A_189 : memref<1x128x128xf32, #tpu.memory_space<vmem>> -> memref<128x128xf32, #tpu.memory_space<vmem>>
      tpu.enqueue_dma source(%dma_start3A_190 : memref<128x128xf32, #tpu.memory_space<vmem>>) target(%dma_start3A_186 : memref<128x128xf32, #tpu.memory_space<vmem_shared>>) target_semaphore(%run_scoped3A_178 : memref<!tpu.dma_semaphore, #tpu.memory_space<semaphore_mem>>)
      %dma_wait3A_191 = arith.constant 0 : i32
      %dma_wait3A_192 = arith.constant 0 : i32
      %dma_wait3A_193 = tpu.memref_slice %arg8[%run_scoped3A_28, %dma_wait3A_191, %dma_wait3A_192] : memref<2x128x128xf32, #tpu.memory_space<vmem>> -> memref<1x128x128xf32, #tpu.memory_space<vmem>>
      %dma_wait3A_194 = tpu.memref_squeeze %dma_wait3A_193 : memref<1x128x128xf32, #tpu.memory_space<vmem>> -> memref<128x128xf32, #tpu.memory_space<vmem>>
      %dma_wait3A_195 = arith.constant 0 : i32
      %dma_wait3A_196 = tpu.memref_slice %arg5[%add3A_27, %dma_wait3A_195] : memref<10240x128xf32, #tpu.memory_space<vmem_shared>> -> memref<128x128xf32, #tpu.memory_space<vmem_shared>>
      %dma_wait3A_197 = arith.constant 0 : i32
      %dma_wait3A_198 = tpu.memref_slice %arg5[%add3A_27, %dma_wait3A_197] : memref<10240x128xf32, #tpu.memory_space<vmem_shared>> -> memref<128x128xf32, #tpu.memory_space<vmem_shared>>
      %dma_wait3A_199 = arith.constant 0 : i32
      %dma_wait3A_200 = arith.constant 0 : i32
      %dma_wait3A_201 = tpu.memref_slice %arg8[%run_scoped3A_28, %dma_wait3A_199, %dma_wait3A_200] : memref<2x128x128xf32, #tpu.memory_space<vmem>> -> memref<1x128x128xf32, #tpu.memory_space<vmem>>
      %dma_wait3A_202 = tpu.memref_squeeze %dma_wait3A_201 : memref<1x128x128xf32, #tpu.memory_space<vmem>> -> memref<128x128xf32, #tpu.memory_space<vmem>>
      tpu.wait_dma2 semaphore(%run_scoped3A_178 : memref<!tpu.dma_semaphore, #tpu.memory_space<semaphore_mem>>) src(%dma_wait3A_202 : memref<128x128xf32, #tpu.memory_space<vmem>>) dst(%dma_wait3A_198 : memref<128x128xf32, #tpu.memory_space<vmem_shared>>)
      tpu.yield
    }) : () -> ()
    %barrier3A = arith.constant 0 : index
    tpu.barrier barrier_id(%barrier3A)
    %run_scoped3A_29 = arith.constant 0 : i32
    %run_scoped3A_30 = arith.constant 0 : i32
    "tpu.region"() ({
      %run_scoped3A_178 = tpu.sem_alloc : memref<!tpu.dma_semaphore, #tpu.memory_space<semaphore_mem>>
      %dma_start3A_179 = arith.constant 0 : i32
      %dma_start3A_180 = arith.constant 0 : i32
      %dma_start3A_181 = arith.constant 0 : i32
      %dma_start3A_182 = arith.constant 0 : i32
      %dma_start3A_183 = tpu.memref_slice %arg3[%run_scoped3A_29, %dma_start3A_179, %dma_start3A_180, %dma_start3A_181, %dma_start3A_182] : memref<2x32x2x40x128xi32, #tpu.memory_space<hbm>> -> memref<1x32x2x40x128xi32, #tpu.memory_space<hbm>>
      %dma_start3A_184 = tpu.memref_squeeze %dma_start3A_183 : memref<1x32x2x40x128xi32, #tpu.memory_space<hbm>> -> memref<32x2x40x128xi32, #tpu.memory_space<hbm>>
      %dma_start3A_185 = arith.constant 0 : i32
      %dma_start3A_186 = arith.constant 0 : i32
      %dma_start3A_187 = arith.constant 0 : i32
      %dma_start3A_188 = tpu.memref_slice %dma_start3A_184[%add3A, %dma_start3A_185, %dma_start3A_186, %dma_start3A_187] : memref<32x2x40x128xi32, #tpu.memory_space<hbm>> -> memref<1x2x40x128xi32, #tpu.memory_space<hbm>>
      %dma_start3A_189 = tpu.memref_squeeze %dma_start3A_188 : memref<1x2x40x128xi32, #tpu.memory_space<hbm>> -> memref<2x40x128xi32, #tpu.memory_space<hbm>>
      %dma_start3A_190 = arith.constant 0 : i32
      %dma_start3A_191 = arith.constant 0 : i32
      %dma_start3A_192 = tpu.memref_slice %dma_start3A_189[%run_scoped3A_30, %dma_start3A_190, %dma_start3A_191] : memref<2x40x128xi32, #tpu.memory_space<hbm>> -> memref<1x40x128xi32, #tpu.memory_space<hbm>>
      %dma_start3A_193 = tpu.memref_squeeze %dma_start3A_192 : memref<1x40x128xi32, #tpu.memory_space<hbm>> -> memref<40x128xi32, #tpu.memory_space<hbm>>
      %dma_start3A_194 = arith.constant 0 : i32
      %dma_start3A_195 = arith.constant 0 : i32
      %dma_start3A_196 = arith.constant 0 : i32
      %dma_start3A_197 = arith.constant 0 : i32
      %dma_start3A_198 = tpu.memref_slice %arg3[%run_scoped3A_29, %dma_start3A_194, %dma_start3A_195, %dma_start3A_196, %dma_start3A_197] : memref<2x32x2x40x128xi32, #tpu.memory_space<hbm>> -> memref<1x32x2x40x128xi32, #tpu.memory_space<hbm>>
      %dma_start3A_199 = tpu.memref_squeeze %dma_start3A_198 : memref<1x32x2x40x128xi32, #tpu.memory_space<hbm>> -> memref<32x2x40x128xi32, #tpu.memory_space<hbm>>
      %dma_start3A_200 = arith.constant 0 : i32
      %dma_start3A_201 = arith.constant 0 : i32
      %dma_start3A_202 = arith.constant 0 : i32
      %dma_start3A_203 = tpu.memref_slice %dma_start3A_199[%add3A, %dma_start3A_200, %dma_start3A_201, %dma_start3A_202] : memref<32x2x40x128xi32, #tpu.memory_space<hbm>> -> memref<1x2x40x128xi32, #tpu.memory_space<hbm>>
      %dma_start3A_204 = tpu.memref_squeeze %dma_start3A_203 : memref<1x2x40x128xi32, #tpu.memory_space<hbm>> -> memref<2x40x128xi32, #tpu.memory_space<hbm>>
      %dma_start3A_205 = arith.constant 0 : i32
      %dma_start3A_206 = arith.constant 0 : i32
      %dma_start3A_207 = tpu.memref_slice %dma_start3A_204[%run_scoped3A_30, %dma_start3A_205, %dma_start3A_206] : memref<2x40x128xi32, #tpu.memory_space<hbm>> -> memref<1x40x128xi32, #tpu.memory_space<hbm>>
      %dma_start3A_208 = tpu.memref_squeeze %dma_start3A_207 : memref<1x40x128xi32, #tpu.memory_space<hbm>> -> memref<40x128xi32, #tpu.memory_space<hbm>>
      tpu.enqueue_dma source(%dma_start3A_208 : memref<40x128xi32, #tpu.memory_space<hbm>>) target(%arg6 : memref<40x128xi32, #tpu.memory_space<vmem>>) target_semaphore(%run_scoped3A_178 : memref<!tpu.dma_semaphore, #tpu.memory_space<semaphore_mem>>)
      %dma_wait3A_209 = arith.constant 0 : i32
      %dma_wait3A_210 = arith.constant 0 : i32
      %dma_wait3A_211 = arith.constant 0 : i32
      %dma_wait3A_212 = arith.constant 0 : i32
      %dma_wait3A_213 = tpu.memref_slice %arg3[%run_scoped3A_29, %dma_wait3A_209, %dma_wait3A_210, %dma_wait3A_211, %dma_wait3A_212] : memref<2x32x2x40x128xi32, #tpu.memory_space<hbm>> -> memref<1x32x2x40x128xi32, #tpu.memory_space<hbm>>
      %dma_wait3A_214 = tpu.memref_squeeze %dma_wait3A_213 : memref<1x32x2x40x128xi32, #tpu.memory_space<hbm>> -> memref<32x2x40x128xi32, #tpu.memory_space<hbm>>
      %dma_wait3A_215 = arith.constant 0 : i32
      %dma_wait3A_216 = arith.constant 0 : i32
      %dma_wait3A_217 = arith.constant 0 : i32
      %dma_wait3A_218 = tpu.memref_slice %dma_wait3A_214[%add3A, %dma_wait3A_215, %dma_wait3A_216, %dma_wait3A_217] : memref<32x2x40x128xi32, #tpu.memory_space<hbm>> -> memref<1x2x40x128xi32, #tpu.memory_space<hbm>>
      %dma_wait3A_219 = tpu.memref_squeeze %dma_wait3A_218 : memref<1x2x40x128xi32, #tpu.memory_space<hbm>> -> memref<2x40x128xi32, #tpu.memory_space<hbm>>
      %dma_wait3A_220 = arith.constant 0 : i32
      %dma_wait3A_221 = arith.constant 0 : i32
      %dma_wait3A_222 = tpu.memref_slice %dma_wait3A_219[%run_scoped3A_30, %dma_wait3A_220, %dma_wait3A_221] : memref<2x40x128xi32, #tpu.memory_space<hbm>> -> memref<1x40x128xi32, #tpu.memory_space<hbm>>
      %dma_wait3A_223 = tpu.memref_squeeze %dma_wait3A_222 : memref<1x40x128xi32, #tpu.memory_space<hbm>> -> memref<40x128xi32, #tpu.memory_space<hbm>>
      %dma_wait3A_224 = arith.constant 0 : i32
      %dma_wait3A_225 = arith.constant 0 : i32
      %dma_wait3A_226 = arith.constant 0 : i32
      %dma_wait3A_227 = arith.constant 0 : i32
      %dma_wait3A_228 = tpu.memref_slice %arg3[%run_scoped3A_29, %dma_wait3A_224, %dma_wait3A_225, %dma_wait3A_226, %dma_wait3A_227] : memref<2x32x2x40x128xi32, #tpu.memory_space<hbm>> -> memref<1x32x2x40x128xi32, #tpu.memory_space<hbm>>
      %dma_wait3A_229 = tpu.memref_squeeze %dma_wait3A_228 : memref<1x32x2x40x128xi32, #tpu.memory_space<hbm>> -> memref<32x2x40x128xi32, #tpu.memory_space<hbm>>
      %dma_wait3A_230 = arith.constant 0 : i32
      %dma_wait3A_231 = arith.constant 0 : i32
      %dma_wait3A_232 = arith.constant 0 : i32
      %dma_wait3A_233 = tpu.memref_slice %dma_wait3A_229[%add3A, %dma_wait3A_230, %dma_wait3A_231, %dma_wait3A_232] : memref<32x2x40x128xi32, #tpu.memory_space<hbm>> -> memref<1x2x40x128xi32, #tpu.memory_space<hbm>>
      %dma_wait3A_234 = tpu.memref_squeeze %dma_wait3A_233 : memref<1x2x40x128xi32, #tpu.memory_space<hbm>> -> memref<2x40x128xi32, #tpu.memory_space<hbm>>
      %dma_wait3A_235 = arith.constant 0 : i32
      %dma_wait3A_236 = arith.constant 0 : i32
      %dma_wait3A_237 = tpu.memref_slice %dma_wait3A_234[%run_scoped3A_30, %dma_wait3A_235, %dma_wait3A_236] : memref<2x40x128xi32, #tpu.memory_space<hbm>> -> memref<1x40x128xi32, #tpu.memory_space<hbm>>
      %dma_wait3A_238 = tpu.memref_squeeze %dma_wait3A_237 : memref<1x40x128xi32, #tpu.memory_space<hbm>> -> memref<40x128xi32, #tpu.memory_space<hbm>>
      tpu.wait_dma2 semaphore(%run_scoped3A_178 : memref<!tpu.dma_semaphore, #tpu.memory_space<semaphore_mem>>) src(%dma_wait3A_238 : memref<40x128xi32, #tpu.memory_space<hbm>>) dst(%arg6 : memref<40x128xi32, #tpu.memory_space<vmem>>)
      tpu.yield
    }) : () -> ()
    %run_scoped3A_31 = arith.constant 1 : i32
    %run_scoped3A_32 = arith.constant 0 : i32
    "tpu.region"() ({
      %run_scoped3A_178 = tpu.sem_alloc : memref<!tpu.dma_semaphore, #tpu.memory_space<semaphore_mem>>
      %dma_start3A_179 = arith.constant 0 : i32
      %dma_start3A_180 = arith.constant 0 : i32
      %dma_start3A_181 = arith.constant 0 : i32
      %dma_start3A_182 = arith.constant 0 : i32
      %dma_start3A_183 = tpu.memref_slice %arg3[%run_scoped3A_31, %dma_start3A_179, %dma_start3A_180, %dma_start3A_181, %dma_start3A_182] : memref<2x32x2x40x128xi32, #tpu.memory_space<hbm>> -> memref<1x32x2x40x128xi32, #tpu.memory_space<hbm>>
      %dma_start3A_184 = tpu.memref_squeeze %dma_start3A_183 : memref<1x32x2x40x128xi32, #tpu.memory_space<hbm>> -> memref<32x2x40x128xi32, #tpu.memory_space<hbm>>
      %dma_start3A_185 = arith.constant 0 : i32
      %dma_start3A_186 = arith.constant 0 : i32
      %dma_start3A_187 = arith.constant 0 : i32
      %dma_start3A_188 = tpu.memref_slice %dma_start3A_184[%add3A, %dma_start3A_185, %dma_start3A_186, %dma_start3A_187] : memref<32x2x40x128xi32, #tpu.memory_space<hbm>> -> memref<1x2x40x128xi32, #tpu.memory_space<hbm>>
      %dma_start3A_189 = tpu.memref_squeeze %dma_start3A_188 : memref<1x2x40x128xi32, #tpu.memory_space<hbm>> -> memref<2x40x128xi32, #tpu.memory_space<hbm>>
      %dma_start3A_190 = arith.constant 0 : i32
      %dma_start3A_191 = arith.constant 0 : i32
      %dma_start3A_192 = tpu.memref_slice %dma_start3A_189[%run_scoped3A_32, %dma_start3A_190, %dma_start3A_191] : memref<2x40x128xi32, #tpu.memory_space<hbm>> -> memref<1x40x128xi32, #tpu.memory_space<hbm>>
      %dma_start3A_193 = tpu.memref_squeeze %dma_start3A_192 : memref<1x40x128xi32, #tpu.memory_space<hbm>> -> memref<40x128xi32, #tpu.memory_space<hbm>>
      %dma_start3A_194 = arith.constant 0 : i32
      %dma_start3A_195 = arith.constant 0 : i32
      %dma_start3A_196 = arith.constant 0 : i32
      %dma_start3A_197 = arith.constant 0 : i32
      %dma_start3A_198 = tpu.memref_slice %arg3[%run_scoped3A_31, %dma_start3A_194, %dma_start3A_195, %dma_start3A_196, %dma_start3A_197] : memref<2x32x2x40x128xi32, #tpu.memory_space<hbm>> -> memref<1x32x2x40x128xi32, #tpu.memory_space<hbm>>
      %dma_start3A_199 = tpu.memref_squeeze %dma_start3A_198 : memref<1x32x2x40x128xi32, #tpu.memory_space<hbm>> -> memref<32x2x40x128xi32, #tpu.memory_space<hbm>>
      %dma_start3A_200 = arith.constant 0 : i32
      %dma_start3A_201 = arith.constant 0 : i32
      %dma_start3A_202 = arith.constant 0 : i32
      %dma_start3A_203 = tpu.memref_slice %dma_start3A_199[%add3A, %dma_start3A_200, %dma_start3A_201, %dma_start3A_202] : memref<32x2x40x128xi32, #tpu.memory_space<hbm>> -> memref<1x2x40x128xi32, #tpu.memory_space<hbm>>
      %dma_start3A_204 = tpu.memref_squeeze %dma_start3A_203 : memref<1x2x40x128xi32, #tpu.memory_space<hbm>> -> memref<2x40x128xi32, #tpu.memory_space<hbm>>
      %dma_start3A_205 = arith.constant 0 : i32
      %dma_start3A_206 = arith.constant 0 : i32
      %dma_start3A_207 = tpu.memref_slice %dma_start3A_204[%run_scoped3A_32, %dma_start3A_205, %dma_start3A_206] : memref<2x40x128xi32, #tpu.memory_space<hbm>> -> memref<1x40x128xi32, #tpu.memory_space<hbm>>
      %dma_start3A_208 = tpu.memref_squeeze %dma_start3A_207 : memref<1x40x128xi32, #tpu.memory_space<hbm>> -> memref<40x128xi32, #tpu.memory_space<hbm>>
      tpu.enqueue_dma source(%dma_start3A_208 : memref<40x128xi32, #tpu.memory_space<hbm>>) target(%arg7 : memref<40x128xi32, #tpu.memory_space<vmem>>) target_semaphore(%run_scoped3A_178 : memref<!tpu.dma_semaphore, #tpu.memory_space<semaphore_mem>>)
      %dma_wait3A_209 = arith.constant 0 : i32
      %dma_wait3A_210 = arith.constant 0 : i32
      %dma_wait3A_211 = arith.constant 0 : i32
      %dma_wait3A_212 = arith.constant 0 : i32
      %dma_wait3A_213 = tpu.memref_slice %arg3[%run_scoped3A_31, %dma_wait3A_209, %dma_wait3A_210, %dma_wait3A_211, %dma_wait3A_212] : memref<2x32x2x40x128xi32, #tpu.memory_space<hbm>> -> memref<1x32x2x40x128xi32, #tpu.memory_space<hbm>>
      %dma_wait3A_214 = tpu.memref_squeeze %dma_wait3A_213 : memref<1x32x2x40x128xi32, #tpu.memory_space<hbm>> -> memref<32x2x40x128xi32, #tpu.memory_space<hbm>>
      %dma_wait3A_215 = arith.constant 0 : i32
      %dma_wait3A_216 = arith.constant 0 : i32
      %dma_wait3A_217 = arith.constant 0 : i32
      %dma_wait3A_218 = tpu.memref_slice %dma_wait3A_214[%add3A, %dma_wait3A_215, %dma_wait3A_216, %dma_wait3A_217] : memref<32x2x40x128xi32, #tpu.memory_space<hbm>> -> memref<1x2x40x128xi32, #tpu.memory_space<hbm>>
      %dma_wait3A_219 = tpu.memref_squeeze %dma_wait3A_218 : memref<1x2x40x128xi32, #tpu.memory_space<hbm>> -> memref<2x40x128xi32, #tpu.memory_space<hbm>>
      %dma_wait3A_220 = arith.constant 0 : i32
      %dma_wait3A_221 = arith.constant 0 : i32
      %dma_wait3A_222 = tpu.memref_slice %dma_wait3A_219[%run_scoped3A_32, %dma_wait3A_220, %dma_wait3A_221] : memref<2x40x128xi32, #tpu.memory_space<hbm>> -> memref<1x40x128xi32, #tpu.memory_space<hbm>>
      %dma_wait3A_223 = tpu.memref_squeeze %dma_wait3A_222 : memref<1x40x128xi32, #tpu.memory_space<hbm>> -> memref<40x128xi32, #tpu.memory_space<hbm>>
      %dma_wait3A_224 = arith.constant 0 : i32
      %dma_wait3A_225 = arith.constant 0 : i32
      %dma_wait3A_226 = arith.constant 0 : i32
      %dma_wait3A_227 = arith.constant 0 : i32
      %dma_wait3A_228 = tpu.memref_slice %arg3[%run_scoped3A_31, %dma_wait3A_224, %dma_wait3A_225, %dma_wait3A_226, %dma_wait3A_227] : memref<2x32x2x40x128xi32, #tpu.memory_space<hbm>> -> memref<1x32x2x40x128xi32, #tpu.memory_space<hbm>>
      %dma_wait3A_229 = tpu.memref_squeeze %dma_wait3A_228 : memref<1x32x2x40x128xi32, #tpu.memory_space<hbm>> -> memref<32x2x40x128xi32, #tpu.memory_space<hbm>>
      %dma_wait3A_230 = arith.constant 0 : i32
      %dma_wait3A_231 = arith.constant 0 : i32
      %dma_wait3A_232 = arith.constant 0 : i32
      %dma_wait3A_233 = tpu.memref_slice %dma_wait3A_229[%add3A, %dma_wait3A_230, %dma_wait3A_231, %dma_wait3A_232] : memref<32x2x40x128xi32, #tpu.memory_space<hbm>> -> memref<1x2x40x128xi32, #tpu.memory_space<hbm>>
      %dma_wait3A_234 = tpu.memref_squeeze %dma_wait3A_233 : memref<1x2x40x128xi32, #tpu.memory_space<hbm>> -> memref<2x40x128xi32, #tpu.memory_space<hbm>>
      %dma_wait3A_235 = arith.constant 0 : i32
      %dma_wait3A_236 = arith.constant 0 : i32
      %dma_wait3A_237 = tpu.memref_slice %dma_wait3A_234[%run_scoped3A_32, %dma_wait3A_235, %dma_wait3A_236] : memref<2x40x128xi32, #tpu.memory_space<hbm>> -> memref<1x40x128xi32, #tpu.memory_space<hbm>>
      %dma_wait3A_238 = tpu.memref_squeeze %dma_wait3A_237 : memref<1x40x128xi32, #tpu.memory_space<hbm>> -> memref<40x128xi32, #tpu.memory_space<hbm>>
      tpu.wait_dma2 semaphore(%run_scoped3A_178 : memref<!tpu.dma_semaphore, #tpu.memory_space<semaphore_mem>>) src(%dma_wait3A_238 : memref<40x128xi32, #tpu.memory_space<hbm>>) dst(%arg7 : memref<40x128xi32, #tpu.memory_space<vmem>>)
      tpu.yield
    }) : () -> ()
    %dma_start3A = arith.constant 0 : i32
    %dma_start3A_33 = arith.constant 0 : i32
    %dma_start3A_34 = arith.constant 0 : i32
    %dma_start3A_35 = arith.constant 0 : i32
    %dma_start3A_36 = arith.constant 0 : i32
    %dma_start3A_37 = tpu.memref_slice %arg8[%dma_start3A_33, %dma_start3A_35, %dma_start3A_36] : memref<2x128x128xf32, #tpu.memory_space<vmem>> -> memref<1x128x128xf32, #tpu.memory_space<vmem>>
    %dma_start3A_38 = tpu.memref_squeeze %dma_start3A_37 : memref<1x128x128xf32, #tpu.memory_space<vmem>> -> memref<128x128xf32, #tpu.memory_space<vmem>>
    %dma_start3A_39 = arith.constant 0 : i32
    %dma_start3A_40 = tpu.memref_slice %arg6[%dma_start3A, %dma_start3A_39] : memref<40x128xi32, #tpu.memory_space<vmem>> -> memref<1x128xi32, #tpu.memory_space<vmem>>
    %dma_start3A_41 = tpu.memref_squeeze %dma_start3A_40 : memref<1x128xi32, #tpu.memory_space<vmem>> -> memref<128xi32, #tpu.memory_space<vmem>>
    %dma_start3A_42 = arith.constant 0 : i32
    %dma_start3A_43 = arith.constant 0 : i32
    %dma_start3A_44 = tpu.memref_slice %arg2[%dma_start3A_42, %dma_start3A_43] : memref<10000x128xf32, #tpu.memory_space<hbm>> -> memref<10000x128xf32, #tpu.memory_space<hbm>>
    %dma_start3A_45 = tpu.memref_slice %arg9[%dma_start3A_34] : memref<2x!tpu.dma_semaphore, #tpu.memory_space<semaphore_mem>> -> memref<1x!tpu.dma_semaphore, #tpu.memory_space<semaphore_mem>>
    %dma_start3A_46 = tpu.memref_squeeze %dma_start3A_45 : memref<1x!tpu.dma_semaphore, #tpu.memory_space<semaphore_mem>> -> memref<!tpu.dma_semaphore, #tpu.memory_space<semaphore_mem>>
    tpu.enqueue_indirect_dma source(%dma_start3A_44 : memref<10000x128xf32, #tpu.memory_space<hbm>>) target(%dma_start3A_38 : memref<128x128xf32, #tpu.memory_space<vmem>>) offsets(%dma_start3A_41 : memref<128xi32, #tpu.memory_space<vmem>>) semaphore(%dma_start3A_46 : memref<!tpu.dma_semaphore, #tpu.memory_space<semaphore_mem>>)
    %dma_start3A_47 = arith.constant 1 : i32
    %dma_start3A_48 = arith.constant 1 : i32
    %dma_start3A_49 = arith.constant 1 : i32
    %dma_start3A_50 = arith.constant 0 : i32
    %dma_start3A_51 = arith.constant 0 : i32
    %dma_start3A_52 = tpu.memref_slice %arg8[%dma_start3A_48, %dma_start3A_50, %dma_start3A_51] : memref<2x128x128xf32, #tpu.memory_space<vmem>> -> memref<1x128x128xf32, #tpu.memory_space<vmem>>
    %dma_start3A_53 = tpu.memref_squeeze %dma_start3A_52 : memref<1x128x128xf32, #tpu.memory_space<vmem>> -> memref<128x128xf32, #tpu.memory_space<vmem>>
    %dma_start3A_54 = arith.constant 0 : i32
    %dma_start3A_55 = tpu.memref_slice %arg6[%dma_start3A_47, %dma_start3A_54] : memref<40x128xi32, #tpu.memory_space<vmem>> -> memref<1x128xi32, #tpu.memory_space<vmem>>
    %dma_start3A_56 = tpu.memref_squeeze %dma_start3A_55 : memref<1x128xi32, #tpu.memory_space<vmem>> -> memref<128xi32, #tpu.memory_space<vmem>>
    %dma_start3A_57 = arith.constant 0 : i32
    %dma_start3A_58 = arith.constant 0 : i32
    %dma_start3A_59 = tpu.memref_slice %arg2[%dma_start3A_57, %dma_start3A_58] : memref<10000x128xf32, #tpu.memory_space<hbm>> -> memref<10000x128xf32, #tpu.memory_space<hbm>>
    %dma_start3A_60 = tpu.memref_slice %arg9[%dma_start3A_49] : memref<2x!tpu.dma_semaphore, #tpu.memory_space<semaphore_mem>> -> memref<1x!tpu.dma_semaphore, #tpu.memory_space<semaphore_mem>>
    %dma_start3A_61 = tpu.memref_squeeze %dma_start3A_60 : memref<1x!tpu.dma_semaphore, #tpu.memory_space<semaphore_mem>> -> memref<!tpu.dma_semaphore, #tpu.memory_space<semaphore_mem>>
    tpu.enqueue_indirect_dma source(%dma_start3A_59 : memref<10000x128xf32, #tpu.memory_space<hbm>>) target(%dma_start3A_53 : memref<128x128xf32, #tpu.memory_space<vmem>>) offsets(%dma_start3A_56 : memref<128xi32, #tpu.memory_space<vmem>>) semaphore(%dma_start3A_61 : memref<!tpu.dma_semaphore, #tpu.memory_space<semaphore_mem>>)
    %scan3A_62 = arith.constant 0 : i32
    %scan3A_63 = arith.constant 19 : i32
    %scan3A_64 = arith.addi %scan3A_62, %scan3A_63 : i32
    %scan3A_65 = arith.constant 1 : i32
    scf.for %scan3A_178 = %scan3A_62 to %scan3A_64 step %scan3A_65  : i32 {
      %mul3A_179 = arith.constant 2 : i32
      %mul3A_180 = arith.muli %scan3A_178, %mul3A_179 : i32
      %add3A_181 = arith.constant 0 : i32
      %add3A_182 = arith.addi %add3A_181, %mul3A_180 : i32
      %add3A_183 = arith.constant 0 : i32
      %add3A_184 = arith.addi %add3A_182, %add3A_183 : i32
      %dma_wait3A_185 = arith.constant 0 : i32
      %dma_wait3A_186 = arith.constant 0 : i32
      %dma_wait3A_187 = arith.constant 0 : i32
      %dma_wait3A_188 = arith.constant 0 : i32
      %dma_wait3A_189 = tpu.memref_slice %arg8[%dma_wait3A_185, %dma_wait3A_187, %dma_wait3A_188] : memref<2x128x128xf32, #tpu.memory_space<vmem>> -> memref<1x128x128xf32, #tpu.memory_space<vmem>>
      %dma_wait3A_190 = tpu.memref_squeeze %dma_wait3A_189 : memref<1x128x128xf32, #tpu.memory_space<vmem>> -> memref<128x128xf32, #tpu.memory_space<vmem>>
      %dma_wait3A_191 = arith.constant 0 : i32
      %dma_wait3A_192 = tpu.memref_slice %arg6[%add3A_184, %dma_wait3A_191] : memref<40x128xi32, #tpu.memory_space<vmem>> -> memref<1x128xi32, #tpu.memory_space<vmem>>
      %dma_wait3A_193 = tpu.memref_squeeze %dma_wait3A_192 : memref<1x128xi32, #tpu.memory_space<vmem>> -> memref<128xi32, #tpu.memory_space<vmem>>
      %dma_wait3A_194 = arith.constant 0 : i32
      %dma_wait3A_195 = arith.constant 0 : i32
      %dma_wait3A_196 = tpu.memref_slice %arg2[%dma_wait3A_194, %dma_wait3A_195] : memref<10000x128xf32, #tpu.memory_space<hbm>> -> memref<10000x128xf32, #tpu.memory_space<hbm>>
      %dma_wait3A_197 = tpu.memref_slice %arg9[%dma_wait3A_186] : memref<2x!tpu.dma_semaphore, #tpu.memory_space<semaphore_mem>> -> memref<1x!tpu.dma_semaphore, #tpu.memory_space<semaphore_mem>>
      %dma_wait3A_198 = tpu.memref_squeeze %dma_wait3A_197 : memref<1x!tpu.dma_semaphore, #tpu.memory_space<semaphore_mem>> -> memref<!tpu.dma_semaphore, #tpu.memory_space<semaphore_mem>>
      tpu.wait_indirect_dma semaphore(%dma_wait3A_198 : memref<!tpu.dma_semaphore, #tpu.memory_space<semaphore_mem>>) src(%dma_wait3A_196 : memref<10000x128xf32, #tpu.memory_space<hbm>>) dst(%dma_wait3A_190 : memref<128x128xf32, #tpu.memory_space<vmem>>)
      %run_scoped3A_199 = arith.constant 0 : i32
      "tpu.region"() ({
        %run_scoped3A_249 = tpu.sem_alloc : memref<!tpu.dma_semaphore, #tpu.memory_space<semaphore_mem>>
        %dma_start3A_250 = arith.constant 0 : i32
        %dma_start3A_251 = arith.constant 0 : i32
        %dma_start3A_252 = tpu.memref_slice %arg8[%run_scoped3A_199, %dma_start3A_250, %dma_start3A_251] : memref<2x128x128xf32, #tpu.memory_space<vmem>> -> memref<1x128x128xf32, #tpu.memory_space<vmem>>
        %dma_start3A_253 = tpu.memref_squeeze %dma_start3A_252 : memref<1x128x128xf32, #tpu.memory_space<vmem>> -> memref<128x128xf32, #tpu.memory_space<vmem>>
        %dma_start3A_254 = arith.constant 0 : i32
        %dma_start3A_255 = tpu.memref_slice %arg7[%add3A_184, %dma_start3A_254] : memref<40x128xi32, #tpu.memory_space<vmem>> -> memref<1x128xi32, #tpu.memory_space<vmem>>
        %dma_start3A_256 = tpu.memref_squeeze %dma_start3A_255 : memref<1x128xi32, #tpu.memory_space<vmem>> -> memref<128xi32, #tpu.memory_space<vmem>>
        %dma_start3A_257 = arith.constant 0 : i32
        %dma_start3A_258 = arith.constant 0 : i32
        %dma_start3A_259 = tpu.memref_slice %arg5[%dma_start3A_257, %dma_start3A_258] : memref<10240x128xf32, #tpu.memory_space<vmem_shared>> -> memref<10240x128xf32, #tpu.memory_space<vmem_shared>>
        tpu.enqueue_indirect_dma source(%dma_start3A_253 : memref<128x128xf32, #tpu.memory_space<vmem>>) target(%dma_start3A_259 : memref<10240x128xf32, #tpu.memory_space<vmem_shared>>) offsets(%dma_start3A_256 : memref<128xi32, #tpu.memory_space<vmem>>) semaphore(%run_scoped3A_249 : memref<!tpu.dma_semaphore, #tpu.memory_space<semaphore_mem>>) {add = true}
        %dma_wait3A_260 = arith.constant 0 : i32
        %dma_wait3A_261 = arith.constant 0 : i32
        %dma_wait3A_262 = tpu.memref_slice %arg8[%run_scoped3A_199, %dma_wait3A_260, %dma_wait3A_261] : memref<2x128x128xf32, #tpu.memory_space<vmem>> -> memref<1x128x128xf32, #tpu.memory_space<vmem>>
        %dma_wait3A_263 = tpu.memref_squeeze %dma_wait3A_262 : memref<1x128x128xf32, #tpu.memory_space<vmem>> -> memref<128x128xf32, #tpu.memory_space<vmem>>
        %dma_wait3A_264 = arith.constant 0 : i32
        %dma_wait3A_265 = tpu.memref_slice %arg7[%add3A_184, %dma_wait3A_264] : memref<40x128xi32, #tpu.memory_space<vmem>> -> memref<1x128xi32, #tpu.memory_space<vmem>>
        %dma_wait3A_266 = tpu.memref_squeeze %dma_wait3A_265 : memref<1x128xi32, #tpu.memory_space<vmem>> -> memref<128xi32, #tpu.memory_space<vmem>>
        %dma_wait3A_267 = arith.constant 0 : i32
        %dma_wait3A_268 = arith.constant 0 : i32
        %dma_wait3A_269 = tpu.memref_slice %arg5[%dma_wait3A_267, %dma_wait3A_268] : memref<10240x128xf32, #tpu.memory_space<vmem_shared>> -> memref<10240x128xf32, #tpu.memory_space<vmem_shared>>
        tpu.wait_indirect_dma semaphore(%run_scoped3A_249 : memref<!tpu.dma_semaphore, #tpu.memory_space<semaphore_mem>>) src(%dma_wait3A_263 : memref<128x128xf32, #tpu.memory_space<vmem>>) dst(%dma_wait3A_269 : memref<10240x128xf32, #tpu.memory_space<vmem_shared>>)
        tpu.yield
      }) : () -> ()
      %add3A_200 = arith.constant 2 : i32
      %add3A_201 = arith.addi %add3A_184, %add3A_200 : i32
      %dma_start3A_202 = arith.constant 0 : i32
      %dma_start3A_203 = arith.constant 0 : i32
      %dma_start3A_204 = arith.constant 0 : i32
      %dma_start3A_205 = arith.constant 0 : i32
      %dma_start3A_206 = tpu.memref_slice %arg8[%dma_start3A_202, %dma_start3A_204, %dma_start3A_205] : memref<2x128x128xf32, #tpu.memory_space<vmem>> -> memref<1x128x128xf32, #tpu.memory_space<vmem>>
      %dma_start3A_207 = tpu.memref_squeeze %dma_start3A_206 : memref<1x128x128xf32, #tpu.memory_space<vmem>> -> memref<128x128xf32, #tpu.memory_space<vmem>>
      %dma_start3A_208 = arith.constant 0 : i32
      %dma_start3A_209 = tpu.memref_slice %arg6[%add3A_201, %dma_start3A_208] : memref<40x128xi32, #tpu.memory_space<vmem>> -> memref<1x128xi32, #tpu.memory_space<vmem>>
      %dma_start3A_210 = tpu.memref_squeeze %dma_start3A_209 : memref<1x128xi32, #tpu.memory_space<vmem>> -> memref<128xi32, #tpu.memory_space<vmem>>
      %dma_start3A_211 = arith.constant 0 : i32
      %dma_start3A_212 = arith.constant 0 : i32
      %dma_start3A_213 = tpu.memref_slice %arg2[%dma_start3A_211, %dma_start3A_212] : memref<10000x128xf32, #tpu.memory_space<hbm>> -> memref<10000x128xf32, #tpu.memory_space<hbm>>
      %dma_start3A_214 = tpu.memref_slice %arg9[%dma_start3A_203] : memref<2x!tpu.dma_semaphore, #tpu.memory_space<semaphore_mem>> -> memref<1x!tpu.dma_semaphore, #tpu.memory_space<semaphore_mem>>
      %dma_start3A_215 = tpu.memref_squeeze %dma_start3A_214 : memref<1x!tpu.dma_semaphore, #tpu.memory_space<semaphore_mem>> -> memref<!tpu.dma_semaphore, #tpu.memory_space<semaphore_mem>>
      tpu.enqueue_indirect_dma source(%dma_start3A_213 : memref<10000x128xf32, #tpu.memory_space<hbm>>) target(%dma_start3A_207 : memref<128x128xf32, #tpu.memory_space<vmem>>) offsets(%dma_start3A_210 : memref<128xi32, #tpu.memory_space<vmem>>) semaphore(%dma_start3A_215 : memref<!tpu.dma_semaphore, #tpu.memory_space<semaphore_mem>>)
      %add3A_216 = arith.constant 1 : i32
      %add3A_217 = arith.addi %add3A_182, %add3A_216 : i32
      %dma_wait3A_218 = arith.constant 1 : i32
      %dma_wait3A_219 = arith.constant 1 : i32
      %dma_wait3A_220 = arith.constant 0 : i32
      %dma_wait3A_221 = arith.constant 0 : i32
      %dma_wait3A_222 = tpu.memref_slice %arg8[%dma_wait3A_218, %dma_wait3A_220, %dma_wait3A_221] : memref<2x128x128xf32, #tpu.memory_space<vmem>> -> memref<1x128x128xf32, #tpu.memory_space<vmem>>
      %dma_wait3A_223 = tpu.memref_squeeze %dma_wait3A_222 : memref<1x128x128xf32, #tpu.memory_space<vmem>> -> memref<128x128xf32, #tpu.memory_space<vmem>>
      %dma_wait3A_224 = arith.constant 0 : i32
      %dma_wait3A_225 = tpu.memref_slice %arg6[%add3A_217, %dma_wait3A_224] : memref<40x128xi32, #tpu.memory_space<vmem>> -> memref<1x128xi32, #tpu.memory_space<vmem>>
      %dma_wait3A_226 = tpu.memref_squeeze %dma_wait3A_225 : memref<1x128xi32, #tpu.memory_space<vmem>> -> memref<128xi32, #tpu.memory_space<vmem>>
      %dma_wait3A_227 = arith.constant 0 : i32
      %dma_wait3A_228 = arith.constant 0 : i32
      %dma_wait3A_229 = tpu.memref_slice %arg2[%dma_wait3A_227, %dma_wait3A_228] : memref<10000x128xf32, #tpu.memory_space<hbm>> -> memref<10000x128xf32, #tpu.memory_space<hbm>>
      %dma_wait3A_230 = tpu.memref_slice %arg9[%dma_wait3A_219] : memref<2x!tpu.dma_semaphore, #tpu.memory_space<semaphore_mem>> -> memref<1x!tpu.dma_semaphore, #tpu.memory_space<semaphore_mem>>
      %dma_wait3A_231 = tpu.memref_squeeze %dma_wait3A_230 : memref<1x!tpu.dma_semaphore, #tpu.memory_space<semaphore_mem>> -> memref<!tpu.dma_semaphore, #tpu.memory_space<semaphore_mem>>
      tpu.wait_indirect_dma semaphore(%dma_wait3A_231 : memref<!tpu.dma_semaphore, #tpu.memory_space<semaphore_mem>>) src(%dma_wait3A_229 : memref<10000x128xf32, #tpu.memory_space<hbm>>) dst(%dma_wait3A_223 : memref<128x128xf32, #tpu.memory_space<vmem>>)
      %run_scoped3A_232 = arith.constant 1 : i32
      "tpu.region"() ({
        %run_scoped3A_249 = tpu.sem_alloc : memref<!tpu.dma_semaphore, #tpu.memory_space<semaphore_mem>>
        %dma_start3A_250 = arith.constant 0 : i32
        %dma_start3A_251 = arith.constant 0 : i32
        %dma_start3A_252 = tpu.memref_slice %arg8[%run_scoped3A_232, %dma_start3A_250, %dma_start3A_251] : memref<2x128x128xf32, #tpu.memory_space<vmem>> -> memref<1x128x128xf32, #tpu.memory_space<vmem>>
        %dma_start3A_253 = tpu.memref_squeeze %dma_start3A_252 : memref<1x128x128xf32, #tpu.memory_space<vmem>> -> memref<128x128xf32, #tpu.memory_space<vmem>>
        %dma_start3A_254 = arith.constant 0 : i32
        %dma_start3A_255 = tpu.memref_slice %arg7[%add3A_217, %dma_start3A_254] : memref<40x128xi32, #tpu.memory_space<vmem>> -> memref<1x128xi32, #tpu.memory_space<vmem>>
        %dma_start3A_256 = tpu.memref_squeeze %dma_start3A_255 : memref<1x128xi32, #tpu.memory_space<vmem>> -> memref<128xi32, #tpu.memory_space<vmem>>
        %dma_start3A_257 = arith.constant 0 : i32
        %dma_start3A_258 = arith.constant 0 : i32
        %dma_start3A_259 = tpu.memref_slice %arg5[%dma_start3A_257, %dma_start3A_258] : memref<10240x128xf32, #tpu.memory_space<vmem_shared>> -> memref<10240x128xf32, #tpu.memory_space<vmem_shared>>
        tpu.enqueue_indirect_dma source(%dma_start3A_253 : memref<128x128xf32, #tpu.memory_space<vmem>>) target(%dma_start3A_259 : memref<10240x128xf32, #tpu.memory_space<vmem_shared>>) offsets(%dma_start3A_256 : memref<128xi32, #tpu.memory_space<vmem>>) semaphore(%run_scoped3A_249 : memref<!tpu.dma_semaphore, #tpu.memory_space<semaphore_mem>>) {add = true}
        %dma_wait3A_260 = arith.constant 0 : i32
        %dma_wait3A_261 = arith.constant 0 : i32
        %dma_wait3A_262 = tpu.memref_slice %arg8[%run_scoped3A_232, %dma_wait3A_260, %dma_wait3A_261] : memref<2x128x128xf32, #tpu.memory_space<vmem>> -> memref<1x128x128xf32, #tpu.memory_space<vmem>>
        %dma_wait3A_263 = tpu.memref_squeeze %dma_wait3A_262 : memref<1x128x128xf32, #tpu.memory_space<vmem>> -> memref<128x128xf32, #tpu.memory_space<vmem>>
        %dma_wait3A_264 = arith.constant 0 : i32
        %dma_wait3A_265 = tpu.memref_slice %arg7[%add3A_217, %dma_wait3A_264] : memref<40x128xi32, #tpu.memory_space<vmem>> -> memref<1x128xi32, #tpu.memory_space<vmem>>
        %dma_wait3A_266 = tpu.memref_squeeze %dma_wait3A_265 : memref<1x128xi32, #tpu.memory_space<vmem>> -> memref<128xi32, #tpu.memory_space<vmem>>
        %dma_wait3A_267 = arith.constant 0 : i32
        %dma_wait3A_268 = arith.constant 0 : i32
        %dma_wait3A_269 = tpu.memref_slice %arg5[%dma_wait3A_267, %dma_wait3A_268] : memref<10240x128xf32, #tpu.memory_space<vmem_shared>> -> memref<10240x128xf32, #tpu.memory_space<vmem_shared>>
        tpu.wait_indirect_dma semaphore(%run_scoped3A_249 : memref<!tpu.dma_semaphore, #tpu.memory_space<semaphore_mem>>) src(%dma_wait3A_263 : memref<128x128xf32, #tpu.memory_space<vmem>>) dst(%dma_wait3A_269 : memref<10240x128xf32, #tpu.memory_space<vmem_shared>>)
        tpu.yield
      }) : () -> ()
      %add3A_233 = arith.constant 2 : i32
      %add3A_234 = arith.addi %add3A_217, %add3A_233 : i32
      %dma_start3A_235 = arith.constant 1 : i32
      %dma_start3A_236 = arith.constant 1 : i32
      %dma_start3A_237 = arith.constant 0 : i32
      %dma_start3A_238 = arith.constant 0 : i32
      %dma_start3A_239 = tpu.memref_slice %arg8[%dma_start3A_235, %dma_start3A_237, %dma_start3A_238] : memref<2x128x128xf32, #tpu.memory_space<vmem>> -> memref<1x128x128xf32, #tpu.memory_space<vmem>>
      %dma_start3A_240 = tpu.memref_squeeze %dma_start3A_239 : memref<1x128x128xf32, #tpu.memory_space<vmem>> -> memref<128x128xf32, #tpu.memory_space<vmem>>
      %dma_start3A_241 = arith.constant 0 : i32
      %dma_start3A_242 = tpu.memref_slice %arg6[%add3A_234, %dma_start3A_241] : memref<40x128xi32, #tpu.memory_space<vmem>> -> memref<1x128xi32, #tpu.memory_space<vmem>>
      %dma_start3A_243 = tpu.memref_squeeze %dma_start3A_242 : memref<1x128xi32, #tpu.memory_space<vmem>> -> memref<128xi32, #tpu.memory_space<vmem>>
      %dma_start3A_244 = arith.constant 0 : i32
      %dma_start3A_245 = arith.constant 0 : i32
      %dma_start3A_246 = tpu.memref_slice %arg2[%dma_start3A_244, %dma_start3A_245] : memref<10000x128xf32, #tpu.memory_space<hbm>> -> memref<10000x128xf32, #tpu.memory_space<hbm>>
      %dma_start3A_247 = tpu.memref_slice %arg9[%dma_start3A_236] : memref<2x!tpu.dma_semaphore, #tpu.memory_space<semaphore_mem>> -> memref<1x!tpu.dma_semaphore, #tpu.memory_space<semaphore_mem>>
      %dma_start3A_248 = tpu.memref_squeeze %dma_start3A_247 : memref<1x!tpu.dma_semaphore, #tpu.memory_space<semaphore_mem>> -> memref<!tpu.dma_semaphore, #tpu.memory_space<semaphore_mem>>
      tpu.enqueue_indirect_dma source(%dma_start3A_246 : memref<10000x128xf32, #tpu.memory_space<hbm>>) target(%dma_start3A_240 : memref<128x128xf32, #tpu.memory_space<vmem>>) offsets(%dma_start3A_243 : memref<128xi32, #tpu.memory_space<vmem>>) semaphore(%dma_start3A_248 : memref<!tpu.dma_semaphore, #tpu.memory_space<semaphore_mem>>)
    }
    %scan3A_66 = arith.constant 19 : i32
    %dma_wait3A = arith.constant 38 : i32
    %dma_wait3A_67 = arith.constant 0 : i32
    %dma_wait3A_68 = arith.constant 0 : i32
    %dma_wait3A_69 = arith.constant 0 : i32
    %dma_wait3A_70 = arith.constant 0 : i32
    %dma_wait3A_71 = tpu.memref_slice %arg8[%dma_wait3A_67, %dma_wait3A_69, %dma_wait3A_70] : memref<2x128x128xf32, #tpu.memory_space<vmem>> -> memref<1x128x128xf32, #tpu.memory_space<vmem>>
    %dma_wait3A_72 = tpu.memref_squeeze %dma_wait3A_71 : memref<1x128x128xf32, #tpu.memory_space<vmem>> -> memref<128x128xf32, #tpu.memory_space<vmem>>
    %dma_wait3A_73 = arith.constant 0 : i32
    %dma_wait3A_74 = tpu.memref_slice %arg6[%dma_wait3A, %dma_wait3A_73] : memref<40x128xi32, #tpu.memory_space<vmem>> -> memref<1x128xi32, #tpu.memory_space<vmem>>
    %dma_wait3A_75 = tpu.memref_squeeze %dma_wait3A_74 : memref<1x128xi32, #tpu.memory_space<vmem>> -> memref<128xi32, #tpu.memory_space<vmem>>
    %dma_wait3A_76 = arith.constant 0 : i32
    %dma_wait3A_77 = arith.constant 0 : i32
    %dma_wait3A_78 = tpu.memref_slice %arg2[%dma_wait3A_76, %dma_wait3A_77] : memref<10000x128xf32, #tpu.memory_space<hbm>> -> memref<10000x128xf32, #tpu.memory_space<hbm>>
    %dma_wait3A_79 = tpu.memref_slice %arg9[%dma_wait3A_68] : memref<2x!tpu.dma_semaphore, #tpu.memory_space<semaphore_mem>> -> memref<1x!tpu.dma_semaphore, #tpu.memory_space<semaphore_mem>>
    %dma_wait3A_80 = tpu.memref_squeeze %dma_wait3A_79 : memref<1x!tpu.dma_semaphore, #tpu.memory_space<semaphore_mem>> -> memref<!tpu.dma_semaphore, #tpu.memory_space<semaphore_mem>>
    tpu.wait_indirect_dma semaphore(%dma_wait3A_80 : memref<!tpu.dma_semaphore, #tpu.memory_space<semaphore_mem>>) src(%dma_wait3A_78 : memref<10000x128xf32, #tpu.memory_space<hbm>>) dst(%dma_wait3A_72 : memref<128x128xf32, #tpu.memory_space<vmem>>)
    %run_scoped3A_81 = arith.constant 0 : i32
    %run_scoped3A_82 = arith.constant 38 : i32
    "tpu.region"() ({
      %run_scoped3A_178 = tpu.sem_alloc : memref<!tpu.dma_semaphore, #tpu.memory_space<semaphore_mem>>
      %dma_start3A_179 = arith.constant 0 : i32
      %dma_start3A_180 = arith.constant 0 : i32
      %dma_start3A_181 = tpu.memref_slice %arg8[%run_scoped3A_81, %dma_start3A_179, %dma_start3A_180] : memref<2x128x128xf32, #tpu.memory_space<vmem>> -> memref<1x128x128xf32, #tpu.memory_space<vmem>>
      %dma_start3A_182 = tpu.memref_squeeze %dma_start3A_181 : memref<1x128x128xf32, #tpu.memory_space<vmem>> -> memref<128x128xf32, #tpu.memory_space<vmem>>
      %dma_start3A_183 = arith.constant 0 : i32
      %dma_start3A_184 = tpu.memref_slice %arg7[%run_scoped3A_82, %dma_start3A_183] : memref<40x128xi32, #tpu.memory_space<vmem>> -> memref<1x128xi32, #tpu.memory_space<vmem>>
      %dma_start3A_185 = tpu.memref_squeeze %dma_start3A_184 : memref<1x128xi32, #tpu.memory_space<vmem>> -> memref<128xi32, #tpu.memory_space<vmem>>
      %dma_start3A_186 = arith.constant 0 : i32
      %dma_start3A_187 = arith.constant 0 : i32
      %dma_start3A_188 = tpu.memref_slice %arg5[%dma_start3A_186, %dma_start3A_187] : memref<10240x128xf32, #tpu.memory_space<vmem_shared>> -> memref<10240x128xf32, #tpu.memory_space<vmem_shared>>
      tpu.enqueue_indirect_dma source(%dma_start3A_182 : memref<128x128xf32, #tpu.memory_space<vmem>>) target(%dma_start3A_188 : memref<10240x128xf32, #tpu.memory_space<vmem_shared>>) offsets(%dma_start3A_185 : memref<128xi32, #tpu.memory_space<vmem>>) semaphore(%run_scoped3A_178 : memref<!tpu.dma_semaphore, #tpu.memory_space<semaphore_mem>>) {add = true}
      %dma_wait3A_189 = arith.constant 0 : i32
      %dma_wait3A_190 = arith.constant 0 : i32
      %dma_wait3A_191 = tpu.memref_slice %arg8[%run_scoped3A_81, %dma_wait3A_189, %dma_wait3A_190] : memref<2x128x128xf32, #tpu.memory_space<vmem>> -> memref<1x128x128xf32, #tpu.memory_space<vmem>>
      %dma_wait3A_192 = tpu.memref_squeeze %dma_wait3A_191 : memref<1x128x128xf32, #tpu.memory_space<vmem>> -> memref<128x128xf32, #tpu.memory_space<vmem>>
      %dma_wait3A_193 = arith.constant 0 : i32
      %dma_wait3A_194 = tpu.memref_slice %arg7[%run_scoped3A_82, %dma_wait3A_193] : memref<40x128xi32, #tpu.memory_space<vmem>> -> memref<1x128xi32, #tpu.memory_space<vmem>>
      %dma_wait3A_195 = tpu.memref_squeeze %dma_wait3A_194 : memref<1x128xi32, #tpu.memory_space<vmem>> -> memref<128xi32, #tpu.memory_space<vmem>>
      %dma_wait3A_196 = arith.constant 0 : i32
      %dma_wait3A_197 = arith.constant 0 : i32
      %dma_wait3A_198 = tpu.memref_slice %arg5[%dma_wait3A_196, %dma_wait3A_197] : memref<10240x128xf32, #tpu.memory_space<vmem_shared>> -> memref<10240x128xf32, #tpu.memory_space<vmem_shared>>
      tpu.wait_indirect_dma semaphore(%run_scoped3A_178 : memref<!tpu.dma_semaphore, #tpu.memory_space<semaphore_mem>>) src(%dma_wait3A_192 : memref<128x128xf32, #tpu.memory_space<vmem>>) dst(%dma_wait3A_198 : memref<10240x128xf32, #tpu.memory_space<vmem_shared>>)
      tpu.yield
    }) : () -> ()
    %dma_wait3A_83 = arith.constant 39 : i32
    %dma_wait3A_84 = arith.constant 1 : i32
    %dma_wait3A_85 = arith.constant 1 : i32
    %dma_wait3A_86 = arith.constant 0 : i32
    %dma_wait3A_87 = arith.constant 0 : i32
    %dma_wait3A_88 = tpu.memref_slice %arg8[%dma_wait3A_84, %dma_wait3A_86, %dma_wait3A_87] : memref<2x128x128xf32, #tpu.memory_space<vmem>> -> memref<1x128x128xf32, #tpu.memory_space<vmem>>
    %dma_wait3A_89 = tpu.memref_squeeze %dma_wait3A_88 : memref<1x128x128xf32, #tpu.memory_space<vmem>> -> memref<128x128xf32, #tpu.memory_space<vmem>>
    %dma_wait3A_90 = arith.constant 0 : i32
    %dma_wait3A_91 = tpu.memref_slice %arg6[%dma_wait3A_83, %dma_wait3A_90] : memref<40x128xi32, #tpu.memory_space<vmem>> -> memref<1x128xi32, #tpu.memory_space<vmem>>
    %dma_wait3A_92 = tpu.memref_squeeze %dma_wait3A_91 : memref<1x128xi32, #tpu.memory_space<vmem>> -> memref<128xi32, #tpu.memory_space<vmem>>
    %dma_wait3A_93 = arith.constant 0 : i32
    %dma_wait3A_94 = arith.constant 0 : i32
    %dma_wait3A_95 = tpu.memref_slice %arg2[%dma_wait3A_93, %dma_wait3A_94] : memref<10000x128xf32, #tpu.memory_space<hbm>> -> memref<10000x128xf32, #tpu.memory_space<hbm>>
    %dma_wait3A_96 = tpu.memref_slice %arg9[%dma_wait3A_85] : memref<2x!tpu.dma_semaphore, #tpu.memory_space<semaphore_mem>> -> memref<1x!tpu.dma_semaphore, #tpu.memory_space<semaphore_mem>>
    %dma_wait3A_97 = tpu.memref_squeeze %dma_wait3A_96 : memref<1x!tpu.dma_semaphore, #tpu.memory_space<semaphore_mem>> -> memref<!tpu.dma_semaphore, #tpu.memory_space<semaphore_mem>>
    tpu.wait_indirect_dma semaphore(%dma_wait3A_97 : memref<!tpu.dma_semaphore, #tpu.memory_space<semaphore_mem>>) src(%dma_wait3A_95 : memref<10000x128xf32, #tpu.memory_space<hbm>>) dst(%dma_wait3A_89 : memref<128x128xf32, #tpu.memory_space<vmem>>)
    %run_scoped3A_98 = arith.constant 1 : i32
    %run_scoped3A_99 = arith.constant 39 : i32
    "tpu.region"() ({
      %run_scoped3A_178 = tpu.sem_alloc : memref<!tpu.dma_semaphore, #tpu.memory_space<semaphore_mem>>
      %dma_start3A_179 = arith.constant 0 : i32
      %dma_start3A_180 = arith.constant 0 : i32
      %dma_start3A_181 = tpu.memref_slice %arg8[%run_scoped3A_98, %dma_start3A_179, %dma_start3A_180] : memref<2x128x128xf32, #tpu.memory_space<vmem>> -> memref<1x128x128xf32, #tpu.memory_space<vmem>>
      %dma_start3A_182 = tpu.memref_squeeze %dma_start3A_181 : memref<1x128x128xf32, #tpu.memory_space<vmem>> -> memref<128x128xf32, #tpu.memory_space<vmem>>
      %dma_start3A_183 = arith.constant 0 : i32
      %dma_start3A_184 = tpu.memref_slice %arg7[%run_scoped3A_99, %dma_start3A_183] : memref<40x128xi32, #tpu.memory_space<vmem>> -> memref<1x128xi32, #tpu.memory_space<vmem>>
      %dma_start3A_185 = tpu.memref_squeeze %dma_start3A_184 : memref<1x128xi32, #tpu.memory_space<vmem>> -> memref<128xi32, #tpu.memory_space<vmem>>
      %dma_start3A_186 = arith.constant 0 : i32
      %dma_start3A_187 = arith.constant 0 : i32
      %dma_start3A_188 = tpu.memref_slice %arg5[%dma_start3A_186, %dma_start3A_187] : memref<10240x128xf32, #tpu.memory_space<vmem_shared>> -> memref<10240x128xf32, #tpu.memory_space<vmem_shared>>
      tpu.enqueue_indirect_dma source(%dma_start3A_182 : memref<128x128xf32, #tpu.memory_space<vmem>>) target(%dma_start3A_188 : memref<10240x128xf32, #tpu.memory_space<vmem_shared>>) offsets(%dma_start3A_185 : memref<128xi32, #tpu.memory_space<vmem>>) semaphore(%run_scoped3A_178 : memref<!tpu.dma_semaphore, #tpu.memory_space<semaphore_mem>>) {add = true}
      %dma_wait3A_189 = arith.constant 0 : i32
      %dma_wait3A_190 = arith.constant 0 : i32
      %dma_wait3A_191 = tpu.memref_slice %arg8[%run_scoped3A_98, %dma_wait3A_189, %dma_wait3A_190] : memref<2x128x128xf32, #tpu.memory_space<vmem>> -> memref<1x128x128xf32, #tpu.memory_space<vmem>>
      %dma_wait3A_192 = tpu.memref_squeeze %dma_wait3A_191 : memref<1x128x128xf32, #tpu.memory_space<vmem>> -> memref<128x128xf32, #tpu.memory_space<vmem>>
      %dma_wait3A_193 = arith.constant 0 : i32
      %dma_wait3A_194 = tpu.memref_slice %arg7[%run_scoped3A_99, %dma_wait3A_193] : memref<40x128xi32, #tpu.memory_space<vmem>> -> memref<1x128xi32, #tpu.memory_space<vmem>>
      %dma_wait3A_195 = tpu.memref_squeeze %dma_wait3A_194 : memref<1x128xi32, #tpu.memory_space<vmem>> -> memref<128xi32, #tpu.memory_space<vmem>>
      %dma_wait3A_196 = arith.constant 0 : i32
      %dma_wait3A_197 = arith.constant 0 : i32
      %dma_wait3A_198 = tpu.memref_slice %arg5[%dma_wait3A_196, %dma_wait3A_197] : memref<10240x128xf32, #tpu.memory_space<vmem_shared>> -> memref<10240x128xf32, #tpu.memory_space<vmem_shared>>
      tpu.wait_indirect_dma semaphore(%run_scoped3A_178 : memref<!tpu.dma_semaphore, #tpu.memory_space<semaphore_mem>>) src(%dma_wait3A_192 : memref<128x128xf32, #tpu.memory_space<vmem>>) dst(%dma_wait3A_198 : memref<10240x128xf32, #tpu.memory_space<vmem_shared>>)
      tpu.yield
    }) : () -> ()
    %run_scoped3A_100 = arith.constant 0 : i32
    %run_scoped3A_101 = arith.constant 1 : i32
    "tpu.region"() ({
      %run_scoped3A_178 = tpu.sem_alloc : memref<!tpu.dma_semaphore, #tpu.memory_space<semaphore_mem>>
      %dma_start3A_179 = arith.constant 0 : i32
      %dma_start3A_180 = arith.constant 0 : i32
      %dma_start3A_181 = arith.constant 0 : i32
      %dma_start3A_182 = arith.constant 0 : i32
      %dma_start3A_183 = tpu.memref_slice %arg3[%run_scoped3A_100, %dma_start3A_179, %dma_start3A_180, %dma_start3A_181, %dma_start3A_182] : memref<2x32x2x40x128xi32, #tpu.memory_space<hbm>> -> memref<1x32x2x40x128xi32, #tpu.memory_space<hbm>>
      %dma_start3A_184 = tpu.memref_squeeze %dma_start3A_183 : memref<1x32x2x40x128xi32, #tpu.memory_space<hbm>> -> memref<32x2x40x128xi32, #tpu.memory_space<hbm>>
      %dma_start3A_185 = arith.constant 0 : i32
      %dma_start3A_186 = arith.constant 0 : i32
      %dma_start3A_187 = arith.constant 0 : i32
      %dma_start3A_188 = tpu.memref_slice %dma_start3A_184[%add3A, %dma_start3A_185, %dma_start3A_186, %dma_start3A_187] : memref<32x2x40x128xi32, #tpu.memory_space<hbm>> -> memref<1x2x40x128xi32, #tpu.memory_space<hbm>>
      %dma_start3A_189 = tpu.memref_squeeze %dma_start3A_188 : memref<1x2x40x128xi32, #tpu.memory_space<hbm>> -> memref<2x40x128xi32, #tpu.memory_space<hbm>>
      %dma_start3A_190 = arith.constant 0 : i32
      %dma_start3A_191 = arith.constant 0 : i32
      %dma_start3A_192 = tpu.memref_slice %dma_start3A_189[%run_scoped3A_101, %dma_start3A_190, %dma_start3A_191] : memref<2x40x128xi32, #tpu.memory_space<hbm>> -> memref<1x40x128xi32, #tpu.memory_space<hbm>>
      %dma_start3A_193 = tpu.memref_squeeze %dma_start3A_192 : memref<1x40x128xi32, #tpu.memory_space<hbm>> -> memref<40x128xi32, #tpu.memory_space<hbm>>
      %dma_start3A_194 = arith.constant 0 : i32
      %dma_start3A_195 = arith.constant 0 : i32
      %dma_start3A_196 = arith.constant 0 : i32
      %dma_start3A_197 = arith.constant 0 : i32
      %dma_start3A_198 = tpu.memref_slice %arg3[%run_scoped3A_100, %dma_start3A_194, %dma_start3A_195, %dma_start3A_196, %dma_start3A_197] : memref<2x32x2x40x128xi32, #tpu.memory_space<hbm>> -> memref<1x32x2x40x128xi32, #tpu.memory_space<hbm>>
      %dma_start3A_199 = tpu.memref_squeeze %dma_start3A_198 : memref<1x32x2x40x128xi32, #tpu.memory_space<hbm>> -> memref<32x2x40x128xi32, #tpu.memory_space<hbm>>
      %dma_start3A_200 = arith.constant 0 : i32
      %dma_start3A_201 = arith.constant 0 : i32
      %dma_start3A_202 = arith.constant 0 : i32
      %dma_start3A_203 = tpu.memref_slice %dma_start3A_199[%add3A, %dma_start3A_200, %dma_start3A_201, %dma_start3A_202] : memref<32x2x40x128xi32, #tpu.memory_space<hbm>> -> memref<1x2x40x128xi32, #tpu.memory_space<hbm>>
      %dma_start3A_204 = tpu.memref_squeeze %dma_start3A_203 : memref<1x2x40x128xi32, #tpu.memory_space<hbm>> -> memref<2x40x128xi32, #tpu.memory_space<hbm>>
      %dma_start3A_205 = arith.constant 0 : i32
      %dma_start3A_206 = arith.constant 0 : i32
      %dma_start3A_207 = tpu.memref_slice %dma_start3A_204[%run_scoped3A_101, %dma_start3A_205, %dma_start3A_206] : memref<2x40x128xi32, #tpu.memory_space<hbm>> -> memref<1x40x128xi32, #tpu.memory_space<hbm>>
      %dma_start3A_208 = tpu.memref_squeeze %dma_start3A_207 : memref<1x40x128xi32, #tpu.memory_space<hbm>> -> memref<40x128xi32, #tpu.memory_space<hbm>>
      tpu.enqueue_dma source(%dma_start3A_208 : memref<40x128xi32, #tpu.memory_space<hbm>>) target(%arg6 : memref<40x128xi32, #tpu.memory_space<vmem>>) target_semaphore(%run_scoped3A_178 : memref<!tpu.dma_semaphore, #tpu.memory_space<semaphore_mem>>)
      %dma_wait3A_209 = arith.constant 0 : i32
      %dma_wait3A_210 = arith.constant 0 : i32
      %dma_wait3A_211 = arith.constant 0 : i32
      %dma_wait3A_212 = arith.constant 0 : i32
      %dma_wait3A_213 = tpu.memref_slice %arg3[%run_scoped3A_100, %dma_wait3A_209, %dma_wait3A_210, %dma_wait3A_211, %dma_wait3A_212] : memref<2x32x2x40x128xi32, #tpu.memory_space<hbm>> -> memref<1x32x2x40x128xi32, #tpu.memory_space<hbm>>
      %dma_wait3A_214 = tpu.memref_squeeze %dma_wait3A_213 : memref<1x32x2x40x128xi32, #tpu.memory_space<hbm>> -> memref<32x2x40x128xi32, #tpu.memory_space<hbm>>
      %dma_wait3A_215 = arith.constant 0 : i32
      %dma_wait3A_216 = arith.constant 0 : i32
      %dma_wait3A_217 = arith.constant 0 : i32
      %dma_wait3A_218 = tpu.memref_slice %dma_wait3A_214[%add3A, %dma_wait3A_215, %dma_wait3A_216, %dma_wait3A_217] : memref<32x2x40x128xi32, #tpu.memory_space<hbm>> -> memref<1x2x40x128xi32, #tpu.memory_space<hbm>>
      %dma_wait3A_219 = tpu.memref_squeeze %dma_wait3A_218 : memref<1x2x40x128xi32, #tpu.memory_space<hbm>> -> memref<2x40x128xi32, #tpu.memory_space<hbm>>
      %dma_wait3A_220 = arith.constant 0 : i32
      %dma_wait3A_221 = arith.constant 0 : i32
      %dma_wait3A_222 = tpu.memref_slice %dma_wait3A_219[%run_scoped3A_101, %dma_wait3A_220, %dma_wait3A_221] : memref<2x40x128xi32, #tpu.memory_space<hbm>> -> memref<1x40x128xi32, #tpu.memory_space<hbm>>
      %dma_wait3A_223 = tpu.memref_squeeze %dma_wait3A_222 : memref<1x40x128xi32, #tpu.memory_space<hbm>> -> memref<40x128xi32, #tpu.memory_space<hbm>>
      %dma_wait3A_224 = arith.constant 0 : i32
      %dma_wait3A_225 = arith.constant 0 : i32
      %dma_wait3A_226 = arith.constant 0 : i32
      %dma_wait3A_227 = arith.constant 0 : i32
      %dma_wait3A_228 = tpu.memref_slice %arg3[%run_scoped3A_100, %dma_wait3A_224, %dma_wait3A_225, %dma_wait3A_226, %dma_wait3A_227] : memref<2x32x2x40x128xi32, #tpu.memory_space<hbm>> -> memref<1x32x2x40x128xi32, #tpu.memory_space<hbm>>
      %dma_wait3A_229 = tpu.memref_squeeze %dma_wait3A_228 : memref<1x32x2x40x128xi32, #tpu.memory_space<hbm>> -> memref<32x2x40x128xi32, #tpu.memory_space<hbm>>
      %dma_wait3A_230 = arith.constant 0 : i32
      %dma_wait3A_231 = arith.constant 0 : i32
      %dma_wait3A_232 = arith.constant 0 : i32
      %dma_wait3A_233 = tpu.memref_slice %dma_wait3A_229[%add3A, %dma_wait3A_230, %dma_wait3A_231, %dma_wait3A_232] : memref<32x2x40x128xi32, #tpu.memory_space<hbm>> -> memref<1x2x40x128xi32, #tpu.memory_space<hbm>>
      %dma_wait3A_234 = tpu.memref_squeeze %dma_wait3A_233 : memref<1x2x40x128xi32, #tpu.memory_space<hbm>> -> memref<2x40x128xi32, #tpu.memory_space<hbm>>
      %dma_wait3A_235 = arith.constant 0 : i32
      %dma_wait3A_236 = arith.constant 0 : i32
      %dma_wait3A_237 = tpu.memref_slice %dma_wait3A_234[%run_scoped3A_101, %dma_wait3A_235, %dma_wait3A_236] : memref<2x40x128xi32, #tpu.memory_space<hbm>> -> memref<1x40x128xi32, #tpu.memory_space<hbm>>
      %dma_wait3A_238 = tpu.memref_squeeze %dma_wait3A_237 : memref<1x40x128xi32, #tpu.memory_space<hbm>> -> memref<40x128xi32, #tpu.memory_space<hbm>>
      tpu.wait_dma2 semaphore(%run_scoped3A_178 : memref<!tpu.dma_semaphore, #tpu.memory_space<semaphore_mem>>) src(%dma_wait3A_238 : memref<40x128xi32, #tpu.memory_space<hbm>>) dst(%arg6 : memref<40x128xi32, #tpu.memory_space<vmem>>)
      tpu.yield
    }) : () -> ()
    %run_scoped3A_102 = arith.constant 1 : i32
    %run_scoped3A_103 = arith.constant 1 : i32
    "tpu.region"() ({
      %run_scoped3A_178 = tpu.sem_alloc : memref<!tpu.dma_semaphore, #tpu.memory_space<semaphore_mem>>
      %dma_start3A_179 = arith.constant 0 : i32
      %dma_start3A_180 = arith.constant 0 : i32
      %dma_start3A_181 = arith.constant 0 : i32
      %dma_start3A_182 = arith.constant 0 : i32
      %dma_start3A_183 = tpu.memref_slice %arg3[%run_scoped3A_102, %dma_start3A_179, %dma_start3A_180, %dma_start3A_181, %dma_start3A_182] : memref<2x32x2x40x128xi32, #tpu.memory_space<hbm>> -> memref<1x32x2x40x128xi32, #tpu.memory_space<hbm>>
      %dma_start3A_184 = tpu.memref_squeeze %dma_start3A_183 : memref<1x32x2x40x128xi32, #tpu.memory_space<hbm>> -> memref<32x2x40x128xi32, #tpu.memory_space<hbm>>
      %dma_start3A_185 = arith.constant 0 : i32
      %dma_start3A_186 = arith.constant 0 : i32
      %dma_start3A_187 = arith.constant 0 : i32
      %dma_start3A_188 = tpu.memref_slice %dma_start3A_184[%add3A, %dma_start3A_185, %dma_start3A_186, %dma_start3A_187] : memref<32x2x40x128xi32, #tpu.memory_space<hbm>> -> memref<1x2x40x128xi32, #tpu.memory_space<hbm>>
      %dma_start3A_189 = tpu.memref_squeeze %dma_start3A_188 : memref<1x2x40x128xi32, #tpu.memory_space<hbm>> -> memref<2x40x128xi32, #tpu.memory_space<hbm>>
      %dma_start3A_190 = arith.constant 0 : i32
      %dma_start3A_191 = arith.constant 0 : i32
      %dma_start3A_192 = tpu.memref_slice %dma_start3A_189[%run_scoped3A_103, %dma_start3A_190, %dma_start3A_191] : memref<2x40x128xi32, #tpu.memory_space<hbm>> -> memref<1x40x128xi32, #tpu.memory_space<hbm>>
      %dma_start3A_193 = tpu.memref_squeeze %dma_start3A_192 : memref<1x40x128xi32, #tpu.memory_space<hbm>> -> memref<40x128xi32, #tpu.memory_space<hbm>>
      %dma_start3A_194 = arith.constant 0 : i32
      %dma_start3A_195 = arith.constant 0 : i32
      %dma_start3A_196 = arith.constant 0 : i32
      %dma_start3A_197 = arith.constant 0 : i32
      %dma_start3A_198 = tpu.memref_slice %arg3[%run_scoped3A_102, %dma_start3A_194, %dma_start3A_195, %dma_start3A_196, %dma_start3A_197] : memref<2x32x2x40x128xi32, #tpu.memory_space<hbm>> -> memref<1x32x2x40x128xi32, #tpu.memory_space<hbm>>
      %dma_start3A_199 = tpu.memref_squeeze %dma_start3A_198 : memref<1x32x2x40x128xi32, #tpu.memory_space<hbm>> -> memref<32x2x40x128xi32, #tpu.memory_space<hbm>>
      %dma_start3A_200 = arith.constant 0 : i32
      %dma_start3A_201 = arith.constant 0 : i32
      %dma_start3A_202 = arith.constant 0 : i32
      %dma_start3A_203 = tpu.memref_slice %dma_start3A_199[%add3A, %dma_start3A_200, %dma_start3A_201, %dma_start3A_202] : memref<32x2x40x128xi32, #tpu.memory_space<hbm>> -> memref<1x2x40x128xi32, #tpu.memory_space<hbm>>
      %dma_start3A_204 = tpu.memref_squeeze %dma_start3A_203 : memref<1x2x40x128xi32, #tpu.memory_space<hbm>> -> memref<2x40x128xi32, #tpu.memory_space<hbm>>
      %dma_start3A_205 = arith.constant 0 : i32
      %dma_start3A_206 = arith.constant 0 : i32
      %dma_start3A_207 = tpu.memref_slice %dma_start3A_204[%run_scoped3A_103, %dma_start3A_205, %dma_start3A_206] : memref<2x40x128xi32, #tpu.memory_space<hbm>> -> memref<1x40x128xi32, #tpu.memory_space<hbm>>
      %dma_start3A_208 = tpu.memref_squeeze %dma_start3A_207 : memref<1x40x128xi32, #tpu.memory_space<hbm>> -> memref<40x128xi32, #tpu.memory_space<hbm>>
      tpu.enqueue_dma source(%dma_start3A_208 : memref<40x128xi32, #tpu.memory_space<hbm>>) target(%arg7 : memref<40x128xi32, #tpu.memory_space<vmem>>) target_semaphore(%run_scoped3A_178 : memref<!tpu.dma_semaphore, #tpu.memory_space<semaphore_mem>>)
      %dma_wait3A_209 = arith.constant 0 : i32
      %dma_wait3A_210 = arith.constant 0 : i32
      %dma_wait3A_211 = arith.constant 0 : i32
      %dma_wait3A_212 = arith.constant 0 : i32
      %dma_wait3A_213 = tpu.memref_slice %arg3[%run_scoped3A_102, %dma_wait3A_209, %dma_wait3A_210, %dma_wait3A_211, %dma_wait3A_212] : memref<2x32x2x40x128xi32, #tpu.memory_space<hbm>> -> memref<1x32x2x40x128xi32, #tpu.memory_space<hbm>>
      %dma_wait3A_214 = tpu.memref_squeeze %dma_wait3A_213 : memref<1x32x2x40x128xi32, #tpu.memory_space<hbm>> -> memref<32x2x40x128xi32, #tpu.memory_space<hbm>>
      %dma_wait3A_215 = arith.constant 0 : i32
      %dma_wait3A_216 = arith.constant 0 : i32
      %dma_wait3A_217 = arith.constant 0 : i32
      %dma_wait3A_218 = tpu.memref_slice %dma_wait3A_214[%add3A, %dma_wait3A_215, %dma_wait3A_216, %dma_wait3A_217] : memref<32x2x40x128xi32, #tpu.memory_space<hbm>> -> memref<1x2x40x128xi32, #tpu.memory_space<hbm>>
      %dma_wait3A_219 = tpu.memref_squeeze %dma_wait3A_218 : memref<1x2x40x128xi32, #tpu.memory_space<hbm>> -> memref<2x40x128xi32, #tpu.memory_space<hbm>>
      %dma_wait3A_220 = arith.constant 0 : i32
      %dma_wait3A_221 = arith.constant 0 : i32
      %dma_wait3A_222 = tpu.memref_slice %dma_wait3A_219[%run_scoped3A_103, %dma_wait3A_220, %dma_wait3A_221] : memref<2x40x128xi32, #tpu.memory_space<hbm>> -> memref<1x40x128xi32, #tpu.memory_space<hbm>>
      %dma_wait3A_223 = tpu.memref_squeeze %dma_wait3A_222 : memref<1x40x128xi32, #tpu.memory_space<hbm>> -> memref<40x128xi32, #tpu.memory_space<hbm>>
      %dma_wait3A_224 = arith.constant 0 : i32
      %dma_wait3A_225 = arith.constant 0 : i32
      %dma_wait3A_226 = arith.constant 0 : i32
      %dma_wait3A_227 = arith.constant 0 : i32
      %dma_wait3A_228 = tpu.memref_slice %arg3[%run_scoped3A_102, %dma_wait3A_224, %dma_wait3A_225, %dma_wait3A_226, %dma_wait3A_227] : memref<2x32x2x40x128xi32, #tpu.memory_space<hbm>> -> memref<1x32x2x40x128xi32, #tpu.memory_space<hbm>>
      %dma_wait3A_229 = tpu.memref_squeeze %dma_wait3A_228 : memref<1x32x2x40x128xi32, #tpu.memory_space<hbm>> -> memref<32x2x40x128xi32, #tpu.memory_space<hbm>>
      %dma_wait3A_230 = arith.constant 0 : i32
      %dma_wait3A_231 = arith.constant 0 : i32
      %dma_wait3A_232 = arith.constant 0 : i32
      %dma_wait3A_233 = tpu.memref_slice %dma_wait3A_229[%add3A, %dma_wait3A_230, %dma_wait3A_231, %dma_wait3A_232] : memref<32x2x40x128xi32, #tpu.memory_space<hbm>> -> memref<1x2x40x128xi32, #tpu.memory_space<hbm>>
      %dma_wait3A_234 = tpu.memref_squeeze %dma_wait3A_233 : memref<1x2x40x128xi32, #tpu.memory_space<hbm>> -> memref<2x40x128xi32, #tpu.memory_space<hbm>>
      %dma_wait3A_235 = arith.constant 0 : i32
      %dma_wait3A_236 = arith.constant 0 : i32
      %dma_wait3A_237 = tpu.memref_slice %dma_wait3A_234[%run_scoped3A_103, %dma_wait3A_235, %dma_wait3A_236] : memref<2x40x128xi32, #tpu.memory_space<hbm>> -> memref<1x40x128xi32, #tpu.memory_space<hbm>>
      %dma_wait3A_238 = tpu.memref_squeeze %dma_wait3A_237 : memref<1x40x128xi32, #tpu.memory_space<hbm>> -> memref<40x128xi32, #tpu.memory_space<hbm>>
      tpu.wait_dma2 semaphore(%run_scoped3A_178 : memref<!tpu.dma_semaphore, #tpu.memory_space<semaphore_mem>>) src(%dma_wait3A_238 : memref<40x128xi32, #tpu.memory_space<hbm>>) dst(%arg7 : memref<40x128xi32, #tpu.memory_space<vmem>>)
      tpu.yield
    }) : () -> ()
    %dma_start3A_104 = arith.constant 0 : i32
    %dma_start3A_105 = arith.constant 0 : i32
    %dma_start3A_106 = arith.constant 0 : i32
    %dma_start3A_107 = arith.constant 0 : i32
    %dma_start3A_108 = arith.constant 0 : i32
    %dma_start3A_109 = tpu.memref_slice %arg8[%dma_start3A_105, %dma_start3A_107, %dma_start3A_108] : memref<2x128x128xf32, #tpu.memory_space<vmem>> -> memref<1x128x128xf32, #tpu.memory_space<vmem>>
    %dma_start3A_110 = tpu.memref_squeeze %dma_start3A_109 : memref<1x128x128xf32, #tpu.memory_space<vmem>> -> memref<128x128xf32, #tpu.memory_space<vmem>>
    %dma_start3A_111 = arith.constant 0 : i32
    %dma_start3A_112 = tpu.memref_slice %arg6[%dma_start3A_104, %dma_start3A_111] : memref<40x128xi32, #tpu.memory_space<vmem>> -> memref<1x128xi32, #tpu.memory_space<vmem>>
    %dma_start3A_113 = tpu.memref_squeeze %dma_start3A_112 : memref<1x128xi32, #tpu.memory_space<vmem>> -> memref<128xi32, #tpu.memory_space<vmem>>
    %dma_start3A_114 = arith.constant 0 : i32
    %dma_start3A_115 = arith.constant 0 : i32
    %dma_start3A_116 = tpu.memref_slice %arg2[%dma_start3A_114, %dma_start3A_115] : memref<10000x128xf32, #tpu.memory_space<hbm>> -> memref<10000x128xf32, #tpu.memory_space<hbm>>
    %dma_start3A_117 = tpu.memref_slice %arg9[%dma_start3A_106] : memref<2x!tpu.dma_semaphore, #tpu.memory_space<semaphore_mem>> -> memref<1x!tpu.dma_semaphore, #tpu.memory_space<semaphore_mem>>
    %dma_start3A_118 = tpu.memref_squeeze %dma_start3A_117 : memref<1x!tpu.dma_semaphore, #tpu.memory_space<semaphore_mem>> -> memref<!tpu.dma_semaphore, #tpu.memory_space<semaphore_mem>>
    tpu.enqueue_indirect_dma source(%dma_start3A_116 : memref<10000x128xf32, #tpu.memory_space<hbm>>) target(%dma_start3A_110 : memref<128x128xf32, #tpu.memory_space<vmem>>) offsets(%dma_start3A_113 : memref<128xi32, #tpu.memory_space<vmem>>) semaphore(%dma_start3A_118 : memref<!tpu.dma_semaphore, #tpu.memory_space<semaphore_mem>>)
    %dma_start3A_119 = arith.constant 1 : i32
    %dma_start3A_120 = arith.constant 1 : i32
    %dma_start3A_121 = arith.constant 1 : i32
    %dma_start3A_122 = arith.constant 0 : i32
    %dma_start3A_123 = arith.constant 0 : i32
    %dma_start3A_124 = tpu.memref_slice %arg8[%dma_start3A_120, %dma_start3A_122, %dma_start3A_123] : memref<2x128x128xf32, #tpu.memory_space<vmem>> -> memref<1x128x128xf32, #tpu.memory_space<vmem>>
    %dma_start3A_125 = tpu.memref_squeeze %dma_start3A_124 : memref<1x128x128xf32, #tpu.memory_space<vmem>> -> memref<128x128xf32, #tpu.memory_space<vmem>>
    %dma_start3A_126 = arith.constant 0 : i32
    %dma_start3A_127 = tpu.memref_slice %arg6[%dma_start3A_119, %dma_start3A_126] : memref<40x128xi32, #tpu.memory_space<vmem>> -> memref<1x128xi32, #tpu.memory_space<vmem>>
    %dma_start3A_128 = tpu.memref_squeeze %dma_start3A_127 : memref<1x128xi32, #tpu.memory_space<vmem>> -> memref<128xi32, #tpu.memory_space<vmem>>
    %dma_start3A_129 = arith.constant 0 : i32
    %dma_start3A_130 = arith.constant 0 : i32
    %dma_start3A_131 = tpu.memref_slice %arg2[%dma_start3A_129, %dma_start3A_130] : memref<10000x128xf32, #tpu.memory_space<hbm>> -> memref<10000x128xf32, #tpu.memory_space<hbm>>
    %dma_start3A_132 = tpu.memref_slice %arg9[%dma_start3A_121] : memref<2x!tpu.dma_semaphore, #tpu.memory_space<semaphore_mem>> -> memref<1x!tpu.dma_semaphore, #tpu.memory_space<semaphore_mem>>
    %dma_start3A_133 = tpu.memref_squeeze %dma_start3A_132 : memref<1x!tpu.dma_semaphore, #tpu.memory_space<semaphore_mem>> -> memref<!tpu.dma_semaphore, #tpu.memory_space<semaphore_mem>>
    tpu.enqueue_indirect_dma source(%dma_start3A_131 : memref<10000x128xf32, #tpu.memory_space<hbm>>) target(%dma_start3A_125 : memref<128x128xf32, #tpu.memory_space<vmem>>) offsets(%dma_start3A_128 : memref<128xi32, #tpu.memory_space<vmem>>) semaphore(%dma_start3A_133 : memref<!tpu.dma_semaphore, #tpu.memory_space<semaphore_mem>>)
    %scan3A_134 = arith.constant 0 : i32
    %scan3A_135 = arith.constant 19 : i32
    %scan3A_136 = arith.addi %scan3A_134, %scan3A_135 : i32
    %scan3A_137 = arith.constant 1 : i32
    scf.for %scan3A_178 = %scan3A_134 to %scan3A_136 step %scan3A_137  : i32 {
      %mul3A_179 = arith.constant 2 : i32
      %mul3A_180 = arith.muli %scan3A_178, %mul3A_179 : i32
      %add3A_181 = arith.constant 0 : i32
      %add3A_182 = arith.addi %add3A_181, %mul3A_180 : i32
      %add3A_183 = arith.constant 0 : i32
      %add3A_184 = arith.addi %add3A_182, %add3A_183 : i32
      %dma_wait3A_185 = arith.constant 0 : i32
      %dma_wait3A_186 = arith.constant 0 : i32
      %dma_wait3A_187 = arith.constant 0 : i32
      %dma_wait3A_188 = arith.constant 0 : i32
      %dma_wait3A_189 = tpu.memref_slice %arg8[%dma_wait3A_185, %dma_wait3A_187, %dma_wait3A_188] : memref<2x128x128xf32, #tpu.memory_space<vmem>> -> memref<1x128x128xf32, #tpu.memory_space<vmem>>
      %dma_wait3A_190 = tpu.memref_squeeze %dma_wait3A_189 : memref<1x128x128xf32, #tpu.memory_space<vmem>> -> memref<128x128xf32, #tpu.memory_space<vmem>>
      %dma_wait3A_191 = arith.constant 0 : i32
      %dma_wait3A_192 = tpu.memref_slice %arg6[%add3A_184, %dma_wait3A_191] : memref<40x128xi32, #tpu.memory_space<vmem>> -> memref<1x128xi32, #tpu.memory_space<vmem>>
      %dma_wait3A_193 = tpu.memref_squeeze %dma_wait3A_192 : memref<1x128xi32, #tpu.memory_space<vmem>> -> memref<128xi32, #tpu.memory_space<vmem>>
      %dma_wait3A_194 = arith.constant 0 : i32
      %dma_wait3A_195 = arith.constant 0 : i32
      %dma_wait3A_196 = tpu.memref_slice %arg2[%dma_wait3A_194, %dma_wait3A_195] : memref<10000x128xf32, #tpu.memory_space<hbm>> -> memref<10000x128xf32, #tpu.memory_space<hbm>>
      %dma_wait3A_197 = tpu.memref_slice %arg9[%dma_wait3A_186] : memref<2x!tpu.dma_semaphore, #tpu.memory_space<semaphore_mem>> -> memref<1x!tpu.dma_semaphore, #tpu.memory_space<semaphore_mem>>
      %dma_wait3A_198 = tpu.memref_squeeze %dma_wait3A_197 : memref<1x!tpu.dma_semaphore, #tpu.memory_space<semaphore_mem>> -> memref<!tpu.dma_semaphore, #tpu.memory_space<semaphore_mem>>
      tpu.wait_indirect_dma semaphore(%dma_wait3A_198 : memref<!tpu.dma_semaphore, #tpu.memory_space<semaphore_mem>>) src(%dma_wait3A_196 : memref<10000x128xf32, #tpu.memory_space<hbm>>) dst(%dma_wait3A_190 : memref<128x128xf32, #tpu.memory_space<vmem>>)
      %run_scoped3A_199 = arith.constant 0 : i32
      "tpu.region"() ({
        %run_scoped3A_249 = tpu.sem_alloc : memref<!tpu.dma_semaphore, #tpu.memory_space<semaphore_mem>>
        %dma_start3A_250 = arith.constant 0 : i32
        %dma_start3A_251 = arith.constant 0 : i32
        %dma_start3A_252 = tpu.memref_slice %arg8[%run_scoped3A_199, %dma_start3A_250, %dma_start3A_251] : memref<2x128x128xf32, #tpu.memory_space<vmem>> -> memref<1x128x128xf32, #tpu.memory_space<vmem>>
        %dma_start3A_253 = tpu.memref_squeeze %dma_start3A_252 : memref<1x128x128xf32, #tpu.memory_space<vmem>> -> memref<128x128xf32, #tpu.memory_space<vmem>>
        %dma_start3A_254 = arith.constant 0 : i32
        %dma_start3A_255 = tpu.memref_slice %arg7[%add3A_184, %dma_start3A_254] : memref<40x128xi32, #tpu.memory_space<vmem>> -> memref<1x128xi32, #tpu.memory_space<vmem>>
        %dma_start3A_256 = tpu.memref_squeeze %dma_start3A_255 : memref<1x128xi32, #tpu.memory_space<vmem>> -> memref<128xi32, #tpu.memory_space<vmem>>
        %dma_start3A_257 = arith.constant 0 : i32
        %dma_start3A_258 = arith.constant 0 : i32
        %dma_start3A_259 = tpu.memref_slice %arg5[%dma_start3A_257, %dma_start3A_258] : memref<10240x128xf32, #tpu.memory_space<vmem_shared>> -> memref<10240x128xf32, #tpu.memory_space<vmem_shared>>
        tpu.enqueue_indirect_dma source(%dma_start3A_253 : memref<128x128xf32, #tpu.memory_space<vmem>>) target(%dma_start3A_259 : memref<10240x128xf32, #tpu.memory_space<vmem_shared>>) offsets(%dma_start3A_256 : memref<128xi32, #tpu.memory_space<vmem>>) semaphore(%run_scoped3A_249 : memref<!tpu.dma_semaphore, #tpu.memory_space<semaphore_mem>>) {add = true}
        %dma_wait3A_260 = arith.constant 0 : i32
        %dma_wait3A_261 = arith.constant 0 : i32
        %dma_wait3A_262 = tpu.memref_slice %arg8[%run_scoped3A_199, %dma_wait3A_260, %dma_wait3A_261] : memref<2x128x128xf32, #tpu.memory_space<vmem>> -> memref<1x128x128xf32, #tpu.memory_space<vmem>>
        %dma_wait3A_263 = tpu.memref_squeeze %dma_wait3A_262 : memref<1x128x128xf32, #tpu.memory_space<vmem>> -> memref<128x128xf32, #tpu.memory_space<vmem>>
        %dma_wait3A_264 = arith.constant 0 : i32
        %dma_wait3A_265 = tpu.memref_slice %arg7[%add3A_184, %dma_wait3A_264] : memref<40x128xi32, #tpu.memory_space<vmem>> -> memref<1x128xi32, #tpu.memory_space<vmem>>
        %dma_wait3A_266 = tpu.memref_squeeze %dma_wait3A_265 : memref<1x128xi32, #tpu.memory_space<vmem>> -> memref<128xi32, #tpu.memory_space<vmem>>
        %dma_wait3A_267 = arith.constant 0 : i32
        %dma_wait3A_268 = arith.constant 0 : i32
        %dma_wait3A_269 = tpu.memref_slice %arg5[%dma_wait3A_267, %dma_wait3A_268] : memref<10240x128xf32, #tpu.memory_space<vmem_shared>> -> memref<10240x128xf32, #tpu.memory_space<vmem_shared>>
        tpu.wait_indirect_dma semaphore(%run_scoped3A_249 : memref<!tpu.dma_semaphore, #tpu.memory_space<semaphore_mem>>) src(%dma_wait3A_263 : memref<128x128xf32, #tpu.memory_space<vmem>>) dst(%dma_wait3A_269 : memref<10240x128xf32, #tpu.memory_space<vmem_shared>>)
        tpu.yield
      }) : () -> ()
      %add3A_200 = arith.constant 2 : i32
      %add3A_201 = arith.addi %add3A_184, %add3A_200 : i32
      %dma_start3A_202 = arith.constant 0 : i32
      %dma_start3A_203 = arith.constant 0 : i32
      %dma_start3A_204 = arith.constant 0 : i32
      %dma_start3A_205 = arith.constant 0 : i32
      %dma_start3A_206 = tpu.memref_slice %arg8[%dma_start3A_202, %dma_start3A_204, %dma_start3A_205] : memref<2x128x128xf32, #tpu.memory_space<vmem>> -> memref<1x128x128xf32, #tpu.memory_space<vmem>>
      %dma_start3A_207 = tpu.memref_squeeze %dma_start3A_206 : memref<1x128x128xf32, #tpu.memory_space<vmem>> -> memref<128x128xf32, #tpu.memory_space<vmem>>
      %dma_start3A_208 = arith.constant 0 : i32
      %dma_start3A_209 = tpu.memref_slice %arg6[%add3A_201, %dma_start3A_208] : memref<40x128xi32, #tpu.memory_space<vmem>> -> memref<1x128xi32, #tpu.memory_space<vmem>>
      %dma_start3A_210 = tpu.memref_squeeze %dma_start3A_209 : memref<1x128xi32, #tpu.memory_space<vmem>> -> memref<128xi32, #tpu.memory_space<vmem>>
      %dma_start3A_211 = arith.constant 0 : i32
      %dma_start3A_212 = arith.constant 0 : i32
      %dma_start3A_213 = tpu.memref_slice %arg2[%dma_start3A_211, %dma_start3A_212] : memref<10000x128xf32, #tpu.memory_space<hbm>> -> memref<10000x128xf32, #tpu.memory_space<hbm>>
      %dma_start3A_214 = tpu.memref_slice %arg9[%dma_start3A_203] : memref<2x!tpu.dma_semaphore, #tpu.memory_space<semaphore_mem>> -> memref<1x!tpu.dma_semaphore, #tpu.memory_space<semaphore_mem>>
      %dma_start3A_215 = tpu.memref_squeeze %dma_start3A_214 : memref<1x!tpu.dma_semaphore, #tpu.memory_space<semaphore_mem>> -> memref<!tpu.dma_semaphore, #tpu.memory_space<semaphore_mem>>
      tpu.enqueue_indirect_dma source(%dma_start3A_213 : memref<10000x128xf32, #tpu.memory_space<hbm>>) target(%dma_start3A_207 : memref<128x128xf32, #tpu.memory_space<vmem>>) offsets(%dma_start3A_210 : memref<128xi32, #tpu.memory_space<vmem>>) semaphore(%dma_start3A_215 : memref<!tpu.dma_semaphore, #tpu.memory_space<semaphore_mem>>)
      %add3A_216 = arith.constant 1 : i32
      %add3A_217 = arith.addi %add3A_182, %add3A_216 : i32
      %dma_wait3A_218 = arith.constant 1 : i32
      %dma_wait3A_219 = arith.constant 1 : i32
      %dma_wait3A_220 = arith.constant 0 : i32
      %dma_wait3A_221 = arith.constant 0 : i32
      %dma_wait3A_222 = tpu.memref_slice %arg8[%dma_wait3A_218, %dma_wait3A_220, %dma_wait3A_221] : memref<2x128x128xf32, #tpu.memory_space<vmem>> -> memref<1x128x128xf32, #tpu.memory_space<vmem>>
      %dma_wait3A_223 = tpu.memref_squeeze %dma_wait3A_222 : memref<1x128x128xf32, #tpu.memory_space<vmem>> -> memref<128x128xf32, #tpu.memory_space<vmem>>
      %dma_wait3A_224 = arith.constant 0 : i32
      %dma_wait3A_225 = tpu.memref_slice %arg6[%add3A_217, %dma_wait3A_224] : memref<40x128xi32, #tpu.memory_space<vmem>> -> memref<1x128xi32, #tpu.memory_space<vmem>>
      %dma_wait3A_226 = tpu.memref_squeeze %dma_wait3A_225 : memref<1x128xi32, #tpu.memory_space<vmem>> -> memref<128xi32, #tpu.memory_space<vmem>>
      %dma_wait3A_227 = arith.constant 0 : i32
      %dma_wait3A_228 = arith.constant 0 : i32
      %dma_wait3A_229 = tpu.memref_slice %arg2[%dma_wait3A_227, %dma_wait3A_228] : memref<10000x128xf32, #tpu.memory_space<hbm>> -> memref<10000x128xf32, #tpu.memory_space<hbm>>
      %dma_wait3A_230 = tpu.memref_slice %arg9[%dma_wait3A_219] : memref<2x!tpu.dma_semaphore, #tpu.memory_space<semaphore_mem>> -> memref<1x!tpu.dma_semaphore, #tpu.memory_space<semaphore_mem>>
      %dma_wait3A_231 = tpu.memref_squeeze %dma_wait3A_230 : memref<1x!tpu.dma_semaphore, #tpu.memory_space<semaphore_mem>> -> memref<!tpu.dma_semaphore, #tpu.memory_space<semaphore_mem>>
      tpu.wait_indirect_dma semaphore(%dma_wait3A_231 : memref<!tpu.dma_semaphore, #tpu.memory_space<semaphore_mem>>) src(%dma_wait3A_229 : memref<10000x128xf32, #tpu.memory_space<hbm>>) dst(%dma_wait3A_223 : memref<128x128xf32, #tpu.memory_space<vmem>>)
      %run_scoped3A_232 = arith.constant 1 : i32
      "tpu.region"() ({
        %run_scoped3A_249 = tpu.sem_alloc : memref<!tpu.dma_semaphore, #tpu.memory_space<semaphore_mem>>
        %dma_start3A_250 = arith.constant 0 : i32
        %dma_start3A_251 = arith.constant 0 : i32
        %dma_start3A_252 = tpu.memref_slice %arg8[%run_scoped3A_232, %dma_start3A_250, %dma_start3A_251] : memref<2x128x128xf32, #tpu.memory_space<vmem>> -> memref<1x128x128xf32, #tpu.memory_space<vmem>>
        %dma_start3A_253 = tpu.memref_squeeze %dma_start3A_252 : memref<1x128x128xf32, #tpu.memory_space<vmem>> -> memref<128x128xf32, #tpu.memory_space<vmem>>
        %dma_start3A_254 = arith.constant 0 : i32
        %dma_start3A_255 = tpu.memref_slice %arg7[%add3A_217, %dma_start3A_254] : memref<40x128xi32, #tpu.memory_space<vmem>> -> memref<1x128xi32, #tpu.memory_space<vmem>>
        %dma_start3A_256 = tpu.memref_squeeze %dma_start3A_255 : memref<1x128xi32, #tpu.memory_space<vmem>> -> memref<128xi32, #tpu.memory_space<vmem>>
        %dma_start3A_257 = arith.constant 0 : i32
        %dma_start3A_258 = arith.constant 0 : i32
        %dma_start3A_259 = tpu.memref_slice %arg5[%dma_start3A_257, %dma_start3A_258] : memref<10240x128xf32, #tpu.memory_space<vmem_shared>> -> memref<10240x128xf32, #tpu.memory_space<vmem_shared>>
        tpu.enqueue_indirect_dma source(%dma_start3A_253 : memref<128x128xf32, #tpu.memory_space<vmem>>) target(%dma_start3A_259 : memref<10240x128xf32, #tpu.memory_space<vmem_shared>>) offsets(%dma_start3A_256 : memref<128xi32, #tpu.memory_space<vmem>>) semaphore(%run_scoped3A_249 : memref<!tpu.dma_semaphore, #tpu.memory_space<semaphore_mem>>) {add = true}
        %dma_wait3A_260 = arith.constant 0 : i32
        %dma_wait3A_261 = arith.constant 0 : i32
        %dma_wait3A_262 = tpu.memref_slice %arg8[%run_scoped3A_232, %dma_wait3A_260, %dma_wait3A_261] : memref<2x128x128xf32, #tpu.memory_space<vmem>> -> memref<1x128x128xf32, #tpu.memory_space<vmem>>
        %dma_wait3A_263 = tpu.memref_squeeze %dma_wait3A_262 : memref<1x128x128xf32, #tpu.memory_space<vmem>> -> memref<128x128xf32, #tpu.memory_space<vmem>>
        %dma_wait3A_264 = arith.constant 0 : i32
        %dma_wait3A_265 = tpu.memref_slice %arg7[%add3A_217, %dma_wait3A_264] : memref<40x128xi32, #tpu.memory_space<vmem>> -> memref<1x128xi32, #tpu.memory_space<vmem>>
        %dma_wait3A_266 = tpu.memref_squeeze %dma_wait3A_265 : memref<1x128xi32, #tpu.memory_space<vmem>> -> memref<128xi32, #tpu.memory_space<vmem>>
        %dma_wait3A_267 = arith.constant 0 : i32
        %dma_wait3A_268 = arith.constant 0 : i32
        %dma_wait3A_269 = tpu.memref_slice %arg5[%dma_wait3A_267, %dma_wait3A_268] : memref<10240x128xf32, #tpu.memory_space<vmem_shared>> -> memref<10240x128xf32, #tpu.memory_space<vmem_shared>>
        tpu.wait_indirect_dma semaphore(%run_scoped3A_249 : memref<!tpu.dma_semaphore, #tpu.memory_space<semaphore_mem>>) src(%dma_wait3A_263 : memref<128x128xf32, #tpu.memory_space<vmem>>) dst(%dma_wait3A_269 : memref<10240x128xf32, #tpu.memory_space<vmem_shared>>)
        tpu.yield
      }) : () -> ()
      %add3A_233 = arith.constant 2 : i32
      %add3A_234 = arith.addi %add3A_217, %add3A_233 : i32
      %dma_start3A_235 = arith.constant 1 : i32
      %dma_start3A_236 = arith.constant 1 : i32
      %dma_start3A_237 = arith.constant 0 : i32
      %dma_start3A_238 = arith.constant 0 : i32
      %dma_start3A_239 = tpu.memref_slice %arg8[%dma_start3A_235, %dma_start3A_237, %dma_start3A_238] : memref<2x128x128xf32, #tpu.memory_space<vmem>> -> memref<1x128x128xf32, #tpu.memory_space<vmem>>
      %dma_start3A_240 = tpu.memref_squeeze %dma_start3A_239 : memref<1x128x128xf32, #tpu.memory_space<vmem>> -> memref<128x128xf32, #tpu.memory_space<vmem>>
      %dma_start3A_241 = arith.constant 0 : i32
      %dma_start3A_242 = tpu.memref_slice %arg6[%add3A_234, %dma_start3A_241] : memref<40x128xi32, #tpu.memory_space<vmem>> -> memref<1x128xi32, #tpu.memory_space<vmem>>
      %dma_start3A_243 = tpu.memref_squeeze %dma_start3A_242 : memref<1x128xi32, #tpu.memory_space<vmem>> -> memref<128xi32, #tpu.memory_space<vmem>>
      %dma_start3A_244 = arith.constant 0 : i32
      %dma_start3A_245 = arith.constant 0 : i32
      %dma_start3A_246 = tpu.memref_slice %arg2[%dma_start3A_244, %dma_start3A_245] : memref<10000x128xf32, #tpu.memory_space<hbm>> -> memref<10000x128xf32, #tpu.memory_space<hbm>>
      %dma_start3A_247 = tpu.memref_slice %arg9[%dma_start3A_236] : memref<2x!tpu.dma_semaphore, #tpu.memory_space<semaphore_mem>> -> memref<1x!tpu.dma_semaphore, #tpu.memory_space<semaphore_mem>>
      %dma_start3A_248 = tpu.memref_squeeze %dma_start3A_247 : memref<1x!tpu.dma_semaphore, #tpu.memory_space<semaphore_mem>> -> memref<!tpu.dma_semaphore, #tpu.memory_space<semaphore_mem>>
      tpu.enqueue_indirect_dma source(%dma_start3A_246 : memref<10000x128xf32, #tpu.memory_space<hbm>>) target(%dma_start3A_240 : memref<128x128xf32, #tpu.memory_space<vmem>>) offsets(%dma_start3A_243 : memref<128xi32, #tpu.memory_space<vmem>>) semaphore(%dma_start3A_248 : memref<!tpu.dma_semaphore, #tpu.memory_space<semaphore_mem>>)
    }
    %scan3A_138 = arith.constant 19 : i32
    %dma_wait3A_139 = arith.constant 38 : i32
    %dma_wait3A_140 = arith.constant 0 : i32
    %dma_wait3A_141 = arith.constant 0 : i32
    %dma_wait3A_142 = arith.constant 0 : i32
    %dma_wait3A_143 = arith.constant 0 : i32
    %dma_wait3A_144 = tpu.memref_slice %arg8[%dma_wait3A_140, %dma_wait3A_142, %dma_wait3A_143] : memref<2x128x128xf32, #tpu.memory_space<vmem>> -> memref<1x128x128xf32, #tpu.memory_space<vmem>>
    %dma_wait3A_145 = tpu.memref_squeeze %dma_wait3A_144 : memref<1x128x128xf32, #tpu.memory_space<vmem>> -> memref<128x128xf32, #tpu.memory_space<vmem>>
    %dma_wait3A_146 = arith.constant 0 : i32
    %dma_wait3A_147 = tpu.memref_slice %arg6[%dma_wait3A_139, %dma_wait3A_146] : memref<40x128xi32, #tpu.memory_space<vmem>> -> memref<1x128xi32, #tpu.memory_space<vmem>>
    %dma_wait3A_148 = tpu.memref_squeeze %dma_wait3A_147 : memref<1x128xi32, #tpu.memory_space<vmem>> -> memref<128xi32, #tpu.memory_space<vmem>>
    %dma_wait3A_149 = arith.constant 0 : i32
    %dma_wait3A_150 = arith.constant 0 : i32
    %dma_wait3A_151 = tpu.memref_slice %arg2[%dma_wait3A_149, %dma_wait3A_150] : memref<10000x128xf32, #tpu.memory_space<hbm>> -> memref<10000x128xf32, #tpu.memory_space<hbm>>
    %dma_wait3A_152 = tpu.memref_slice %arg9[%dma_wait3A_141] : memref<2x!tpu.dma_semaphore, #tpu.memory_space<semaphore_mem>> -> memref<1x!tpu.dma_semaphore, #tpu.memory_space<semaphore_mem>>
    %dma_wait3A_153 = tpu.memref_squeeze %dma_wait3A_152 : memref<1x!tpu.dma_semaphore, #tpu.memory_space<semaphore_mem>> -> memref<!tpu.dma_semaphore, #tpu.memory_space<semaphore_mem>>
    tpu.wait_indirect_dma semaphore(%dma_wait3A_153 : memref<!tpu.dma_semaphore, #tpu.memory_space<semaphore_mem>>) src(%dma_wait3A_151 : memref<10000x128xf32, #tpu.memory_space<hbm>>) dst(%dma_wait3A_145 : memref<128x128xf32, #tpu.memory_space<vmem>>)
    %run_scoped3A_154 = arith.constant 0 : i32
    %run_scoped3A_155 = arith.constant 38 : i32
    "tpu.region"() ({
      %run_scoped3A_178 = tpu.sem_alloc : memref<!tpu.dma_semaphore, #tpu.memory_space<semaphore_mem>>
      %dma_start3A_179 = arith.constant 0 : i32
      %dma_start3A_180 = arith.constant 0 : i32
      %dma_start3A_181 = tpu.memref_slice %arg8[%run_scoped3A_154, %dma_start3A_179, %dma_start3A_180] : memref<2x128x128xf32, #tpu.memory_space<vmem>> -> memref<1x128x128xf32, #tpu.memory_space<vmem>>
      %dma_start3A_182 = tpu.memref_squeeze %dma_start3A_181 : memref<1x128x128xf32, #tpu.memory_space<vmem>> -> memref<128x128xf32, #tpu.memory_space<vmem>>
      %dma_start3A_183 = arith.constant 0 : i32
      %dma_start3A_184 = tpu.memref_slice %arg7[%run_scoped3A_155, %dma_start3A_183] : memref<40x128xi32, #tpu.memory_space<vmem>> -> memref<1x128xi32, #tpu.memory_space<vmem>>
      %dma_start3A_185 = tpu.memref_squeeze %dma_start3A_184 : memref<1x128xi32, #tpu.memory_space<vmem>> -> memref<128xi32, #tpu.memory_space<vmem>>
      %dma_start3A_186 = arith.constant 0 : i32
      %dma_start3A_187 = arith.constant 0 : i32
      %dma_start3A_188 = tpu.memref_slice %arg5[%dma_start3A_186, %dma_start3A_187] : memref<10240x128xf32, #tpu.memory_space<vmem_shared>> -> memref<10240x128xf32, #tpu.memory_space<vmem_shared>>
      tpu.enqueue_indirect_dma source(%dma_start3A_182 : memref<128x128xf32, #tpu.memory_space<vmem>>) target(%dma_start3A_188 : memref<10240x128xf32, #tpu.memory_space<vmem_shared>>) offsets(%dma_start3A_185 : memref<128xi32, #tpu.memory_space<vmem>>) semaphore(%run_scoped3A_178 : memref<!tpu.dma_semaphore, #tpu.memory_space<semaphore_mem>>) {add = true}
      %dma_wait3A_189 = arith.constant 0 : i32
      %dma_wait3A_190 = arith.constant 0 : i32
      %dma_wait3A_191 = tpu.memref_slice %arg8[%run_scoped3A_154, %dma_wait3A_189, %dma_wait3A_190] : memref<2x128x128xf32, #tpu.memory_space<vmem>> -> memref<1x128x128xf32, #tpu.memory_space<vmem>>
      %dma_wait3A_192 = tpu.memref_squeeze %dma_wait3A_191 : memref<1x128x128xf32, #tpu.memory_space<vmem>> -> memref<128x128xf32, #tpu.memory_space<vmem>>
      %dma_wait3A_193 = arith.constant 0 : i32
      %dma_wait3A_194 = tpu.memref_slice %arg7[%run_scoped3A_155, %dma_wait3A_193] : memref<40x128xi32, #tpu.memory_space<vmem>> -> memref<1x128xi32, #tpu.memory_space<vmem>>
      %dma_wait3A_195 = tpu.memref_squeeze %dma_wait3A_194 : memref<1x128xi32, #tpu.memory_space<vmem>> -> memref<128xi32, #tpu.memory_space<vmem>>
      %dma_wait3A_196 = arith.constant 0 : i32
      %dma_wait3A_197 = arith.constant 0 : i32
      %dma_wait3A_198 = tpu.memref_slice %arg5[%dma_wait3A_196, %dma_wait3A_197] : memref<10240x128xf32, #tpu.memory_space<vmem_shared>> -> memref<10240x128xf32, #tpu.memory_space<vmem_shared>>
      tpu.wait_indirect_dma semaphore(%run_scoped3A_178 : memref<!tpu.dma_semaphore, #tpu.memory_space<semaphore_mem>>) src(%dma_wait3A_192 : memref<128x128xf32, #tpu.memory_space<vmem>>) dst(%dma_wait3A_198 : memref<10240x128xf32, #tpu.memory_space<vmem_shared>>)
      tpu.yield
    }) : () -> ()
    %dma_wait3A_156 = arith.constant 39 : i32
    %dma_wait3A_157 = arith.constant 1 : i32
    %dma_wait3A_158 = arith.constant 1 : i32
    %dma_wait3A_159 = arith.constant 0 : i32
    %dma_wait3A_160 = arith.constant 0 : i32
    %dma_wait3A_161 = tpu.memref_slice %arg8[%dma_wait3A_157, %dma_wait3A_159, %dma_wait3A_160] : memref<2x128x128xf32, #tpu.memory_space<vmem>> -> memref<1x128x128xf32, #tpu.memory_space<vmem>>
    %dma_wait3A_162 = tpu.memref_squeeze %dma_wait3A_161 : memref<1x128x128xf32, #tpu.memory_space<vmem>> -> memref<128x128xf32, #tpu.memory_space<vmem>>
    %dma_wait3A_163 = arith.constant 0 : i32
    %dma_wait3A_164 = tpu.memref_slice %arg6[%dma_wait3A_156, %dma_wait3A_163] : memref<40x128xi32, #tpu.memory_space<vmem>> -> memref<1x128xi32, #tpu.memory_space<vmem>>
    %dma_wait3A_165 = tpu.memref_squeeze %dma_wait3A_164 : memref<1x128xi32, #tpu.memory_space<vmem>> -> memref<128xi32, #tpu.memory_space<vmem>>
    %dma_wait3A_166 = arith.constant 0 : i32
    %dma_wait3A_167 = arith.constant 0 : i32
    %dma_wait3A_168 = tpu.memref_slice %arg2[%dma_wait3A_166, %dma_wait3A_167] : memref<10000x128xf32, #tpu.memory_space<hbm>> -> memref<10000x128xf32, #tpu.memory_space<hbm>>
    %dma_wait3A_169 = tpu.memref_slice %arg9[%dma_wait3A_158] : memref<2x!tpu.dma_semaphore, #tpu.memory_space<semaphore_mem>> -> memref<1x!tpu.dma_semaphore, #tpu.memory_space<semaphore_mem>>
    %dma_wait3A_170 = tpu.memref_squeeze %dma_wait3A_169 : memref<1x!tpu.dma_semaphore, #tpu.memory_space<semaphore_mem>> -> memref<!tpu.dma_semaphore, #tpu.memory_space<semaphore_mem>>
    tpu.wait_indirect_dma semaphore(%dma_wait3A_170 : memref<!tpu.dma_semaphore, #tpu.memory_space<semaphore_mem>>) src(%dma_wait3A_168 : memref<10000x128xf32, #tpu.memory_space<hbm>>) dst(%dma_wait3A_162 : memref<128x128xf32, #tpu.memory_space<vmem>>)
    %run_scoped3A_171 = arith.constant 1 : i32
    %run_scoped3A_172 = arith.constant 39 : i32
    "tpu.region"() ({
      %run_scoped3A_178 = tpu.sem_alloc : memref<!tpu.dma_semaphore, #tpu.memory_space<semaphore_mem>>
      %dma_start3A_179 = arith.constant 0 : i32
      %dma_start3A_180 = arith.constant 0 : i32
      %dma_start3A_181 = tpu.memref_slice %arg8[%run_scoped3A_171, %dma_start3A_179, %dma_start3A_180] : memref<2x128x128xf32, #tpu.memory_space<vmem>> -> memref<1x128x128xf32, #tpu.memory_space<vmem>>
      %dma_start3A_182 = tpu.memref_squeeze %dma_start3A_181 : memref<1x128x128xf32, #tpu.memory_space<vmem>> -> memref<128x128xf32, #tpu.memory_space<vmem>>
      %dma_start3A_183 = arith.constant 0 : i32
      %dma_start3A_184 = tpu.memref_slice %arg7[%run_scoped3A_172, %dma_start3A_183] : memref<40x128xi32, #tpu.memory_space<vmem>> -> memref<1x128xi32, #tpu.memory_space<vmem>>
      %dma_start3A_185 = tpu.memref_squeeze %dma_start3A_184 : memref<1x128xi32, #tpu.memory_space<vmem>> -> memref<128xi32, #tpu.memory_space<vmem>>
      %dma_start3A_186 = arith.constant 0 : i32
      %dma_start3A_187 = arith.constant 0 : i32
      %dma_start3A_188 = tpu.memref_slice %arg5[%dma_start3A_186, %dma_start3A_187] : memref<10240x128xf32, #tpu.memory_space<vmem_shared>> -> memref<10240x128xf32, #tpu.memory_space<vmem_shared>>
      tpu.enqueue_indirect_dma source(%dma_start3A_182 : memref<128x128xf32, #tpu.memory_space<vmem>>) target(%dma_start3A_188 : memref<10240x128xf32, #tpu.memory_space<vmem_shared>>) offsets(%dma_start3A_185 : memref<128xi32, #tpu.memory_space<vmem>>) semaphore(%run_scoped3A_178 : memref<!tpu.dma_semaphore, #tpu.memory_space<semaphore_mem>>) {add = true}
      %dma_wait3A_189 = arith.constant 0 : i32
      %dma_wait3A_190 = arith.constant 0 : i32
      %dma_wait3A_191 = tpu.memref_slice %arg8[%run_scoped3A_171, %dma_wait3A_189, %dma_wait3A_190] : memref<2x128x128xf32, #tpu.memory_space<vmem>> -> memref<1x128x128xf32, #tpu.memory_space<vmem>>
      %dma_wait3A_192 = tpu.memref_squeeze %dma_wait3A_191 : memref<1x128x128xf32, #tpu.memory_space<vmem>> -> memref<128x128xf32, #tpu.memory_space<vmem>>
      %dma_wait3A_193 = arith.constant 0 : i32
      %dma_wait3A_194 = tpu.memref_slice %arg7[%run_scoped3A_172, %dma_wait3A_193] : memref<40x128xi32, #tpu.memory_space<vmem>> -> memref<1x128xi32, #tpu.memory_space<vmem>>
      %dma_wait3A_195 = tpu.memref_squeeze %dma_wait3A_194 : memref<1x128xi32, #tpu.memory_space<vmem>> -> memref<128xi32, #tpu.memory_space<vmem>>
      %dma_wait3A_196 = arith.constant 0 : i32
      %dma_wait3A_197 = arith.constant 0 : i32
      %dma_wait3A_198 = tpu.memref_slice %arg5[%dma_wait3A_196, %dma_wait3A_197] : memref<10240x128xf32, #tpu.memory_space<vmem_shared>> -> memref<10240x128xf32, #tpu.memory_space<vmem_shared>>
      tpu.wait_indirect_dma semaphore(%run_scoped3A_178 : memref<!tpu.dma_semaphore, #tpu.memory_space<semaphore_mem>>) src(%dma_wait3A_192 : memref<128x128xf32, #tpu.memory_space<vmem>>) dst(%dma_wait3A_198 : memref<10240x128xf32, #tpu.memory_space<vmem_shared>>)
      tpu.yield
    }) : () -> ()
    %barrier3A_173 = arith.constant 0 : index
    tpu.barrier barrier_id(%barrier3A_173)
    %mul3A_174 = arith.constant 640 : i32
    %mul3A_175 = arith.muli %arg1, %mul3A_174 : i32
    %mul3A_176 = arith.constant 640 : i32
    %mul3A_177 = arith.muli %arg1, %mul3A_176 : i32
    "tpu.region"() ({
      %run_scoped3A_178 = tpu.sem_alloc : memref<!tpu.dma_semaphore, #tpu.memory_space<semaphore_mem>>
      %dma_start3A_179 = arith.constant 0 : i32
      %dma_start3A_180 = arith.constant 0 : i32
      %dma_start3A_181 = tpu.memref_slice %arg4[%arg0, %dma_start3A_179, %dma_start3A_180] : memref<2x10240x128xf32, #tpu.memory_space<hbm>> -> memref<1x10240x128xf32, #tpu.memory_space<hbm>>
      %dma_start3A_182 = tpu.memref_squeeze %dma_start3A_181 : memref<1x10240x128xf32, #tpu.memory_space<hbm>> -> memref<10240x128xf32, #tpu.memory_space<hbm>>
      %dma_start3A_183 = arith.constant 0 : i32
      %dma_start3A_184 = tpu.memref_slice %dma_start3A_182[%mul3A_177, %dma_start3A_183] : memref<10240x128xf32, #tpu.memory_space<hbm>> -> memref<640x128xf32, #tpu.memory_space<hbm>>
      %dma_start3A_185 = arith.constant 0 : i32
      %dma_start3A_186 = tpu.memref_slice %arg5[%mul3A_175, %dma_start3A_185] : memref<10240x128xf32, #tpu.memory_space<vmem_shared>> -> memref<640x128xf32, #tpu.memory_space<vmem_shared>>
      tpu.enqueue_dma source(%dma_start3A_186 : memref<640x128xf32, #tpu.memory_space<vmem_shared>>) target(%dma_start3A_184 : memref<640x128xf32, #tpu.memory_space<hbm>>) target_semaphore(%run_scoped3A_178 : memref<!tpu.dma_semaphore, #tpu.memory_space<semaphore_mem>>)
      %dma_wait3A_187 = arith.constant 0 : i32
      %dma_wait3A_188 = arith.constant 0 : i32
      %dma_wait3A_189 = tpu.memref_slice %arg4[%arg0, %dma_wait3A_187, %dma_wait3A_188] : memref<2x10240x128xf32, #tpu.memory_space<hbm>> -> memref<1x10240x128xf32, #tpu.memory_space<hbm>>
      %dma_wait3A_190 = tpu.memref_squeeze %dma_wait3A_189 : memref<1x10240x128xf32, #tpu.memory_space<hbm>> -> memref<10240x128xf32, #tpu.memory_space<hbm>>
      %dma_wait3A_191 = arith.constant 0 : i32
      %dma_wait3A_192 = tpu.memref_slice %dma_wait3A_190[%mul3A_177, %dma_wait3A_191] : memref<10240x128xf32, #tpu.memory_space<hbm>> -> memref<640x128xf32, #tpu.memory_space<hbm>>
      %dma_wait3A_193 = arith.constant 0 : i32
      %dma_wait3A_194 = tpu.memref_slice %arg5[%mul3A_175, %dma_wait3A_193] : memref<10240x128xf32, #tpu.memory_space<vmem_shared>> -> memref<640x128xf32, #tpu.memory_space<vmem_shared>>
      tpu.wait_dma2 semaphore(%run_scoped3A_178 : memref<!tpu.dma_semaphore, #tpu.memory_space<semaphore_mem>>) src(%dma_wait3A_194 : memref<640x128xf32, #tpu.memory_space<vmem_shared>>) dst(%dma_wait3A_192 : memref<640x128xf32, #tpu.memory_space<hbm>>)
      tpu.yield
    }) : () -> ()
    return
  }
}

#map = affine_map<(d0, d1) -> (0, 0)>
#map1 = affine_map<(d0, d1) -> (0, 0, 0, 0, 0)>
#map2 = affine_map<(d0, d1) -> (0, 0, 0)>
module attributes {stable_mosaic.version = 14 : i64} {
  func.func @_seg_sum_body(%arg0: i32, %arg1: i32, %arg2: memref<10000x128xf32, #tpu.memory_space<hbm>>, %arg3: memref<2x32x2x40x128xi32, #tpu.memory_space<hbm>>, %arg4: memref<2x10240x128xf32, #tpu.memory_space<hbm>>, %arg5: memref<10240x128xf32, #tpu.memory_space<vmem_shared>>, %arg6: memref<40x128xi32, #tpu.memory_space<vmem>>, %arg7: memref<40x128xi32, #tpu.memory_space<vmem>>, %arg8: memref<2x128x128xf32, #tpu.memory_space<vmem>>, %arg9: memref<2x!tpu.dma_semaphore, #tpu.memory_space<semaphore_mem>>) attributes {dimension_semantics = [#tpu.dimension_semantics<core_parallel>, #tpu.dimension_semantics<subcore_parallel>], iteration_bounds = array<i64: 2, 16>, scalar_prefetch = 0 : i64, scratch_operands = 5 : i64, tpu.core_type = #tpu.core_type<sc_vector_subcore>, window_params = [{transform_indices = #map}, {transform_indices = #map1}, {transform_indices = #map2}]} {
    %mul3A = arith.constant 16 : i32
    %mul3A_0 = arith.muli %arg0, %mul3A : i32
    %add3A = arith.addi %mul3A_0, %arg1 : i32
    %scan3A = arith.constant 0 : i32
    %scan3A_1 = arith.constant 128 : i32
    %scan3A_2 = arith.addi %scan3A, %scan3A_1 : i32
    %scan3A_3 = arith.constant 1 : i32
    scf.for %scan3A_178 = %scan3A to %scan3A_2 step %scan3A_3  : i32 {
      %mul3A_179 = arith.constant 1 : i32
      %mul3A_180 = arith.muli %scan3A_178, %mul3A_179 : i32
      %add3A_181 = arith.constant 0 : i32
      %add3A_182 = arith.addi %add3A_181, %mul3A_180 : i32
      %scan3A_183 = arith.constant 0 : i32
      %scan3A_184 = arith.constant 8 : i32
      %scan3A_185 = arith.addi %scan3A_183, %scan3A_184 : i32
      %scan3A_186 = arith.constant 1 : i32
      scf.for %scan3A_188 = %scan3A_183 to %scan3A_185 step %scan3A_186  : i32 {
        %mul3A_189 = arith.constant 1 : i32
        %mul3A_190 = arith.muli %scan3A_188, %mul3A_189 : i32
        %add3A_191 = arith.constant 0 : i32
        %add3A_192 = arith.addi %add3A_191, %mul3A_190 : i32
        %broadcast_in_dim3A = arith.constant 0.000000e+00 : f32
        %broadcast_in_dim3A_193 = vector.broadcast %broadcast_in_dim3A : f32 to vector<16xf32>
        %mul3A_194 = arith.constant 16 : i32
        %mul3A_195 = arith.muli %add3A_192, %mul3A_194 : i32
        %swap3A = arith.constant 0 : i32
        %swap3A_196 = arith.index_cast %swap3A : i32 to index
        %swap3A_197 = arith.index_cast %add3A_182 : i32 to index
        %swap3A_198 = arith.index_cast %mul3A_195 : i32 to index
        %swap3A_199 = tpu.vector_load %arg8[%swap3A_196, %swap3A_197, %swap3A_198] {strides = array<i32>} : memref<2x128x128xf32, #tpu.memory_space<vmem>>, vector<1x1x16xf32>,
        %swap3A_200 = vector.shape_cast %swap3A_199 : vector<1x1x16xf32> to vector<16xf32>
        %swap3A_201 = vector.shape_cast %broadcast_in_dim3A_193 : vector<16xf32> to vector<1x1x16xf32>
        tpu.vector_store %arg8[%swap3A_196, %swap3A_197, %swap3A_198], %swap3A_201 {strides = array<i32>} : memref<2x128x128xf32, #tpu.memory_space<vmem>>, vector<1x1x16xf32>,
      }
      %scan3A_187 = arith.constant 8 : i32
    }
    %scan3A_4 = arith.constant 128 : i32
    %mul3A_5 = arith.constant 640 : i32
    %mul3A_6 = arith.muli %arg1, %mul3A_5 : i32
    %add3A_7 = arith.constant 0 : i32
    %add3A_8 = arith.addi %mul3A_6, %add3A_7 : i32
    %run_scoped3A = arith.constant 0 : i32
    "tpu.region"() ({
      %run_scoped3A_178 = tpu.sem_alloc : memref<!tpu.dma_semaphore, #tpu.memory_space<semaphore_mem>>
      %dma_start3A_179 = arith.constant 0 : i32
      %dma_start3A_180 = arith.constant 0 : i32
      %dma_start3A_181 = tpu.memref_slice %arg8[%run_scoped3A, %dma_start3A_179, %dma_start3A_180] : memref<2x128x128xf32, #tpu.memory_space<vmem>> -> memref<1x128x128xf32, #tpu.memory_space<vmem>>
      %dma_start3A_182 = tpu.memref_squeeze %dma_start3A_181 : memref<1x128x128xf32, #tpu.memory_space<vmem>> -> memref<128x128xf32, #tpu.memory_space<vmem>>
      %dma_start3A_183 = arith.constant 0 : i32
      %dma_start3A_184 = tpu.memref_slice %arg5[%add3A_8, %dma_start3A_183] : memref<10240x128xf32, #tpu.memory_space<vmem_shared>> -> memref<128x128xf32, #tpu.memory_space<vmem_shared>>
      %dma_start3A_185 = arith.constant 0 : i32
      %dma_start3A_186 = tpu.memref_slice %arg5[%add3A_8, %dma_start3A_185] : memref<10240x128xf32, #tpu.memory_space<vmem_shared>> -> memref<128x128xf32, #tpu.memory_space<vmem_shared>>
      %dma_start3A_187 = arith.constant 0 : i32
      %dma_start3A_188 = arith.constant 0 : i32
      %dma_start3A_189 = tpu.memref_slice %arg8[%run_scoped3A, %dma_start3A_187, %dma_start3A_188] : memref<2x128x128xf32, #tpu.memory_space<vmem>> -> memref<1x128x128xf32, #tpu.memory_space<vmem>>
      %dma_start3A_190 = tpu.memref_squeeze %dma_start3A_189 : memref<1x128x128xf32, #tpu.memory_space<vmem>> -> memref<128x128xf32, #tpu.memory_space<vmem>>
      tpu.enqueue_dma source(%dma_start3A_190 : memref<128x128xf32, #tpu.memory_space<vmem>>) target(%dma_start3A_186 : memref<128x128xf32, #tpu.memory_space<vmem_shared>>) target_semaphore(%run_scoped3A_178 : memref<!tpu.dma_semaphore, #tpu.memory_space<semaphore_mem>>)
      %dma_wait3A_191 = arith.constant 0 : i32
      %dma_wait3A_192 = arith.constant 0 : i32
      %dma_wait3A_193 = tpu.memref_slice %arg8[%run_scoped3A, %dma_wait3A_191, %dma_wait3A_192] : memref<2x128x128xf32, #tpu.memory_space<vmem>> -> memref<1x128x128xf32, #tpu.memory_space<vmem>>
      %dma_wait3A_194 = tpu.memref_squeeze %dma_wait3A_193 : memref<1x128x128xf32, #tpu.memory_space<vmem>> -> memref<128x128xf32, #tpu.memory_space<vmem>>
      %dma_wait3A_195 = arith.constant 0 : i32
      %dma_wait3A_196 = tpu.memref_slice %arg5[%add3A_8, %dma_wait3A_195] : memref<10240x128xf32, #tpu.memory_space<vmem_shared>> -> memref<128x128xf32, #tpu.memory_space<vmem_shared>>
      %dma_wait3A_197 = arith.constant 0 : i32
      %dma_wait3A_198 = tpu.memref_slice %arg5[%add3A_8, %dma_wait3A_197] : memref<10240x128xf32, #tpu.memory_space<vmem_shared>> -> memref<128x128xf32, #tpu.memory_space<vmem_shared>>
      %dma_wait3A_199 = arith.constant 0 : i32
      %dma_wait3A_200 = arith.constant 0 : i32
      %dma_wait3A_201 = tpu.memref_slice %arg8[%run_scoped3A, %dma_wait3A_199, %dma_wait3A_200] : memref<2x128x128xf32, #tpu.memory_space<vmem>> -> memref<1x128x128xf32, #tpu.memory_space<vmem>>
      %dma_wait3A_202 = tpu.memref_squeeze %dma_wait3A_201 : memref<1x128x128xf32, #tpu.memory_space<vmem>> -> memref<128x128xf32, #tpu.memory_space<vmem>>
      tpu.wait_dma2 semaphore(%run_scoped3A_178 : memref<!tpu.dma_semaphore, #tpu.memory_space<semaphore_mem>>) src(%dma_wait3A_202 : memref<128x128xf32, #tpu.memory_space<vmem>>) dst(%dma_wait3A_198 : memref<128x128xf32, #tpu.memory_space<vmem_shared>>)
      tpu.yield
    }) : () -> ()
    %mul3A_9 = arith.constant 640 : i32
    %mul3A_10 = arith.muli %arg1, %mul3A_9 : i32
    %add3A_11 = arith.constant 128 : i32
    %add3A_12 = arith.addi %mul3A_10, %add3A_11 : i32
    %run_scoped3A_13 = arith.constant 0 : i32
    "tpu.region"() ({
      %run_scoped3A_178 = tpu.sem_alloc : memref<!tpu.dma_semaphore, #tpu.memory_space<semaphore_mem>>
      %dma_start3A_179 = arith.constant 0 : i32
      %dma_start3A_180 = arith.constant 0 : i32
      %dma_start3A_181 = tpu.memref_slice %arg8[%run_scoped3A_13, %dma_start3A_179, %dma_start3A_180] : memref<2x128x128xf32, #tpu.memory_space<vmem>> -> memref<1x128x128xf32, #tpu.memory_space<vmem>>
      %dma_start3A_182 = tpu.memref_squeeze %dma_start3A_181 : memref<1x128x128xf32, #tpu.memory_space<vmem>> -> memref<128x128xf32, #tpu.memory_space<vmem>>
      %dma_start3A_183 = arith.constant 0 : i32
      %dma_start3A_184 = tpu.memref_slice %arg5[%add3A_12, %dma_start3A_183] : memref<10240x128xf32, #tpu.memory_space<vmem_shared>> -> memref<128x128xf32, #tpu.memory_space<vmem_shared>>
      %dma_start3A_185 = arith.constant 0 : i32
      %dma_start3A_186 = tpu.memref_slice %arg5[%add3A_12, %dma_start3A_185] : memref<10240x128xf32, #tpu.memory_space<vmem_shared>> -> memref<128x128xf32, #tpu.memory_space<vmem_shared>>
      %dma_start3A_187 = arith.constant 0 : i32
      %dma_start3A_188 = arith.constant 0 : i32
      %dma_start3A_189 = tpu.memref_slice %arg8[%run_scoped3A_13, %dma_start3A_187, %dma_start3A_188] : memref<2x128x128xf32, #tpu.memory_space<vmem>> -> memref<1x128x128xf32, #tpu.memory_space<vmem>>
      %dma_start3A_190 = tpu.memref_squeeze %dma_start3A_189 : memref<1x128x128xf32, #tpu.memory_space<vmem>> -> memref<128x128xf32, #tpu.memory_space<vmem>>
      tpu.enqueue_dma source(%dma_start3A_190 : memref<128x128xf32, #tpu.memory_space<vmem>>) target(%dma_start3A_186 : memref<128x128xf32, #tpu.memory_space<vmem_shared>>) target_semaphore(%run_scoped3A_178 : memref<!tpu.dma_semaphore, #tpu.memory_space<semaphore_mem>>)
      %dma_wait3A_191 = arith.constant 0 : i32
      %dma_wait3A_192 = arith.constant 0 : i32
      %dma_wait3A_193 = tpu.memref_slice %arg8[%run_scoped3A_13, %dma_wait3A_191, %dma_wait3A_192] : memref<2x128x128xf32, #tpu.memory_space<vmem>> -> memref<1x128x128xf32, #tpu.memory_space<vmem>>
      %dma_wait3A_194 = tpu.memref_squeeze %dma_wait3A_193 : memref<1x128x128xf32, #tpu.memory_space<vmem>> -> memref<128x128xf32, #tpu.memory_space<vmem>>
      %dma_wait3A_195 = arith.constant 0 : i32
      %dma_wait3A_196 = tpu.memref_slice %arg5[%add3A_12, %dma_wait3A_195] : memref<10240x128xf32, #tpu.memory_space<vmem_shared>> -> memref<128x128xf32, #tpu.memory_space<vmem_shared>>
      %dma_wait3A_197 = arith.constant 0 : i32
      %dma_wait3A_198 = tpu.memref_slice %arg5[%add3A_12, %dma_wait3A_197] : memref<10240x128xf32, #tpu.memory_space<vmem_shared>> -> memref<128x128xf32, #tpu.memory_space<vmem_shared>>
      %dma_wait3A_199 = arith.constant 0 : i32
      %dma_wait3A_200 = arith.constant 0 : i32
      %dma_wait3A_201 = tpu.memref_slice %arg8[%run_scoped3A_13, %dma_wait3A_199, %dma_wait3A_200] : memref<2x128x128xf32, #tpu.memory_space<vmem>> -> memref<1x128x128xf32, #tpu.memory_space<vmem>>
      %dma_wait3A_202 = tpu.memref_squeeze %dma_wait3A_201 : memref<1x128x128xf32, #tpu.memory_space<vmem>> -> memref<128x128xf32, #tpu.memory_space<vmem>>
      tpu.wait_dma2 semaphore(%run_scoped3A_178 : memref<!tpu.dma_semaphore, #tpu.memory_space<semaphore_mem>>) src(%dma_wait3A_202 : memref<128x128xf32, #tpu.memory_space<vmem>>) dst(%dma_wait3A_198 : memref<128x128xf32, #tpu.memory_space<vmem_shared>>)
      tpu.yield
    }) : () -> ()
    %mul3A_14 = arith.constant 640 : i32
    %mul3A_15 = arith.muli %arg1, %mul3A_14 : i32
    %add3A_16 = arith.constant 256 : i32
    %add3A_17 = arith.addi %mul3A_15, %add3A_16 : i32
    %run_scoped3A_18 = arith.constant 0 : i32
    "tpu.region"() ({
      %run_scoped3A_178 = tpu.sem_alloc : memref<!tpu.dma_semaphore, #tpu.memory_space<semaphore_mem>>
      %dma_start3A_179 = arith.constant 0 : i32
      %dma_start3A_180 = arith.constant 0 : i32
      %dma_start3A_181 = tpu.memref_slice %arg8[%run_scoped3A_18, %dma_start3A_179, %dma_start3A_180] : memref<2x128x128xf32, #tpu.memory_space<vmem>> -> memref<1x128x128xf32, #tpu.memory_space<vmem>>
      %dma_start3A_182 = tpu.memref_squeeze %dma_start3A_181 : memref<1x128x128xf32, #tpu.memory_space<vmem>> -> memref<128x128xf32, #tpu.memory_space<vmem>>
      %dma_start3A_183 = arith.constant 0 : i32
      %dma_start3A_184 = tpu.memref_slice %arg5[%add3A_17, %dma_start3A_183] : memref<10240x128xf32, #tpu.memory_space<vmem_shared>> -> memref<128x128xf32, #tpu.memory_space<vmem_shared>>
      %dma_start3A_185 = arith.constant 0 : i32
      %dma_start3A_186 = tpu.memref_slice %arg5[%add3A_17, %dma_start3A_185] : memref<10240x128xf32, #tpu.memory_space<vmem_shared>> -> memref<128x128xf32, #tpu.memory_space<vmem_shared>>
      %dma_start3A_187 = arith.constant 0 : i32
      %dma_start3A_188 = arith.constant 0 : i32
      %dma_start3A_189 = tpu.memref_slice %arg8[%run_scoped3A_18, %dma_start3A_187, %dma_start3A_188] : memref<2x128x128xf32, #tpu.memory_space<vmem>> -> memref<1x128x128xf32, #tpu.memory_space<vmem>>
      %dma_start3A_190 = tpu.memref_squeeze %dma_start3A_189 : memref<1x128x128xf32, #tpu.memory_space<vmem>> -> memref<128x128xf32, #tpu.memory_space<vmem>>
      tpu.enqueue_dma source(%dma_start3A_190 : memref<128x128xf32, #tpu.memory_space<vmem>>) target(%dma_start3A_186 : memref<128x128xf32, #tpu.memory_space<vmem_shared>>) target_semaphore(%run_scoped3A_178 : memref<!tpu.dma_semaphore, #tpu.memory_space<semaphore_mem>>)
      %dma_wait3A_191 = arith.constant 0 : i32
      %dma_wait3A_192 = arith.constant 0 : i32
      %dma_wait3A_193 = tpu.memref_slice %arg8[%run_scoped3A_18, %dma_wait3A_191, %dma_wait3A_192] : memref<2x128x128xf32, #tpu.memory_space<vmem>> -> memref<1x128x128xf32, #tpu.memory_space<vmem>>
      %dma_wait3A_194 = tpu.memref_squeeze %dma_wait3A_193 : memref<1x128x128xf32, #tpu.memory_space<vmem>> -> memref<128x128xf32, #tpu.memory_space<vmem>>
      %dma_wait3A_195 = arith.constant 0 : i32
      %dma_wait3A_196 = tpu.memref_slice %arg5[%add3A_17, %dma_wait3A_195] : memref<10240x128xf32, #tpu.memory_space<vmem_shared>> -> memref<128x128xf32, #tpu.memory_space<vmem_shared>>
      %dma_wait3A_197 = arith.constant 0 : i32
      %dma_wait3A_198 = tpu.memref_slice %arg5[%add3A_17, %dma_wait3A_197] : memref<10240x128xf32, #tpu.memory_space<vmem_shared>> -> memref<128x128xf32, #tpu.memory_space<vmem_shared>>
      %dma_wait3A_199 = arith.constant 0 : i32
      %dma_wait3A_200 = arith.constant 0 : i32
      %dma_wait3A_201 = tpu.memref_slice %arg8[%run_scoped3A_18, %dma_wait3A_199, %dma_wait3A_200] : memref<2x128x128xf32, #tpu.memory_space<vmem>> -> memref<1x128x128xf32, #tpu.memory_space<vmem>>
      %dma_wait3A_202 = tpu.memref_squeeze %dma_wait3A_201 : memref<1x128x128xf32, #tpu.memory_space<vmem>> -> memref<128x128xf32, #tpu.memory_space<vmem>>
      tpu.wait_dma2 semaphore(%run_scoped3A_178 : memref<!tpu.dma_semaphore, #tpu.memory_space<semaphore_mem>>) src(%dma_wait3A_202 : memref<128x128xf32, #tpu.memory_space<vmem>>) dst(%dma_wait3A_198 : memref<128x128xf32, #tpu.memory_space<vmem_shared>>)
      tpu.yield
    }) : () -> ()
    %mul3A_19 = arith.constant 640 : i32
    %mul3A_20 = arith.muli %arg1, %mul3A_19 : i32
    %add3A_21 = arith.constant 384 : i32
    %add3A_22 = arith.addi %mul3A_20, %add3A_21 : i32
    %run_scoped3A_23 = arith.constant 0 : i32
    "tpu.region"() ({
      %run_scoped3A_178 = tpu.sem_alloc : memref<!tpu.dma_semaphore, #tpu.memory_space<semaphore_mem>>
      %dma_start3A_179 = arith.constant 0 : i32
      %dma_start3A_180 = arith.constant 0 : i32
      %dma_start3A_181 = tpu.memref_slice %arg8[%run_scoped3A_23, %dma_start3A_179, %dma_start3A_180] : memref<2x128x128xf32, #tpu.memory_space<vmem>> -> memref<1x128x128xf32, #tpu.memory_space<vmem>>
      %dma_start3A_182 = tpu.memref_squeeze %dma_start3A_181 : memref<1x128x128xf32, #tpu.memory_space<vmem>> -> memref<128x128xf32, #tpu.memory_space<vmem>>
      %dma_start3A_183 = arith.constant 0 : i32
      %dma_start3A_184 = tpu.memref_slice %arg5[%add3A_22, %dma_start3A_183] : memref<10240x128xf32, #tpu.memory_space<vmem_shared>> -> memref<128x128xf32, #tpu.memory_space<vmem_shared>>
      %dma_start3A_185 = arith.constant 0 : i32
      %dma_start3A_186 = tpu.memref_slice %arg5[%add3A_22, %dma_start3A_185] : memref<10240x128xf32, #tpu.memory_space<vmem_shared>> -> memref<128x128xf32, #tpu.memory_space<vmem_shared>>
      %dma_start3A_187 = arith.constant 0 : i32
      %dma_start3A_188 = arith.constant 0 : i32
      %dma_start3A_189 = tpu.memref_slice %arg8[%run_scoped3A_23, %dma_start3A_187, %dma_start3A_188] : memref<2x128x128xf32, #tpu.memory_space<vmem>> -> memref<1x128x128xf32, #tpu.memory_space<vmem>>
      %dma_start3A_190 = tpu.memref_squeeze %dma_start3A_189 : memref<1x128x128xf32, #tpu.memory_space<vmem>> -> memref<128x128xf32, #tpu.memory_space<vmem>>
      tpu.enqueue_dma source(%dma_start3A_190 : memref<128x128xf32, #tpu.memory_space<vmem>>) target(%dma_start3A_186 : memref<128x128xf32, #tpu.memory_space<vmem_shared>>) target_semaphore(%run_scoped3A_178 : memref<!tpu.dma_semaphore, #tpu.memory_space<semaphore_mem>>)
      %dma_wait3A_191 = arith.constant 0 : i32
      %dma_wait3A_192 = arith.constant 0 : i32
      %dma_wait3A_193 = tpu.memref_slice %arg8[%run_scoped3A_23, %dma_wait3A_191, %dma_wait3A_192] : memref<2x128x128xf32, #tpu.memory_space<vmem>> -> memref<1x128x128xf32, #tpu.memory_space<vmem>>
      %dma_wait3A_194 = tpu.memref_squeeze %dma_wait3A_193 : memref<1x128x128xf32, #tpu.memory_space<vmem>> -> memref<128x128xf32, #tpu.memory_space<vmem>>
      %dma_wait3A_195 = arith.constant 0 : i32
      %dma_wait3A_196 = tpu.memref_slice %arg5[%add3A_22, %dma_wait3A_195] : memref<10240x128xf32, #tpu.memory_space<vmem_shared>> -> memref<128x128xf32, #tpu.memory_space<vmem_shared>>
      %dma_wait3A_197 = arith.constant 0 : i32
      %dma_wait3A_198 = tpu.memref_slice %arg5[%add3A_22, %dma_wait3A_197] : memref<10240x128xf32, #tpu.memory_space<vmem_shared>> -> memref<128x128xf32, #tpu.memory_space<vmem_shared>>
      %dma_wait3A_199 = arith.constant 0 : i32
      %dma_wait3A_200 = arith.constant 0 : i32
      %dma_wait3A_201 = tpu.memref_slice %arg8[%run_scoped3A_23, %dma_wait3A_199, %dma_wait3A_200] : memref<2x128x128xf32, #tpu.memory_space<vmem>> -> memref<1x128x128xf32, #tpu.memory_space<vmem>>
      %dma_wait3A_202 = tpu.memref_squeeze %dma_wait3A_201 : memref<1x128x128xf32, #tpu.memory_space<vmem>> -> memref<128x128xf32, #tpu.memory_space<vmem>>
      tpu.wait_dma2 semaphore(%run_scoped3A_178 : memref<!tpu.dma_semaphore, #tpu.memory_space<semaphore_mem>>) src(%dma_wait3A_202 : memref<128x128xf32, #tpu.memory_space<vmem>>) dst(%dma_wait3A_198 : memref<128x128xf32, #tpu.memory_space<vmem_shared>>)
      tpu.yield
    }) : () -> ()
    %mul3A_24 = arith.constant 640 : i32
    %mul3A_25 = arith.muli %arg1, %mul3A_24 : i32
    %add3A_26 = arith.constant 512 : i32
    %add3A_27 = arith.addi %mul3A_25, %add3A_26 : i32
    %run_scoped3A_28 = arith.constant 0 : i32
    "tpu.region"() ({
      %run_scoped3A_178 = tpu.sem_alloc : memref<!tpu.dma_semaphore, #tpu.memory_space<semaphore_mem>>
      %dma_start3A_179 = arith.constant 0 : i32
      %dma_start3A_180 = arith.constant 0 : i32
      %dma_start3A_181 = tpu.memref_slice %arg8[%run_scoped3A_28, %dma_start3A_179, %dma_start3A_180] : memref<2x128x128xf32, #tpu.memory_space<vmem>> -> memref<1x128x128xf32, #tpu.memory_space<vmem>>
      %dma_start3A_182 = tpu.memref_squeeze %dma_start3A_181 : memref<1x128x128xf32, #tpu.memory_space<vmem>> -> memref<128x128xf32, #tpu.memory_space<vmem>>
      %dma_start3A_183 = arith.constant 0 : i32
      %dma_start3A_184 = tpu.memref_slice %arg5[%add3A_27, %dma_start3A_183] : memref<10240x128xf32, #tpu.memory_space<vmem_shared>> -> memref<128x128xf32, #tpu.memory_space<vmem_shared>>
      %dma_start3A_185 = arith.constant 0 : i32
      %dma_start3A_186 = tpu.memref_slice %arg5[%add3A_27, %dma_start3A_185] : memref<10240x128xf32, #tpu.memory_space<vmem_shared>> -> memref<128x128xf32, #tpu.memory_space<vmem_shared>>
      %dma_start3A_187 = arith.constant 0 : i32
      %dma_start3A_188 = arith.constant 0 : i32
      %dma_start3A_189 = tpu.memref_slice %arg8[%run_scoped3A_28, %dma_start3A_187, %dma_start3A_188] : memref<2x128x128xf32, #tpu.memory_space<vmem>> -> memref<1x128x128xf32, #tpu.memory_space<vmem>>
      %dma_start3A_190 = tpu.memref_squeeze %dma_start3A_189 : memref<1x128x128xf32, #tpu.memory_space<vmem>> -> memref<128x128xf32, #tpu.memory_space<vmem>>
      tpu.enqueue_dma source(%dma_start3A_190 : memref<128x128xf32, #tpu.memory_space<vmem>>) target(%dma_start3A_186 : memref<128x128xf32, #tpu.memory_space<vmem_shared>>) target_semaphore(%run_scoped3A_178 : memref<!tpu.dma_semaphore, #tpu.memory_space<semaphore_mem>>)
      %dma_wait3A_191 = arith.constant 0 : i32
      %dma_wait3A_192 = arith.constant 0 : i32
      %dma_wait3A_193 = tpu.memref_slice %arg8[%run_scoped3A_28, %dma_wait3A_191, %dma_wait3A_192] : memref<2x128x128xf32, #tpu.memory_space<vmem>> -> memref<1x128x128xf32, #tpu.memory_space<vmem>>
      %dma_wait3A_194 = tpu.memref_squeeze %dma_wait3A_193 : memref<1x128x128xf32, #tpu.memory_space<vmem>> -> memref<128x128xf32, #tpu.memory_space<vmem>>
      %dma_wait3A_195 = arith.constant 0 : i32
      %dma_wait3A_196 = tpu.memref_slice %arg5[%add3A_27, %dma_wait3A_195] : memref<10240x128xf32, #tpu.memory_space<vmem_shared>> -> memref<128x128xf32, #tpu.memory_space<vmem_shared>>
      %dma_wait3A_197 = arith.constant 0 : i32
      %dma_wait3A_198 = tpu.memref_slice %arg5[%add3A_27, %dma_wait3A_197] : memref<10240x128xf32, #tpu.memory_space<vmem_shared>> -> memref<128x128xf32, #tpu.memory_space<vmem_shared>>
      %dma_wait3A_199 = arith.constant 0 : i32
      %dma_wait3A_200 = arith.constant 0 : i32
      %dma_wait3A_201 = tpu.memref_slice %arg8[%run_scoped3A_28, %dma_wait3A_199, %dma_wait3A_200] : memref<2x128x128xf32, #tpu.memory_space<vmem>> -> memref<1x128x128xf32, #tpu.memory_space<vmem>>
      %dma_wait3A_202 = tpu.memref_squeeze %dma_wait3A_201 : memref<1x128x128xf32, #tpu.memory_space<vmem>> -> memref<128x128xf32, #tpu.memory_space<vmem>>
      tpu.wait_dma2 semaphore(%run_scoped3A_178 : memref<!tpu.dma_semaphore, #tpu.memory_space<semaphore_mem>>) src(%dma_wait3A_202 : memref<128x128xf32, #tpu.memory_space<vmem>>) dst(%dma_wait3A_198 : memref<128x128xf32, #tpu.memory_space<vmem_shared>>)
      tpu.yield
    }) : () -> ()
    %barrier3A = arith.constant 0 : index
    tpu.barrier barrier_id(%barrier3A)
    %run_scoped3A_29 = arith.constant 0 : i32
    %run_scoped3A_30 = arith.constant 0 : i32
    "tpu.region"() ({
      %run_scoped3A_178 = tpu.sem_alloc : memref<!tpu.dma_semaphore, #tpu.memory_space<semaphore_mem>>
      %dma_start3A_179 = arith.constant 0 : i32
      %dma_start3A_180 = arith.constant 0 : i32
      %dma_start3A_181 = arith.constant 0 : i32
      %dma_start3A_182 = arith.constant 0 : i32
      %dma_start3A_183 = tpu.memref_slice %arg3[%run_scoped3A_29, %dma_start3A_179, %dma_start3A_180, %dma_start3A_181, %dma_start3A_182] : memref<2x32x2x40x128xi32, #tpu.memory_space<hbm>> -> memref<1x32x2x40x128xi32, #tpu.memory_space<hbm>>
      %dma_start3A_184 = tpu.memref_squeeze %dma_start3A_183 : memref<1x32x2x40x128xi32, #tpu.memory_space<hbm>> -> memref<32x2x40x128xi32, #tpu.memory_space<hbm>>
      %dma_start3A_185 = arith.constant 0 : i32
      %dma_start3A_186 = arith.constant 0 : i32
      %dma_start3A_187 = arith.constant 0 : i32
      %dma_start3A_188 = tpu.memref_slice %dma_start3A_184[%add3A, %dma_start3A_185, %dma_start3A_186, %dma_start3A_187] : memref<32x2x40x128xi32, #tpu.memory_space<hbm>> -> memref<1x2x40x128xi32, #tpu.memory_space<hbm>>
      %dma_start3A_189 = tpu.memref_squeeze %dma_start3A_188 : memref<1x2x40x128xi32, #tpu.memory_space<hbm>> -> memref<2x40x128xi32, #tpu.memory_space<hbm>>
      %dma_start3A_190 = arith.constant 0 : i32
      %dma_start3A_191 = arith.constant 0 : i32
      %dma_start3A_192 = tpu.memref_slice %dma_start3A_189[%run_scoped3A_30, %dma_start3A_190, %dma_start3A_191] : memref<2x40x128xi32, #tpu.memory_space<hbm>> -> memref<1x40x128xi32, #tpu.memory_space<hbm>>
      %dma_start3A_193 = tpu.memref_squeeze %dma_start3A_192 : memref<1x40x128xi32, #tpu.memory_space<hbm>> -> memref<40x128xi32, #tpu.memory_space<hbm>>
      %dma_start3A_194 = arith.constant 0 : i32
      %dma_start3A_195 = arith.constant 0 : i32
      %dma_start3A_196 = arith.constant 0 : i32
      %dma_start3A_197 = arith.constant 0 : i32
      %dma_start3A_198 = tpu.memref_slice %arg3[%run_scoped3A_29, %dma_start3A_194, %dma_start3A_195, %dma_start3A_196, %dma_start3A_197] : memref<2x32x2x40x128xi32, #tpu.memory_space<hbm>> -> memref<1x32x2x40x128xi32, #tpu.memory_space<hbm>>
      %dma_start3A_199 = tpu.memref_squeeze %dma_start3A_198 : memref<1x32x2x40x128xi32, #tpu.memory_space<hbm>> -> memref<32x2x40x128xi32, #tpu.memory_space<hbm>>
      %dma_start3A_200 = arith.constant 0 : i32
      %dma_start3A_201 = arith.constant 0 : i32
      %dma_start3A_202 = arith.constant 0 : i32
      %dma_start3A_203 = tpu.memref_slice %dma_start3A_199[%add3A, %dma_start3A_200, %dma_start3A_201, %dma_start3A_202] : memref<32x2x40x128xi32, #tpu.memory_space<hbm>> -> memref<1x2x40x128xi32, #tpu.memory_space<hbm>>
      %dma_start3A_204 = tpu.memref_squeeze %dma_start3A_203 : memref<1x2x40x128xi32, #tpu.memory_space<hbm>> -> memref<2x40x128xi32, #tpu.memory_space<hbm>>
      %dma_start3A_205 = arith.constant 0 : i32
      %dma_start3A_206 = arith.constant 0 : i32
      %dma_start3A_207 = tpu.memref_slice %dma_start3A_204[%run_scoped3A_30, %dma_start3A_205, %dma_start3A_206] : memref<2x40x128xi32, #tpu.memory_space<hbm>> -> memref<1x40x128xi32, #tpu.memory_space<hbm>>
      %dma_start3A_208 = tpu.memref_squeeze %dma_start3A_207 : memref<1x40x128xi32, #tpu.memory_space<hbm>> -> memref<40x128xi32, #tpu.memory_space<hbm>>
      tpu.enqueue_dma source(%dma_start3A_208 : memref<40x128xi32, #tpu.memory_space<hbm>>) target(%arg6 : memref<40x128xi32, #tpu.memory_space<vmem>>) target_semaphore(%run_scoped3A_178 : memref<!tpu.dma_semaphore, #tpu.memory_space<semaphore_mem>>)
      %dma_wait3A_209 = arith.constant 0 : i32
      %dma_wait3A_210 = arith.constant 0 : i32
      %dma_wait3A_211 = arith.constant 0 : i32
      %dma_wait3A_212 = arith.constant 0 : i32
      %dma_wait3A_213 = tpu.memref_slice %arg3[%run_scoped3A_29, %dma_wait3A_209, %dma_wait3A_210, %dma_wait3A_211, %dma_wait3A_212] : memref<2x32x2x40x128xi32, #tpu.memory_space<hbm>> -> memref<1x32x2x40x128xi32, #tpu.memory_space<hbm>>
      %dma_wait3A_214 = tpu.memref_squeeze %dma_wait3A_213 : memref<1x32x2x40x128xi32, #tpu.memory_space<hbm>> -> memref<32x2x40x128xi32, #tpu.memory_space<hbm>>
      %dma_wait3A_215 = arith.constant 0 : i32
      %dma_wait3A_216 = arith.constant 0 : i32
      %dma_wait3A_217 = arith.constant 0 : i32
      %dma_wait3A_218 = tpu.memref_slice %dma_wait3A_214[%add3A, %dma_wait3A_215, %dma_wait3A_216, %dma_wait3A_217] : memref<32x2x40x128xi32, #tpu.memory_space<hbm>> -> memref<1x2x40x128xi32, #tpu.memory_space<hbm>>
      %dma_wait3A_219 = tpu.memref_squeeze %dma_wait3A_218 : memref<1x2x40x128xi32, #tpu.memory_space<hbm>> -> memref<2x40x128xi32, #tpu.memory_space<hbm>>
      %dma_wait3A_220 = arith.constant 0 : i32
      %dma_wait3A_221 = arith.constant 0 : i32
      %dma_wait3A_222 = tpu.memref_slice %dma_wait3A_219[%run_scoped3A_30, %dma_wait3A_220, %dma_wait3A_221] : memref<2x40x128xi32, #tpu.memory_space<hbm>> -> memref<1x40x128xi32, #tpu.memory_space<hbm>>
      %dma_wait3A_223 = tpu.memref_squeeze %dma_wait3A_222 : memref<1x40x128xi32, #tpu.memory_space<hbm>> -> memref<40x128xi32, #tpu.memory_space<hbm>>
      %dma_wait3A_224 = arith.constant 0 : i32
      %dma_wait3A_225 = arith.constant 0 : i32
      %dma_wait3A_226 = arith.constant 0 : i32
      %dma_wait3A_227 = arith.constant 0 : i32
      %dma_wait3A_228 = tpu.memref_slice %arg3[%run_scoped3A_29, %dma_wait3A_224, %dma_wait3A_225, %dma_wait3A_226, %dma_wait3A_227] : memref<2x32x2x40x128xi32, #tpu.memory_space<hbm>> -> memref<1x32x2x40x128xi32, #tpu.memory_space<hbm>>
      %dma_wait3A_229 = tpu.memref_squeeze %dma_wait3A_228 : memref<1x32x2x40x128xi32, #tpu.memory_space<hbm>> -> memref<32x2x40x128xi32, #tpu.memory_space<hbm>>
      %dma_wait3A_230 = arith.constant 0 : i32
      %dma_wait3A_231 = arith.constant 0 : i32
      %dma_wait3A_232 = arith.constant 0 : i32
      %dma_wait3A_233 = tpu.memref_slice %dma_wait3A_229[%add3A, %dma_wait3A_230, %dma_wait3A_231, %dma_wait3A_232] : memref<32x2x40x128xi32, #tpu.memory_space<hbm>> -> memref<1x2x40x128xi32, #tpu.memory_space<hbm>>
      %dma_wait3A_234 = tpu.memref_squeeze %dma_wait3A_233 : memref<1x2x40x128xi32, #tpu.memory_space<hbm>> -> memref<2x40x128xi32, #tpu.memory_space<hbm>>
      %dma_wait3A_235 = arith.constant 0 : i32
      %dma_wait3A_236 = arith.constant 0 : i32
      %dma_wait3A_237 = tpu.memref_slice %dma_wait3A_234[%run_scoped3A_30, %dma_wait3A_235, %dma_wait3A_236] : memref<2x40x128xi32, #tpu.memory_space<hbm>> -> memref<1x40x128xi32, #tpu.memory_space<hbm>>
      %dma_wait3A_238 = tpu.memref_squeeze %dma_wait3A_237 : memref<1x40x128xi32, #tpu.memory_space<hbm>> -> memref<40x128xi32, #tpu.memory_space<hbm>>
      tpu.wait_dma2 semaphore(%run_scoped3A_178 : memref<!tpu.dma_semaphore, #tpu.memory_space<semaphore_mem>>) src(%dma_wait3A_238 : memref<40x128xi32, #tpu.memory_space<hbm>>) dst(%arg6 : memref<40x128xi32, #tpu.memory_space<vmem>>)
      tpu.yield
    }) : () -> ()
    %run_scoped3A_31 = arith.constant 1 : i32
    %run_scoped3A_32 = arith.constant 0 : i32
    "tpu.region"() ({
      %run_scoped3A_178 = tpu.sem_alloc : memref<!tpu.dma_semaphore, #tpu.memory_space<semaphore_mem>>
      %dma_start3A_179 = arith.constant 0 : i32
      %dma_start3A_180 = arith.constant 0 : i32
      %dma_start3A_181 = arith.constant 0 : i32
      %dma_start3A_182 = arith.constant 0 : i32
      %dma_start3A_183 = tpu.memref_slice %arg3[%run_scoped3A_31, %dma_start3A_179, %dma_start3A_180, %dma_start3A_181, %dma_start3A_182] : memref<2x32x2x40x128xi32, #tpu.memory_space<hbm>> -> memref<1x32x2x40x128xi32, #tpu.memory_space<hbm>>
      %dma_start3A_184 = tpu.memref_squeeze %dma_start3A_183 : memref<1x32x2x40x128xi32, #tpu.memory_space<hbm>> -> memref<32x2x40x128xi32, #tpu.memory_space<hbm>>
      %dma_start3A_185 = arith.constant 0 : i32
      %dma_start3A_186 = arith.constant 0 : i32
      %dma_start3A_187 = arith.constant 0 : i32
      %dma_start3A_188 = tpu.memref_slice %dma_start3A_184[%add3A, %dma_start3A_185, %dma_start3A_186, %dma_start3A_187] : memref<32x2x40x128xi32, #tpu.memory_space<hbm>> -> memref<1x2x40x128xi32, #tpu.memory_space<hbm>>
      %dma_start3A_189 = tpu.memref_squeeze %dma_start3A_188 : memref<1x2x40x128xi32, #tpu.memory_space<hbm>> -> memref<2x40x128xi32, #tpu.memory_space<hbm>>
      %dma_start3A_190 = arith.constant 0 : i32
      %dma_start3A_191 = arith.constant 0 : i32
      %dma_start3A_192 = tpu.memref_slice %dma_start3A_189[%run_scoped3A_32, %dma_start3A_190, %dma_start3A_191] : memref<2x40x128xi32, #tpu.memory_space<hbm>> -> memref<1x40x128xi32, #tpu.memory_space<hbm>>
      %dma_start3A_193 = tpu.memref_squeeze %dma_start3A_192 : memref<1x40x128xi32, #tpu.memory_space<hbm>> -> memref<40x128xi32, #tpu.memory_space<hbm>>
      %dma_start3A_194 = arith.constant 0 : i32
      %dma_start3A_195 = arith.constant 0 : i32
      %dma_start3A_196 = arith.constant 0 : i32
      %dma_start3A_197 = arith.constant 0 : i32
      %dma_start3A_198 = tpu.memref_slice %arg3[%run_scoped3A_31, %dma_start3A_194, %dma_start3A_195, %dma_start3A_196, %dma_start3A_197] : memref<2x32x2x40x128xi32, #tpu.memory_space<hbm>> -> memref<1x32x2x40x128xi32, #tpu.memory_space<hbm>>
      %dma_start3A_199 = tpu.memref_squeeze %dma_start3A_198 : memref<1x32x2x40x128xi32, #tpu.memory_space<hbm>> -> memref<32x2x40x128xi32, #tpu.memory_space<hbm>>
      %dma_start3A_200 = arith.constant 0 : i32
      %dma_start3A_201 = arith.constant 0 : i32
      %dma_start3A_202 = arith.constant 0 : i32
      %dma_start3A_203 = tpu.memref_slice %dma_start3A_199[%add3A, %dma_start3A_200, %dma_start3A_201, %dma_start3A_202] : memref<32x2x40x128xi32, #tpu.memory_space<hbm>> -> memref<1x2x40x128xi32, #tpu.memory_space<hbm>>
      %dma_start3A_204 = tpu.memref_squeeze %dma_start3A_203 : memref<1x2x40x128xi32, #tpu.memory_space<hbm>> -> memref<2x40x128xi32, #tpu.memory_space<hbm>>
      %dma_start3A_205 = arith.constant 0 : i32
      %dma_start3A_206 = arith.constant 0 : i32
      %dma_start3A_207 = tpu.memref_slice %dma_start3A_204[%run_scoped3A_32, %dma_start3A_205, %dma_start3A_206] : memref<2x40x128xi32, #tpu.memory_space<hbm>> -> memref<1x40x128xi32, #tpu.memory_space<hbm>>
      %dma_start3A_208 = tpu.memref_squeeze %dma_start3A_207 : memref<1x40x128xi32, #tpu.memory_space<hbm>> -> memref<40x128xi32, #tpu.memory_space<hbm>>
      tpu.enqueue_dma source(%dma_start3A_208 : memref<40x128xi32, #tpu.memory_space<hbm>>) target(%arg7 : memref<40x128xi32, #tpu.memory_space<vmem>>) target_semaphore(%run_scoped3A_178 : memref<!tpu.dma_semaphore, #tpu.memory_space<semaphore_mem>>)
      %dma_wait3A_209 = arith.constant 0 : i32
      %dma_wait3A_210 = arith.constant 0 : i32
      %dma_wait3A_211 = arith.constant 0 : i32
      %dma_wait3A_212 = arith.constant 0 : i32
      %dma_wait3A_213 = tpu.memref_slice %arg3[%run_scoped3A_31, %dma_wait3A_209, %dma_wait3A_210, %dma_wait3A_211, %dma_wait3A_212] : memref<2x32x2x40x128xi32, #tpu.memory_space<hbm>> -> memref<1x32x2x40x128xi32, #tpu.memory_space<hbm>>
      %dma_wait3A_214 = tpu.memref_squeeze %dma_wait3A_213 : memref<1x32x2x40x128xi32, #tpu.memory_space<hbm>> -> memref<32x2x40x128xi32, #tpu.memory_space<hbm>>
      %dma_wait3A_215 = arith.constant 0 : i32
      %dma_wait3A_216 = arith.constant 0 : i32
      %dma_wait3A_217 = arith.constant 0 : i32
      %dma_wait3A_218 = tpu.memref_slice %dma_wait3A_214[%add3A, %dma_wait3A_215, %dma_wait3A_216, %dma_wait3A_217] : memref<32x2x40x128xi32, #tpu.memory_space<hbm>> -> memref<1x2x40x128xi32, #tpu.memory_space<hbm>>
      %dma_wait3A_219 = tpu.memref_squeeze %dma_wait3A_218 : memref<1x2x40x128xi32, #tpu.memory_space<hbm>> -> memref<2x40x128xi32, #tpu.memory_space<hbm>>
      %dma_wait3A_220 = arith.constant 0 : i32
      %dma_wait3A_221 = arith.constant 0 : i32
      %dma_wait3A_222 = tpu.memref_slice %dma_wait3A_219[%run_scoped3A_32, %dma_wait3A_220, %dma_wait3A_221] : memref<2x40x128xi32, #tpu.memory_space<hbm>> -> memref<1x40x128xi32, #tpu.memory_space<hbm>>
      %dma_wait3A_223 = tpu.memref_squeeze %dma_wait3A_222 : memref<1x40x128xi32, #tpu.memory_space<hbm>> -> memref<40x128xi32, #tpu.memory_space<hbm>>
      %dma_wait3A_224 = arith.constant 0 : i32
      %dma_wait3A_225 = arith.constant 0 : i32
      %dma_wait3A_226 = arith.constant 0 : i32
      %dma_wait3A_227 = arith.constant 0 : i32
      %dma_wait3A_228 = tpu.memref_slice %arg3[%run_scoped3A_31, %dma_wait3A_224, %dma_wait3A_225, %dma_wait3A_226, %dma_wait3A_227] : memref<2x32x2x40x128xi32, #tpu.memory_space<hbm>> -> memref<1x32x2x40x128xi32, #tpu.memory_space<hbm>>
      %dma_wait3A_229 = tpu.memref_squeeze %dma_wait3A_228 : memref<1x32x2x40x128xi32, #tpu.memory_space<hbm>> -> memref<32x2x40x128xi32, #tpu.memory_space<hbm>>
      %dma_wait3A_230 = arith.constant 0 : i32
      %dma_wait3A_231 = arith.constant 0 : i32
      %dma_wait3A_232 = arith.constant 0 : i32
      %dma_wait3A_233 = tpu.memref_slice %dma_wait3A_229[%add3A, %dma_wait3A_230, %dma_wait3A_231, %dma_wait3A_232] : memref<32x2x40x128xi32, #tpu.memory_space<hbm>> -> memref<1x2x40x128xi32, #tpu.memory_space<hbm>>
      %dma_wait3A_234 = tpu.memref_squeeze %dma_wait3A_233 : memref<1x2x40x128xi32, #tpu.memory_space<hbm>> -> memref<2x40x128xi32, #tpu.memory_space<hbm>>
      %dma_wait3A_235 = arith.constant 0 : i32
      %dma_wait3A_236 = arith.constant 0 : i32
      %dma_wait3A_237 = tpu.memref_slice %dma_wait3A_234[%run_scoped3A_32, %dma_wait3A_235, %dma_wait3A_236] : memref<2x40x128xi32, #tpu.memory_space<hbm>> -> memref<1x40x128xi32, #tpu.memory_space<hbm>>
      %dma_wait3A_238 = tpu.memref_squeeze %dma_wait3A_237 : memref<1x40x128xi32, #tpu.memory_space<hbm>> -> memref<40x128xi32, #tpu.memory_space<hbm>>
      tpu.wait_dma2 semaphore(%run_scoped3A_178 : memref<!tpu.dma_semaphore, #tpu.memory_space<semaphore_mem>>) src(%dma_wait3A_238 : memref<40x128xi32, #tpu.memory_space<hbm>>) dst(%arg7 : memref<40x128xi32, #tpu.memory_space<vmem>>)
      tpu.yield
    }) : () -> ()
    %dma_start3A = arith.constant 0 : i32
    %dma_start3A_33 = arith.constant 0 : i32
    %dma_start3A_34 = arith.constant 0 : i32
    %dma_start3A_35 = arith.constant 0 : i32
    %dma_start3A_36 = arith.constant 0 : i32
    %dma_start3A_37 = tpu.memref_slice %arg8[%dma_start3A_33, %dma_start3A_35, %dma_start3A_36] : memref<2x128x128xf32, #tpu.memory_space<vmem>> -> memref<1x128x128xf32, #tpu.memory_space<vmem>>
    %dma_start3A_38 = tpu.memref_squeeze %dma_start3A_37 : memref<1x128x128xf32, #tpu.memory_space<vmem>> -> memref<128x128xf32, #tpu.memory_space<vmem>>
    %dma_start3A_39 = arith.constant 0 : i32
    %dma_start3A_40 = tpu.memref_slice %arg6[%dma_start3A, %dma_start3A_39] : memref<40x128xi32, #tpu.memory_space<vmem>> -> memref<1x128xi32, #tpu.memory_space<vmem>>
    %dma_start3A_41 = tpu.memref_squeeze %dma_start3A_40 : memref<1x128xi32, #tpu.memory_space<vmem>> -> memref<128xi32, #tpu.memory_space<vmem>>
    %dma_start3A_42 = arith.constant 0 : i32
    %dma_start3A_43 = arith.constant 0 : i32
    %dma_start3A_44 = tpu.memref_slice %arg2[%dma_start3A_42, %dma_start3A_43] : memref<10000x128xf32, #tpu.memory_space<hbm>> -> memref<10000x128xf32, #tpu.memory_space<hbm>>
    %dma_start3A_45 = tpu.memref_slice %arg9[%dma_start3A_34] : memref<2x!tpu.dma_semaphore, #tpu.memory_space<semaphore_mem>> -> memref<1x!tpu.dma_semaphore, #tpu.memory_space<semaphore_mem>>
    %dma_start3A_46 = tpu.memref_squeeze %dma_start3A_45 : memref<1x!tpu.dma_semaphore, #tpu.memory_space<semaphore_mem>> -> memref<!tpu.dma_semaphore, #tpu.memory_space<semaphore_mem>>
    tpu.enqueue_indirect_dma source(%dma_start3A_44 : memref<10000x128xf32, #tpu.memory_space<hbm>>) target(%dma_start3A_38 : memref<128x128xf32, #tpu.memory_space<vmem>>) offsets(%dma_start3A_41 : memref<128xi32, #tpu.memory_space<vmem>>) semaphore(%dma_start3A_46 : memref<!tpu.dma_semaphore, #tpu.memory_space<semaphore_mem>>)
    %dma_start3A_47 = arith.constant 1 : i32
    %dma_start3A_48 = arith.constant 1 : i32
    %dma_start3A_49 = arith.constant 1 : i32
    %dma_start3A_50 = arith.constant 0 : i32
    %dma_start3A_51 = arith.constant 0 : i32
    %dma_start3A_52 = tpu.memref_slice %arg8[%dma_start3A_48, %dma_start3A_50, %dma_start3A_51] : memref<2x128x128xf32, #tpu.memory_space<vmem>> -> memref<1x128x128xf32, #tpu.memory_space<vmem>>
    %dma_start3A_53 = tpu.memref_squeeze %dma_start3A_52 : memref<1x128x128xf32, #tpu.memory_space<vmem>> -> memref<128x128xf32, #tpu.memory_space<vmem>>
    %dma_start3A_54 = arith.constant 0 : i32
    %dma_start3A_55 = tpu.memref_slice %arg6[%dma_start3A_47, %dma_start3A_54] : memref<40x128xi32, #tpu.memory_space<vmem>> -> memref<1x128xi32, #tpu.memory_space<vmem>>
    %dma_start3A_56 = tpu.memref_squeeze %dma_start3A_55 : memref<1x128xi32, #tpu.memory_space<vmem>> -> memref<128xi32, #tpu.memory_space<vmem>>
    %dma_start3A_57 = arith.constant 0 : i32
    %dma_start3A_58 = arith.constant 0 : i32
    %dma_start3A_59 = tpu.memref_slice %arg2[%dma_start3A_57, %dma_start3A_58] : memref<10000x128xf32, #tpu.memory_space<hbm>> -> memref<10000x128xf32, #tpu.memory_space<hbm>>
    %dma_start3A_60 = tpu.memref_slice %arg9[%dma_start3A_49] : memref<2x!tpu.dma_semaphore, #tpu.memory_space<semaphore_mem>> -> memref<1x!tpu.dma_semaphore, #tpu.memory_space<semaphore_mem>>
    %dma_start3A_61 = tpu.memref_squeeze %dma_start3A_60 : memref<1x!tpu.dma_semaphore, #tpu.memory_space<semaphore_mem>> -> memref<!tpu.dma_semaphore, #tpu.memory_space<semaphore_mem>>
    tpu.enqueue_indirect_dma source(%dma_start3A_59 : memref<10000x128xf32, #tpu.memory_space<hbm>>) target(%dma_start3A_53 : memref<128x128xf32, #tpu.memory_space<vmem>>) offsets(%dma_start3A_56 : memref<128xi32, #tpu.memory_space<vmem>>) semaphore(%dma_start3A_61 : memref<!tpu.dma_semaphore, #tpu.memory_space<semaphore_mem>>)
    %scan3A_62 = arith.constant 0 : i32
    %scan3A_63 = arith.constant 19 : i32
    %scan3A_64 = arith.addi %scan3A_62, %scan3A_63 : i32
    %scan3A_65 = arith.constant 1 : i32
    scf.for %scan3A_178 = %scan3A_62 to %scan3A_64 step %scan3A_65  : i32 {
      %mul3A_179 = arith.constant 2 : i32
      %mul3A_180 = arith.muli %scan3A_178, %mul3A_179 : i32
      %add3A_181 = arith.constant 0 : i32
      %add3A_182 = arith.addi %add3A_181, %mul3A_180 : i32
      %add3A_183 = arith.constant 0 : i32
      %add3A_184 = arith.addi %add3A_182, %add3A_183 : i32
      %dma_wait3A_185 = arith.constant 0 : i32
      %dma_wait3A_186 = arith.constant 0 : i32
      %dma_wait3A_187 = arith.constant 0 : i32
      %dma_wait3A_188 = arith.constant 0 : i32
      %dma_wait3A_189 = tpu.memref_slice %arg8[%dma_wait3A_185, %dma_wait3A_187, %dma_wait3A_188] : memref<2x128x128xf32, #tpu.memory_space<vmem>> -> memref<1x128x128xf32, #tpu.memory_space<vmem>>
      %dma_wait3A_190 = tpu.memref_squeeze %dma_wait3A_189 : memref<1x128x128xf32, #tpu.memory_space<vmem>> -> memref<128x128xf32, #tpu.memory_space<vmem>>
      %dma_wait3A_191 = arith.constant 0 : i32
      %dma_wait3A_192 = tpu.memref_slice %arg6[%add3A_184, %dma_wait3A_191] : memref<40x128xi32, #tpu.memory_space<vmem>> -> memref<1x128xi32, #tpu.memory_space<vmem>>
      %dma_wait3A_193 = tpu.memref_squeeze %dma_wait3A_192 : memref<1x128xi32, #tpu.memory_space<vmem>> -> memref<128xi32, #tpu.memory_space<vmem>>
      %dma_wait3A_194 = arith.constant 0 : i32
      %dma_wait3A_195 = arith.constant 0 : i32
      %dma_wait3A_196 = tpu.memref_slice %arg2[%dma_wait3A_194, %dma_wait3A_195] : memref<10000x128xf32, #tpu.memory_space<hbm>> -> memref<10000x128xf32, #tpu.memory_space<hbm>>
      %dma_wait3A_197 = tpu.memref_slice %arg9[%dma_wait3A_186] : memref<2x!tpu.dma_semaphore, #tpu.memory_space<semaphore_mem>> -> memref<1x!tpu.dma_semaphore, #tpu.memory_space<semaphore_mem>>
      %dma_wait3A_198 = tpu.memref_squeeze %dma_wait3A_197 : memref<1x!tpu.dma_semaphore, #tpu.memory_space<semaphore_mem>> -> memref<!tpu.dma_semaphore, #tpu.memory_space<semaphore_mem>>
      tpu.wait_indirect_dma semaphore(%dma_wait3A_198 : memref<!tpu.dma_semaphore, #tpu.memory_space<semaphore_mem>>) src(%dma_wait3A_196 : memref<10000x128xf32, #tpu.memory_space<hbm>>) dst(%dma_wait3A_190 : memref<128x128xf32, #tpu.memory_space<vmem>>)
      %run_scoped3A_199 = arith.constant 0 : i32
      "tpu.region"() ({
        %run_scoped3A_249 = tpu.sem_alloc : memref<!tpu.dma_semaphore, #tpu.memory_space<semaphore_mem>>
        %dma_start3A_250 = arith.constant 0 : i32
        %dma_start3A_251 = arith.constant 0 : i32
        %dma_start3A_252 = tpu.memref_slice %arg8[%run_scoped3A_199, %dma_start3A_250, %dma_start3A_251] : memref<2x128x128xf32, #tpu.memory_space<vmem>> -> memref<1x128x128xf32, #tpu.memory_space<vmem>>
        %dma_start3A_253 = tpu.memref_squeeze %dma_start3A_252 : memref<1x128x128xf32, #tpu.memory_space<vmem>> -> memref<128x128xf32, #tpu.memory_space<vmem>>
        %dma_start3A_254 = arith.constant 0 : i32
        %dma_start3A_255 = tpu.memref_slice %arg7[%add3A_184, %dma_start3A_254] : memref<40x128xi32, #tpu.memory_space<vmem>> -> memref<1x128xi32, #tpu.memory_space<vmem>>
        %dma_start3A_256 = tpu.memref_squeeze %dma_start3A_255 : memref<1x128xi32, #tpu.memory_space<vmem>> -> memref<128xi32, #tpu.memory_space<vmem>>
        %dma_start3A_257 = arith.constant 0 : i32
        %dma_start3A_258 = arith.constant 0 : i32
        %dma_start3A_259 = tpu.memref_slice %arg5[%dma_start3A_257, %dma_start3A_258] : memref<10240x128xf32, #tpu.memory_space<vmem_shared>> -> memref<10240x128xf32, #tpu.memory_space<vmem_shared>>
        tpu.enqueue_indirect_dma source(%dma_start3A_253 : memref<128x128xf32, #tpu.memory_space<vmem>>) target(%dma_start3A_259 : memref<10240x128xf32, #tpu.memory_space<vmem_shared>>) offsets(%dma_start3A_256 : memref<128xi32, #tpu.memory_space<vmem>>) semaphore(%run_scoped3A_249 : memref<!tpu.dma_semaphore, #tpu.memory_space<semaphore_mem>>) {add = true}
        %dma_wait3A_260 = arith.constant 0 : i32
        %dma_wait3A_261 = arith.constant 0 : i32
        %dma_wait3A_262 = tpu.memref_slice %arg8[%run_scoped3A_199, %dma_wait3A_260, %dma_wait3A_261] : memref<2x128x128xf32, #tpu.memory_space<vmem>> -> memref<1x128x128xf32, #tpu.memory_space<vmem>>
        %dma_wait3A_263 = tpu.memref_squeeze %dma_wait3A_262 : memref<1x128x128xf32, #tpu.memory_space<vmem>> -> memref<128x128xf32, #tpu.memory_space<vmem>>
        %dma_wait3A_264 = arith.constant 0 : i32
        %dma_wait3A_265 = tpu.memref_slice %arg7[%add3A_184, %dma_wait3A_264] : memref<40x128xi32, #tpu.memory_space<vmem>> -> memref<1x128xi32, #tpu.memory_space<vmem>>
        %dma_wait3A_266 = tpu.memref_squeeze %dma_wait3A_265 : memref<1x128xi32, #tpu.memory_space<vmem>> -> memref<128xi32, #tpu.memory_space<vmem>>
        %dma_wait3A_267 = arith.constant 0 : i32
        %dma_wait3A_268 = arith.constant 0 : i32
        %dma_wait3A_269 = tpu.memref_slice %arg5[%dma_wait3A_267, %dma_wait3A_268] : memref<10240x128xf32, #tpu.memory_space<vmem_shared>> -> memref<10240x128xf32, #tpu.memory_space<vmem_shared>>
        tpu.wait_indirect_dma semaphore(%run_scoped3A_249 : memref<!tpu.dma_semaphore, #tpu.memory_space<semaphore_mem>>) src(%dma_wait3A_263 : memref<128x128xf32, #tpu.memory_space<vmem>>) dst(%dma_wait3A_269 : memref<10240x128xf32, #tpu.memory_space<vmem_shared>>)
        tpu.yield
      }) : () -> ()
      %add3A_200 = arith.constant 2 : i32
      %add3A_201 = arith.addi %add3A_184, %add3A_200 : i32
      %dma_start3A_202 = arith.constant 0 : i32
      %dma_start3A_203 = arith.constant 0 : i32
      %dma_start3A_204 = arith.constant 0 : i32
      %dma_start3A_205 = arith.constant 0 : i32
      %dma_start3A_206 = tpu.memref_slice %arg8[%dma_start3A_202, %dma_start3A_204, %dma_start3A_205] : memref<2x128x128xf32, #tpu.memory_space<vmem>> -> memref<1x128x128xf32, #tpu.memory_space<vmem>>
      %dma_start3A_207 = tpu.memref_squeeze %dma_start3A_206 : memref<1x128x128xf32, #tpu.memory_space<vmem>> -> memref<128x128xf32, #tpu.memory_space<vmem>>
      %dma_start3A_208 = arith.constant 0 : i32
      %dma_start3A_209 = tpu.memref_slice %arg6[%add3A_201, %dma_start3A_208] : memref<40x128xi32, #tpu.memory_space<vmem>> -> memref<1x128xi32, #tpu.memory_space<vmem>>
      %dma_start3A_210 = tpu.memref_squeeze %dma_start3A_209 : memref<1x128xi32, #tpu.memory_space<vmem>> -> memref<128xi32, #tpu.memory_space<vmem>>
      %dma_start3A_211 = arith.constant 0 : i32
      %dma_start3A_212 = arith.constant 0 : i32
      %dma_start3A_213 = tpu.memref_slice %arg2[%dma_start3A_211, %dma_start3A_212] : memref<10000x128xf32, #tpu.memory_space<hbm>> -> memref<10000x128xf32, #tpu.memory_space<hbm>>
      %dma_start3A_214 = tpu.memref_slice %arg9[%dma_start3A_203] : memref<2x!tpu.dma_semaphore, #tpu.memory_space<semaphore_mem>> -> memref<1x!tpu.dma_semaphore, #tpu.memory_space<semaphore_mem>>
      %dma_start3A_215 = tpu.memref_squeeze %dma_start3A_214 : memref<1x!tpu.dma_semaphore, #tpu.memory_space<semaphore_mem>> -> memref<!tpu.dma_semaphore, #tpu.memory_space<semaphore_mem>>
      tpu.enqueue_indirect_dma source(%dma_start3A_213 : memref<10000x128xf32, #tpu.memory_space<hbm>>) target(%dma_start3A_207 : memref<128x128xf32, #tpu.memory_space<vmem>>) offsets(%dma_start3A_210 : memref<128xi32, #tpu.memory_space<vmem>>) semaphore(%dma_start3A_215 : memref<!tpu.dma_semaphore, #tpu.memory_space<semaphore_mem>>)
      %add3A_216 = arith.constant 1 : i32
      %add3A_217 = arith.addi %add3A_182, %add3A_216 : i32
      %dma_wait3A_218 = arith.constant 1 : i32
      %dma_wait3A_219 = arith.constant 1 : i32
      %dma_wait3A_220 = arith.constant 0 : i32
      %dma_wait3A_221 = arith.constant 0 : i32
      %dma_wait3A_222 = tpu.memref_slice %arg8[%dma_wait3A_218, %dma_wait3A_220, %dma_wait3A_221] : memref<2x128x128xf32, #tpu.memory_space<vmem>> -> memref<1x128x128xf32, #tpu.memory_space<vmem>>
      %dma_wait3A_223 = tpu.memref_squeeze %dma_wait3A_222 : memref<1x128x128xf32, #tpu.memory_space<vmem>> -> memref<128x128xf32, #tpu.memory_space<vmem>>
      %dma_wait3A_224 = arith.constant 0 : i32
      %dma_wait3A_225 = tpu.memref_slice %arg6[%add3A_217, %dma_wait3A_224] : memref<40x128xi32, #tpu.memory_space<vmem>> -> memref<1x128xi32, #tpu.memory_space<vmem>>
      %dma_wait3A_226 = tpu.memref_squeeze %dma_wait3A_225 : memref<1x128xi32, #tpu.memory_space<vmem>> -> memref<128xi32, #tpu.memory_space<vmem>>
      %dma_wait3A_227 = arith.constant 0 : i32
      %dma_wait3A_228 = arith.constant 0 : i32
      %dma_wait3A_229 = tpu.memref_slice %arg2[%dma_wait3A_227, %dma_wait3A_228] : memref<10000x128xf32, #tpu.memory_space<hbm>> -> memref<10000x128xf32, #tpu.memory_space<hbm>>
      %dma_wait3A_230 = tpu.memref_slice %arg9[%dma_wait3A_219] : memref<2x!tpu.dma_semaphore, #tpu.memory_space<semaphore_mem>> -> memref<1x!tpu.dma_semaphore, #tpu.memory_space<semaphore_mem>>
      %dma_wait3A_231 = tpu.memref_squeeze %dma_wait3A_230 : memref<1x!tpu.dma_semaphore, #tpu.memory_space<semaphore_mem>> -> memref<!tpu.dma_semaphore, #tpu.memory_space<semaphore_mem>>
      tpu.wait_indirect_dma semaphore(%dma_wait3A_231 : memref<!tpu.dma_semaphore, #tpu.memory_space<semaphore_mem>>) src(%dma_wait3A_229 : memref<10000x128xf32, #tpu.memory_space<hbm>>) dst(%dma_wait3A_223 : memref<128x128xf32, #tpu.memory_space<vmem>>)
      %run_scoped3A_232 = arith.constant 1 : i32
      "tpu.region"() ({
        %run_scoped3A_249 = tpu.sem_alloc : memref<!tpu.dma_semaphore, #tpu.memory_space<semaphore_mem>>
        %dma_start3A_250 = arith.constant 0 : i32
        %dma_start3A_251 = arith.constant 0 : i32
        %dma_start3A_252 = tpu.memref_slice %arg8[%run_scoped3A_232, %dma_start3A_250, %dma_start3A_251] : memref<2x128x128xf32, #tpu.memory_space<vmem>> -> memref<1x128x128xf32, #tpu.memory_space<vmem>>
        %dma_start3A_253 = tpu.memref_squeeze %dma_start3A_252 : memref<1x128x128xf32, #tpu.memory_space<vmem>> -> memref<128x128xf32, #tpu.memory_space<vmem>>
        %dma_start3A_254 = arith.constant 0 : i32
        %dma_start3A_255 = tpu.memref_slice %arg7[%add3A_217, %dma_start3A_254] : memref<40x128xi32, #tpu.memory_space<vmem>> -> memref<1x128xi32, #tpu.memory_space<vmem>>
        %dma_start3A_256 = tpu.memref_squeeze %dma_start3A_255 : memref<1x128xi32, #tpu.memory_space<vmem>> -> memref<128xi32, #tpu.memory_space<vmem>>
        %dma_start3A_257 = arith.constant 0 : i32
        %dma_start3A_258 = arith.constant 0 : i32
        %dma_start3A_259 = tpu.memref_slice %arg5[%dma_start3A_257, %dma_start3A_258] : memref<10240x128xf32, #tpu.memory_space<vmem_shared>> -> memref<10240x128xf32, #tpu.memory_space<vmem_shared>>
        tpu.enqueue_indirect_dma source(%dma_start3A_253 : memref<128x128xf32, #tpu.memory_space<vmem>>) target(%dma_start3A_259 : memref<10240x128xf32, #tpu.memory_space<vmem_shared>>) offsets(%dma_start3A_256 : memref<128xi32, #tpu.memory_space<vmem>>) semaphore(%run_scoped3A_249 : memref<!tpu.dma_semaphore, #tpu.memory_space<semaphore_mem>>) {add = true}
        %dma_wait3A_260 = arith.constant 0 : i32
        %dma_wait3A_261 = arith.constant 0 : i32
        %dma_wait3A_262 = tpu.memref_slice %arg8[%run_scoped3A_232, %dma_wait3A_260, %dma_wait3A_261] : memref<2x128x128xf32, #tpu.memory_space<vmem>> -> memref<1x128x128xf32, #tpu.memory_space<vmem>>
        %dma_wait3A_263 = tpu.memref_squeeze %dma_wait3A_262 : memref<1x128x128xf32, #tpu.memory_space<vmem>> -> memref<128x128xf32, #tpu.memory_space<vmem>>
        %dma_wait3A_264 = arith.constant 0 : i32
        %dma_wait3A_265 = tpu.memref_slice %arg7[%add3A_217, %dma_wait3A_264] : memref<40x128xi32, #tpu.memory_space<vmem>> -> memref<1x128xi32, #tpu.memory_space<vmem>>
        %dma_wait3A_266 = tpu.memref_squeeze %dma_wait3A_265 : memref<1x128xi32, #tpu.memory_space<vmem>> -> memref<128xi32, #tpu.memory_space<vmem>>
        %dma_wait3A_267 = arith.constant 0 : i32
        %dma_wait3A_268 = arith.constant 0 : i32
        %dma_wait3A_269 = tpu.memref_slice %arg5[%dma_wait3A_267, %dma_wait3A_268] : memref<10240x128xf32, #tpu.memory_space<vmem_shared>> -> memref<10240x128xf32, #tpu.memory_space<vmem_shared>>
        tpu.wait_indirect_dma semaphore(%run_scoped3A_249 : memref<!tpu.dma_semaphore, #tpu.memory_space<semaphore_mem>>) src(%dma_wait3A_263 : memref<128x128xf32, #tpu.memory_space<vmem>>) dst(%dma_wait3A_269 : memref<10240x128xf32, #tpu.memory_space<vmem_shared>>)
        tpu.yield
      }) : () -> ()
      %add3A_233 = arith.constant 2 : i32
      %add3A_234 = arith.addi %add3A_217, %add3A_233 : i32
      %dma_start3A_235 = arith.constant 1 : i32
      %dma_start3A_236 = arith.constant 1 : i32
      %dma_start3A_237 = arith.constant 0 : i32
      %dma_start3A_238 = arith.constant 0 : i32
      %dma_start3A_239 = tpu.memref_slice %arg8[%dma_start3A_235, %dma_start3A_237, %dma_start3A_238] : memref<2x128x128xf32, #tpu.memory_space<vmem>> -> memref<1x128x128xf32, #tpu.memory_space<vmem>>
      %dma_start3A_240 = tpu.memref_squeeze %dma_start3A_239 : memref<1x128x128xf32, #tpu.memory_space<vmem>> -> memref<128x128xf32, #tpu.memory_space<vmem>>
      %dma_start3A_241 = arith.constant 0 : i32
      %dma_start3A_242 = tpu.memref_slice %arg6[%add3A_234, %dma_start3A_241] : memref<40x128xi32, #tpu.memory_space<vmem>> -> memref<1x128xi32, #tpu.memory_space<vmem>>
      %dma_start3A_243 = tpu.memref_squeeze %dma_start3A_242 : memref<1x128xi32, #tpu.memory_space<vmem>> -> memref<128xi32, #tpu.memory_space<vmem>>
      %dma_start3A_244 = arith.constant 0 : i32
      %dma_start3A_245 = arith.constant 0 : i32
      %dma_start3A_246 = tpu.memref_slice %arg2[%dma_start3A_244, %dma_start3A_245] : memref<10000x128xf32, #tpu.memory_space<hbm>> -> memref<10000x128xf32, #tpu.memory_space<hbm>>
      %dma_start3A_247 = tpu.memref_slice %arg9[%dma_start3A_236] : memref<2x!tpu.dma_semaphore, #tpu.memory_space<semaphore_mem>> -> memref<1x!tpu.dma_semaphore, #tpu.memory_space<semaphore_mem>>
      %dma_start3A_248 = tpu.memref_squeeze %dma_start3A_247 : memref<1x!tpu.dma_semaphore, #tpu.memory_space<semaphore_mem>> -> memref<!tpu.dma_semaphore, #tpu.memory_space<semaphore_mem>>
      tpu.enqueue_indirect_dma source(%dma_start3A_246 : memref<10000x128xf32, #tpu.memory_space<hbm>>) target(%dma_start3A_240 : memref<128x128xf32, #tpu.memory_space<vmem>>) offsets(%dma_start3A_243 : memref<128xi32, #tpu.memory_space<vmem>>) semaphore(%dma_start3A_248 : memref<!tpu.dma_semaphore, #tpu.memory_space<semaphore_mem>>)
    }
    %scan3A_66 = arith.constant 19 : i32
    %dma_wait3A = arith.constant 38 : i32
    %dma_wait3A_67 = arith.constant 0 : i32
    %dma_wait3A_68 = arith.constant 0 : i32
    %dma_wait3A_69 = arith.constant 0 : i32
    %dma_wait3A_70 = arith.constant 0 : i32
    %dma_wait3A_71 = tpu.memref_slice %arg8[%dma_wait3A_67, %dma_wait3A_69, %dma_wait3A_70] : memref<2x128x128xf32, #tpu.memory_space<vmem>> -> memref<1x128x128xf32, #tpu.memory_space<vmem>>
    %dma_wait3A_72 = tpu.memref_squeeze %dma_wait3A_71 : memref<1x128x128xf32, #tpu.memory_space<vmem>> -> memref<128x128xf32, #tpu.memory_space<vmem>>
    %dma_wait3A_73 = arith.constant 0 : i32
    %dma_wait3A_74 = tpu.memref_slice %arg6[%dma_wait3A, %dma_wait3A_73] : memref<40x128xi32, #tpu.memory_space<vmem>> -> memref<1x128xi32, #tpu.memory_space<vmem>>
    %dma_wait3A_75 = tpu.memref_squeeze %dma_wait3A_74 : memref<1x128xi32, #tpu.memory_space<vmem>> -> memref<128xi32, #tpu.memory_space<vmem>>
    %dma_wait3A_76 = arith.constant 0 : i32
    %dma_wait3A_77 = arith.constant 0 : i32
    %dma_wait3A_78 = tpu.memref_slice %arg2[%dma_wait3A_76, %dma_wait3A_77] : memref<10000x128xf32, #tpu.memory_space<hbm>> -> memref<10000x128xf32, #tpu.memory_space<hbm>>
    %dma_wait3A_79 = tpu.memref_slice %arg9[%dma_wait3A_68] : memref<2x!tpu.dma_semaphore, #tpu.memory_space<semaphore_mem>> -> memref<1x!tpu.dma_semaphore, #tpu.memory_space<semaphore_mem>>
    %dma_wait3A_80 = tpu.memref_squeeze %dma_wait3A_79 : memref<1x!tpu.dma_semaphore, #tpu.memory_space<semaphore_mem>> -> memref<!tpu.dma_semaphore, #tpu.memory_space<semaphore_mem>>
    tpu.wait_indirect_dma semaphore(%dma_wait3A_80 : memref<!tpu.dma_semaphore, #tpu.memory_space<semaphore_mem>>) src(%dma_wait3A_78 : memref<10000x128xf32, #tpu.memory_space<hbm>>) dst(%dma_wait3A_72 : memref<128x128xf32, #tpu.memory_space<vmem>>)
    %run_scoped3A_81 = arith.constant 0 : i32
    %run_scoped3A_82 = arith.constant 38 : i32
    "tpu.region"() ({
      %run_scoped3A_178 = tpu.sem_alloc : memref<!tpu.dma_semaphore, #tpu.memory_space<semaphore_mem>>
      %dma_start3A_179 = arith.constant 0 : i32
      %dma_start3A_180 = arith.constant 0 : i32
      %dma_start3A_181 = tpu.memref_slice %arg8[%run_scoped3A_81, %dma_start3A_179, %dma_start3A_180] : memref<2x128x128xf32, #tpu.memory_space<vmem>> -> memref<1x128x128xf32, #tpu.memory_space<vmem>>
      %dma_start3A_182 = tpu.memref_squeeze %dma_start3A_181 : memref<1x128x128xf32, #tpu.memory_space<vmem>> -> memref<128x128xf32, #tpu.memory_space<vmem>>
      %dma_start3A_183 = arith.constant 0 : i32
      %dma_start3A_184 = tpu.memref_slice %arg7[%run_scoped3A_82, %dma_start3A_183] : memref<40x128xi32, #tpu.memory_space<vmem>> -> memref<1x128xi32, #tpu.memory_space<vmem>>
      %dma_start3A_185 = tpu.memref_squeeze %dma_start3A_184 : memref<1x128xi32, #tpu.memory_space<vmem>> -> memref<128xi32, #tpu.memory_space<vmem>>
      %dma_start3A_186 = arith.constant 0 : i32
      %dma_start3A_187 = arith.constant 0 : i32
      %dma_start3A_188 = tpu.memref_slice %arg5[%dma_start3A_186, %dma_start3A_187] : memref<10240x128xf32, #tpu.memory_space<vmem_shared>> -> memref<10240x128xf32, #tpu.memory_space<vmem_shared>>
      tpu.enqueue_indirect_dma source(%dma_start3A_182 : memref<128x128xf32, #tpu.memory_space<vmem>>) target(%dma_start3A_188 : memref<10240x128xf32, #tpu.memory_space<vmem_shared>>) offsets(%dma_start3A_185 : memref<128xi32, #tpu.memory_space<vmem>>) semaphore(%run_scoped3A_178 : memref<!tpu.dma_semaphore, #tpu.memory_space<semaphore_mem>>) {add = true}
      %dma_wait3A_189 = arith.constant 0 : i32
      %dma_wait3A_190 = arith.constant 0 : i32
      %dma_wait3A_191 = tpu.memref_slice %arg8[%run_scoped3A_81, %dma_wait3A_189, %dma_wait3A_190] : memref<2x128x128xf32, #tpu.memory_space<vmem>> -> memref<1x128x128xf32, #tpu.memory_space<vmem>>
      %dma_wait3A_192 = tpu.memref_squeeze %dma_wait3A_191 : memref<1x128x128xf32, #tpu.memory_space<vmem>> -> memref<128x128xf32, #tpu.memory_space<vmem>>
      %dma_wait3A_193 = arith.constant 0 : i32
      %dma_wait3A_194 = tpu.memref_slice %arg7[%run_scoped3A_82, %dma_wait3A_193] : memref<40x128xi32, #tpu.memory_space<vmem>> -> memref<1x128xi32, #tpu.memory_space<vmem>>
      %dma_wait3A_195 = tpu.memref_squeeze %dma_wait3A_194 : memref<1x128xi32, #tpu.memory_space<vmem>> -> memref<128xi32, #tpu.memory_space<vmem>>
      %dma_wait3A_196 = arith.constant 0 : i32
      %dma_wait3A_197 = arith.constant 0 : i32
      %dma_wait3A_198 = tpu.memref_slice %arg5[%dma_wait3A_196, %dma_wait3A_197] : memref<10240x128xf32, #tpu.memory_space<vmem_shared>> -> memref<10240x128xf32, #tpu.memory_space<vmem_shared>>
      tpu.wait_indirect_dma semaphore(%run_scoped3A_178 : memref<!tpu.dma_semaphore, #tpu.memory_space<semaphore_mem>>) src(%dma_wait3A_192 : memref<128x128xf32, #tpu.memory_space<vmem>>) dst(%dma_wait3A_198 : memref<10240x128xf32, #tpu.memory_space<vmem_shared>>)
      tpu.yield
    }) : () -> ()
    %dma_wait3A_83 = arith.constant 39 : i32
    %dma_wait3A_84 = arith.constant 1 : i32
    %dma_wait3A_85 = arith.constant 1 : i32
    %dma_wait3A_86 = arith.constant 0 : i32
    %dma_wait3A_87 = arith.constant 0 : i32
    %dma_wait3A_88 = tpu.memref_slice %arg8[%dma_wait3A_84, %dma_wait3A_86, %dma_wait3A_87] : memref<2x128x128xf32, #tpu.memory_space<vmem>> -> memref<1x128x128xf32, #tpu.memory_space<vmem>>
    %dma_wait3A_89 = tpu.memref_squeeze %dma_wait3A_88 : memref<1x128x128xf32, #tpu.memory_space<vmem>> -> memref<128x128xf32, #tpu.memory_space<vmem>>
    %dma_wait3A_90 = arith.constant 0 : i32
    %dma_wait3A_91 = tpu.memref_slice %arg6[%dma_wait3A_83, %dma_wait3A_90] : memref<40x128xi32, #tpu.memory_space<vmem>> -> memref<1x128xi32, #tpu.memory_space<vmem>>
    %dma_wait3A_92 = tpu.memref_squeeze %dma_wait3A_91 : memref<1x128xi32, #tpu.memory_space<vmem>> -> memref<128xi32, #tpu.memory_space<vmem>>
    %dma_wait3A_93 = arith.constant 0 : i32
    %dma_wait3A_94 = arith.constant 0 : i32
    %dma_wait3A_95 = tpu.memref_slice %arg2[%dma_wait3A_93, %dma_wait3A_94] : memref<10000x128xf32, #tpu.memory_space<hbm>> -> memref<10000x128xf32, #tpu.memory_space<hbm>>
    %dma_wait3A_96 = tpu.memref_slice %arg9[%dma_wait3A_85] : memref<2x!tpu.dma_semaphore, #tpu.memory_space<semaphore_mem>> -> memref<1x!tpu.dma_semaphore, #tpu.memory_space<semaphore_mem>>
    %dma_wait3A_97 = tpu.memref_squeeze %dma_wait3A_96 : memref<1x!tpu.dma_semaphore, #tpu.memory_space<semaphore_mem>> -> memref<!tpu.dma_semaphore, #tpu.memory_space<semaphore_mem>>
    tpu.wait_indirect_dma semaphore(%dma_wait3A_97 : memref<!tpu.dma_semaphore, #tpu.memory_space<semaphore_mem>>) src(%dma_wait3A_95 : memref<10000x128xf32, #tpu.memory_space<hbm>>) dst(%dma_wait3A_89 : memref<128x128xf32, #tpu.memory_space<vmem>>)
    %run_scoped3A_98 = arith.constant 1 : i32
    %run_scoped3A_99 = arith.constant 39 : i32
    "tpu.region"() ({
      %run_scoped3A_178 = tpu.sem_alloc : memref<!tpu.dma_semaphore, #tpu.memory_space<semaphore_mem>>
      %dma_start3A_179 = arith.constant 0 : i32
      %dma_start3A_180 = arith.constant 0 : i32
      %dma_start3A_181 = tpu.memref_slice %arg8[%run_scoped3A_98, %dma_start3A_179, %dma_start3A_180] : memref<2x128x128xf32, #tpu.memory_space<vmem>> -> memref<1x128x128xf32, #tpu.memory_space<vmem>>
      %dma_start3A_182 = tpu.memref_squeeze %dma_start3A_181 : memref<1x128x128xf32, #tpu.memory_space<vmem>> -> memref<128x128xf32, #tpu.memory_space<vmem>>
      %dma_start3A_183 = arith.constant 0 : i32
      %dma_start3A_184 = tpu.memref_slice %arg7[%run_scoped3A_99, %dma_start3A_183] : memref<40x128xi32, #tpu.memory_space<vmem>> -> memref<1x128xi32, #tpu.memory_space<vmem>>
      %dma_start3A_185 = tpu.memref_squeeze %dma_start3A_184 : memref<1x128xi32, #tpu.memory_space<vmem>> -> memref<128xi32, #tpu.memory_space<vmem>>
      %dma_start3A_186 = arith.constant 0 : i32
      %dma_start3A_187 = arith.constant 0 : i32
      %dma_start3A_188 = tpu.memref_slice %arg5[%dma_start3A_186, %dma_start3A_187] : memref<10240x128xf32, #tpu.memory_space<vmem_shared>> -> memref<10240x128xf32, #tpu.memory_space<vmem_shared>>
      tpu.enqueue_indirect_dma source(%dma_start3A_182 : memref<128x128xf32, #tpu.memory_space<vmem>>) target(%dma_start3A_188 : memref<10240x128xf32, #tpu.memory_space<vmem_shared>>) offsets(%dma_start3A_185 : memref<128xi32, #tpu.memory_space<vmem>>) semaphore(%run_scoped3A_178 : memref<!tpu.dma_semaphore, #tpu.memory_space<semaphore_mem>>) {add = true}
      %dma_wait3A_189 = arith.constant 0 : i32
      %dma_wait3A_190 = arith.constant 0 : i32
      %dma_wait3A_191 = tpu.memref_slice %arg8[%run_scoped3A_98, %dma_wait3A_189, %dma_wait3A_190] : memref<2x128x128xf32, #tpu.memory_space<vmem>> -> memref<1x128x128xf32, #tpu.memory_space<vmem>>
      %dma_wait3A_192 = tpu.memref_squeeze %dma_wait3A_191 : memref<1x128x128xf32, #tpu.memory_space<vmem>> -> memref<128x128xf32, #tpu.memory_space<vmem>>
      %dma_wait3A_193 = arith.constant 0 : i32
      %dma_wait3A_194 = tpu.memref_slice %arg7[%run_scoped3A_99, %dma_wait3A_193] : memref<40x128xi32, #tpu.memory_space<vmem>> -> memref<1x128xi32, #tpu.memory_space<vmem>>
      %dma_wait3A_195 = tpu.memref_squeeze %dma_wait3A_194 : memref<1x128xi32, #tpu.memory_space<vmem>> -> memref<128xi32, #tpu.memory_space<vmem>>
      %dma_wait3A_196 = arith.constant 0 : i32
      %dma_wait3A_197 = arith.constant 0 : i32
      %dma_wait3A_198 = tpu.memref_slice %arg5[%dma_wait3A_196, %dma_wait3A_197] : memref<10240x128xf32, #tpu.memory_space<vmem_shared>> -> memref<10240x128xf32, #tpu.memory_space<vmem_shared>>
      tpu.wait_indirect_dma semaphore(%run_scoped3A_178 : memref<!tpu.dma_semaphore, #tpu.memory_space<semaphore_mem>>) src(%dma_wait3A_192 : memref<128x128xf32, #tpu.memory_space<vmem>>) dst(%dma_wait3A_198 : memref<10240x128xf32, #tpu.memory_space<vmem_shared>>)
      tpu.yield
    }) : () -> ()
    %run_scoped3A_100 = arith.constant 0 : i32
    %run_scoped3A_101 = arith.constant 1 : i32
    "tpu.region"() ({
      %run_scoped3A_178 = tpu.sem_alloc : memref<!tpu.dma_semaphore, #tpu.memory_space<semaphore_mem>>
      %dma_start3A_179 = arith.constant 0 : i32
      %dma_start3A_180 = arith.constant 0 : i32
      %dma_start3A_181 = arith.constant 0 : i32
      %dma_start3A_182 = arith.constant 0 : i32
      %dma_start3A_183 = tpu.memref_slice %arg3[%run_scoped3A_100, %dma_start3A_179, %dma_start3A_180, %dma_start3A_181, %dma_start3A_182] : memref<2x32x2x40x128xi32, #tpu.memory_space<hbm>> -> memref<1x32x2x40x128xi32, #tpu.memory_space<hbm>>
      %dma_start3A_184 = tpu.memref_squeeze %dma_start3A_183 : memref<1x32x2x40x128xi32, #tpu.memory_space<hbm>> -> memref<32x2x40x128xi32, #tpu.memory_space<hbm>>
      %dma_start3A_185 = arith.constant 0 : i32
      %dma_start3A_186 = arith.constant 0 : i32
      %dma_start3A_187 = arith.constant 0 : i32
      %dma_start3A_188 = tpu.memref_slice %dma_start3A_184[%add3A, %dma_start3A_185, %dma_start3A_186, %dma_start3A_187] : memref<32x2x40x128xi32, #tpu.memory_space<hbm>> -> memref<1x2x40x128xi32, #tpu.memory_space<hbm>>
      %dma_start3A_189 = tpu.memref_squeeze %dma_start3A_188 : memref<1x2x40x128xi32, #tpu.memory_space<hbm>> -> memref<2x40x128xi32, #tpu.memory_space<hbm>>
      %dma_start3A_190 = arith.constant 0 : i32
      %dma_start3A_191 = arith.constant 0 : i32
      %dma_start3A_192 = tpu.memref_slice %dma_start3A_189[%run_scoped3A_101, %dma_start3A_190, %dma_start3A_191] : memref<2x40x128xi32, #tpu.memory_space<hbm>> -> memref<1x40x128xi32, #tpu.memory_space<hbm>>
      %dma_start3A_193 = tpu.memref_squeeze %dma_start3A_192 : memref<1x40x128xi32, #tpu.memory_space<hbm>> -> memref<40x128xi32, #tpu.memory_space<hbm>>
      %dma_start3A_194 = arith.constant 0 : i32
      %dma_start3A_195 = arith.constant 0 : i32
      %dma_start3A_196 = arith.constant 0 : i32
      %dma_start3A_197 = arith.constant 0 : i32
      %dma_start3A_198 = tpu.memref_slice %arg3[%run_scoped3A_100, %dma_start3A_194, %dma_start3A_195, %dma_start3A_196, %dma_start3A_197] : memref<2x32x2x40x128xi32, #tpu.memory_space<hbm>> -> memref<1x32x2x40x128xi32, #tpu.memory_space<hbm>>
      %dma_start3A_199 = tpu.memref_squeeze %dma_start3A_198 : memref<1x32x2x40x128xi32, #tpu.memory_space<hbm>> -> memref<32x2x40x128xi32, #tpu.memory_space<hbm>>
      %dma_start3A_200 = arith.constant 0 : i32
      %dma_start3A_201 = arith.constant 0 : i32
      %dma_start3A_202 = arith.constant 0 : i32
      %dma_start3A_203 = tpu.memref_slice %dma_start3A_199[%add3A, %dma_start3A_200, %dma_start3A_201, %dma_start3A_202] : memref<32x2x40x128xi32, #tpu.memory_space<hbm>> -> memref<1x2x40x128xi32, #tpu.memory_space<hbm>>
      %dma_start3A_204 = tpu.memref_squeeze %dma_start3A_203 : memref<1x2x40x128xi32, #tpu.memory_space<hbm>> -> memref<2x40x128xi32, #tpu.memory_space<hbm>>
      %dma_start3A_205 = arith.constant 0 : i32
      %dma_start3A_206 = arith.constant 0 : i32
      %dma_start3A_207 = tpu.memref_slice %dma_start3A_204[%run_scoped3A_101, %dma_start3A_205, %dma_start3A_206] : memref<2x40x128xi32, #tpu.memory_space<hbm>> -> memref<1x40x128xi32, #tpu.memory_space<hbm>>
      %dma_start3A_208 = tpu.memref_squeeze %dma_start3A_207 : memref<1x40x128xi32, #tpu.memory_space<hbm>> -> memref<40x128xi32, #tpu.memory_space<hbm>>
      tpu.enqueue_dma source(%dma_start3A_208 : memref<40x128xi32, #tpu.memory_space<hbm>>) target(%arg6 : memref<40x128xi32, #tpu.memory_space<vmem>>) target_semaphore(%run_scoped3A_178 : memref<!tpu.dma_semaphore, #tpu.memory_space<semaphore_mem>>)
      %dma_wait3A_209 = arith.constant 0 : i32
      %dma_wait3A_210 = arith.constant 0 : i32
      %dma_wait3A_211 = arith.constant 0 : i32
      %dma_wait3A_212 = arith.constant 0 : i32
      %dma_wait3A_213 = tpu.memref_slice %arg3[%run_scoped3A_100, %dma_wait3A_209, %dma_wait3A_210, %dma_wait3A_211, %dma_wait3A_212] : memref<2x32x2x40x128xi32, #tpu.memory_space<hbm>> -> memref<1x32x2x40x128xi32, #tpu.memory_space<hbm>>
      %dma_wait3A_214 = tpu.memref_squeeze %dma_wait3A_213 : memref<1x32x2x40x128xi32, #tpu.memory_space<hbm>> -> memref<32x2x40x128xi32, #tpu.memory_space<hbm>>
      %dma_wait3A_215 = arith.constant 0 : i32
      %dma_wait3A_216 = arith.constant 0 : i32
      %dma_wait3A_217 = arith.constant 0 : i32
      %dma_wait3A_218 = tpu.memref_slice %dma_wait3A_214[%add3A, %dma_wait3A_215, %dma_wait3A_216, %dma_wait3A_217] : memref<32x2x40x128xi32, #tpu.memory_space<hbm>> -> memref<1x2x40x128xi32, #tpu.memory_space<hbm>>
      %dma_wait3A_219 = tpu.memref_squeeze %dma_wait3A_218 : memref<1x2x40x128xi32, #tpu.memory_space<hbm>> -> memref<2x40x128xi32, #tpu.memory_space<hbm>>
      %dma_wait3A_220 = arith.constant 0 : i32
      %dma_wait3A_221 = arith.constant 0 : i32
      %dma_wait3A_222 = tpu.memref_slice %dma_wait3A_219[%run_scoped3A_101, %dma_wait3A_220, %dma_wait3A_221] : memref<2x40x128xi32, #tpu.memory_space<hbm>> -> memref<1x40x128xi32, #tpu.memory_space<hbm>>
      %dma_wait3A_223 = tpu.memref_squeeze %dma_wait3A_222 : memref<1x40x128xi32, #tpu.memory_space<hbm>> -> memref<40x128xi32, #tpu.memory_space<hbm>>
      %dma_wait3A_224 = arith.constant 0 : i32
      %dma_wait3A_225 = arith.constant 0 : i32
      %dma_wait3A_226 = arith.constant 0 : i32
      %dma_wait3A_227 = arith.constant 0 : i32
      %dma_wait3A_228 = tpu.memref_slice %arg3[%run_scoped3A_100, %dma_wait3A_224, %dma_wait3A_225, %dma_wait3A_226, %dma_wait3A_227] : memref<2x32x2x40x128xi32, #tpu.memory_space<hbm>> -> memref<1x32x2x40x128xi32, #tpu.memory_space<hbm>>
      %dma_wait3A_229 = tpu.memref_squeeze %dma_wait3A_228 : memref<1x32x2x40x128xi32, #tpu.memory_space<hbm>> -> memref<32x2x40x128xi32, #tpu.memory_space<hbm>>
      %dma_wait3A_230 = arith.constant 0 : i32
      %dma_wait3A_231 = arith.constant 0 : i32
      %dma_wait3A_232 = arith.constant 0 : i32
      %dma_wait3A_233 = tpu.memref_slice %dma_wait3A_229[%add3A, %dma_wait3A_230, %dma_wait3A_231, %dma_wait3A_232] : memref<32x2x40x128xi32, #tpu.memory_space<hbm>> -> memref<1x2x40x128xi32, #tpu.memory_space<hbm>>
      %dma_wait3A_234 = tpu.memref_squeeze %dma_wait3A_233 : memref<1x2x40x128xi32, #tpu.memory_space<hbm>> -> memref<2x40x128xi32, #tpu.memory_space<hbm>>
      %dma_wait3A_235 = arith.constant 0 : i32
      %dma_wait3A_236 = arith.constant 0 : i32
      %dma_wait3A_237 = tpu.memref_slice %dma_wait3A_234[%run_scoped3A_101, %dma_wait3A_235, %dma_wait3A_236] : memref<2x40x128xi32, #tpu.memory_space<hbm>> -> memref<1x40x128xi32, #tpu.memory_space<hbm>>
      %dma_wait3A_238 = tpu.memref_squeeze %dma_wait3A_237 : memref<1x40x128xi32, #tpu.memory_space<hbm>> -> memref<40x128xi32, #tpu.memory_space<hbm>>
      tpu.wait_dma2 semaphore(%run_scoped3A_178 : memref<!tpu.dma_semaphore, #tpu.memory_space<semaphore_mem>>) src(%dma_wait3A_238 : memref<40x128xi32, #tpu.memory_space<hbm>>) dst(%arg6 : memref<40x128xi32, #tpu.memory_space<vmem>>)
      tpu.yield
    }) : () -> ()
    %run_scoped3A_102 = arith.constant 1 : i32
    %run_scoped3A_103 = arith.constant 1 : i32
    "tpu.region"() ({
      %run_scoped3A_178 = tpu.sem_alloc : memref<!tpu.dma_semaphore, #tpu.memory_space<semaphore_mem>>
      %dma_start3A_179 = arith.constant 0 : i32
      %dma_start3A_180 = arith.constant 0 : i32
      %dma_start3A_181 = arith.constant 0 : i32
      %dma_start3A_182 = arith.constant 0 : i32
      %dma_start3A_183 = tpu.memref_slice %arg3[%run_scoped3A_102, %dma_start3A_179, %dma_start3A_180, %dma_start3A_181, %dma_start3A_182] : memref<2x32x2x40x128xi32, #tpu.memory_space<hbm>> -> memref<1x32x2x40x128xi32, #tpu.memory_space<hbm>>
      %dma_start3A_184 = tpu.memref_squeeze %dma_start3A_183 : memref<1x32x2x40x128xi32, #tpu.memory_space<hbm>> -> memref<32x2x40x128xi32, #tpu.memory_space<hbm>>
      %dma_start3A_185 = arith.constant 0 : i32
      %dma_start3A_186 = arith.constant 0 : i32
      %dma_start3A_187 = arith.constant 0 : i32
      %dma_start3A_188 = tpu.memref_slice %dma_start3A_184[%add3A, %dma_start3A_185, %dma_start3A_186, %dma_start3A_187] : memref<32x2x40x128xi32, #tpu.memory_space<hbm>> -> memref<1x2x40x128xi32, #tpu.memory_space<hbm>>
      %dma_start3A_189 = tpu.memref_squeeze %dma_start3A_188 : memref<1x2x40x128xi32, #tpu.memory_space<hbm>> -> memref<2x40x128xi32, #tpu.memory_space<hbm>>
      %dma_start3A_190 = arith.constant 0 : i32
      %dma_start3A_191 = arith.constant 0 : i32
      %dma_start3A_192 = tpu.memref_slice %dma_start3A_189[%run_scoped3A_103, %dma_start3A_190, %dma_start3A_191] : memref<2x40x128xi32, #tpu.memory_space<hbm>> -> memref<1x40x128xi32, #tpu.memory_space<hbm>>
      %dma_start3A_193 = tpu.memref_squeeze %dma_start3A_192 : memref<1x40x128xi32, #tpu.memory_space<hbm>> -> memref<40x128xi32, #tpu.memory_space<hbm>>
      %dma_start3A_194 = arith.constant 0 : i32
      %dma_start3A_195 = arith.constant 0 : i32
      %dma_start3A_196 = arith.constant 0 : i32
      %dma_start3A_197 = arith.constant 0 : i32
      %dma_start3A_198 = tpu.memref_slice %arg3[%run_scoped3A_102, %dma_start3A_194, %dma_start3A_195, %dma_start3A_196, %dma_start3A_197] : memref<2x32x2x40x128xi32, #tpu.memory_space<hbm>> -> memref<1x32x2x40x128xi32, #tpu.memory_space<hbm>>
      %dma_start3A_199 = tpu.memref_squeeze %dma_start3A_198 : memref<1x32x2x40x128xi32, #tpu.memory_space<hbm>> -> memref<32x2x40x128xi32, #tpu.memory_space<hbm>>
      %dma_start3A_200 = arith.constant 0 : i32
      %dma_start3A_201 = arith.constant 0 : i32
      %dma_start3A_202 = arith.constant 0 : i32
      %dma_start3A_203 = tpu.memref_slice %dma_start3A_199[%add3A, %dma_start3A_200, %dma_start3A_201, %dma_start3A_202] : memref<32x2x40x128xi32, #tpu.memory_space<hbm>> -> memref<1x2x40x128xi32, #tpu.memory_space<hbm>>
      %dma_start3A_204 = tpu.memref_squeeze %dma_start3A_203 : memref<1x2x40x128xi32, #tpu.memory_space<hbm>> -> memref<2x40x128xi32, #tpu.memory_space<hbm>>
      %dma_start3A_205 = arith.constant 0 : i32
      %dma_start3A_206 = arith.constant 0 : i32
      %dma_start3A_207 = tpu.memref_slice %dma_start3A_204[%run_scoped3A_103, %dma_start3A_205, %dma_start3A_206] : memref<2x40x128xi32, #tpu.memory_space<hbm>> -> memref<1x40x128xi32, #tpu.memory_space<hbm>>
      %dma_start3A_208 = tpu.memref_squeeze %dma_start3A_207 : memref<1x40x128xi32, #tpu.memory_space<hbm>> -> memref<40x128xi32, #tpu.memory_space<hbm>>
      tpu.enqueue_dma source(%dma_start3A_208 : memref<40x128xi32, #tpu.memory_space<hbm>>) target(%arg7 : memref<40x128xi32, #tpu.memory_space<vmem>>) target_semaphore(%run_scoped3A_178 : memref<!tpu.dma_semaphore, #tpu.memory_space<semaphore_mem>>)
      %dma_wait3A_209 = arith.constant 0 : i32
      %dma_wait3A_210 = arith.constant 0 : i32
      %dma_wait3A_211 = arith.constant 0 : i32
      %dma_wait3A_212 = arith.constant 0 : i32
      %dma_wait3A_213 = tpu.memref_slice %arg3[%run_scoped3A_102, %dma_wait3A_209, %dma_wait3A_210, %dma_wait3A_211, %dma_wait3A_212] : memref<2x32x2x40x128xi32, #tpu.memory_space<hbm>> -> memref<1x32x2x40x128xi32, #tpu.memory_space<hbm>>
      %dma_wait3A_214 = tpu.memref_squeeze %dma_wait3A_213 : memref<1x32x2x40x128xi32, #tpu.memory_space<hbm>> -> memref<32x2x40x128xi32, #tpu.memory_space<hbm>>
      %dma_wait3A_215 = arith.constant 0 : i32
      %dma_wait3A_216 = arith.constant 0 : i32
      %dma_wait3A_217 = arith.constant 0 : i32
      %dma_wait3A_218 = tpu.memref_slice %dma_wait3A_214[%add3A, %dma_wait3A_215, %dma_wait3A_216, %dma_wait3A_217] : memref<32x2x40x128xi32, #tpu.memory_space<hbm>> -> memref<1x2x40x128xi32, #tpu.memory_space<hbm>>
      %dma_wait3A_219 = tpu.memref_squeeze %dma_wait3A_218 : memref<1x2x40x128xi32, #tpu.memory_space<hbm>> -> memref<2x40x128xi32, #tpu.memory_space<hbm>>
      %dma_wait3A_220 = arith.constant 0 : i32
      %dma_wait3A_221 = arith.constant 0 : i32
      %dma_wait3A_222 = tpu.memref_slice %dma_wait3A_219[%run_scoped3A_103, %dma_wait3A_220, %dma_wait3A_221] : memref<2x40x128xi32, #tpu.memory_space<hbm>> -> memref<1x40x128xi32, #tpu.memory_space<hbm>>
      %dma_wait3A_223 = tpu.memref_squeeze %dma_wait3A_222 : memref<1x40x128xi32, #tpu.memory_space<hbm>> -> memref<40x128xi32, #tpu.memory_space<hbm>>
      %dma_wait3A_224 = arith.constant 0 : i32
      %dma_wait3A_225 = arith.constant 0 : i32
      %dma_wait3A_226 = arith.constant 0 : i32
      %dma_wait3A_227 = arith.constant 0 : i32
      %dma_wait3A_228 = tpu.memref_slice %arg3[%run_scoped3A_102, %dma_wait3A_224, %dma_wait3A_225, %dma_wait3A_226, %dma_wait3A_227] : memref<2x32x2x40x128xi32, #tpu.memory_space<hbm>> -> memref<1x32x2x40x128xi32, #tpu.memory_space<hbm>>
      %dma_wait3A_229 = tpu.memref_squeeze %dma_wait3A_228 : memref<1x32x2x40x128xi32, #tpu.memory_space<hbm>> -> memref<32x2x40x128xi32, #tpu.memory_space<hbm>>
      %dma_wait3A_230 = arith.constant 0 : i32
      %dma_wait3A_231 = arith.constant 0 : i32
      %dma_wait3A_232 = arith.constant 0 : i32
      %dma_wait3A_233 = tpu.memref_slice %dma_wait3A_229[%add3A, %dma_wait3A_230, %dma_wait3A_231, %dma_wait3A_232] : memref<32x2x40x128xi32, #tpu.memory_space<hbm>> -> memref<1x2x40x128xi32, #tpu.memory_space<hbm>>
      %dma_wait3A_234 = tpu.memref_squeeze %dma_wait3A_233 : memref<1x2x40x128xi32, #tpu.memory_space<hbm>> -> memref<2x40x128xi32, #tpu.memory_space<hbm>>
      %dma_wait3A_235 = arith.constant 0 : i32
      %dma_wait3A_236 = arith.constant 0 : i32
      %dma_wait3A_237 = tpu.memref_slice %dma_wait3A_234[%run_scoped3A_103, %dma_wait3A_235, %dma_wait3A_236] : memref<2x40x128xi32, #tpu.memory_space<hbm>> -> memref<1x40x128xi32, #tpu.memory_space<hbm>>
      %dma_wait3A_238 = tpu.memref_squeeze %dma_wait3A_237 : memref<1x40x128xi32, #tpu.memory_space<hbm>> -> memref<40x128xi32, #tpu.memory_space<hbm>>
      tpu.wait_dma2 semaphore(%run_scoped3A_178 : memref<!tpu.dma_semaphore, #tpu.memory_space<semaphore_mem>>) src(%dma_wait3A_238 : memref<40x128xi32, #tpu.memory_space<hbm>>) dst(%arg7 : memref<40x128xi32, #tpu.memory_space<vmem>>)
      tpu.yield
    }) : () -> ()
    %dma_start3A_104 = arith.constant 0 : i32
    %dma_start3A_105 = arith.constant 0 : i32
    %dma_start3A_106 = arith.constant 0 : i32
    %dma_start3A_107 = arith.constant 0 : i32
    %dma_start3A_108 = arith.constant 0 : i32
    %dma_start3A_109 = tpu.memref_slice %arg8[%dma_start3A_105, %dma_start3A_107, %dma_start3A_108] : memref<2x128x128xf32, #tpu.memory_space<vmem>> -> memref<1x128x128xf32, #tpu.memory_space<vmem>>
    %dma_start3A_110 = tpu.memref_squeeze %dma_start3A_109 : memref<1x128x128xf32, #tpu.memory_space<vmem>> -> memref<128x128xf32, #tpu.memory_space<vmem>>
    %dma_start3A_111 = arith.constant 0 : i32
    %dma_start3A_112 = tpu.memref_slice %arg6[%dma_start3A_104, %dma_start3A_111] : memref<40x128xi32, #tpu.memory_space<vmem>> -> memref<1x128xi32, #tpu.memory_space<vmem>>
    %dma_start3A_113 = tpu.memref_squeeze %dma_start3A_112 : memref<1x128xi32, #tpu.memory_space<vmem>> -> memref<128xi32, #tpu.memory_space<vmem>>
    %dma_start3A_114 = arith.constant 0 : i32
    %dma_start3A_115 = arith.constant 0 : i32
    %dma_start3A_116 = tpu.memref_slice %arg2[%dma_start3A_114, %dma_start3A_115] : memref<10000x128xf32, #tpu.memory_space<hbm>> -> memref<10000x128xf32, #tpu.memory_space<hbm>>
    %dma_start3A_117 = tpu.memref_slice %arg9[%dma_start3A_106] : memref<2x!tpu.dma_semaphore, #tpu.memory_space<semaphore_mem>> -> memref<1x!tpu.dma_semaphore, #tpu.memory_space<semaphore_mem>>
    %dma_start3A_118 = tpu.memref_squeeze %dma_start3A_117 : memref<1x!tpu.dma_semaphore, #tpu.memory_space<semaphore_mem>> -> memref<!tpu.dma_semaphore, #tpu.memory_space<semaphore_mem>>
    tpu.enqueue_indirect_dma source(%dma_start3A_116 : memref<10000x128xf32, #tpu.memory_space<hbm>>) target(%dma_start3A_110 : memref<128x128xf32, #tpu.memory_space<vmem>>) offsets(%dma_start3A_113 : memref<128xi32, #tpu.memory_space<vmem>>) semaphore(%dma_start3A_118 : memref<!tpu.dma_semaphore, #tpu.memory_space<semaphore_mem>>)
    %dma_start3A_119 = arith.constant 1 : i32
    %dma_start3A_120 = arith.constant 1 : i32
    %dma_start3A_121 = arith.constant 1 : i32
    %dma_start3A_122 = arith.constant 0 : i32
    %dma_start3A_123 = arith.constant 0 : i32
    %dma_start3A_124 = tpu.memref_slice %arg8[%dma_start3A_120, %dma_start3A_122, %dma_start3A_123] : memref<2x128x128xf32, #tpu.memory_space<vmem>> -> memref<1x128x128xf32, #tpu.memory_space<vmem>>
    %dma_start3A_125 = tpu.memref_squeeze %dma_start3A_124 : memref<1x128x128xf32, #tpu.memory_space<vmem>> -> memref<128x128xf32, #tpu.memory_space<vmem>>
    %dma_start3A_126 = arith.constant 0 : i32
    %dma_start3A_127 = tpu.memref_slice %arg6[%dma_start3A_119, %dma_start3A_126] : memref<40x128xi32, #tpu.memory_space<vmem>> -> memref<1x128xi32, #tpu.memory_space<vmem>>
    %dma_start3A_128 = tpu.memref_squeeze %dma_start3A_127 : memref<1x128xi32, #tpu.memory_space<vmem>> -> memref<128xi32, #tpu.memory_space<vmem>>
    %dma_start3A_129 = arith.constant 0 : i32
    %dma_start3A_130 = arith.constant 0 : i32
    %dma_start3A_131 = tpu.memref_slice %arg2[%dma_start3A_129, %dma_start3A_130] : memref<10000x128xf32, #tpu.memory_space<hbm>> -> memref<10000x128xf32, #tpu.memory_space<hbm>>
    %dma_start3A_132 = tpu.memref_slice %arg9[%dma_start3A_121] : memref<2x!tpu.dma_semaphore, #tpu.memory_space<semaphore_mem>> -> memref<1x!tpu.dma_semaphore, #tpu.memory_space<semaphore_mem>>
    %dma_start3A_133 = tpu.memref_squeeze %dma_start3A_132 : memref<1x!tpu.dma_semaphore, #tpu.memory_space<semaphore_mem>> -> memref<!tpu.dma_semaphore, #tpu.memory_space<semaphore_mem>>
    tpu.enqueue_indirect_dma source(%dma_start3A_131 : memref<10000x128xf32, #tpu.memory_space<hbm>>) target(%dma_start3A_125 : memref<128x128xf32, #tpu.memory_space<vmem>>) offsets(%dma_start3A_128 : memref<128xi32, #tpu.memory_space<vmem>>) semaphore(%dma_start3A_133 : memref<!tpu.dma_semaphore, #tpu.memory_space<semaphore_mem>>)
    %scan3A_134 = arith.constant 0 : i32
    %scan3A_135 = arith.constant 19 : i32
    %scan3A_136 = arith.addi %scan3A_134, %scan3A_135 : i32
    %scan3A_137 = arith.constant 1 : i32
    scf.for %scan3A_178 = %scan3A_134 to %scan3A_136 step %scan3A_137  : i32 {
      %mul3A_179 = arith.constant 2 : i32
      %mul3A_180 = arith.muli %scan3A_178, %mul3A_179 : i32
      %add3A_181 = arith.constant 0 : i32
      %add3A_182 = arith.addi %add3A_181, %mul3A_180 : i32
      %add3A_183 = arith.constant 0 : i32
      %add3A_184 = arith.addi %add3A_182, %add3A_183 : i32
      %dma_wait3A_185 = arith.constant 0 : i32
      %dma_wait3A_186 = arith.constant 0 : i32
      %dma_wait3A_187 = arith.constant 0 : i32
      %dma_wait3A_188 = arith.constant 0 : i32
      %dma_wait3A_189 = tpu.memref_slice %arg8[%dma_wait3A_185, %dma_wait3A_187, %dma_wait3A_188] : memref<2x128x128xf32, #tpu.memory_space<vmem>> -> memref<1x128x128xf32, #tpu.memory_space<vmem>>
      %dma_wait3A_190 = tpu.memref_squeeze %dma_wait3A_189 : memref<1x128x128xf32, #tpu.memory_space<vmem>> -> memref<128x128xf32, #tpu.memory_space<vmem>>
      %dma_wait3A_191 = arith.constant 0 : i32
      %dma_wait3A_192 = tpu.memref_slice %arg6[%add3A_184, %dma_wait3A_191] : memref<40x128xi32, #tpu.memory_space<vmem>> -> memref<1x128xi32, #tpu.memory_space<vmem>>
      %dma_wait3A_193 = tpu.memref_squeeze %dma_wait3A_192 : memref<1x128xi32, #tpu.memory_space<vmem>> -> memref<128xi32, #tpu.memory_space<vmem>>
      %dma_wait3A_194 = arith.constant 0 : i32
      %dma_wait3A_195 = arith.constant 0 : i32
      %dma_wait3A_196 = tpu.memref_slice %arg2[%dma_wait3A_194, %dma_wait3A_195] : memref<10000x128xf32, #tpu.memory_space<hbm>> -> memref<10000x128xf32, #tpu.memory_space<hbm>>
      %dma_wait3A_197 = tpu.memref_slice %arg9[%dma_wait3A_186] : memref<2x!tpu.dma_semaphore, #tpu.memory_space<semaphore_mem>> -> memref<1x!tpu.dma_semaphore, #tpu.memory_space<semaphore_mem>>
      %dma_wait3A_198 = tpu.memref_squeeze %dma_wait3A_197 : memref<1x!tpu.dma_semaphore, #tpu.memory_space<semaphore_mem>> -> memref<!tpu.dma_semaphore, #tpu.memory_space<semaphore_mem>>
      tpu.wait_indirect_dma semaphore(%dma_wait3A_198 : memref<!tpu.dma_semaphore, #tpu.memory_space<semaphore_mem>>) src(%dma_wait3A_196 : memref<10000x128xf32, #tpu.memory_space<hbm>>) dst(%dma_wait3A_190 : memref<128x128xf32, #tpu.memory_space<vmem>>)
      %run_scoped3A_199 = arith.constant 0 : i32
      "tpu.region"() ({
        %run_scoped3A_249 = tpu.sem_alloc : memref<!tpu.dma_semaphore, #tpu.memory_space<semaphore_mem>>
        %dma_start3A_250 = arith.constant 0 : i32
        %dma_start3A_251 = arith.constant 0 : i32
        %dma_start3A_252 = tpu.memref_slice %arg8[%run_scoped3A_199, %dma_start3A_250, %dma_start3A_251] : memref<2x128x128xf32, #tpu.memory_space<vmem>> -> memref<1x128x128xf32, #tpu.memory_space<vmem>>
        %dma_start3A_253 = tpu.memref_squeeze %dma_start3A_252 : memref<1x128x128xf32, #tpu.memory_space<vmem>> -> memref<128x128xf32, #tpu.memory_space<vmem>>
        %dma_start3A_254 = arith.constant 0 : i32
        %dma_start3A_255 = tpu.memref_slice %arg7[%add3A_184, %dma_start3A_254] : memref<40x128xi32, #tpu.memory_space<vmem>> -> memref<1x128xi32, #tpu.memory_space<vmem>>
        %dma_start3A_256 = tpu.memref_squeeze %dma_start3A_255 : memref<1x128xi32, #tpu.memory_space<vmem>> -> memref<128xi32, #tpu.memory_space<vmem>>
        %dma_start3A_257 = arith.constant 0 : i32
        %dma_start3A_258 = arith.constant 0 : i32
        %dma_start3A_259 = tpu.memref_slice %arg5[%dma_start3A_257, %dma_start3A_258] : memref<10240x128xf32, #tpu.memory_space<vmem_shared>> -> memref<10240x128xf32, #tpu.memory_space<vmem_shared>>
        tpu.enqueue_indirect_dma source(%dma_start3A_253 : memref<128x128xf32, #tpu.memory_space<vmem>>) target(%dma_start3A_259 : memref<10240x128xf32, #tpu.memory_space<vmem_shared>>) offsets(%dma_start3A_256 : memref<128xi32, #tpu.memory_space<vmem>>) semaphore(%run_scoped3A_249 : memref<!tpu.dma_semaphore, #tpu.memory_space<semaphore_mem>>) {add = true}
        %dma_wait3A_260 = arith.constant 0 : i32
        %dma_wait3A_261 = arith.constant 0 : i32
        %dma_wait3A_262 = tpu.memref_slice %arg8[%run_scoped3A_199, %dma_wait3A_260, %dma_wait3A_261] : memref<2x128x128xf32, #tpu.memory_space<vmem>> -> memref<1x128x128xf32, #tpu.memory_space<vmem>>
        %dma_wait3A_263 = tpu.memref_squeeze %dma_wait3A_262 : memref<1x128x128xf32, #tpu.memory_space<vmem>> -> memref<128x128xf32, #tpu.memory_space<vmem>>
        %dma_wait3A_264 = arith.constant 0 : i32
        %dma_wait3A_265 = tpu.memref_slice %arg7[%add3A_184, %dma_wait3A_264] : memref<40x128xi32, #tpu.memory_space<vmem>> -> memref<1x128xi32, #tpu.memory_space<vmem>>
        %dma_wait3A_266 = tpu.memref_squeeze %dma_wait3A_265 : memref<1x128xi32, #tpu.memory_space<vmem>> -> memref<128xi32, #tpu.memory_space<vmem>>
        %dma_wait3A_267 = arith.constant 0 : i32
        %dma_wait3A_268 = arith.constant 0 : i32
        %dma_wait3A_269 = tpu.memref_slice %arg5[%dma_wait3A_267, %dma_wait3A_268] : memref<10240x128xf32, #tpu.memory_space<vmem_shared>> -> memref<10240x128xf32, #tpu.memory_space<vmem_shared>>
        tpu.wait_indirect_dma semaphore(%run_scoped3A_249 : memref<!tpu.dma_semaphore, #tpu.memory_space<semaphore_mem>>) src(%dma_wait3A_263 : memref<128x128xf32, #tpu.memory_space<vmem>>) dst(%dma_wait3A_269 : memref<10240x128xf32, #tpu.memory_space<vmem_shared>>)
        tpu.yield
      }) : () -> ()
      %add3A_200 = arith.constant 2 : i32
      %add3A_201 = arith.addi %add3A_184, %add3A_200 : i32
      %dma_start3A_202 = arith.constant 0 : i32
      %dma_start3A_203 = arith.constant 0 : i32
      %dma_start3A_204 = arith.constant 0 : i32
      %dma_start3A_205 = arith.constant 0 : i32
      %dma_start3A_206 = tpu.memref_slice %arg8[%dma_start3A_202, %dma_start3A_204, %dma_start3A_205] : memref<2x128x128xf32, #tpu.memory_space<vmem>> -> memref<1x128x128xf32, #tpu.memory_space<vmem>>
      %dma_start3A_207 = tpu.memref_squeeze %dma_start3A_206 : memref<1x128x128xf32, #tpu.memory_space<vmem>> -> memref<128x128xf32, #tpu.memory_space<vmem>>
      %dma_start3A_208 = arith.constant 0 : i32
      %dma_start3A_209 = tpu.memref_slice %arg6[%add3A_201, %dma_start3A_208] : memref<40x128xi32, #tpu.memory_space<vmem>> -> memref<1x128xi32, #tpu.memory_space<vmem>>
      %dma_start3A_210 = tpu.memref_squeeze %dma_start3A_209 : memref<1x128xi32, #tpu.memory_space<vmem>> -> memref<128xi32, #tpu.memory_space<vmem>>
      %dma_start3A_211 = arith.constant 0 : i32
      %dma_start3A_212 = arith.constant 0 : i32
      %dma_start3A_213 = tpu.memref_slice %arg2[%dma_start3A_211, %dma_start3A_212] : memref<10000x128xf32, #tpu.memory_space<hbm>> -> memref<10000x128xf32, #tpu.memory_space<hbm>>
      %dma_start3A_214 = tpu.memref_slice %arg9[%dma_start3A_203] : memref<2x!tpu.dma_semaphore, #tpu.memory_space<semaphore_mem>> -> memref<1x!tpu.dma_semaphore, #tpu.memory_space<semaphore_mem>>
      %dma_start3A_215 = tpu.memref_squeeze %dma_start3A_214 : memref<1x!tpu.dma_semaphore, #tpu.memory_space<semaphore_mem>> -> memref<!tpu.dma_semaphore, #tpu.memory_space<semaphore_mem>>
      tpu.enqueue_indirect_dma source(%dma_start3A_213 : memref<10000x128xf32, #tpu.memory_space<hbm>>) target(%dma_start3A_207 : memref<128x128xf32, #tpu.memory_space<vmem>>) offsets(%dma_start3A_210 : memref<128xi32, #tpu.memory_space<vmem>>) semaphore(%dma_start3A_215 : memref<!tpu.dma_semaphore, #tpu.memory_space<semaphore_mem>>)
      %add3A_216 = arith.constant 1 : i32
      %add3A_217 = arith.addi %add3A_182, %add3A_216 : i32
      %dma_wait3A_218 = arith.constant 1 : i32
      %dma_wait3A_219 = arith.constant 1 : i32
      %dma_wait3A_220 = arith.constant 0 : i32
      %dma_wait3A_221 = arith.constant 0 : i32
      %dma_wait3A_222 = tpu.memref_slice %arg8[%dma_wait3A_218, %dma_wait3A_220, %dma_wait3A_221] : memref<2x128x128xf32, #tpu.memory_space<vmem>> -> memref<1x128x128xf32, #tpu.memory_space<vmem>>
      %dma_wait3A_223 = tpu.memref_squeeze %dma_wait3A_222 : memref<1x128x128xf32, #tpu.memory_space<vmem>> -> memref<128x128xf32, #tpu.memory_space<vmem>>
      %dma_wait3A_224 = arith.constant 0 : i32
      %dma_wait3A_225 = tpu.memref_slice %arg6[%add3A_217, %dma_wait3A_224] : memref<40x128xi32, #tpu.memory_space<vmem>> -> memref<1x128xi32, #tpu.memory_space<vmem>>
      %dma_wait3A_226 = tpu.memref_squeeze %dma_wait3A_225 : memref<1x128xi32, #tpu.memory_space<vmem>> -> memref<128xi32, #tpu.memory_space<vmem>>
      %dma_wait3A_227 = arith.constant 0 : i32
      %dma_wait3A_228 = arith.constant 0 : i32
      %dma_wait3A_229 = tpu.memref_slice %arg2[%dma_wait3A_227, %dma_wait3A_228] : memref<10000x128xf32, #tpu.memory_space<hbm>> -> memref<10000x128xf32, #tpu.memory_space<hbm>>
      %dma_wait3A_230 = tpu.memref_slice %arg9[%dma_wait3A_219] : memref<2x!tpu.dma_semaphore, #tpu.memory_space<semaphore_mem>> -> memref<1x!tpu.dma_semaphore, #tpu.memory_space<semaphore_mem>>
      %dma_wait3A_231 = tpu.memref_squeeze %dma_wait3A_230 : memref<1x!tpu.dma_semaphore, #tpu.memory_space<semaphore_mem>> -> memref<!tpu.dma_semaphore, #tpu.memory_space<semaphore_mem>>
      tpu.wait_indirect_dma semaphore(%dma_wait3A_231 : memref<!tpu.dma_semaphore, #tpu.memory_space<semaphore_mem>>) src(%dma_wait3A_229 : memref<10000x128xf32, #tpu.memory_space<hbm>>) dst(%dma_wait3A_223 : memref<128x128xf32, #tpu.memory_space<vmem>>)
      %run_scoped3A_232 = arith.constant 1 : i32
      "tpu.region"() ({
        %run_scoped3A_249 = tpu.sem_alloc : memref<!tpu.dma_semaphore, #tpu.memory_space<semaphore_mem>>
        %dma_start3A_250 = arith.constant 0 : i32
        %dma_start3A_251 = arith.constant 0 : i32
        %dma_start3A_252 = tpu.memref_slice %arg8[%run_scoped3A_232, %dma_start3A_250, %dma_start3A_251] : memref<2x128x128xf32, #tpu.memory_space<vmem>> -> memref<1x128x128xf32, #tpu.memory_space<vmem>>
        %dma_start3A_253 = tpu.memref_squeeze %dma_start3A_252 : memref<1x128x128xf32, #tpu.memory_space<vmem>> -> memref<128x128xf32, #tpu.memory_space<vmem>>
        %dma_start3A_254 = arith.constant 0 : i32
        %dma_start3A_255 = tpu.memref_slice %arg7[%add3A_217, %dma_start3A_254] : memref<40x128xi32, #tpu.memory_space<vmem>> -> memref<1x128xi32, #tpu.memory_space<vmem>>
        %dma_start3A_256 = tpu.memref_squeeze %dma_start3A_255 : memref<1x128xi32, #tpu.memory_space<vmem>> -> memref<128xi32, #tpu.memory_space<vmem>>
        %dma_start3A_257 = arith.constant 0 : i32
        %dma_start3A_258 = arith.constant 0 : i32
        %dma_start3A_259 = tpu.memref_slice %arg5[%dma_start3A_257, %dma_start3A_258] : memref<10240x128xf32, #tpu.memory_space<vmem_shared>> -> memref<10240x128xf32, #tpu.memory_space<vmem_shared>>
        tpu.enqueue_indirect_dma source(%dma_start3A_253 : memref<128x128xf32, #tpu.memory_space<vmem>>) target(%dma_start3A_259 : memref<10240x128xf32, #tpu.memory_space<vmem_shared>>) offsets(%dma_start3A_256 : memref<128xi32, #tpu.memory_space<vmem>>) semaphore(%run_scoped3A_249 : memref<!tpu.dma_semaphore, #tpu.memory_space<semaphore_mem>>) {add = true}
        %dma_wait3A_260 = arith.constant 0 : i32
        %dma_wait3A_261 = arith.constant 0 : i32
        %dma_wait3A_262 = tpu.memref_slice %arg8[%run_scoped3A_232, %dma_wait3A_260, %dma_wait3A_261] : memref<2x128x128xf32, #tpu.memory_space<vmem>> -> memref<1x128x128xf32, #tpu.memory_space<vmem>>
        %dma_wait3A_263 = tpu.memref_squeeze %dma_wait3A_262 : memref<1x128x128xf32, #tpu.memory_space<vmem>> -> memref<128x128xf32, #tpu.memory_space<vmem>>
        %dma_wait3A_264 = arith.constant 0 : i32
        %dma_wait3A_265 = tpu.memref_slice %arg7[%add3A_217, %dma_wait3A_264] : memref<40x128xi32, #tpu.memory_space<vmem>> -> memref<1x128xi32, #tpu.memory_space<vmem>>
        %dma_wait3A_266 = tpu.memref_squeeze %dma_wait3A_265 : memref<1x128xi32, #tpu.memory_space<vmem>> -> memref<128xi32, #tpu.memory_space<vmem>>
        %dma_wait3A_267 = arith.constant 0 : i32
        %dma_wait3A_268 = arith.constant 0 : i32
        %dma_wait3A_269 = tpu.memref_slice %arg5[%dma_wait3A_267, %dma_wait3A_268] : memref<10240x128xf32, #tpu.memory_space<vmem_shared>> -> memref<10240x128xf32, #tpu.memory_space<vmem_shared>>
        tpu.wait_indirect_dma semaphore(%run_scoped3A_249 : memref<!tpu.dma_semaphore, #tpu.memory_space<semaphore_mem>>) src(%dma_wait3A_263 : memref<128x128xf32, #tpu.memory_space<vmem>>) dst(%dma_wait3A_269 : memref<10240x128xf32, #tpu.memory_space<vmem_shared>>)
        tpu.yield
      }) : () -> ()
      %add3A_233 = arith.constant 2 : i32
      %add3A_234 = arith.addi %add3A_217, %add3A_233 : i32
      %dma_start3A_235 = arith.constant 1 : i32
      %dma_start3A_236 = arith.constant 1 : i32
      %dma_start3A_237 = arith.constant 0 : i32
      %dma_start3A_238 = arith.constant 0 : i32
      %dma_start3A_239 = tpu.memref_slice %arg8[%dma_start3A_235, %dma_start3A_237, %dma_start3A_238] : memref<2x128x128xf32, #tpu.memory_space<vmem>> -> memref<1x128x128xf32, #tpu.memory_space<vmem>>
      %dma_start3A_240 = tpu.memref_squeeze %dma_start3A_239 : memref<1x128x128xf32, #tpu.memory_space<vmem>> -> memref<128x128xf32, #tpu.memory_space<vmem>>
      %dma_start3A_241 = arith.constant 0 : i32
      %dma_start3A_242 = tpu.memref_slice %arg6[%add3A_234, %dma_start3A_241] : memref<40x128xi32, #tpu.memory_space<vmem>> -> memref<1x128xi32, #tpu.memory_space<vmem>>
      %dma_start3A_243 = tpu.memref_squeeze %dma_start3A_242 : memref<1x128xi32, #tpu.memory_space<vmem>> -> memref<128xi32, #tpu.memory_space<vmem>>
      %dma_start3A_244 = arith.constant 0 : i32
      %dma_start3A_245 = arith.constant 0 : i32
      %dma_start3A_246 = tpu.memref_slice %arg2[%dma_start3A_244, %dma_start3A_245] : memref<10000x128xf32, #tpu.memory_space<hbm>> -> memref<10000x128xf32, #tpu.memory_space<hbm>>
      %dma_start3A_247 = tpu.memref_slice %arg9[%dma_start3A_236] : memref<2x!tpu.dma_semaphore, #tpu.memory_space<semaphore_mem>> -> memref<1x!tpu.dma_semaphore, #tpu.memory_space<semaphore_mem>>
      %dma_start3A_248 = tpu.memref_squeeze %dma_start3A_247 : memref<1x!tpu.dma_semaphore, #tpu.memory_space<semaphore_mem>> -> memref<!tpu.dma_semaphore, #tpu.memory_space<semaphore_mem>>
      tpu.enqueue_indirect_dma source(%dma_start3A_246 : memref<10000x128xf32, #tpu.memory_space<hbm>>) target(%dma_start3A_240 : memref<128x128xf32, #tpu.memory_space<vmem>>) offsets(%dma_start3A_243 : memref<128xi32, #tpu.memory_space<vmem>>) semaphore(%dma_start3A_248 : memref<!tpu.dma_semaphore, #tpu.memory_space<semaphore_mem>>)
    }
    %scan3A_138 = arith.constant 19 : i32
    %dma_wait3A_139 = arith.constant 38 : i32
    %dma_wait3A_140 = arith.constant 0 : i32
    %dma_wait3A_141 = arith.constant 0 : i32
    %dma_wait3A_142 = arith.constant 0 : i32
    %dma_wait3A_143 = arith.constant 0 : i32
    %dma_wait3A_144 = tpu.memref_slice %arg8[%dma_wait3A_140, %dma_wait3A_142, %dma_wait3A_143] : memref<2x128x128xf32, #tpu.memory_space<vmem>> -> memref<1x128x128xf32, #tpu.memory_space<vmem>>
    %dma_wait3A_145 = tpu.memref_squeeze %dma_wait3A_144 : memref<1x128x128xf32, #tpu.memory_space<vmem>> -> memref<128x128xf32, #tpu.memory_space<vmem>>
    %dma_wait3A_146 = arith.constant 0 : i32
    %dma_wait3A_147 = tpu.memref_slice %arg6[%dma_wait3A_139, %dma_wait3A_146] : memref<40x128xi32, #tpu.memory_space<vmem>> -> memref<1x128xi32, #tpu.memory_space<vmem>>
    %dma_wait3A_148 = tpu.memref_squeeze %dma_wait3A_147 : memref<1x128xi32, #tpu.memory_space<vmem>> -> memref<128xi32, #tpu.memory_space<vmem>>
    %dma_wait3A_149 = arith.constant 0 : i32
    %dma_wait3A_150 = arith.constant 0 : i32
    %dma_wait3A_151 = tpu.memref_slice %arg2[%dma_wait3A_149, %dma_wait3A_150] : memref<10000x128xf32, #tpu.memory_space<hbm>> -> memref<10000x128xf32, #tpu.memory_space<hbm>>
    %dma_wait3A_152 = tpu.memref_slice %arg9[%dma_wait3A_141] : memref<2x!tpu.dma_semaphore, #tpu.memory_space<semaphore_mem>> -> memref<1x!tpu.dma_semaphore, #tpu.memory_space<semaphore_mem>>
    %dma_wait3A_153 = tpu.memref_squeeze %dma_wait3A_152 : memref<1x!tpu.dma_semaphore, #tpu.memory_space<semaphore_mem>> -> memref<!tpu.dma_semaphore, #tpu.memory_space<semaphore_mem>>
    tpu.wait_indirect_dma semaphore(%dma_wait3A_153 : memref<!tpu.dma_semaphore, #tpu.memory_space<semaphore_mem>>) src(%dma_wait3A_151 : memref<10000x128xf32, #tpu.memory_space<hbm>>) dst(%dma_wait3A_145 : memref<128x128xf32, #tpu.memory_space<vmem>>)
    %run_scoped3A_154 = arith.constant 0 : i32
    %run_scoped3A_155 = arith.constant 38 : i32
    "tpu.region"() ({
      %run_scoped3A_178 = tpu.sem_alloc : memref<!tpu.dma_semaphore, #tpu.memory_space<semaphore_mem>>
      %dma_start3A_179 = arith.constant 0 : i32
      %dma_start3A_180 = arith.constant 0 : i32
      %dma_start3A_181 = tpu.memref_slice %arg8[%run_scoped3A_154, %dma_start3A_179, %dma_start3A_180] : memref<2x128x128xf32, #tpu.memory_space<vmem>> -> memref<1x128x128xf32, #tpu.memory_space<vmem>>
      %dma_start3A_182 = tpu.memref_squeeze %dma_start3A_181 : memref<1x128x128xf32, #tpu.memory_space<vmem>> -> memref<128x128xf32, #tpu.memory_space<vmem>>
      %dma_start3A_183 = arith.constant 0 : i32
      %dma_start3A_184 = tpu.memref_slice %arg7[%run_scoped3A_155, %dma_start3A_183] : memref<40x128xi32, #tpu.memory_space<vmem>> -> memref<1x128xi32, #tpu.memory_space<vmem>>
      %dma_start3A_185 = tpu.memref_squeeze %dma_start3A_184 : memref<1x128xi32, #tpu.memory_space<vmem>> -> memref<128xi32, #tpu.memory_space<vmem>>
      %dma_start3A_186 = arith.constant 0 : i32
      %dma_start3A_187 = arith.constant 0 : i32
      %dma_start3A_188 = tpu.memref_slice %arg5[%dma_start3A_186, %dma_start3A_187] : memref<10240x128xf32, #tpu.memory_space<vmem_shared>> -> memref<10240x128xf32, #tpu.memory_space<vmem_shared>>
      tpu.enqueue_indirect_dma source(%dma_start3A_182 : memref<128x128xf32, #tpu.memory_space<vmem>>) target(%dma_start3A_188 : memref<10240x128xf32, #tpu.memory_space<vmem_shared>>) offsets(%dma_start3A_185 : memref<128xi32, #tpu.memory_space<vmem>>) semaphore(%run_scoped3A_178 : memref<!tpu.dma_semaphore, #tpu.memory_space<semaphore_mem>>) {add = true}
      %dma_wait3A_189 = arith.constant 0 : i32
      %dma_wait3A_190 = arith.constant 0 : i32
      %dma_wait3A_191 = tpu.memref_slice %arg8[%run_scoped3A_154, %dma_wait3A_189, %dma_wait3A_190] : memref<2x128x128xf32, #tpu.memory_space<vmem>> -> memref<1x128x128xf32, #tpu.memory_space<vmem>>
      %dma_wait3A_192 = tpu.memref_squeeze %dma_wait3A_191 : memref<1x128x128xf32, #tpu.memory_space<vmem>> -> memref<128x128xf32, #tpu.memory_space<vmem>>
      %dma_wait3A_193 = arith.constant 0 : i32
      %dma_wait3A_194 = tpu.memref_slice %arg7[%run_scoped3A_155, %dma_wait3A_193] : memref<40x128xi32, #tpu.memory_space<vmem>> -> memref<1x128xi32, #tpu.memory_space<vmem>>
      %dma_wait3A_195 = tpu.memref_squeeze %dma_wait3A_194 : memref<1x128xi32, #tpu.memory_space<vmem>> -> memref<128xi32, #tpu.memory_space<vmem>>
      %dma_wait3A_196 = arith.constant 0 : i32
      %dma_wait3A_197 = arith.constant 0 : i32
      %dma_wait3A_198 = tpu.memref_slice %arg5[%dma_wait3A_196, %dma_wait3A_197] : memref<10240x128xf32, #tpu.memory_space<vmem_shared>> -> memref<10240x128xf32, #tpu.memory_space<vmem_shared>>
      tpu.wait_indirect_dma semaphore(%run_scoped3A_178 : memref<!tpu.dma_semaphore, #tpu.memory_space<semaphore_mem>>) src(%dma_wait3A_192 : memref<128x128xf32, #tpu.memory_space<vmem>>) dst(%dma_wait3A_198 : memref<10240x128xf32, #tpu.memory_space<vmem_shared>>)
      tpu.yield
    }) : () -> ()
    %dma_wait3A_156 = arith.constant 39 : i32
    %dma_wait3A_157 = arith.constant 1 : i32
    %dma_wait3A_158 = arith.constant 1 : i32
    %dma_wait3A_159 = arith.constant 0 : i32
    %dma_wait3A_160 = arith.constant 0 : i32
    %dma_wait3A_161 = tpu.memref_slice %arg8[%dma_wait3A_157, %dma_wait3A_159, %dma_wait3A_160] : memref<2x128x128xf32, #tpu.memory_space<vmem>> -> memref<1x128x128xf32, #tpu.memory_space<vmem>>
    %dma_wait3A_162 = tpu.memref_squeeze %dma_wait3A_161 : memref<1x128x128xf32, #tpu.memory_space<vmem>> -> memref<128x128xf32, #tpu.memory_space<vmem>>
    %dma_wait3A_163 = arith.constant 0 : i32
    %dma_wait3A_164 = tpu.memref_slice %arg6[%dma_wait3A_156, %dma_wait3A_163] : memref<40x128xi32, #tpu.memory_space<vmem>> -> memref<1x128xi32, #tpu.memory_space<vmem>>
    %dma_wait3A_165 = tpu.memref_squeeze %dma_wait3A_164 : memref<1x128xi32, #tpu.memory_space<vmem>> -> memref<128xi32, #tpu.memory_space<vmem>>
    %dma_wait3A_166 = arith.constant 0 : i32
    %dma_wait3A_167 = arith.constant 0 : i32
    %dma_wait3A_168 = tpu.memref_slice %arg2[%dma_wait3A_166, %dma_wait3A_167] : memref<10000x128xf32, #tpu.memory_space<hbm>> -> memref<10000x128xf32, #tpu.memory_space<hbm>>
    %dma_wait3A_169 = tpu.memref_slice %arg9[%dma_wait3A_158] : memref<2x!tpu.dma_semaphore, #tpu.memory_space<semaphore_mem>> -> memref<1x!tpu.dma_semaphore, #tpu.memory_space<semaphore_mem>>
    %dma_wait3A_170 = tpu.memref_squeeze %dma_wait3A_169 : memref<1x!tpu.dma_semaphore, #tpu.memory_space<semaphore_mem>> -> memref<!tpu.dma_semaphore, #tpu.memory_space<semaphore_mem>>
    tpu.wait_indirect_dma semaphore(%dma_wait3A_170 : memref<!tpu.dma_semaphore, #tpu.memory_space<semaphore_mem>>) src(%dma_wait3A_168 : memref<10000x128xf32, #tpu.memory_space<hbm>>) dst(%dma_wait3A_162 : memref<128x128xf32, #tpu.memory_space<vmem>>)
    %run_scoped3A_171 = arith.constant 1 : i32
    %run_scoped3A_172 = arith.constant 39 : i32
    "tpu.region"() ({
      %run_scoped3A_178 = tpu.sem_alloc : memref<!tpu.dma_semaphore, #tpu.memory_space<semaphore_mem>>
      %dma_start3A_179 = arith.constant 0 : i32
      %dma_start3A_180 = arith.constant 0 : i32
      %dma_start3A_181 = tpu.memref_slice %arg8[%run_scoped3A_171, %dma_start3A_179, %dma_start3A_180] : memref<2x128x128xf32, #tpu.memory_space<vmem>> -> memref<1x128x128xf32, #tpu.memory_space<vmem>>
      %dma_start3A_182 = tpu.memref_squeeze %dma_start3A_181 : memref<1x128x128xf32, #tpu.memory_space<vmem>> -> memref<128x128xf32, #tpu.memory_space<vmem>>
      %dma_start3A_183 = arith.constant 0 : i32
      %dma_start3A_184 = tpu.memref_slice %arg7[%run_scoped3A_172, %dma_start3A_183] : memref<40x128xi32, #tpu.memory_space<vmem>> -> memref<1x128xi32, #tpu.memory_space<vmem>>
      %dma_start3A_185 = tpu.memref_squeeze %dma_start3A_184 : memref<1x128xi32, #tpu.memory_space<vmem>> -> memref<128xi32, #tpu.memory_space<vmem>>
      %dma_start3A_186 = arith.constant 0 : i32
      %dma_start3A_187 = arith.constant 0 : i32
      %dma_start3A_188 = tpu.memref_slice %arg5[%dma_start3A_186, %dma_start3A_187] : memref<10240x128xf32, #tpu.memory_space<vmem_shared>> -> memref<10240x128xf32, #tpu.memory_space<vmem_shared>>
      tpu.enqueue_indirect_dma source(%dma_start3A_182 : memref<128x128xf32, #tpu.memory_space<vmem>>) target(%dma_start3A_188 : memref<10240x128xf32, #tpu.memory_space<vmem_shared>>) offsets(%dma_start3A_185 : memref<128xi32, #tpu.memory_space<vmem>>) semaphore(%run_scoped3A_178 : memref<!tpu.dma_semaphore, #tpu.memory_space<semaphore_mem>>) {add = true}
      %dma_wait3A_189 = arith.constant 0 : i32
      %dma_wait3A_190 = arith.constant 0 : i32
      %dma_wait3A_191 = tpu.memref_slice %arg8[%run_scoped3A_171, %dma_wait3A_189, %dma_wait3A_190] : memref<2x128x128xf32, #tpu.memory_space<vmem>> -> memref<1x128x128xf32, #tpu.memory_space<vmem>>
      %dma_wait3A_192 = tpu.memref_squeeze %dma_wait3A_191 : memref<1x128x128xf32, #tpu.memory_space<vmem>> -> memref<128x128xf32, #tpu.memory_space<vmem>>
      %dma_wait3A_193 = arith.constant 0 : i32
      %dma_wait3A_194 = tpu.memref_slice %arg7[%run_scoped3A_172, %dma_wait3A_193] : memref<40x128xi32, #tpu.memory_space<vmem>> -> memref<1x128xi32, #tpu.memory_space<vmem>>
      %dma_wait3A_195 = tpu.memref_squeeze %dma_wait3A_194 : memref<1x128xi32, #tpu.memory_space<vmem>> -> memref<128xi32, #tpu.memory_space<vmem>>
      %dma_wait3A_196 = arith.constant 0 : i32
      %dma_wait3A_197 = arith.constant 0 : i32
      %dma_wait3A_198 = tpu.memref_slice %arg5[%dma_wait3A_196, %dma_wait3A_197] : memref<10240x128xf32, #tpu.memory_space<vmem_shared>> -> memref<10240x128xf32, #tpu.memory_space<vmem_shared>>
      tpu.wait_indirect_dma semaphore(%run_scoped3A_178 : memref<!tpu.dma_semaphore, #tpu.memory_space<semaphore_mem>>) src(%dma_wait3A_192 : memref<128x128xf32, #tpu.memory_space<vmem>>) dst(%dma_wait3A_198 : memref<10240x128xf32, #tpu.memory_space<vmem_shared>>)
      tpu.yield
    }) : () -> ()
    %barrier3A_173 = arith.constant 0 : index
    tpu.barrier barrier_id(%barrier3A_173)
    %mul3A_174 = arith.constant 640 : i32
    %mul3A_175 = arith.muli %arg1, %mul3A_174 : i32
    %mul3A_176 = arith.constant 640 : i32
    %mul3A_177 = arith.muli %arg1, %mul3A_176 : i32
    "tpu.region"() ({
      %run_scoped3A_178 = tpu.sem_alloc : memref<!tpu.dma_semaphore, #tpu.memory_space<semaphore_mem>>
      %dma_start3A_179 = arith.constant 0 : i32
      %dma_start3A_180 = arith.constant 0 : i32
      %dma_start3A_181 = tpu.memref_slice %arg4[%arg0, %dma_start3A_179, %dma_start3A_180] : memref<2x10240x128xf32, #tpu.memory_space<hbm>> -> memref<1x10240x128xf32, #tpu.memory_space<hbm>>
      %dma_start3A_182 = tpu.memref_squeeze %dma_start3A_181 : memref<1x10240x128xf32, #tpu.memory_space<hbm>> -> memref<10240x128xf32, #tpu.memory_space<hbm>>
      %dma_start3A_183 = arith.constant 0 : i32
      %dma_start3A_184 = tpu.memref_slice %dma_start3A_182[%mul3A_177, %dma_start3A_183] : memref<10240x128xf32, #tpu.memory_space<hbm>> -> memref<640x128xf32, #tpu.memory_space<hbm>>
      %dma_start3A_185 = arith.constant 0 : i32
      %dma_start3A_186 = tpu.memref_slice %arg5[%mul3A_175, %dma_start3A_185] : memref<10240x128xf32, #tpu.memory_space<vmem_shared>> -> memref<640x128xf32, #tpu.memory_space<vmem_shared>>
      tpu.enqueue_dma source(%dma_start3A_186 : memref<640x128xf32, #tpu.memory_space<vmem_shared>>) target(%dma_start3A_184 : memref<640x128xf32, #tpu.memory_space<hbm>>) target_semaphore(%run_scoped3A_178 : memref<!tpu.dma_semaphore, #tpu.memory_space<semaphore_mem>>)
      %dma_wait3A_187 = arith.constant 0 : i32
      %dma_wait3A_188 = arith.constant 0 : i32
      %dma_wait3A_189 = tpu.memref_slice %arg4[%arg0, %dma_wait3A_187, %dma_wait3A_188] : memref<2x10240x128xf32, #tpu.memory_space<hbm>> -> memref<1x10240x128xf32, #tpu.memory_space<hbm>>
      %dma_wait3A_190 = tpu.memref_squeeze %dma_wait3A_189 : memref<1x10240x128xf32, #tpu.memory_space<hbm>> -> memref<10240x128xf32, #tpu.memory_space<hbm>>
      %dma_wait3A_191 = arith.constant 0 : i32
      %dma_wait3A_192 = tpu.memref_slice %dma_wait3A_190[%mul3A_177, %dma_wait3A_191] : memref<10240x128xf32, #tpu.memory_space<hbm>> -> memref<640x128xf32, #tpu.memory_space<hbm>>
      %dma_wait3A_193 = arith.constant 0 : i32
      %dma_wait3A_194 = tpu.memref_slice %arg5[%mul3A_175, %dma_wait3A_193] : memref<10240x128xf32, #tpu.memory_space<vmem_shared>> -> memref<640x128xf32, #tpu.memory_space<vmem_shared>>
      tpu.wait_dma2 semaphore(%run_scoped3A_178 : memref<!tpu.dma_semaphore, #tpu.memory_space<semaphore_mem>>) src(%dma_wait3A_194 : memref<640x128xf32, #tpu.memory_space<vmem_shared>>) dst(%dma_wait3A_192 : memref<640x128xf32, #tpu.memory_space<hbm>>)
      tpu.yield
    }) : () -> ()
    return
  }
}

#map = affine_map<(d0, d1) -> (0, 0)>
#map1 = affine_map<(d0, d1) -> (0, 0, 0, 0, 0)>
#map2 = affine_map<(d0, d1) -> (0, 0, 0)>
module attributes {stable_mosaic.version = 14 : i64} {
  func.func @_seg_sum_body(%arg0: i32, %arg1: i32, %arg2: memref<10000x128xf32, #tpu.memory_space<hbm>>, %arg3: memref<2x32x2x40x128xi32, #tpu.memory_space<hbm>>, %arg4: memref<2x10240x128xf32, #tpu.memory_space<hbm>>, %arg5: memref<10240x128xf32, #tpu.memory_space<vmem_shared>>, %arg6: memref<40x128xi32, #tpu.memory_space<vmem>>, %arg7: memref<40x128xi32, #tpu.memory_space<vmem>>, %arg8: memref<2x128x128xf32, #tpu.memory_space<vmem>>, %arg9: memref<2x!tpu.dma_semaphore, #tpu.memory_space<semaphore_mem>>) attributes {dimension_semantics = [#tpu.dimension_semantics<core_parallel>, #tpu.dimension_semantics<subcore_parallel>], iteration_bounds = array<i64: 2, 16>, scalar_prefetch = 0 : i64, scratch_operands = 5 : i64, tpu.core_type = #tpu.core_type<sc_vector_subcore>, window_params = [{transform_indices = #map}, {transform_indices = #map1}, {transform_indices = #map2}]} {
    %mul3A = arith.constant 16 : i32
    %mul3A_0 = arith.muli %arg0, %mul3A : i32
    %add3A = arith.addi %mul3A_0, %arg1 : i32
    %scan3A = arith.constant 0 : i32
    %scan3A_1 = arith.constant 128 : i32
    %scan3A_2 = arith.addi %scan3A, %scan3A_1 : i32
    %scan3A_3 = arith.constant 1 : i32
    scf.for %scan3A_178 = %scan3A to %scan3A_2 step %scan3A_3  : i32 {
      %mul3A_179 = arith.constant 1 : i32
      %mul3A_180 = arith.muli %scan3A_178, %mul3A_179 : i32
      %add3A_181 = arith.constant 0 : i32
      %add3A_182 = arith.addi %add3A_181, %mul3A_180 : i32
      %scan3A_183 = arith.constant 0 : i32
      %scan3A_184 = arith.constant 8 : i32
      %scan3A_185 = arith.addi %scan3A_183, %scan3A_184 : i32
      %scan3A_186 = arith.constant 1 : i32
      scf.for %scan3A_188 = %scan3A_183 to %scan3A_185 step %scan3A_186  : i32 {
        %mul3A_189 = arith.constant 1 : i32
        %mul3A_190 = arith.muli %scan3A_188, %mul3A_189 : i32
        %add3A_191 = arith.constant 0 : i32
        %add3A_192 = arith.addi %add3A_191, %mul3A_190 : i32
        %broadcast_in_dim3A = arith.constant 0.000000e+00 : f32
        %broadcast_in_dim3A_193 = vector.broadcast %broadcast_in_dim3A : f32 to vector<16xf32>
        %mul3A_194 = arith.constant 16 : i32
        %mul3A_195 = arith.muli %add3A_192, %mul3A_194 : i32
        %swap3A = arith.constant 0 : i32
        %swap3A_196 = arith.index_cast %swap3A : i32 to index
        %swap3A_197 = arith.index_cast %add3A_182 : i32 to index
        %swap3A_198 = arith.index_cast %mul3A_195 : i32 to index
        %swap3A_199 = tpu.vector_load %arg8[%swap3A_196, %swap3A_197, %swap3A_198] {strides = array<i32>} : memref<2x128x128xf32, #tpu.memory_space<vmem>>, vector<1x1x16xf32>,
        %swap3A_200 = vector.shape_cast %swap3A_199 : vector<1x1x16xf32> to vector<16xf32>
        %swap3A_201 = vector.shape_cast %broadcast_in_dim3A_193 : vector<16xf32> to vector<1x1x16xf32>
        tpu.vector_store %arg8[%swap3A_196, %swap3A_197, %swap3A_198], %swap3A_201 {strides = array<i32>} : memref<2x128x128xf32, #tpu.memory_space<vmem>>, vector<1x1x16xf32>,
      }
      %scan3A_187 = arith.constant 8 : i32
    }
    %scan3A_4 = arith.constant 128 : i32
    %mul3A_5 = arith.constant 640 : i32
    %mul3A_6 = arith.muli %arg1, %mul3A_5 : i32
    %add3A_7 = arith.constant 0 : i32
    %add3A_8 = arith.addi %mul3A_6, %add3A_7 : i32
    %run_scoped3A = arith.constant 0 : i32
    "tpu.region"() ({
      %run_scoped3A_178 = tpu.sem_alloc : memref<!tpu.dma_semaphore, #tpu.memory_space<semaphore_mem>>
      %dma_start3A_179 = arith.constant 0 : i32
      %dma_start3A_180 = arith.constant 0 : i32
      %dma_start3A_181 = tpu.memref_slice %arg8[%run_scoped3A, %dma_start3A_179, %dma_start3A_180] : memref<2x128x128xf32, #tpu.memory_space<vmem>> -> memref<1x128x128xf32, #tpu.memory_space<vmem>>
      %dma_start3A_182 = tpu.memref_squeeze %dma_start3A_181 : memref<1x128x128xf32, #tpu.memory_space<vmem>> -> memref<128x128xf32, #tpu.memory_space<vmem>>
      %dma_start3A_183 = arith.constant 0 : i32
      %dma_start3A_184 = tpu.memref_slice %arg5[%add3A_8, %dma_start3A_183] : memref<10240x128xf32, #tpu.memory_space<vmem_shared>> -> memref<128x128xf32, #tpu.memory_space<vmem_shared>>
      %dma_start3A_185 = arith.constant 0 : i32
      %dma_start3A_186 = tpu.memref_slice %arg5[%add3A_8, %dma_start3A_185] : memref<10240x128xf32, #tpu.memory_space<vmem_shared>> -> memref<128x128xf32, #tpu.memory_space<vmem_shared>>
      %dma_start3A_187 = arith.constant 0 : i32
      %dma_start3A_188 = arith.constant 0 : i32
      %dma_start3A_189 = tpu.memref_slice %arg8[%run_scoped3A, %dma_start3A_187, %dma_start3A_188] : memref<2x128x128xf32, #tpu.memory_space<vmem>> -> memref<1x128x128xf32, #tpu.memory_space<vmem>>
      %dma_start3A_190 = tpu.memref_squeeze %dma_start3A_189 : memref<1x128x128xf32, #tpu.memory_space<vmem>> -> memref<128x128xf32, #tpu.memory_space<vmem>>
      tpu.enqueue_dma source(%dma_start3A_190 : memref<128x128xf32, #tpu.memory_space<vmem>>) target(%dma_start3A_186 : memref<128x128xf32, #tpu.memory_space<vmem_shared>>) target_semaphore(%run_scoped3A_178 : memref<!tpu.dma_semaphore, #tpu.memory_space<semaphore_mem>>)
      %dma_wait3A_191 = arith.constant 0 : i32
      %dma_wait3A_192 = arith.constant 0 : i32
      %dma_wait3A_193 = tpu.memref_slice %arg8[%run_scoped3A, %dma_wait3A_191, %dma_wait3A_192] : memref<2x128x128xf32, #tpu.memory_space<vmem>> -> memref<1x128x128xf32, #tpu.memory_space<vmem>>
      %dma_wait3A_194 = tpu.memref_squeeze %dma_wait3A_193 : memref<1x128x128xf32, #tpu.memory_space<vmem>> -> memref<128x128xf32, #tpu.memory_space<vmem>>
      %dma_wait3A_195 = arith.constant 0 : i32
      %dma_wait3A_196 = tpu.memref_slice %arg5[%add3A_8, %dma_wait3A_195] : memref<10240x128xf32, #tpu.memory_space<vmem_shared>> -> memref<128x128xf32, #tpu.memory_space<vmem_shared>>
      %dma_wait3A_197 = arith.constant 0 : i32
      %dma_wait3A_198 = tpu.memref_slice %arg5[%add3A_8, %dma_wait3A_197] : memref<10240x128xf32, #tpu.memory_space<vmem_shared>> -> memref<128x128xf32, #tpu.memory_space<vmem_shared>>
      %dma_wait3A_199 = arith.constant 0 : i32
      %dma_wait3A_200 = arith.constant 0 : i32
      %dma_wait3A_201 = tpu.memref_slice %arg8[%run_scoped3A, %dma_wait3A_199, %dma_wait3A_200] : memref<2x128x128xf32, #tpu.memory_space<vmem>> -> memref<1x128x128xf32, #tpu.memory_space<vmem>>
      %dma_wait3A_202 = tpu.memref_squeeze %dma_wait3A_201 : memref<1x128x128xf32, #tpu.memory_space<vmem>> -> memref<128x128xf32, #tpu.memory_space<vmem>>
      tpu.wait_dma2 semaphore(%run_scoped3A_178 : memref<!tpu.dma_semaphore, #tpu.memory_space<semaphore_mem>>) src(%dma_wait3A_202 : memref<128x128xf32, #tpu.memory_space<vmem>>) dst(%dma_wait3A_198 : memref<128x128xf32, #tpu.memory_space<vmem_shared>>)
      tpu.yield
    }) : () -> ()
    %mul3A_9 = arith.constant 640 : i32
    %mul3A_10 = arith.muli %arg1, %mul3A_9 : i32
    %add3A_11 = arith.constant 128 : i32
    %add3A_12 = arith.addi %mul3A_10, %add3A_11 : i32
    %run_scoped3A_13 = arith.constant 0 : i32
    "tpu.region"() ({
      %run_scoped3A_178 = tpu.sem_alloc : memref<!tpu.dma_semaphore, #tpu.memory_space<semaphore_mem>>
      %dma_start3A_179 = arith.constant 0 : i32
      %dma_start3A_180 = arith.constant 0 : i32
      %dma_start3A_181 = tpu.memref_slice %arg8[%run_scoped3A_13, %dma_start3A_179, %dma_start3A_180] : memref<2x128x128xf32, #tpu.memory_space<vmem>> -> memref<1x128x128xf32, #tpu.memory_space<vmem>>
      %dma_start3A_182 = tpu.memref_squeeze %dma_start3A_181 : memref<1x128x128xf32, #tpu.memory_space<vmem>> -> memref<128x128xf32, #tpu.memory_space<vmem>>
      %dma_start3A_183 = arith.constant 0 : i32
      %dma_start3A_184 = tpu.memref_slice %arg5[%add3A_12, %dma_start3A_183] : memref<10240x128xf32, #tpu.memory_space<vmem_shared>> -> memref<128x128xf32, #tpu.memory_space<vmem_shared>>
      %dma_start3A_185 = arith.constant 0 : i32
      %dma_start3A_186 = tpu.memref_slice %arg5[%add3A_12, %dma_start3A_185] : memref<10240x128xf32, #tpu.memory_space<vmem_shared>> -> memref<128x128xf32, #tpu.memory_space<vmem_shared>>
      %dma_start3A_187 = arith.constant 0 : i32
      %dma_start3A_188 = arith.constant 0 : i32
      %dma_start3A_189 = tpu.memref_slice %arg8[%run_scoped3A_13, %dma_start3A_187, %dma_start3A_188] : memref<2x128x128xf32, #tpu.memory_space<vmem>> -> memref<1x128x128xf32, #tpu.memory_space<vmem>>
      %dma_start3A_190 = tpu.memref_squeeze %dma_start3A_189 : memref<1x128x128xf32, #tpu.memory_space<vmem>> -> memref<128x128xf32, #tpu.memory_space<vmem>>
      tpu.enqueue_dma source(%dma_start3A_190 : memref<128x128xf32, #tpu.memory_space<vmem>>) target(%dma_start3A_186 : memref<128x128xf32, #tpu.memory_space<vmem_shared>>) target_semaphore(%run_scoped3A_178 : memref<!tpu.dma_semaphore, #tpu.memory_space<semaphore_mem>>)
      %dma_wait3A_191 = arith.constant 0 : i32
      %dma_wait3A_192 = arith.constant 0 : i32
      %dma_wait3A_193 = tpu.memref_slice %arg8[%run_scoped3A_13, %dma_wait3A_191, %dma_wait3A_192] : memref<2x128x128xf32, #tpu.memory_space<vmem>> -> memref<1x128x128xf32, #tpu.memory_space<vmem>>
      %dma_wait3A_194 = tpu.memref_squeeze %dma_wait3A_193 : memref<1x128x128xf32, #tpu.memory_space<vmem>> -> memref<128x128xf32, #tpu.memory_space<vmem>>
      %dma_wait3A_195 = arith.constant 0 : i32
      %dma_wait3A_196 = tpu.memref_slice %arg5[%add3A_12, %dma_wait3A_195] : memref<10240x128xf32, #tpu.memory_space<vmem_shared>> -> memref<128x128xf32, #tpu.memory_space<vmem_shared>>
      %dma_wait3A_197 = arith.constant 0 : i32
      %dma_wait3A_198 = tpu.memref_slice %arg5[%add3A_12, %dma_wait3A_197] : memref<10240x128xf32, #tpu.memory_space<vmem_shared>> -> memref<128x128xf32, #tpu.memory_space<vmem_shared>>
      %dma_wait3A_199 = arith.constant 0 : i32
      %dma_wait3A_200 = arith.constant 0 : i32
      %dma_wait3A_201 = tpu.memref_slice %arg8[%run_scoped3A_13, %dma_wait3A_199, %dma_wait3A_200] : memref<2x128x128xf32, #tpu.memory_space<vmem>> -> memref<1x128x128xf32, #tpu.memory_space<vmem>>
      %dma_wait3A_202 = tpu.memref_squeeze %dma_wait3A_201 : memref<1x128x128xf32, #tpu.memory_space<vmem>> -> memref<128x128xf32, #tpu.memory_space<vmem>>
      tpu.wait_dma2 semaphore(%run_scoped3A_178 : memref<!tpu.dma_semaphore, #tpu.memory_space<semaphore_mem>>) src(%dma_wait3A_202 : memref<128x128xf32, #tpu.memory_space<vmem>>) dst(%dma_wait3A_198 : memref<128x128xf32, #tpu.memory_space<vmem_shared>>)
      tpu.yield
    }) : () -> ()
    %mul3A_14 = arith.constant 640 : i32
    %mul3A_15 = arith.muli %arg1, %mul3A_14 : i32
    %add3A_16 = arith.constant 256 : i32
    %add3A_17 = arith.addi %mul3A_15, %add3A_16 : i32
    %run_scoped3A_18 = arith.constant 0 : i32
    "tpu.region"() ({
      %run_scoped3A_178 = tpu.sem_alloc : memref<!tpu.dma_semaphore, #tpu.memory_space<semaphore_mem>>
      %dma_start3A_179 = arith.constant 0 : i32
      %dma_start3A_180 = arith.constant 0 : i32
      %dma_start3A_181 = tpu.memref_slice %arg8[%run_scoped3A_18, %dma_start3A_179, %dma_start3A_180] : memref<2x128x128xf32, #tpu.memory_space<vmem>> -> memref<1x128x128xf32, #tpu.memory_space<vmem>>
      %dma_start3A_182 = tpu.memref_squeeze %dma_start3A_181 : memref<1x128x128xf32, #tpu.memory_space<vmem>> -> memref<128x128xf32, #tpu.memory_space<vmem>>
      %dma_start3A_183 = arith.constant 0 : i32
      %dma_start3A_184 = tpu.memref_slice %arg5[%add3A_17, %dma_start3A_183] : memref<10240x128xf32, #tpu.memory_space<vmem_shared>> -> memref<128x128xf32, #tpu.memory_space<vmem_shared>>
      %dma_start3A_185 = arith.constant 0 : i32
      %dma_start3A_186 = tpu.memref_slice %arg5[%add3A_17, %dma_start3A_185] : memref<10240x128xf32, #tpu.memory_space<vmem_shared>> -> memref<128x128xf32, #tpu.memory_space<vmem_shared>>
      %dma_start3A_187 = arith.constant 0 : i32
      %dma_start3A_188 = arith.constant 0 : i32
      %dma_start3A_189 = tpu.memref_slice %arg8[%run_scoped3A_18, %dma_start3A_187, %dma_start3A_188] : memref<2x128x128xf32, #tpu.memory_space<vmem>> -> memref<1x128x128xf32, #tpu.memory_space<vmem>>
      %dma_start3A_190 = tpu.memref_squeeze %dma_start3A_189 : memref<1x128x128xf32, #tpu.memory_space<vmem>> -> memref<128x128xf32, #tpu.memory_space<vmem>>
      tpu.enqueue_dma source(%dma_start3A_190 : memref<128x128xf32, #tpu.memory_space<vmem>>) target(%dma_start3A_186 : memref<128x128xf32, #tpu.memory_space<vmem_shared>>) target_semaphore(%run_scoped3A_178 : memref<!tpu.dma_semaphore, #tpu.memory_space<semaphore_mem>>)
      %dma_wait3A_191 = arith.constant 0 : i32
      %dma_wait3A_192 = arith.constant 0 : i32
      %dma_wait3A_193 = tpu.memref_slice %arg8[%run_scoped3A_18, %dma_wait3A_191, %dma_wait3A_192] : memref<2x128x128xf32, #tpu.memory_space<vmem>> -> memref<1x128x128xf32, #tpu.memory_space<vmem>>
      %dma_wait3A_194 = tpu.memref_squeeze %dma_wait3A_193 : memref<1x128x128xf32, #tpu.memory_space<vmem>> -> memref<128x128xf32, #tpu.memory_space<vmem>>
      %dma_wait3A_195 = arith.constant 0 : i32
      %dma_wait3A_196 = tpu.memref_slice %arg5[%add3A_17, %dma_wait3A_195] : memref<10240x128xf32, #tpu.memory_space<vmem_shared>> -> memref<128x128xf32, #tpu.memory_space<vmem_shared>>
      %dma_wait3A_197 = arith.constant 0 : i32
      %dma_wait3A_198 = tpu.memref_slice %arg5[%add3A_17, %dma_wait3A_197] : memref<10240x128xf32, #tpu.memory_space<vmem_shared>> -> memref<128x128xf32, #tpu.memory_space<vmem_shared>>
      %dma_wait3A_199 = arith.constant 0 : i32
      %dma_wait3A_200 = arith.constant 0 : i32
      %dma_wait3A_201 = tpu.memref_slice %arg8[%run_scoped3A_18, %dma_wait3A_199, %dma_wait3A_200] : memref<2x128x128xf32, #tpu.memory_space<vmem>> -> memref<1x128x128xf32, #tpu.memory_space<vmem>>
      %dma_wait3A_202 = tpu.memref_squeeze %dma_wait3A_201 : memref<1x128x128xf32, #tpu.memory_space<vmem>> -> memref<128x128xf32, #tpu.memory_space<vmem>>
      tpu.wait_dma2 semaphore(%run_scoped3A_178 : memref<!tpu.dma_semaphore, #tpu.memory_space<semaphore_mem>>) src(%dma_wait3A_202 : memref<128x128xf32, #tpu.memory_space<vmem>>) dst(%dma_wait3A_198 : memref<128x128xf32, #tpu.memory_space<vmem_shared>>)
      tpu.yield
    }) : () -> ()
    %mul3A_19 = arith.constant 640 : i32
    %mul3A_20 = arith.muli %arg1, %mul3A_19 : i32
    %add3A_21 = arith.constant 384 : i32
    %add3A_22 = arith.addi %mul3A_20, %add3A_21 : i32
    %run_scoped3A_23 = arith.constant 0 : i32
    "tpu.region"() ({
      %run_scoped3A_178 = tpu.sem_alloc : memref<!tpu.dma_semaphore, #tpu.memory_space<semaphore_mem>>
      %dma_start3A_179 = arith.constant 0 : i32
      %dma_start3A_180 = arith.constant 0 : i32
      %dma_start3A_181 = tpu.memref_slice %arg8[%run_scoped3A_23, %dma_start3A_179, %dma_start3A_180] : memref<2x128x128xf32, #tpu.memory_space<vmem>> -> memref<1x128x128xf32, #tpu.memory_space<vmem>>
      %dma_start3A_182 = tpu.memref_squeeze %dma_start3A_181 : memref<1x128x128xf32, #tpu.memory_space<vmem>> -> memref<128x128xf32, #tpu.memory_space<vmem>>
      %dma_start3A_183 = arith.constant 0 : i32
      %dma_start3A_184 = tpu.memref_slice %arg5[%add3A_22, %dma_start3A_183] : memref<10240x128xf32, #tpu.memory_space<vmem_shared>> -> memref<128x128xf32, #tpu.memory_space<vmem_shared>>
      %dma_start3A_185 = arith.constant 0 : i32
      %dma_start3A_186 = tpu.memref_slice %arg5[%add3A_22, %dma_start3A_185] : memref<10240x128xf32, #tpu.memory_space<vmem_shared>> -> memref<128x128xf32, #tpu.memory_space<vmem_shared>>
      %dma_start3A_187 = arith.constant 0 : i32
      %dma_start3A_188 = arith.constant 0 : i32
      %dma_start3A_189 = tpu.memref_slice %arg8[%run_scoped3A_23, %dma_start3A_187, %dma_start3A_188] : memref<2x128x128xf32, #tpu.memory_space<vmem>> -> memref<1x128x128xf32, #tpu.memory_space<vmem>>
      %dma_start3A_190 = tpu.memref_squeeze %dma_start3A_189 : memref<1x128x128xf32, #tpu.memory_space<vmem>> -> memref<128x128xf32, #tpu.memory_space<vmem>>
      tpu.enqueue_dma source(%dma_start3A_190 : memref<128x128xf32, #tpu.memory_space<vmem>>) target(%dma_start3A_186 : memref<128x128xf32, #tpu.memory_space<vmem_shared>>) target_semaphore(%run_scoped3A_178 : memref<!tpu.dma_semaphore, #tpu.memory_space<semaphore_mem>>)
      %dma_wait3A_191 = arith.constant 0 : i32
      %dma_wait3A_192 = arith.constant 0 : i32
      %dma_wait3A_193 = tpu.memref_slice %arg8[%run_scoped3A_23, %dma_wait3A_191, %dma_wait3A_192] : memref<2x128x128xf32, #tpu.memory_space<vmem>> -> memref<1x128x128xf32, #tpu.memory_space<vmem>>
      %dma_wait3A_194 = tpu.memref_squeeze %dma_wait3A_193 : memref<1x128x128xf32, #tpu.memory_space<vmem>> -> memref<128x128xf32, #tpu.memory_space<vmem>>
      %dma_wait3A_195 = arith.constant 0 : i32
      %dma_wait3A_196 = tpu.memref_slice %arg5[%add3A_22, %dma_wait3A_195] : memref<10240x128xf32, #tpu.memory_space<vmem_shared>> -> memref<128x128xf32, #tpu.memory_space<vmem_shared>>
      %dma_wait3A_197 = arith.constant 0 : i32
      %dma_wait3A_198 = tpu.memref_slice %arg5[%add3A_22, %dma_wait3A_197] : memref<10240x128xf32, #tpu.memory_space<vmem_shared>> -> memref<128x128xf32, #tpu.memory_space<vmem_shared>>
      %dma_wait3A_199 = arith.constant 0 : i32
      %dma_wait3A_200 = arith.constant 0 : i32
      %dma_wait3A_201 = tpu.memref_slice %arg8[%run_scoped3A_23, %dma_wait3A_199, %dma_wait3A_200] : memref<2x128x128xf32, #tpu.memory_space<vmem>> -> memref<1x128x128xf32, #tpu.memory_space<vmem>>
      %dma_wait3A_202 = tpu.memref_squeeze %dma_wait3A_201 : memref<1x128x128xf32, #tpu.memory_space<vmem>> -> memref<128x128xf32, #tpu.memory_space<vmem>>
      tpu.wait_dma2 semaphore(%run_scoped3A_178 : memref<!tpu.dma_semaphore, #tpu.memory_space<semaphore_mem>>) src(%dma_wait3A_202 : memref<128x128xf32, #tpu.memory_space<vmem>>) dst(%dma_wait3A_198 : memref<128x128xf32, #tpu.memory_space<vmem_shared>>)
      tpu.yield
    }) : () -> ()
    %mul3A_24 = arith.constant 640 : i32
    %mul3A_25 = arith.muli %arg1, %mul3A_24 : i32
    %add3A_26 = arith.constant 512 : i32
    %add3A_27 = arith.addi %mul3A_25, %add3A_26 : i32
    %run_scoped3A_28 = arith.constant 0 : i32
    "tpu.region"() ({
      %run_scoped3A_178 = tpu.sem_alloc : memref<!tpu.dma_semaphore, #tpu.memory_space<semaphore_mem>>
      %dma_start3A_179 = arith.constant 0 : i32
      %dma_start3A_180 = arith.constant 0 : i32
      %dma_start3A_181 = tpu.memref_slice %arg8[%run_scoped3A_28, %dma_start3A_179, %dma_start3A_180] : memref<2x128x128xf32, #tpu.memory_space<vmem>> -> memref<1x128x128xf32, #tpu.memory_space<vmem>>
      %dma_start3A_182 = tpu.memref_squeeze %dma_start3A_181 : memref<1x128x128xf32, #tpu.memory_space<vmem>> -> memref<128x128xf32, #tpu.memory_space<vmem>>
      %dma_start3A_183 = arith.constant 0 : i32
      %dma_start3A_184 = tpu.memref_slice %arg5[%add3A_27, %dma_start3A_183] : memref<10240x128xf32, #tpu.memory_space<vmem_shared>> -> memref<128x128xf32, #tpu.memory_space<vmem_shared>>
      %dma_start3A_185 = arith.constant 0 : i32
      %dma_start3A_186 = tpu.memref_slice %arg5[%add3A_27, %dma_start3A_185] : memref<10240x128xf32, #tpu.memory_space<vmem_shared>> -> memref<128x128xf32, #tpu.memory_space<vmem_shared>>
      %dma_start3A_187 = arith.constant 0 : i32
      %dma_start3A_188 = arith.constant 0 : i32
      %dma_start3A_189 = tpu.memref_slice %arg8[%run_scoped3A_28, %dma_start3A_187, %dma_start3A_188] : memref<2x128x128xf32, #tpu.memory_space<vmem>> -> memref<1x128x128xf32, #tpu.memory_space<vmem>>
      %dma_start3A_190 = tpu.memref_squeeze %dma_start3A_189 : memref<1x128x128xf32, #tpu.memory_space<vmem>> -> memref<128x128xf32, #tpu.memory_space<vmem>>
      tpu.enqueue_dma source(%dma_start3A_190 : memref<128x128xf32, #tpu.memory_space<vmem>>) target(%dma_start3A_186 : memref<128x128xf32, #tpu.memory_space<vmem_shared>>) target_semaphore(%run_scoped3A_178 : memref<!tpu.dma_semaphore, #tpu.memory_space<semaphore_mem>>)
      %dma_wait3A_191 = arith.constant 0 : i32
      %dma_wait3A_192 = arith.constant 0 : i32
      %dma_wait3A_193 = tpu.memref_slice %arg8[%run_scoped3A_28, %dma_wait3A_191, %dma_wait3A_192] : memref<2x128x128xf32, #tpu.memory_space<vmem>> -> memref<1x128x128xf32, #tpu.memory_space<vmem>>
      %dma_wait3A_194 = tpu.memref_squeeze %dma_wait3A_193 : memref<1x128x128xf32, #tpu.memory_space<vmem>> -> memref<128x128xf32, #tpu.memory_space<vmem>>
      %dma_wait3A_195 = arith.constant 0 : i32
      %dma_wait3A_196 = tpu.memref_slice %arg5[%add3A_27, %dma_wait3A_195] : memref<10240x128xf32, #tpu.memory_space<vmem_shared>> -> memref<128x128xf32, #tpu.memory_space<vmem_shared>>
      %dma_wait3A_197 = arith.constant 0 : i32
      %dma_wait3A_198 = tpu.memref_slice %arg5[%add3A_27, %dma_wait3A_197] : memref<10240x128xf32, #tpu.memory_space<vmem_shared>> -> memref<128x128xf32, #tpu.memory_space<vmem_shared>>
      %dma_wait3A_199 = arith.constant 0 : i32
      %dma_wait3A_200 = arith.constant 0 : i32
      %dma_wait3A_201 = tpu.memref_slice %arg8[%run_scoped3A_28, %dma_wait3A_199, %dma_wait3A_200] : memref<2x128x128xf32, #tpu.memory_space<vmem>> -> memref<1x128x128xf32, #tpu.memory_space<vmem>>
      %dma_wait3A_202 = tpu.memref_squeeze %dma_wait3A_201 : memref<1x128x128xf32, #tpu.memory_space<vmem>> -> memref<128x128xf32, #tpu.memory_space<vmem>>
      tpu.wait_dma2 semaphore(%run_scoped3A_178 : memref<!tpu.dma_semaphore, #tpu.memory_space<semaphore_mem>>) src(%dma_wait3A_202 : memref<128x128xf32, #tpu.memory_space<vmem>>) dst(%dma_wait3A_198 : memref<128x128xf32, #tpu.memory_space<vmem_shared>>)
      tpu.yield
    }) : () -> ()
    %barrier3A = arith.constant 0 : index
    tpu.barrier barrier_id(%barrier3A)
    %run_scoped3A_29 = arith.constant 0 : i32
    %run_scoped3A_30 = arith.constant 0 : i32
    "tpu.region"() ({
      %run_scoped3A_178 = tpu.sem_alloc : memref<!tpu.dma_semaphore, #tpu.memory_space<semaphore_mem>>
      %dma_start3A_179 = arith.constant 0 : i32
      %dma_start3A_180 = arith.constant 0 : i32
      %dma_start3A_181 = arith.constant 0 : i32
      %dma_start3A_182 = arith.constant 0 : i32
      %dma_start3A_183 = tpu.memref_slice %arg3[%run_scoped3A_29, %dma_start3A_179, %dma_start3A_180, %dma_start3A_181, %dma_start3A_182] : memref<2x32x2x40x128xi32, #tpu.memory_space<hbm>> -> memref<1x32x2x40x128xi32, #tpu.memory_space<hbm>>
      %dma_start3A_184 = tpu.memref_squeeze %dma_start3A_183 : memref<1x32x2x40x128xi32, #tpu.memory_space<hbm>> -> memref<32x2x40x128xi32, #tpu.memory_space<hbm>>
      %dma_start3A_185 = arith.constant 0 : i32
      %dma_start3A_186 = arith.constant 0 : i32
      %dma_start3A_187 = arith.constant 0 : i32
      %dma_start3A_188 = tpu.memref_slice %dma_start3A_184[%add3A, %dma_start3A_185, %dma_start3A_186, %dma_start3A_187] : memref<32x2x40x128xi32, #tpu.memory_space<hbm>> -> memref<1x2x40x128xi32, #tpu.memory_space<hbm>>
      %dma_start3A_189 = tpu.memref_squeeze %dma_start3A_188 : memref<1x2x40x128xi32, #tpu.memory_space<hbm>> -> memref<2x40x128xi32, #tpu.memory_space<hbm>>
      %dma_start3A_190 = arith.constant 0 : i32
      %dma_start3A_191 = arith.constant 0 : i32
      %dma_start3A_192 = tpu.memref_slice %dma_start3A_189[%run_scoped3A_30, %dma_start3A_190, %dma_start3A_191] : memref<2x40x128xi32, #tpu.memory_space<hbm>> -> memref<1x40x128xi32, #tpu.memory_space<hbm>>
      %dma_start3A_193 = tpu.memref_squeeze %dma_start3A_192 : memref<1x40x128xi32, #tpu.memory_space<hbm>> -> memref<40x128xi32, #tpu.memory_space<hbm>>
      %dma_start3A_194 = arith.constant 0 : i32
      %dma_start3A_195 = arith.constant 0 : i32
      %dma_start3A_196 = arith.constant 0 : i32
      %dma_start3A_197 = arith.constant 0 : i32
      %dma_start3A_198 = tpu.memref_slice %arg3[%run_scoped3A_29, %dma_start3A_194, %dma_start3A_195, %dma_start3A_196, %dma_start3A_197] : memref<2x32x2x40x128xi32, #tpu.memory_space<hbm>> -> memref<1x32x2x40x128xi32, #tpu.memory_space<hbm>>
      %dma_start3A_199 = tpu.memref_squeeze %dma_start3A_198 : memref<1x32x2x40x128xi32, #tpu.memory_space<hbm>> -> memref<32x2x40x128xi32, #tpu.memory_space<hbm>>
      %dma_start3A_200 = arith.constant 0 : i32
      %dma_start3A_201 = arith.constant 0 : i32
      %dma_start3A_202 = arith.constant 0 : i32
      %dma_start3A_203 = tpu.memref_slice %dma_start3A_199[%add3A, %dma_start3A_200, %dma_start3A_201, %dma_start3A_202] : memref<32x2x40x128xi32, #tpu.memory_space<hbm>> -> memref<1x2x40x128xi32, #tpu.memory_space<hbm>>
      %dma_start3A_204 = tpu.memref_squeeze %dma_start3A_203 : memref<1x2x40x128xi32, #tpu.memory_space<hbm>> -> memref<2x40x128xi32, #tpu.memory_space<hbm>>
      %dma_start3A_205 = arith.constant 0 : i32
      %dma_start3A_206 = arith.constant 0 : i32
      %dma_start3A_207 = tpu.memref_slice %dma_start3A_204[%run_scoped3A_30, %dma_start3A_205, %dma_start3A_206] : memref<2x40x128xi32, #tpu.memory_space<hbm>> -> memref<1x40x128xi32, #tpu.memory_space<hbm>>
      %dma_start3A_208 = tpu.memref_squeeze %dma_start3A_207 : memref<1x40x128xi32, #tpu.memory_space<hbm>> -> memref<40x128xi32, #tpu.memory_space<hbm>>
      tpu.enqueue_dma source(%dma_start3A_208 : memref<40x128xi32, #tpu.memory_space<hbm>>) target(%arg6 : memref<40x128xi32, #tpu.memory_space<vmem>>) target_semaphore(%run_scoped3A_178 : memref<!tpu.dma_semaphore, #tpu.memory_space<semaphore_mem>>)
      %dma_wait3A_209 = arith.constant 0 : i32
      %dma_wait3A_210 = arith.constant 0 : i32
      %dma_wait3A_211 = arith.constant 0 : i32
      %dma_wait3A_212 = arith.constant 0 : i32
      %dma_wait3A_213 = tpu.memref_slice %arg3[%run_scoped3A_29, %dma_wait3A_209, %dma_wait3A_210, %dma_wait3A_211, %dma_wait3A_212] : memref<2x32x2x40x128xi32, #tpu.memory_space<hbm>> -> memref<1x32x2x40x128xi32, #tpu.memory_space<hbm>>
      %dma_wait3A_214 = tpu.memref_squeeze %dma_wait3A_213 : memref<1x32x2x40x128xi32, #tpu.memory_space<hbm>> -> memref<32x2x40x128xi32, #tpu.memory_space<hbm>>
      %dma_wait3A_215 = arith.constant 0 : i32
      %dma_wait3A_216 = arith.constant 0 : i32
      %dma_wait3A_217 = arith.constant 0 : i32
      %dma_wait3A_218 = tpu.memref_slice %dma_wait3A_214[%add3A, %dma_wait3A_215, %dma_wait3A_216, %dma_wait3A_217] : memref<32x2x40x128xi32, #tpu.memory_space<hbm>> -> memref<1x2x40x128xi32, #tpu.memory_space<hbm>>
      %dma_wait3A_219 = tpu.memref_squeeze %dma_wait3A_218 : memref<1x2x40x128xi32, #tpu.memory_space<hbm>> -> memref<2x40x128xi32, #tpu.memory_space<hbm>>
      %dma_wait3A_220 = arith.constant 0 : i32
      %dma_wait3A_221 = arith.constant 0 : i32
      %dma_wait3A_222 = tpu.memref_slice %dma_wait3A_219[%run_scoped3A_30, %dma_wait3A_220, %dma_wait3A_221] : memref<2x40x128xi32, #tpu.memory_space<hbm>> -> memref<1x40x128xi32, #tpu.memory_space<hbm>>
      %dma_wait3A_223 = tpu.memref_squeeze %dma_wait3A_222 : memref<1x40x128xi32, #tpu.memory_space<hbm>> -> memref<40x128xi32, #tpu.memory_space<hbm>>
      %dma_wait3A_224 = arith.constant 0 : i32
      %dma_wait3A_225 = arith.constant 0 : i32
      %dma_wait3A_226 = arith.constant 0 : i32
      %dma_wait3A_227 = arith.constant 0 : i32
      %dma_wait3A_228 = tpu.memref_slice %arg3[%run_scoped3A_29, %dma_wait3A_224, %dma_wait3A_225, %dma_wait3A_226, %dma_wait3A_227] : memref<2x32x2x40x128xi32, #tpu.memory_space<hbm>> -> memref<1x32x2x40x128xi32, #tpu.memory_space<hbm>>
      %dma_wait3A_229 = tpu.memref_squeeze %dma_wait3A_228 : memref<1x32x2x40x128xi32, #tpu.memory_space<hbm>> -> memref<32x2x40x128xi32, #tpu.memory_space<hbm>>
      %dma_wait3A_230 = arith.constant 0 : i32
      %dma_wait3A_231 = arith.constant 0 : i32
      %dma_wait3A_232 = arith.constant 0 : i32
      %dma_wait3A_233 = tpu.memref_slice %dma_wait3A_229[%add3A, %dma_wait3A_230, %dma_wait3A_231, %dma_wait3A_232] : memref<32x2x40x128xi32, #tpu.memory_space<hbm>> -> memref<1x2x40x128xi32, #tpu.memory_space<hbm>>
      %dma_wait3A_234 = tpu.memref_squeeze %dma_wait3A_233 : memref<1x2x40x128xi32, #tpu.memory_space<hbm>> -> memref<2x40x128xi32, #tpu.memory_space<hbm>>
      %dma_wait3A_235 = arith.constant 0 : i32
      %dma_wait3A_236 = arith.constant 0 : i32
      %dma_wait3A_237 = tpu.memref_slice %dma_wait3A_234[%run_scoped3A_30, %dma_wait3A_235, %dma_wait3A_236] : memref<2x40x128xi32, #tpu.memory_space<hbm>> -> memref<1x40x128xi32, #tpu.memory_space<hbm>>
      %dma_wait3A_238 = tpu.memref_squeeze %dma_wait3A_237 : memref<1x40x128xi32, #tpu.memory_space<hbm>> -> memref<40x128xi32, #tpu.memory_space<hbm>>
      tpu.wait_dma2 semaphore(%run_scoped3A_178 : memref<!tpu.dma_semaphore, #tpu.memory_space<semaphore_mem>>) src(%dma_wait3A_238 : memref<40x128xi32, #tpu.memory_space<hbm>>) dst(%arg6 : memref<40x128xi32, #tpu.memory_space<vmem>>)
      tpu.yield
    }) : () -> ()
    %run_scoped3A_31 = arith.constant 1 : i32
    %run_scoped3A_32 = arith.constant 0 : i32
    "tpu.region"() ({
      %run_scoped3A_178 = tpu.sem_alloc : memref<!tpu.dma_semaphore, #tpu.memory_space<semaphore_mem>>
      %dma_start3A_179 = arith.constant 0 : i32
      %dma_start3A_180 = arith.constant 0 : i32
      %dma_start3A_181 = arith.constant 0 : i32
      %dma_start3A_182 = arith.constant 0 : i32
      %dma_start3A_183 = tpu.memref_slice %arg3[%run_scoped3A_31, %dma_start3A_179, %dma_start3A_180, %dma_start3A_181, %dma_start3A_182] : memref<2x32x2x40x128xi32, #tpu.memory_space<hbm>> -> memref<1x32x2x40x128xi32, #tpu.memory_space<hbm>>
      %dma_start3A_184 = tpu.memref_squeeze %dma_start3A_183 : memref<1x32x2x40x128xi32, #tpu.memory_space<hbm>> -> memref<32x2x40x128xi32, #tpu.memory_space<hbm>>
      %dma_start3A_185 = arith.constant 0 : i32
      %dma_start3A_186 = arith.constant 0 : i32
      %dma_start3A_187 = arith.constant 0 : i32
      %dma_start3A_188 = tpu.memref_slice %dma_start3A_184[%add3A, %dma_start3A_185, %dma_start3A_186, %dma_start3A_187] : memref<32x2x40x128xi32, #tpu.memory_space<hbm>> -> memref<1x2x40x128xi32, #tpu.memory_space<hbm>>
      %dma_start3A_189 = tpu.memref_squeeze %dma_start3A_188 : memref<1x2x40x128xi32, #tpu.memory_space<hbm>> -> memref<2x40x128xi32, #tpu.memory_space<hbm>>
      %dma_start3A_190 = arith.constant 0 : i32
      %dma_start3A_191 = arith.constant 0 : i32
      %dma_start3A_192 = tpu.memref_slice %dma_start3A_189[%run_scoped3A_32, %dma_start3A_190, %dma_start3A_191] : memref<2x40x128xi32, #tpu.memory_space<hbm>> -> memref<1x40x128xi32, #tpu.memory_space<hbm>>
      %dma_start3A_193 = tpu.memref_squeeze %dma_start3A_192 : memref<1x40x128xi32, #tpu.memory_space<hbm>> -> memref<40x128xi32, #tpu.memory_space<hbm>>
      %dma_start3A_194 = arith.constant 0 : i32
      %dma_start3A_195 = arith.constant 0 : i32
      %dma_start3A_196 = arith.constant 0 : i32
      %dma_start3A_197 = arith.constant 0 : i32
      %dma_start3A_198 = tpu.memref_slice %arg3[%run_scoped3A_31, %dma_start3A_194, %dma_start3A_195, %dma_start3A_196, %dma_start3A_197] : memref<2x32x2x40x128xi32, #tpu.memory_space<hbm>> -> memref<1x32x2x40x128xi32, #tpu.memory_space<hbm>>
      %dma_start3A_199 = tpu.memref_squeeze %dma_start3A_198 : memref<1x32x2x40x128xi32, #tpu.memory_space<hbm>> -> memref<32x2x40x128xi32, #tpu.memory_space<hbm>>
      %dma_start3A_200 = arith.constant 0 : i32
      %dma_start3A_201 = arith.constant 0 : i32
      %dma_start3A_202 = arith.constant 0 : i32
      %dma_start3A_203 = tpu.memref_slice %dma_start3A_199[%add3A, %dma_start3A_200, %dma_start3A_201, %dma_start3A_202] : memref<32x2x40x128xi32, #tpu.memory_space<hbm>> -> memref<1x2x40x128xi32, #tpu.memory_space<hbm>>
      %dma_start3A_204 = tpu.memref_squeeze %dma_start3A_203 : memref<1x2x40x128xi32, #tpu.memory_space<hbm>> -> memref<2x40x128xi32, #tpu.memory_space<hbm>>
      %dma_start3A_205 = arith.constant 0 : i32
      %dma_start3A_206 = arith.constant 0 : i32
      %dma_start3A_207 = tpu.memref_slice %dma_start3A_204[%run_scoped3A_32, %dma_start3A_205, %dma_start3A_206] : memref<2x40x128xi32, #tpu.memory_space<hbm>> -> memref<1x40x128xi32, #tpu.memory_space<hbm>>
      %dma_start3A_208 = tpu.memref_squeeze %dma_start3A_207 : memref<1x40x128xi32, #tpu.memory_space<hbm>> -> memref<40x128xi32, #tpu.memory_space<hbm>>
      tpu.enqueue_dma source(%dma_start3A_208 : memref<40x128xi32, #tpu.memory_space<hbm>>) target(%arg7 : memref<40x128xi32, #tpu.memory_space<vmem>>) target_semaphore(%run_scoped3A_178 : memref<!tpu.dma_semaphore, #tpu.memory_space<semaphore_mem>>)
      %dma_wait3A_209 = arith.constant 0 : i32
      %dma_wait3A_210 = arith.constant 0 : i32
      %dma_wait3A_211 = arith.constant 0 : i32
      %dma_wait3A_212 = arith.constant 0 : i32
      %dma_wait3A_213 = tpu.memref_slice %arg3[%run_scoped3A_31, %dma_wait3A_209, %dma_wait3A_210, %dma_wait3A_211, %dma_wait3A_212] : memref<2x32x2x40x128xi32, #tpu.memory_space<hbm>> -> memref<1x32x2x40x128xi32, #tpu.memory_space<hbm>>
      %dma_wait3A_214 = tpu.memref_squeeze %dma_wait3A_213 : memref<1x32x2x40x128xi32, #tpu.memory_space<hbm>> -> memref<32x2x40x128xi32, #tpu.memory_space<hbm>>
      %dma_wait3A_215 = arith.constant 0 : i32
      %dma_wait3A_216 = arith.constant 0 : i32
      %dma_wait3A_217 = arith.constant 0 : i32
      %dma_wait3A_218 = tpu.memref_slice %dma_wait3A_214[%add3A, %dma_wait3A_215, %dma_wait3A_216, %dma_wait3A_217] : memref<32x2x40x128xi32, #tpu.memory_space<hbm>> -> memref<1x2x40x128xi32, #tpu.memory_space<hbm>>
      %dma_wait3A_219 = tpu.memref_squeeze %dma_wait3A_218 : memref<1x2x40x128xi32, #tpu.memory_space<hbm>> -> memref<2x40x128xi32, #tpu.memory_space<hbm>>
      %dma_wait3A_220 = arith.constant 0 : i32
      %dma_wait3A_221 = arith.constant 0 : i32
      %dma_wait3A_222 = tpu.memref_slice %dma_wait3A_219[%run_scoped3A_32, %dma_wait3A_220, %dma_wait3A_221] : memref<2x40x128xi32, #tpu.memory_space<hbm>> -> memref<1x40x128xi32, #tpu.memory_space<hbm>>
      %dma_wait3A_223 = tpu.memref_squeeze %dma_wait3A_222 : memref<1x40x128xi32, #tpu.memory_space<hbm>> -> memref<40x128xi32, #tpu.memory_space<hbm>>
      %dma_wait3A_224 = arith.constant 0 : i32
      %dma_wait3A_225 = arith.constant 0 : i32
      %dma_wait3A_226 = arith.constant 0 : i32
      %dma_wait3A_227 = arith.constant 0 : i32
      %dma_wait3A_228 = tpu.memref_slice %arg3[%run_scoped3A_31, %dma_wait3A_224, %dma_wait3A_225, %dma_wait3A_226, %dma_wait3A_227] : memref<2x32x2x40x128xi32, #tpu.memory_space<hbm>> -> memref<1x32x2x40x128xi32, #tpu.memory_space<hbm>>
      %dma_wait3A_229 = tpu.memref_squeeze %dma_wait3A_228 : memref<1x32x2x40x128xi32, #tpu.memory_space<hbm>> -> memref<32x2x40x128xi32, #tpu.memory_space<hbm>>
      %dma_wait3A_230 = arith.constant 0 : i32
      %dma_wait3A_231 = arith.constant 0 : i32
      %dma_wait3A_232 = arith.constant 0 : i32
      %dma_wait3A_233 = tpu.memref_slice %dma_wait3A_229[%add3A, %dma_wait3A_230, %dma_wait3A_231, %dma_wait3A_232] : memref<32x2x40x128xi32, #tpu.memory_space<hbm>> -> memref<1x2x40x128xi32, #tpu.memory_space<hbm>>
      %dma_wait3A_234 = tpu.memref_squeeze %dma_wait3A_233 : memref<1x2x40x128xi32, #tpu.memory_space<hbm>> -> memref<2x40x128xi32, #tpu.memory_space<hbm>>
      %dma_wait3A_235 = arith.constant 0 : i32
      %dma_wait3A_236 = arith.constant 0 : i32
      %dma_wait3A_237 = tpu.memref_slice %dma_wait3A_234[%run_scoped3A_32, %dma_wait3A_235, %dma_wait3A_236] : memref<2x40x128xi32, #tpu.memory_space<hbm>> -> memref<1x40x128xi32, #tpu.memory_space<hbm>>
      %dma_wait3A_238 = tpu.memref_squeeze %dma_wait3A_237 : memref<1x40x128xi32, #tpu.memory_space<hbm>> -> memref<40x128xi32, #tpu.memory_space<hbm>>
      tpu.wait_dma2 semaphore(%run_scoped3A_178 : memref<!tpu.dma_semaphore, #tpu.memory_space<semaphore_mem>>) src(%dma_wait3A_238 : memref<40x128xi32, #tpu.memory_space<hbm>>) dst(%arg7 : memref<40x128xi32, #tpu.memory_space<vmem>>)
      tpu.yield
    }) : () -> ()
    %dma_start3A = arith.constant 0 : i32
    %dma_start3A_33 = arith.constant 0 : i32
    %dma_start3A_34 = arith.constant 0 : i32
    %dma_start3A_35 = arith.constant 0 : i32
    %dma_start3A_36 = arith.constant 0 : i32
    %dma_start3A_37 = tpu.memref_slice %arg8[%dma_start3A_33, %dma_start3A_35, %dma_start3A_36] : memref<2x128x128xf32, #tpu.memory_space<vmem>> -> memref<1x128x128xf32, #tpu.memory_space<vmem>>
    %dma_start3A_38 = tpu.memref_squeeze %dma_start3A_37 : memref<1x128x128xf32, #tpu.memory_space<vmem>> -> memref<128x128xf32, #tpu.memory_space<vmem>>
    %dma_start3A_39 = arith.constant 0 : i32
    %dma_start3A_40 = tpu.memref_slice %arg6[%dma_start3A, %dma_start3A_39] : memref<40x128xi32, #tpu.memory_space<vmem>> -> memref<1x128xi32, #tpu.memory_space<vmem>>
    %dma_start3A_41 = tpu.memref_squeeze %dma_start3A_40 : memref<1x128xi32, #tpu.memory_space<vmem>> -> memref<128xi32, #tpu.memory_space<vmem>>
    %dma_start3A_42 = arith.constant 0 : i32
    %dma_start3A_43 = arith.constant 0 : i32
    %dma_start3A_44 = tpu.memref_slice %arg2[%dma_start3A_42, %dma_start3A_43] : memref<10000x128xf32, #tpu.memory_space<hbm>> -> memref<10000x128xf32, #tpu.memory_space<hbm>>
    %dma_start3A_45 = tpu.memref_slice %arg9[%dma_start3A_34] : memref<2x!tpu.dma_semaphore, #tpu.memory_space<semaphore_mem>> -> memref<1x!tpu.dma_semaphore, #tpu.memory_space<semaphore_mem>>
    %dma_start3A_46 = tpu.memref_squeeze %dma_start3A_45 : memref<1x!tpu.dma_semaphore, #tpu.memory_space<semaphore_mem>> -> memref<!tpu.dma_semaphore, #tpu.memory_space<semaphore_mem>>
    tpu.enqueue_indirect_dma source(%dma_start3A_44 : memref<10000x128xf32, #tpu.memory_space<hbm>>) target(%dma_start3A_38 : memref<128x128xf32, #tpu.memory_space<vmem>>) offsets(%dma_start3A_41 : memref<128xi32, #tpu.memory_space<vmem>>) semaphore(%dma_start3A_46 : memref<!tpu.dma_semaphore, #tpu.memory_space<semaphore_mem>>)
    %dma_start3A_47 = arith.constant 1 : i32
    %dma_start3A_48 = arith.constant 1 : i32
    %dma_start3A_49 = arith.constant 1 : i32
    %dma_start3A_50 = arith.constant 0 : i32
    %dma_start3A_51 = arith.constant 0 : i32
    %dma_start3A_52 = tpu.memref_slice %arg8[%dma_start3A_48, %dma_start3A_50, %dma_start3A_51] : memref<2x128x128xf32, #tpu.memory_space<vmem>> -> memref<1x128x128xf32, #tpu.memory_space<vmem>>
    %dma_start3A_53 = tpu.memref_squeeze %dma_start3A_52 : memref<1x128x128xf32, #tpu.memory_space<vmem>> -> memref<128x128xf32, #tpu.memory_space<vmem>>
    %dma_start3A_54 = arith.constant 0 : i32
    %dma_start3A_55 = tpu.memref_slice %arg6[%dma_start3A_47, %dma_start3A_54] : memref<40x128xi32, #tpu.memory_space<vmem>> -> memref<1x128xi32, #tpu.memory_space<vmem>>
    %dma_start3A_56 = tpu.memref_squeeze %dma_start3A_55 : memref<1x128xi32, #tpu.memory_space<vmem>> -> memref<128xi32, #tpu.memory_space<vmem>>
    %dma_start3A_57 = arith.constant 0 : i32
    %dma_start3A_58 = arith.constant 0 : i32
    %dma_start3A_59 = tpu.memref_slice %arg2[%dma_start3A_57, %dma_start3A_58] : memref<10000x128xf32, #tpu.memory_space<hbm>> -> memref<10000x128xf32, #tpu.memory_space<hbm>>
    %dma_start3A_60 = tpu.memref_slice %arg9[%dma_start3A_49] : memref<2x!tpu.dma_semaphore, #tpu.memory_space<semaphore_mem>> -> memref<1x!tpu.dma_semaphore, #tpu.memory_space<semaphore_mem>>
    %dma_start3A_61 = tpu.memref_squeeze %dma_start3A_60 : memref<1x!tpu.dma_semaphore, #tpu.memory_space<semaphore_mem>> -> memref<!tpu.dma_semaphore, #tpu.memory_space<semaphore_mem>>
    tpu.enqueue_indirect_dma source(%dma_start3A_59 : memref<10000x128xf32, #tpu.memory_space<hbm>>) target(%dma_start3A_53 : memref<128x128xf32, #tpu.memory_space<vmem>>) offsets(%dma_start3A_56 : memref<128xi32, #tpu.memory_space<vmem>>) semaphore(%dma_start3A_61 : memref<!tpu.dma_semaphore, #tpu.memory_space<semaphore_mem>>)
    %scan3A_62 = arith.constant 0 : i32
    %scan3A_63 = arith.constant 19 : i32
    %scan3A_64 = arith.addi %scan3A_62, %scan3A_63 : i32
    %scan3A_65 = arith.constant 1 : i32
    scf.for %scan3A_178 = %scan3A_62 to %scan3A_64 step %scan3A_65  : i32 {
      %mul3A_179 = arith.constant 2 : i32
      %mul3A_180 = arith.muli %scan3A_178, %mul3A_179 : i32
      %add3A_181 = arith.constant 0 : i32
      %add3A_182 = arith.addi %add3A_181, %mul3A_180 : i32
      %add3A_183 = arith.constant 0 : i32
      %add3A_184 = arith.addi %add3A_182, %add3A_183 : i32
      %dma_wait3A_185 = arith.constant 0 : i32
      %dma_wait3A_186 = arith.constant 0 : i32
      %dma_wait3A_187 = arith.constant 0 : i32
      %dma_wait3A_188 = arith.constant 0 : i32
      %dma_wait3A_189 = tpu.memref_slice %arg8[%dma_wait3A_185, %dma_wait3A_187, %dma_wait3A_188] : memref<2x128x128xf32, #tpu.memory_space<vmem>> -> memref<1x128x128xf32, #tpu.memory_space<vmem>>
      %dma_wait3A_190 = tpu.memref_squeeze %dma_wait3A_189 : memref<1x128x128xf32, #tpu.memory_space<vmem>> -> memref<128x128xf32, #tpu.memory_space<vmem>>
      %dma_wait3A_191 = arith.constant 0 : i32
      %dma_wait3A_192 = tpu.memref_slice %arg6[%add3A_184, %dma_wait3A_191] : memref<40x128xi32, #tpu.memory_space<vmem>> -> memref<1x128xi32, #tpu.memory_space<vmem>>
      %dma_wait3A_193 = tpu.memref_squeeze %dma_wait3A_192 : memref<1x128xi32, #tpu.memory_space<vmem>> -> memref<128xi32, #tpu.memory_space<vmem>>
      %dma_wait3A_194 = arith.constant 0 : i32
      %dma_wait3A_195 = arith.constant 0 : i32
      %dma_wait3A_196 = tpu.memref_slice %arg2[%dma_wait3A_194, %dma_wait3A_195] : memref<10000x128xf32, #tpu.memory_space<hbm>> -> memref<10000x128xf32, #tpu.memory_space<hbm>>
      %dma_wait3A_197 = tpu.memref_slice %arg9[%dma_wait3A_186] : memref<2x!tpu.dma_semaphore, #tpu.memory_space<semaphore_mem>> -> memref<1x!tpu.dma_semaphore, #tpu.memory_space<semaphore_mem>>
      %dma_wait3A_198 = tpu.memref_squeeze %dma_wait3A_197 : memref<1x!tpu.dma_semaphore, #tpu.memory_space<semaphore_mem>> -> memref<!tpu.dma_semaphore, #tpu.memory_space<semaphore_mem>>
      tpu.wait_indirect_dma semaphore(%dma_wait3A_198 : memref<!tpu.dma_semaphore, #tpu.memory_space<semaphore_mem>>) src(%dma_wait3A_196 : memref<10000x128xf32, #tpu.memory_space<hbm>>) dst(%dma_wait3A_190 : memref<128x128xf32, #tpu.memory_space<vmem>>)
      %run_scoped3A_199 = arith.constant 0 : i32
      "tpu.region"() ({
        %run_scoped3A_249 = tpu.sem_alloc : memref<!tpu.dma_semaphore, #tpu.memory_space<semaphore_mem>>
        %dma_start3A_250 = arith.constant 0 : i32
        %dma_start3A_251 = arith.constant 0 : i32
        %dma_start3A_252 = tpu.memref_slice %arg8[%run_scoped3A_199, %dma_start3A_250, %dma_start3A_251] : memref<2x128x128xf32, #tpu.memory_space<vmem>> -> memref<1x128x128xf32, #tpu.memory_space<vmem>>
        %dma_start3A_253 = tpu.memref_squeeze %dma_start3A_252 : memref<1x128x128xf32, #tpu.memory_space<vmem>> -> memref<128x128xf32, #tpu.memory_space<vmem>>
        %dma_start3A_254 = arith.constant 0 : i32
        %dma_start3A_255 = tpu.memref_slice %arg7[%add3A_184, %dma_start3A_254] : memref<40x128xi32, #tpu.memory_space<vmem>> -> memref<1x128xi32, #tpu.memory_space<vmem>>
        %dma_start3A_256 = tpu.memref_squeeze %dma_start3A_255 : memref<1x128xi32, #tpu.memory_space<vmem>> -> memref<128xi32, #tpu.memory_space<vmem>>
        %dma_start3A_257 = arith.constant 0 : i32
        %dma_start3A_258 = arith.constant 0 : i32
        %dma_start3A_259 = tpu.memref_slice %arg5[%dma_start3A_257, %dma_start3A_258] : memref<10240x128xf32, #tpu.memory_space<vmem_shared>> -> memref<10240x128xf32, #tpu.memory_space<vmem_shared>>
        tpu.enqueue_indirect_dma source(%dma_start3A_253 : memref<128x128xf32, #tpu.memory_space<vmem>>) target(%dma_start3A_259 : memref<10240x128xf32, #tpu.memory_space<vmem_shared>>) offsets(%dma_start3A_256 : memref<128xi32, #tpu.memory_space<vmem>>) semaphore(%run_scoped3A_249 : memref<!tpu.dma_semaphore, #tpu.memory_space<semaphore_mem>>) {add = true}
        %dma_wait3A_260 = arith.constant 0 : i32
        %dma_wait3A_261 = arith.constant 0 : i32
        %dma_wait3A_262 = tpu.memref_slice %arg8[%run_scoped3A_199, %dma_wait3A_260, %dma_wait3A_261] : memref<2x128x128xf32, #tpu.memory_space<vmem>> -> memref<1x128x128xf32, #tpu.memory_space<vmem>>
        %dma_wait3A_263 = tpu.memref_squeeze %dma_wait3A_262 : memref<1x128x128xf32, #tpu.memory_space<vmem>> -> memref<128x128xf32, #tpu.memory_space<vmem>>
        %dma_wait3A_264 = arith.constant 0 : i32
        %dma_wait3A_265 = tpu.memref_slice %arg7[%add3A_184, %dma_wait3A_264] : memref<40x128xi32, #tpu.memory_space<vmem>> -> memref<1x128xi32, #tpu.memory_space<vmem>>
        %dma_wait3A_266 = tpu.memref_squeeze %dma_wait3A_265 : memref<1x128xi32, #tpu.memory_space<vmem>> -> memref<128xi32, #tpu.memory_space<vmem>>
        %dma_wait3A_267 = arith.constant 0 : i32
        %dma_wait3A_268 = arith.constant 0 : i32
        %dma_wait3A_269 = tpu.memref_slice %arg5[%dma_wait3A_267, %dma_wait3A_268] : memref<10240x128xf32, #tpu.memory_space<vmem_shared>> -> memref<10240x128xf32, #tpu.memory_space<vmem_shared>>
        tpu.wait_indirect_dma semaphore(%run_scoped3A_249 : memref<!tpu.dma_semaphore, #tpu.memory_space<semaphore_mem>>) src(%dma_wait3A_263 : memref<128x128xf32, #tpu.memory_space<vmem>>) dst(%dma_wait3A_269 : memref<10240x128xf32, #tpu.memory_space<vmem_shared>>)
        tpu.yield
      }) : () -> ()
      %add3A_200 = arith.constant 2 : i32
      %add3A_201 = arith.addi %add3A_184, %add3A_200 : i32
      %dma_start3A_202 = arith.constant 0 : i32
      %dma_start3A_203 = arith.constant 0 : i32
      %dma_start3A_204 = arith.constant 0 : i32
      %dma_start3A_205 = arith.constant 0 : i32
      %dma_start3A_206 = tpu.memref_slice %arg8[%dma_start3A_202, %dma_start3A_204, %dma_start3A_205] : memref<2x128x128xf32, #tpu.memory_space<vmem>> -> memref<1x128x128xf32, #tpu.memory_space<vmem>>
      %dma_start3A_207 = tpu.memref_squeeze %dma_start3A_206 : memref<1x128x128xf32, #tpu.memory_space<vmem>> -> memref<128x128xf32, #tpu.memory_space<vmem>>
      %dma_start3A_208 = arith.constant 0 : i32
      %dma_start3A_209 = tpu.memref_slice %arg6[%add3A_201, %dma_start3A_208] : memref<40x128xi32, #tpu.memory_space<vmem>> -> memref<1x128xi32, #tpu.memory_space<vmem>>
      %dma_start3A_210 = tpu.memref_squeeze %dma_start3A_209 : memref<1x128xi32, #tpu.memory_space<vmem>> -> memref<128xi32, #tpu.memory_space<vmem>>
      %dma_start3A_211 = arith.constant 0 : i32
      %dma_start3A_212 = arith.constant 0 : i32
      %dma_start3A_213 = tpu.memref_slice %arg2[%dma_start3A_211, %dma_start3A_212] : memref<10000x128xf32, #tpu.memory_space<hbm>> -> memref<10000x128xf32, #tpu.memory_space<hbm>>
      %dma_start3A_214 = tpu.memref_slice %arg9[%dma_start3A_203] : memref<2x!tpu.dma_semaphore, #tpu.memory_space<semaphore_mem>> -> memref<1x!tpu.dma_semaphore, #tpu.memory_space<semaphore_mem>>
      %dma_start3A_215 = tpu.memref_squeeze %dma_start3A_214 : memref<1x!tpu.dma_semaphore, #tpu.memory_space<semaphore_mem>> -> memref<!tpu.dma_semaphore, #tpu.memory_space<semaphore_mem>>
      tpu.enqueue_indirect_dma source(%dma_start3A_213 : memref<10000x128xf32, #tpu.memory_space<hbm>>) target(%dma_start3A_207 : memref<128x128xf32, #tpu.memory_space<vmem>>) offsets(%dma_start3A_210 : memref<128xi32, #tpu.memory_space<vmem>>) semaphore(%dma_start3A_215 : memref<!tpu.dma_semaphore, #tpu.memory_space<semaphore_mem>>)
      %add3A_216 = arith.constant 1 : i32
      %add3A_217 = arith.addi %add3A_182, %add3A_216 : i32
      %dma_wait3A_218 = arith.constant 1 : i32
      %dma_wait3A_219 = arith.constant 1 : i32
      %dma_wait3A_220 = arith.constant 0 : i32
      %dma_wait3A_221 = arith.constant 0 : i32
      %dma_wait3A_222 = tpu.memref_slice %arg8[%dma_wait3A_218, %dma_wait3A_220, %dma_wait3A_221] : memref<2x128x128xf32, #tpu.memory_space<vmem>> -> memref<1x128x128xf32, #tpu.memory_space<vmem>>
      %dma_wait3A_223 = tpu.memref_squeeze %dma_wait3A_222 : memref<1x128x128xf32, #tpu.memory_space<vmem>> -> memref<128x128xf32, #tpu.memory_space<vmem>>
      %dma_wait3A_224 = arith.constant 0 : i32
      %dma_wait3A_225 = tpu.memref_slice %arg6[%add3A_217, %dma_wait3A_224] : memref<40x128xi32, #tpu.memory_space<vmem>> -> memref<1x128xi32, #tpu.memory_space<vmem>>
      %dma_wait3A_226 = tpu.memref_squeeze %dma_wait3A_225 : memref<1x128xi32, #tpu.memory_space<vmem>> -> memref<128xi32, #tpu.memory_space<vmem>>
      %dma_wait3A_227 = arith.constant 0 : i32
      %dma_wait3A_228 = arith.constant 0 : i32
      %dma_wait3A_229 = tpu.memref_slice %arg2[%dma_wait3A_227, %dma_wait3A_228] : memref<10000x128xf32, #tpu.memory_space<hbm>> -> memref<10000x128xf32, #tpu.memory_space<hbm>>
      %dma_wait3A_230 = tpu.memref_slice %arg9[%dma_wait3A_219] : memref<2x!tpu.dma_semaphore, #tpu.memory_space<semaphore_mem>> -> memref<1x!tpu.dma_semaphore, #tpu.memory_space<semaphore_mem>>
      %dma_wait3A_231 = tpu.memref_squeeze %dma_wait3A_230 : memref<1x!tpu.dma_semaphore, #tpu.memory_space<semaphore_mem>> -> memref<!tpu.dma_semaphore, #tpu.memory_space<semaphore_mem>>
      tpu.wait_indirect_dma semaphore(%dma_wait3A_231 : memref<!tpu.dma_semaphore, #tpu.memory_space<semaphore_mem>>) src(%dma_wait3A_229 : memref<10000x128xf32, #tpu.memory_space<hbm>>) dst(%dma_wait3A_223 : memref<128x128xf32, #tpu.memory_space<vmem>>)
      %run_scoped3A_232 = arith.constant 1 : i32
      "tpu.region"() ({
        %run_scoped3A_249 = tpu.sem_alloc : memref<!tpu.dma_semaphore, #tpu.memory_space<semaphore_mem>>
        %dma_start3A_250 = arith.constant 0 : i32
        %dma_start3A_251 = arith.constant 0 : i32
        %dma_start3A_252 = tpu.memref_slice %arg8[%run_scoped3A_232, %dma_start3A_250, %dma_start3A_251] : memref<2x128x128xf32, #tpu.memory_space<vmem>> -> memref<1x128x128xf32, #tpu.memory_space<vmem>>
        %dma_start3A_253 = tpu.memref_squeeze %dma_start3A_252 : memref<1x128x128xf32, #tpu.memory_space<vmem>> -> memref<128x128xf32, #tpu.memory_space<vmem>>
        %dma_start3A_254 = arith.constant 0 : i32
        %dma_start3A_255 = tpu.memref_slice %arg7[%add3A_217, %dma_start3A_254] : memref<40x128xi32, #tpu.memory_space<vmem>> -> memref<1x128xi32, #tpu.memory_space<vmem>>
        %dma_start3A_256 = tpu.memref_squeeze %dma_start3A_255 : memref<1x128xi32, #tpu.memory_space<vmem>> -> memref<128xi32, #tpu.memory_space<vmem>>
        %dma_start3A_257 = arith.constant 0 : i32
        %dma_start3A_258 = arith.constant 0 : i32
        %dma_start3A_259 = tpu.memref_slice %arg5[%dma_start3A_257, %dma_start3A_258] : memref<10240x128xf32, #tpu.memory_space<vmem_shared>> -> memref<10240x128xf32, #tpu.memory_space<vmem_shared>>
        tpu.enqueue_indirect_dma source(%dma_start3A_253 : memref<128x128xf32, #tpu.memory_space<vmem>>) target(%dma_start3A_259 : memref<10240x128xf32, #tpu.memory_space<vmem_shared>>) offsets(%dma_start3A_256 : memref<128xi32, #tpu.memory_space<vmem>>) semaphore(%run_scoped3A_249 : memref<!tpu.dma_semaphore, #tpu.memory_space<semaphore_mem>>) {add = true}
        %dma_wait3A_260 = arith.constant 0 : i32
        %dma_wait3A_261 = arith.constant 0 : i32
        %dma_wait3A_262 = tpu.memref_slice %arg8[%run_scoped3A_232, %dma_wait3A_260, %dma_wait3A_261] : memref<2x128x128xf32, #tpu.memory_space<vmem>> -> memref<1x128x128xf32, #tpu.memory_space<vmem>>
        %dma_wait3A_263 = tpu.memref_squeeze %dma_wait3A_262 : memref<1x128x128xf32, #tpu.memory_space<vmem>> -> memref<128x128xf32, #tpu.memory_space<vmem>>
        %dma_wait3A_264 = arith.constant 0 : i32
        %dma_wait3A_265 = tpu.memref_slice %arg7[%add3A_217, %dma_wait3A_264] : memref<40x128xi32, #tpu.memory_space<vmem>> -> memref<1x128xi32, #tpu.memory_space<vmem>>
        %dma_wait3A_266 = tpu.memref_squeeze %dma_wait3A_265 : memref<1x128xi32, #tpu.memory_space<vmem>> -> memref<128xi32, #tpu.memory_space<vmem>>
        %dma_wait3A_267 = arith.constant 0 : i32
        %dma_wait3A_268 = arith.constant 0 : i32
        %dma_wait3A_269 = tpu.memref_slice %arg5[%dma_wait3A_267, %dma_wait3A_268] : memref<10240x128xf32, #tpu.memory_space<vmem_shared>> -> memref<10240x128xf32, #tpu.memory_space<vmem_shared>>
        tpu.wait_indirect_dma semaphore(%run_scoped3A_249 : memref<!tpu.dma_semaphore, #tpu.memory_space<semaphore_mem>>) src(%dma_wait3A_263 : memref<128x128xf32, #tpu.memory_space<vmem>>) dst(%dma_wait3A_269 : memref<10240x128xf32, #tpu.memory_space<vmem_shared>>)
        tpu.yield
      }) : () -> ()
      %add3A_233 = arith.constant 2 : i32
      %add3A_234 = arith.addi %add3A_217, %add3A_233 : i32
      %dma_start3A_235 = arith.constant 1 : i32
      %dma_start3A_236 = arith.constant 1 : i32
      %dma_start3A_237 = arith.constant 0 : i32
      %dma_start3A_238 = arith.constant 0 : i32
      %dma_start3A_239 = tpu.memref_slice %arg8[%dma_start3A_235, %dma_start3A_237, %dma_start3A_238] : memref<2x128x128xf32, #tpu.memory_space<vmem>> -> memref<1x128x128xf32, #tpu.memory_space<vmem>>
      %dma_start3A_240 = tpu.memref_squeeze %dma_start3A_239 : memref<1x128x128xf32, #tpu.memory_space<vmem>> -> memref<128x128xf32, #tpu.memory_space<vmem>>
      %dma_start3A_241 = arith.constant 0 : i32
      %dma_start3A_242 = tpu.memref_slice %arg6[%add3A_234, %dma_start3A_241] : memref<40x128xi32, #tpu.memory_space<vmem>> -> memref<1x128xi32, #tpu.memory_space<vmem>>
      %dma_start3A_243 = tpu.memref_squeeze %dma_start3A_242 : memref<1x128xi32, #tpu.memory_space<vmem>> -> memref<128xi32, #tpu.memory_space<vmem>>
      %dma_start3A_244 = arith.constant 0 : i32
      %dma_start3A_245 = arith.constant 0 : i32
      %dma_start3A_246 = tpu.memref_slice %arg2[%dma_start3A_244, %dma_start3A_245] : memref<10000x128xf32, #tpu.memory_space<hbm>> -> memref<10000x128xf32, #tpu.memory_space<hbm>>
      %dma_start3A_247 = tpu.memref_slice %arg9[%dma_start3A_236] : memref<2x!tpu.dma_semaphore, #tpu.memory_space<semaphore_mem>> -> memref<1x!tpu.dma_semaphore, #tpu.memory_space<semaphore_mem>>
      %dma_start3A_248 = tpu.memref_squeeze %dma_start3A_247 : memref<1x!tpu.dma_semaphore, #tpu.memory_space<semaphore_mem>> -> memref<!tpu.dma_semaphore, #tpu.memory_space<semaphore_mem>>
      tpu.enqueue_indirect_dma source(%dma_start3A_246 : memref<10000x128xf32, #tpu.memory_space<hbm>>) target(%dma_start3A_240 : memref<128x128xf32, #tpu.memory_space<vmem>>) offsets(%dma_start3A_243 : memref<128xi32, #tpu.memory_space<vmem>>) semaphore(%dma_start3A_248 : memref<!tpu.dma_semaphore, #tpu.memory_space<semaphore_mem>>)
    }
    %scan3A_66 = arith.constant 19 : i32
    %dma_wait3A = arith.constant 38 : i32
    %dma_wait3A_67 = arith.constant 0 : i32
    %dma_wait3A_68 = arith.constant 0 : i32
    %dma_wait3A_69 = arith.constant 0 : i32
    %dma_wait3A_70 = arith.constant 0 : i32
    %dma_wait3A_71 = tpu.memref_slice %arg8[%dma_wait3A_67, %dma_wait3A_69, %dma_wait3A_70] : memref<2x128x128xf32, #tpu.memory_space<vmem>> -> memref<1x128x128xf32, #tpu.memory_space<vmem>>
    %dma_wait3A_72 = tpu.memref_squeeze %dma_wait3A_71 : memref<1x128x128xf32, #tpu.memory_space<vmem>> -> memref<128x128xf32, #tpu.memory_space<vmem>>
    %dma_wait3A_73 = arith.constant 0 : i32
    %dma_wait3A_74 = tpu.memref_slice %arg6[%dma_wait3A, %dma_wait3A_73] : memref<40x128xi32, #tpu.memory_space<vmem>> -> memref<1x128xi32, #tpu.memory_space<vmem>>
    %dma_wait3A_75 = tpu.memref_squeeze %dma_wait3A_74 : memref<1x128xi32, #tpu.memory_space<vmem>> -> memref<128xi32, #tpu.memory_space<vmem>>
    %dma_wait3A_76 = arith.constant 0 : i32
    %dma_wait3A_77 = arith.constant 0 : i32
    %dma_wait3A_78 = tpu.memref_slice %arg2[%dma_wait3A_76, %dma_wait3A_77] : memref<10000x128xf32, #tpu.memory_space<hbm>> -> memref<10000x128xf32, #tpu.memory_space<hbm>>
    %dma_wait3A_79 = tpu.memref_slice %arg9[%dma_wait3A_68] : memref<2x!tpu.dma_semaphore, #tpu.memory_space<semaphore_mem>> -> memref<1x!tpu.dma_semaphore, #tpu.memory_space<semaphore_mem>>
    %dma_wait3A_80 = tpu.memref_squeeze %dma_wait3A_79 : memref<1x!tpu.dma_semaphore, #tpu.memory_space<semaphore_mem>> -> memref<!tpu.dma_semaphore, #tpu.memory_space<semaphore_mem>>
    tpu.wait_indirect_dma semaphore(%dma_wait3A_80 : memref<!tpu.dma_semaphore, #tpu.memory_space<semaphore_mem>>) src(%dma_wait3A_78 : memref<10000x128xf32, #tpu.memory_space<hbm>>) dst(%dma_wait3A_72 : memref<128x128xf32, #tpu.memory_space<vmem>>)
    %run_scoped3A_81 = arith.constant 0 : i32
    %run_scoped3A_82 = arith.constant 38 : i32
    "tpu.region"() ({
      %run_scoped3A_178 = tpu.sem_alloc : memref<!tpu.dma_semaphore, #tpu.memory_space<semaphore_mem>>
      %dma_start3A_179 = arith.constant 0 : i32
      %dma_start3A_180 = arith.constant 0 : i32
      %dma_start3A_181 = tpu.memref_slice %arg8[%run_scoped3A_81, %dma_start3A_179, %dma_start3A_180] : memref<2x128x128xf32, #tpu.memory_space<vmem>> -> memref<1x128x128xf32, #tpu.memory_space<vmem>>
      %dma_start3A_182 = tpu.memref_squeeze %dma_start3A_181 : memref<1x128x128xf32, #tpu.memory_space<vmem>> -> memref<128x128xf32, #tpu.memory_space<vmem>>
      %dma_start3A_183 = arith.constant 0 : i32
      %dma_start3A_184 = tpu.memref_slice %arg7[%run_scoped3A_82, %dma_start3A_183] : memref<40x128xi32, #tpu.memory_space<vmem>> -> memref<1x128xi32, #tpu.memory_space<vmem>>
      %dma_start3A_185 = tpu.memref_squeeze %dma_start3A_184 : memref<1x128xi32, #tpu.memory_space<vmem>> -> memref<128xi32, #tpu.memory_space<vmem>>
      %dma_start3A_186 = arith.constant 0 : i32
      %dma_start3A_187 = arith.constant 0 : i32
      %dma_start3A_188 = tpu.memref_slice %arg5[%dma_start3A_186, %dma_start3A_187] : memref<10240x128xf32, #tpu.memory_space<vmem_shared>> -> memref<10240x128xf32, #tpu.memory_space<vmem_shared>>
      tpu.enqueue_indirect_dma source(%dma_start3A_182 : memref<128x128xf32, #tpu.memory_space<vmem>>) target(%dma_start3A_188 : memref<10240x128xf32, #tpu.memory_space<vmem_shared>>) offsets(%dma_start3A_185 : memref<128xi32, #tpu.memory_space<vmem>>) semaphore(%run_scoped3A_178 : memref<!tpu.dma_semaphore, #tpu.memory_space<semaphore_mem>>) {add = true}
      %dma_wait3A_189 = arith.constant 0 : i32
      %dma_wait3A_190 = arith.constant 0 : i32
      %dma_wait3A_191 = tpu.memref_slice %arg8[%run_scoped3A_81, %dma_wait3A_189, %dma_wait3A_190] : memref<2x128x128xf32, #tpu.memory_space<vmem>> -> memref<1x128x128xf32, #tpu.memory_space<vmem>>
      %dma_wait3A_192 = tpu.memref_squeeze %dma_wait3A_191 : memref<1x128x128xf32, #tpu.memory_space<vmem>> -> memref<128x128xf32, #tpu.memory_space<vmem>>
      %dma_wait3A_193 = arith.constant 0 : i32
      %dma_wait3A_194 = tpu.memref_slice %arg7[%run_scoped3A_82, %dma_wait3A_193] : memref<40x128xi32, #tpu.memory_space<vmem>> -> memref<1x128xi32, #tpu.memory_space<vmem>>
      %dma_wait3A_195 = tpu.memref_squeeze %dma_wait3A_194 : memref<1x128xi32, #tpu.memory_space<vmem>> -> memref<128xi32, #tpu.memory_space<vmem>>
      %dma_wait3A_196 = arith.constant 0 : i32
      %dma_wait3A_197 = arith.constant 0 : i32
      %dma_wait3A_198 = tpu.memref_slice %arg5[%dma_wait3A_196, %dma_wait3A_197] : memref<10240x128xf32, #tpu.memory_space<vmem_shared>> -> memref<10240x128xf32, #tpu.memory_space<vmem_shared>>
      tpu.wait_indirect_dma semaphore(%run_scoped3A_178 : memref<!tpu.dma_semaphore, #tpu.memory_space<semaphore_mem>>) src(%dma_wait3A_192 : memref<128x128xf32, #tpu.memory_space<vmem>>) dst(%dma_wait3A_198 : memref<10240x128xf32, #tpu.memory_space<vmem_shared>>)
      tpu.yield
    }) : () -> ()
    %dma_wait3A_83 = arith.constant 39 : i32
    %dma_wait3A_84 = arith.constant 1 : i32
    %dma_wait3A_85 = arith.constant 1 : i32
    %dma_wait3A_86 = arith.constant 0 : i32
    %dma_wait3A_87 = arith.constant 0 : i32
    %dma_wait3A_88 = tpu.memref_slice %arg8[%dma_wait3A_84, %dma_wait3A_86, %dma_wait3A_87] : memref<2x128x128xf32, #tpu.memory_space<vmem>> -> memref<1x128x128xf32, #tpu.memory_space<vmem>>
    %dma_wait3A_89 = tpu.memref_squeeze %dma_wait3A_88 : memref<1x128x128xf32, #tpu.memory_space<vmem>> -> memref<128x128xf32, #tpu.memory_space<vmem>>
    %dma_wait3A_90 = arith.constant 0 : i32
    %dma_wait3A_91 = tpu.memref_slice %arg6[%dma_wait3A_83, %dma_wait3A_90] : memref<40x128xi32, #tpu.memory_space<vmem>> -> memref<1x128xi32, #tpu.memory_space<vmem>>
    %dma_wait3A_92 = tpu.memref_squeeze %dma_wait3A_91 : memref<1x128xi32, #tpu.memory_space<vmem>> -> memref<128xi32, #tpu.memory_space<vmem>>
    %dma_wait3A_93 = arith.constant 0 : i32
    %dma_wait3A_94 = arith.constant 0 : i32
    %dma_wait3A_95 = tpu.memref_slice %arg2[%dma_wait3A_93, %dma_wait3A_94] : memref<10000x128xf32, #tpu.memory_space<hbm>> -> memref<10000x128xf32, #tpu.memory_space<hbm>>
    %dma_wait3A_96 = tpu.memref_slice %arg9[%dma_wait3A_85] : memref<2x!tpu.dma_semaphore, #tpu.memory_space<semaphore_mem>> -> memref<1x!tpu.dma_semaphore, #tpu.memory_space<semaphore_mem>>
    %dma_wait3A_97 = tpu.memref_squeeze %dma_wait3A_96 : memref<1x!tpu.dma_semaphore, #tpu.memory_space<semaphore_mem>> -> memref<!tpu.dma_semaphore, #tpu.memory_space<semaphore_mem>>
    tpu.wait_indirect_dma semaphore(%dma_wait3A_97 : memref<!tpu.dma_semaphore, #tpu.memory_space<semaphore_mem>>) src(%dma_wait3A_95 : memref<10000x128xf32, #tpu.memory_space<hbm>>) dst(%dma_wait3A_89 : memref<128x128xf32, #tpu.memory_space<vmem>>)
    %run_scoped3A_98 = arith.constant 1 : i32
    %run_scoped3A_99 = arith.constant 39 : i32
    "tpu.region"() ({
      %run_scoped3A_178 = tpu.sem_alloc : memref<!tpu.dma_semaphore, #tpu.memory_space<semaphore_mem>>
      %dma_start3A_179 = arith.constant 0 : i32
      %dma_start3A_180 = arith.constant 0 : i32
      %dma_start3A_181 = tpu.memref_slice %arg8[%run_scoped3A_98, %dma_start3A_179, %dma_start3A_180] : memref<2x128x128xf32, #tpu.memory_space<vmem>> -> memref<1x128x128xf32, #tpu.memory_space<vmem>>
      %dma_start3A_182 = tpu.memref_squeeze %dma_start3A_181 : memref<1x128x128xf32, #tpu.memory_space<vmem>> -> memref<128x128xf32, #tpu.memory_space<vmem>>
      %dma_start3A_183 = arith.constant 0 : i32
      %dma_start3A_184 = tpu.memref_slice %arg7[%run_scoped3A_99, %dma_start3A_183] : memref<40x128xi32, #tpu.memory_space<vmem>> -> memref<1x128xi32, #tpu.memory_space<vmem>>
      %dma_start3A_185 = tpu.memref_squeeze %dma_start3A_184 : memref<1x128xi32, #tpu.memory_space<vmem>> -> memref<128xi32, #tpu.memory_space<vmem>>
      %dma_start3A_186 = arith.constant 0 : i32
      %dma_start3A_187 = arith.constant 0 : i32
      %dma_start3A_188 = tpu.memref_slice %arg5[%dma_start3A_186, %dma_start3A_187] : memref<10240x128xf32, #tpu.memory_space<vmem_shared>> -> memref<10240x128xf32, #tpu.memory_space<vmem_shared>>
      tpu.enqueue_indirect_dma source(%dma_start3A_182 : memref<128x128xf32, #tpu.memory_space<vmem>>) target(%dma_start3A_188 : memref<10240x128xf32, #tpu.memory_space<vmem_shared>>) offsets(%dma_start3A_185 : memref<128xi32, #tpu.memory_space<vmem>>) semaphore(%run_scoped3A_178 : memref<!tpu.dma_semaphore, #tpu.memory_space<semaphore_mem>>) {add = true}
      %dma_wait3A_189 = arith.constant 0 : i32
      %dma_wait3A_190 = arith.constant 0 : i32
      %dma_wait3A_191 = tpu.memref_slice %arg8[%run_scoped3A_98, %dma_wait3A_189, %dma_wait3A_190] : memref<2x128x128xf32, #tpu.memory_space<vmem>> -> memref<1x128x128xf32, #tpu.memory_space<vmem>>
      %dma_wait3A_192 = tpu.memref_squeeze %dma_wait3A_191 : memref<1x128x128xf32, #tpu.memory_space<vmem>> -> memref<128x128xf32, #tpu.memory_space<vmem>>
      %dma_wait3A_193 = arith.constant 0 : i32
      %dma_wait3A_194 = tpu.memref_slice %arg7[%run_scoped3A_99, %dma_wait3A_193] : memref<40x128xi32, #tpu.memory_space<vmem>> -> memref<1x128xi32, #tpu.memory_space<vmem>>
      %dma_wait3A_195 = tpu.memref_squeeze %dma_wait3A_194 : memref<1x128xi32, #tpu.memory_space<vmem>> -> memref<128xi32, #tpu.memory_space<vmem>>
      %dma_wait3A_196 = arith.constant 0 : i32
      %dma_wait3A_197 = arith.constant 0 : i32
      %dma_wait3A_198 = tpu.memref_slice %arg5[%dma_wait3A_196, %dma_wait3A_197] : memref<10240x128xf32, #tpu.memory_space<vmem_shared>> -> memref<10240x128xf32, #tpu.memory_space<vmem_shared>>
      tpu.wait_indirect_dma semaphore(%run_scoped3A_178 : memref<!tpu.dma_semaphore, #tpu.memory_space<semaphore_mem>>) src(%dma_wait3A_192 : memref<128x128xf32, #tpu.memory_space<vmem>>) dst(%dma_wait3A_198 : memref<10240x128xf32, #tpu.memory_space<vmem_shared>>)
      tpu.yield
    }) : () -> ()
    %run_scoped3A_100 = arith.constant 0 : i32
    %run_scoped3A_101 = arith.constant 1 : i32
    "tpu.region"() ({
      %run_scoped3A_178 = tpu.sem_alloc : memref<!tpu.dma_semaphore, #tpu.memory_space<semaphore_mem>>
      %dma_start3A_179 = arith.constant 0 : i32
      %dma_start3A_180 = arith.constant 0 : i32
      %dma_start3A_181 = arith.constant 0 : i32
      %dma_start3A_182 = arith.constant 0 : i32
      %dma_start3A_183 = tpu.memref_slice %arg3[%run_scoped3A_100, %dma_start3A_179, %dma_start3A_180, %dma_start3A_181, %dma_start3A_182] : memref<2x32x2x40x128xi32, #tpu.memory_space<hbm>> -> memref<1x32x2x40x128xi32, #tpu.memory_space<hbm>>
      %dma_start3A_184 = tpu.memref_squeeze %dma_start3A_183 : memref<1x32x2x40x128xi32, #tpu.memory_space<hbm>> -> memref<32x2x40x128xi32, #tpu.memory_space<hbm>>
      %dma_start3A_185 = arith.constant 0 : i32
      %dma_start3A_186 = arith.constant 0 : i32
      %dma_start3A_187 = arith.constant 0 : i32
      %dma_start3A_188 = tpu.memref_slice %dma_start3A_184[%add3A, %dma_start3A_185, %dma_start3A_186, %dma_start3A_187] : memref<32x2x40x128xi32, #tpu.memory_space<hbm>> -> memref<1x2x40x128xi32, #tpu.memory_space<hbm>>
      %dma_start3A_189 = tpu.memref_squeeze %dma_start3A_188 : memref<1x2x40x128xi32, #tpu.memory_space<hbm>> -> memref<2x40x128xi32, #tpu.memory_space<hbm>>
      %dma_start3A_190 = arith.constant 0 : i32
      %dma_start3A_191 = arith.constant 0 : i32
      %dma_start3A_192 = tpu.memref_slice %dma_start3A_189[%run_scoped3A_101, %dma_start3A_190, %dma_start3A_191] : memref<2x40x128xi32, #tpu.memory_space<hbm>> -> memref<1x40x128xi32, #tpu.memory_space<hbm>>
      %dma_start3A_193 = tpu.memref_squeeze %dma_start3A_192 : memref<1x40x128xi32, #tpu.memory_space<hbm>> -> memref<40x128xi32, #tpu.memory_space<hbm>>
      %dma_start3A_194 = arith.constant 0 : i32
      %dma_start3A_195 = arith.constant 0 : i32
      %dma_start3A_196 = arith.constant 0 : i32
      %dma_start3A_197 = arith.constant 0 : i32
      %dma_start3A_198 = tpu.memref_slice %arg3[%run_scoped3A_100, %dma_start3A_194, %dma_start3A_195, %dma_start3A_196, %dma_start3A_197] : memref<2x32x2x40x128xi32, #tpu.memory_space<hbm>> -> memref<1x32x2x40x128xi32, #tpu.memory_space<hbm>>
      %dma_start3A_199 = tpu.memref_squeeze %dma_start3A_198 : memref<1x32x2x40x128xi32, #tpu.memory_space<hbm>> -> memref<32x2x40x128xi32, #tpu.memory_space<hbm>>
      %dma_start3A_200 = arith.constant 0 : i32
      %dma_start3A_201 = arith.constant 0 : i32
      %dma_start3A_202 = arith.constant 0 : i32
      %dma_start3A_203 = tpu.memref_slice %dma_start3A_199[%add3A, %dma_start3A_200, %dma_start3A_201, %dma_start3A_202] : memref<32x2x40x128xi32, #tpu.memory_space<hbm>> -> memref<1x2x40x128xi32, #tpu.memory_space<hbm>>
      %dma_start3A_204 = tpu.memref_squeeze %dma_start3A_203 : memref<1x2x40x128xi32, #tpu.memory_space<hbm>> -> memref<2x40x128xi32, #tpu.memory_space<hbm>>
      %dma_start3A_205 = arith.constant 0 : i32
      %dma_start3A_206 = arith.constant 0 : i32
      %dma_start3A_207 = tpu.memref_slice %dma_start3A_204[%run_scoped3A_101, %dma_start3A_205, %dma_start3A_206] : memref<2x40x128xi32, #tpu.memory_space<hbm>> -> memref<1x40x128xi32, #tpu.memory_space<hbm>>
      %dma_start3A_208 = tpu.memref_squeeze %dma_start3A_207 : memref<1x40x128xi32, #tpu.memory_space<hbm>> -> memref<40x128xi32, #tpu.memory_space<hbm>>
      tpu.enqueue_dma source(%dma_start3A_208 : memref<40x128xi32, #tpu.memory_space<hbm>>) target(%arg6 : memref<40x128xi32, #tpu.memory_space<vmem>>) target_semaphore(%run_scoped3A_178 : memref<!tpu.dma_semaphore, #tpu.memory_space<semaphore_mem>>)
      %dma_wait3A_209 = arith.constant 0 : i32
      %dma_wait3A_210 = arith.constant 0 : i32
      %dma_wait3A_211 = arith.constant 0 : i32
      %dma_wait3A_212 = arith.constant 0 : i32
      %dma_wait3A_213 = tpu.memref_slice %arg3[%run_scoped3A_100, %dma_wait3A_209, %dma_wait3A_210, %dma_wait3A_211, %dma_wait3A_212] : memref<2x32x2x40x128xi32, #tpu.memory_space<hbm>> -> memref<1x32x2x40x128xi32, #tpu.memory_space<hbm>>
      %dma_wait3A_214 = tpu.memref_squeeze %dma_wait3A_213 : memref<1x32x2x40x128xi32, #tpu.memory_space<hbm>> -> memref<32x2x40x128xi32, #tpu.memory_space<hbm>>
      %dma_wait3A_215 = arith.constant 0 : i32
      %dma_wait3A_216 = arith.constant 0 : i32
      %dma_wait3A_217 = arith.constant 0 : i32
      %dma_wait3A_218 = tpu.memref_slice %dma_wait3A_214[%add3A, %dma_wait3A_215, %dma_wait3A_216, %dma_wait3A_217] : memref<32x2x40x128xi32, #tpu.memory_space<hbm>> -> memref<1x2x40x128xi32, #tpu.memory_space<hbm>>
      %dma_wait3A_219 = tpu.memref_squeeze %dma_wait3A_218 : memref<1x2x40x128xi32, #tpu.memory_space<hbm>> -> memref<2x40x128xi32, #tpu.memory_space<hbm>>
      %dma_wait3A_220 = arith.constant 0 : i32
      %dma_wait3A_221 = arith.constant 0 : i32
      %dma_wait3A_222 = tpu.memref_slice %dma_wait3A_219[%run_scoped3A_101, %dma_wait3A_220, %dma_wait3A_221] : memref<2x40x128xi32, #tpu.memory_space<hbm>> -> memref<1x40x128xi32, #tpu.memory_space<hbm>>
      %dma_wait3A_223 = tpu.memref_squeeze %dma_wait3A_222 : memref<1x40x128xi32, #tpu.memory_space<hbm>> -> memref<40x128xi32, #tpu.memory_space<hbm>>
      %dma_wait3A_224 = arith.constant 0 : i32
      %dma_wait3A_225 = arith.constant 0 : i32
      %dma_wait3A_226 = arith.constant 0 : i32
      %dma_wait3A_227 = arith.constant 0 : i32
      %dma_wait3A_228 = tpu.memref_slice %arg3[%run_scoped3A_100, %dma_wait3A_224, %dma_wait3A_225, %dma_wait3A_226, %dma_wait3A_227] : memref<2x32x2x40x128xi32, #tpu.memory_space<hbm>> -> memref<1x32x2x40x128xi32, #tpu.memory_space<hbm>>
      %dma_wait3A_229 = tpu.memref_squeeze %dma_wait3A_228 : memref<1x32x2x40x128xi32, #tpu.memory_space<hbm>> -> memref<32x2x40x128xi32, #tpu.memory_space<hbm>>
      %dma_wait3A_230 = arith.constant 0 : i32
      %dma_wait3A_231 = arith.constant 0 : i32
      %dma_wait3A_232 = arith.constant 0 : i32
      %dma_wait3A_233 = tpu.memref_slice %dma_wait3A_229[%add3A, %dma_wait3A_230, %dma_wait3A_231, %dma_wait3A_232] : memref<32x2x40x128xi32, #tpu.memory_space<hbm>> -> memref<1x2x40x128xi32, #tpu.memory_space<hbm>>
      %dma_wait3A_234 = tpu.memref_squeeze %dma_wait3A_233 : memref<1x2x40x128xi32, #tpu.memory_space<hbm>> -> memref<2x40x128xi32, #tpu.memory_space<hbm>>
      %dma_wait3A_235 = arith.constant 0 : i32
      %dma_wait3A_236 = arith.constant 0 : i32
      %dma_wait3A_237 = tpu.memref_slice %dma_wait3A_234[%run_scoped3A_101, %dma_wait3A_235, %dma_wait3A_236] : memref<2x40x128xi32, #tpu.memory_space<hbm>> -> memref<1x40x128xi32, #tpu.memory_space<hbm>>
      %dma_wait3A_238 = tpu.memref_squeeze %dma_wait3A_237 : memref<1x40x128xi32, #tpu.memory_space<hbm>> -> memref<40x128xi32, #tpu.memory_space<hbm>>
      tpu.wait_dma2 semaphore(%run_scoped3A_178 : memref<!tpu.dma_semaphore, #tpu.memory_space<semaphore_mem>>) src(%dma_wait3A_238 : memref<40x128xi32, #tpu.memory_space<hbm>>) dst(%arg6 : memref<40x128xi32, #tpu.memory_space<vmem>>)
      tpu.yield
    }) : () -> ()
    %run_scoped3A_102 = arith.constant 1 : i32
    %run_scoped3A_103 = arith.constant 1 : i32
    "tpu.region"() ({
      %run_scoped3A_178 = tpu.sem_alloc : memref<!tpu.dma_semaphore, #tpu.memory_space<semaphore_mem>>
      %dma_start3A_179 = arith.constant 0 : i32
      %dma_start3A_180 = arith.constant 0 : i32
      %dma_start3A_181 = arith.constant 0 : i32
      %dma_start3A_182 = arith.constant 0 : i32
      %dma_start3A_183 = tpu.memref_slice %arg3[%run_scoped3A_102, %dma_start3A_179, %dma_start3A_180, %dma_start3A_181, %dma_start3A_182] : memref<2x32x2x40x128xi32, #tpu.memory_space<hbm>> -> memref<1x32x2x40x128xi32, #tpu.memory_space<hbm>>
      %dma_start3A_184 = tpu.memref_squeeze %dma_start3A_183 : memref<1x32x2x40x128xi32, #tpu.memory_space<hbm>> -> memref<32x2x40x128xi32, #tpu.memory_space<hbm>>
      %dma_start3A_185 = arith.constant 0 : i32
      %dma_start3A_186 = arith.constant 0 : i32
      %dma_start3A_187 = arith.constant 0 : i32
      %dma_start3A_188 = tpu.memref_slice %dma_start3A_184[%add3A, %dma_start3A_185, %dma_start3A_186, %dma_start3A_187] : memref<32x2x40x128xi32, #tpu.memory_space<hbm>> -> memref<1x2x40x128xi32, #tpu.memory_space<hbm>>
      %dma_start3A_189 = tpu.memref_squeeze %dma_start3A_188 : memref<1x2x40x128xi32, #tpu.memory_space<hbm>> -> memref<2x40x128xi32, #tpu.memory_space<hbm>>
      %dma_start3A_190 = arith.constant 0 : i32
      %dma_start3A_191 = arith.constant 0 : i32
      %dma_start3A_192 = tpu.memref_slice %dma_start3A_189[%run_scoped3A_103, %dma_start3A_190, %dma_start3A_191] : memref<2x40x128xi32, #tpu.memory_space<hbm>> -> memref<1x40x128xi32, #tpu.memory_space<hbm>>
      %dma_start3A_193 = tpu.memref_squeeze %dma_start3A_192 : memref<1x40x128xi32, #tpu.memory_space<hbm>> -> memref<40x128xi32, #tpu.memory_space<hbm>>
      %dma_start3A_194 = arith.constant 0 : i32
      %dma_start3A_195 = arith.constant 0 : i32
      %dma_start3A_196 = arith.constant 0 : i32
      %dma_start3A_197 = arith.constant 0 : i32
      %dma_start3A_198 = tpu.memref_slice %arg3[%run_scoped3A_102, %dma_start3A_194, %dma_start3A_195, %dma_start3A_196, %dma_start3A_197] : memref<2x32x2x40x128xi32, #tpu.memory_space<hbm>> -> memref<1x32x2x40x128xi32, #tpu.memory_space<hbm>>
      %dma_start3A_199 = tpu.memref_squeeze %dma_start3A_198 : memref<1x32x2x40x128xi32, #tpu.memory_space<hbm>> -> memref<32x2x40x128xi32, #tpu.memory_space<hbm>>
      %dma_start3A_200 = arith.constant 0 : i32
      %dma_start3A_201 = arith.constant 0 : i32
      %dma_start3A_202 = arith.constant 0 : i32
      %dma_start3A_203 = tpu.memref_slice %dma_start3A_199[%add3A, %dma_start3A_200, %dma_start3A_201, %dma_start3A_202] : memref<32x2x40x128xi32, #tpu.memory_space<hbm>> -> memref<1x2x40x128xi32, #tpu.memory_space<hbm>>
      %dma_start3A_204 = tpu.memref_squeeze %dma_start3A_203 : memref<1x2x40x128xi32, #tpu.memory_space<hbm>> -> memref<2x40x128xi32, #tpu.memory_space<hbm>>
      %dma_start3A_205 = arith.constant 0 : i32
      %dma_start3A_206 = arith.constant 0 : i32
      %dma_start3A_207 = tpu.memref_slice %dma_start3A_204[%run_scoped3A_103, %dma_start3A_205, %dma_start3A_206] : memref<2x40x128xi32, #tpu.memory_space<hbm>> -> memref<1x40x128xi32, #tpu.memory_space<hbm>>
      %dma_start3A_208 = tpu.memref_squeeze %dma_start3A_207 : memref<1x40x128xi32, #tpu.memory_space<hbm>> -> memref<40x128xi32, #tpu.memory_space<hbm>>
      tpu.enqueue_dma source(%dma_start3A_208 : memref<40x128xi32, #tpu.memory_space<hbm>>) target(%arg7 : memref<40x128xi32, #tpu.memory_space<vmem>>) target_semaphore(%run_scoped3A_178 : memref<!tpu.dma_semaphore, #tpu.memory_space<semaphore_mem>>)
      %dma_wait3A_209 = arith.constant 0 : i32
      %dma_wait3A_210 = arith.constant 0 : i32
      %dma_wait3A_211 = arith.constant 0 : i32
      %dma_wait3A_212 = arith.constant 0 : i32
      %dma_wait3A_213 = tpu.memref_slice %arg3[%run_scoped3A_102, %dma_wait3A_209, %dma_wait3A_210, %dma_wait3A_211, %dma_wait3A_212] : memref<2x32x2x40x128xi32, #tpu.memory_space<hbm>> -> memref<1x32x2x40x128xi32, #tpu.memory_space<hbm>>
      %dma_wait3A_214 = tpu.memref_squeeze %dma_wait3A_213 : memref<1x32x2x40x128xi32, #tpu.memory_space<hbm>> -> memref<32x2x40x128xi32, #tpu.memory_space<hbm>>
      %dma_wait3A_215 = arith.constant 0 : i32
      %dma_wait3A_216 = arith.constant 0 : i32
      %dma_wait3A_217 = arith.constant 0 : i32
      %dma_wait3A_218 = tpu.memref_slice %dma_wait3A_214[%add3A, %dma_wait3A_215, %dma_wait3A_216, %dma_wait3A_217] : memref<32x2x40x128xi32, #tpu.memory_space<hbm>> -> memref<1x2x40x128xi32, #tpu.memory_space<hbm>>
      %dma_wait3A_219 = tpu.memref_squeeze %dma_wait3A_218 : memref<1x2x40x128xi32, #tpu.memory_space<hbm>> -> memref<2x40x128xi32, #tpu.memory_space<hbm>>
      %dma_wait3A_220 = arith.constant 0 : i32
      %dma_wait3A_221 = arith.constant 0 : i32
      %dma_wait3A_222 = tpu.memref_slice %dma_wait3A_219[%run_scoped3A_103, %dma_wait3A_220, %dma_wait3A_221] : memref<2x40x128xi32, #tpu.memory_space<hbm>> -> memref<1x40x128xi32, #tpu.memory_space<hbm>>
      %dma_wait3A_223 = tpu.memref_squeeze %dma_wait3A_222 : memref<1x40x128xi32, #tpu.memory_space<hbm>> -> memref<40x128xi32, #tpu.memory_space<hbm>>
      %dma_wait3A_224 = arith.constant 0 : i32
      %dma_wait3A_225 = arith.constant 0 : i32
      %dma_wait3A_226 = arith.constant 0 : i32
      %dma_wait3A_227 = arith.constant 0 : i32
      %dma_wait3A_228 = tpu.memref_slice %arg3[%run_scoped3A_102, %dma_wait3A_224, %dma_wait3A_225, %dma_wait3A_226, %dma_wait3A_227] : memref<2x32x2x40x128xi32, #tpu.memory_space<hbm>> -> memref<1x32x2x40x128xi32, #tpu.memory_space<hbm>>
      %dma_wait3A_229 = tpu.memref_squeeze %dma_wait3A_228 : memref<1x32x2x40x128xi32, #tpu.memory_space<hbm>> -> memref<32x2x40x128xi32, #tpu.memory_space<hbm>>
      %dma_wait3A_230 = arith.constant 0 : i32
      %dma_wait3A_231 = arith.constant 0 : i32
      %dma_wait3A_232 = arith.constant 0 : i32
      %dma_wait3A_233 = tpu.memref_slice %dma_wait3A_229[%add3A, %dma_wait3A_230, %dma_wait3A_231, %dma_wait3A_232] : memref<32x2x40x128xi32, #tpu.memory_space<hbm>> -> memref<1x2x40x128xi32, #tpu.memory_space<hbm>>
      %dma_wait3A_234 = tpu.memref_squeeze %dma_wait3A_233 : memref<1x2x40x128xi32, #tpu.memory_space<hbm>> -> memref<2x40x128xi32, #tpu.memory_space<hbm>>
      %dma_wait3A_235 = arith.constant 0 : i32
      %dma_wait3A_236 = arith.constant 0 : i32
      %dma_wait3A_237 = tpu.memref_slice %dma_wait3A_234[%run_scoped3A_103, %dma_wait3A_235, %dma_wait3A_236] : memref<2x40x128xi32, #tpu.memory_space<hbm>> -> memref<1x40x128xi32, #tpu.memory_space<hbm>>
      %dma_wait3A_238 = tpu.memref_squeeze %dma_wait3A_237 : memref<1x40x128xi32, #tpu.memory_space<hbm>> -> memref<40x128xi32, #tpu.memory_space<hbm>>
      tpu.wait_dma2 semaphore(%run_scoped3A_178 : memref<!tpu.dma_semaphore, #tpu.memory_space<semaphore_mem>>) src(%dma_wait3A_238 : memref<40x128xi32, #tpu.memory_space<hbm>>) dst(%arg7 : memref<40x128xi32, #tpu.memory_space<vmem>>)
      tpu.yield
    }) : () -> ()
    %dma_start3A_104 = arith.constant 0 : i32
    %dma_start3A_105 = arith.constant 0 : i32
    %dma_start3A_106 = arith.constant 0 : i32
    %dma_start3A_107 = arith.constant 0 : i32
    %dma_start3A_108 = arith.constant 0 : i32
    %dma_start3A_109 = tpu.memref_slice %arg8[%dma_start3A_105, %dma_start3A_107, %dma_start3A_108] : memref<2x128x128xf32, #tpu.memory_space<vmem>> -> memref<1x128x128xf32, #tpu.memory_space<vmem>>
    %dma_start3A_110 = tpu.memref_squeeze %dma_start3A_109 : memref<1x128x128xf32, #tpu.memory_space<vmem>> -> memref<128x128xf32, #tpu.memory_space<vmem>>
    %dma_start3A_111 = arith.constant 0 : i32
    %dma_start3A_112 = tpu.memref_slice %arg6[%dma_start3A_104, %dma_start3A_111] : memref<40x128xi32, #tpu.memory_space<vmem>> -> memref<1x128xi32, #tpu.memory_space<vmem>>
    %dma_start3A_113 = tpu.memref_squeeze %dma_start3A_112 : memref<1x128xi32, #tpu.memory_space<vmem>> -> memref<128xi32, #tpu.memory_space<vmem>>
    %dma_start3A_114 = arith.constant 0 : i32
    %dma_start3A_115 = arith.constant 0 : i32
    %dma_start3A_116 = tpu.memref_slice %arg2[%dma_start3A_114, %dma_start3A_115] : memref<10000x128xf32, #tpu.memory_space<hbm>> -> memref<10000x128xf32, #tpu.memory_space<hbm>>
    %dma_start3A_117 = tpu.memref_slice %arg9[%dma_start3A_106] : memref<2x!tpu.dma_semaphore, #tpu.memory_space<semaphore_mem>> -> memref<1x!tpu.dma_semaphore, #tpu.memory_space<semaphore_mem>>
    %dma_start3A_118 = tpu.memref_squeeze %dma_start3A_117 : memref<1x!tpu.dma_semaphore, #tpu.memory_space<semaphore_mem>> -> memref<!tpu.dma_semaphore, #tpu.memory_space<semaphore_mem>>
    tpu.enqueue_indirect_dma source(%dma_start3A_116 : memref<10000x128xf32, #tpu.memory_space<hbm>>) target(%dma_start3A_110 : memref<128x128xf32, #tpu.memory_space<vmem>>) offsets(%dma_start3A_113 : memref<128xi32, #tpu.memory_space<vmem>>) semaphore(%dma_start3A_118 : memref<!tpu.dma_semaphore, #tpu.memory_space<semaphore_mem>>)
    %dma_start3A_119 = arith.constant 1 : i32
    %dma_start3A_120 = arith.constant 1 : i32
    %dma_start3A_121 = arith.constant 1 : i32
    %dma_start3A_122 = arith.constant 0 : i32
    %dma_start3A_123 = arith.constant 0 : i32
    %dma_start3A_124 = tpu.memref_slice %arg8[%dma_start3A_120, %dma_start3A_122, %dma_start3A_123] : memref<2x128x128xf32, #tpu.memory_space<vmem>> -> memref<1x128x128xf32, #tpu.memory_space<vmem>>
    %dma_start3A_125 = tpu.memref_squeeze %dma_start3A_124 : memref<1x128x128xf32, #tpu.memory_space<vmem>> -> memref<128x128xf32, #tpu.memory_space<vmem>>
    %dma_start3A_126 = arith.constant 0 : i32
    %dma_start3A_127 = tpu.memref_slice %arg6[%dma_start3A_119, %dma_start3A_126] : memref<40x128xi32, #tpu.memory_space<vmem>> -> memref<1x128xi32, #tpu.memory_space<vmem>>
    %dma_start3A_128 = tpu.memref_squeeze %dma_start3A_127 : memref<1x128xi32, #tpu.memory_space<vmem>> -> memref<128xi32, #tpu.memory_space<vmem>>
    %dma_start3A_129 = arith.constant 0 : i32
    %dma_start3A_130 = arith.constant 0 : i32
    %dma_start3A_131 = tpu.memref_slice %arg2[%dma_start3A_129, %dma_start3A_130] : memref<10000x128xf32, #tpu.memory_space<hbm>> -> memref<10000x128xf32, #tpu.memory_space<hbm>>
    %dma_start3A_132 = tpu.memref_slice %arg9[%dma_start3A_121] : memref<2x!tpu.dma_semaphore, #tpu.memory_space<semaphore_mem>> -> memref<1x!tpu.dma_semaphore, #tpu.memory_space<semaphore_mem>>
    %dma_start3A_133 = tpu.memref_squeeze %dma_start3A_132 : memref<1x!tpu.dma_semaphore, #tpu.memory_space<semaphore_mem>> -> memref<!tpu.dma_semaphore, #tpu.memory_space<semaphore_mem>>
    tpu.enqueue_indirect_dma source(%dma_start3A_131 : memref<10000x128xf32, #tpu.memory_space<hbm>>) target(%dma_start3A_125 : memref<128x128xf32, #tpu.memory_space<vmem>>) offsets(%dma_start3A_128 : memref<128xi32, #tpu.memory_space<vmem>>) semaphore(%dma_start3A_133 : memref<!tpu.dma_semaphore, #tpu.memory_space<semaphore_mem>>)
    %scan3A_134 = arith.constant 0 : i32
    %scan3A_135 = arith.constant 19 : i32
    %scan3A_136 = arith.addi %scan3A_134, %scan3A_135 : i32
    %scan3A_137 = arith.constant 1 : i32
    scf.for %scan3A_178 = %scan3A_134 to %scan3A_136 step %scan3A_137  : i32 {
      %mul3A_179 = arith.constant 2 : i32
      %mul3A_180 = arith.muli %scan3A_178, %mul3A_179 : i32
      %add3A_181 = arith.constant 0 : i32
      %add3A_182 = arith.addi %add3A_181, %mul3A_180 : i32
      %add3A_183 = arith.constant 0 : i32
      %add3A_184 = arith.addi %add3A_182, %add3A_183 : i32
      %dma_wait3A_185 = arith.constant 0 : i32
      %dma_wait3A_186 = arith.constant 0 : i32
      %dma_wait3A_187 = arith.constant 0 : i32
      %dma_wait3A_188 = arith.constant 0 : i32
      %dma_wait3A_189 = tpu.memref_slice %arg8[%dma_wait3A_185, %dma_wait3A_187, %dma_wait3A_188] : memref<2x128x128xf32, #tpu.memory_space<vmem>> -> memref<1x128x128xf32, #tpu.memory_space<vmem>>
      %dma_wait3A_190 = tpu.memref_squeeze %dma_wait3A_189 : memref<1x128x128xf32, #tpu.memory_space<vmem>> -> memref<128x128xf32, #tpu.memory_space<vmem>>
      %dma_wait3A_191 = arith.constant 0 : i32
      %dma_wait3A_192 = tpu.memref_slice %arg6[%add3A_184, %dma_wait3A_191] : memref<40x128xi32, #tpu.memory_space<vmem>> -> memref<1x128xi32, #tpu.memory_space<vmem>>
      %dma_wait3A_193 = tpu.memref_squeeze %dma_wait3A_192 : memref<1x128xi32, #tpu.memory_space<vmem>> -> memref<128xi32, #tpu.memory_space<vmem>>
      %dma_wait3A_194 = arith.constant 0 : i32
      %dma_wait3A_195 = arith.constant 0 : i32
      %dma_wait3A_196 = tpu.memref_slice %arg2[%dma_wait3A_194, %dma_wait3A_195] : memref<10000x128xf32, #tpu.memory_space<hbm>> -> memref<10000x128xf32, #tpu.memory_space<hbm>>
      %dma_wait3A_197 = tpu.memref_slice %arg9[%dma_wait3A_186] : memref<2x!tpu.dma_semaphore, #tpu.memory_space<semaphore_mem>> -> memref<1x!tpu.dma_semaphore, #tpu.memory_space<semaphore_mem>>
      %dma_wait3A_198 = tpu.memref_squeeze %dma_wait3A_197 : memref<1x!tpu.dma_semaphore, #tpu.memory_space<semaphore_mem>> -> memref<!tpu.dma_semaphore, #tpu.memory_space<semaphore_mem>>
      tpu.wait_indirect_dma semaphore(%dma_wait3A_198 : memref<!tpu.dma_semaphore, #tpu.memory_space<semaphore_mem>>) src(%dma_wait3A_196 : memref<10000x128xf32, #tpu.memory_space<hbm>>) dst(%dma_wait3A_190 : memref<128x128xf32, #tpu.memory_space<vmem>>)
      %run_scoped3A_199 = arith.constant 0 : i32
      "tpu.region"() ({
        %run_scoped3A_249 = tpu.sem_alloc : memref<!tpu.dma_semaphore, #tpu.memory_space<semaphore_mem>>
        %dma_start3A_250 = arith.constant 0 : i32
        %dma_start3A_251 = arith.constant 0 : i32
        %dma_start3A_252 = tpu.memref_slice %arg8[%run_scoped3A_199, %dma_start3A_250, %dma_start3A_251] : memref<2x128x128xf32, #tpu.memory_space<vmem>> -> memref<1x128x128xf32, #tpu.memory_space<vmem>>
        %dma_start3A_253 = tpu.memref_squeeze %dma_start3A_252 : memref<1x128x128xf32, #tpu.memory_space<vmem>> -> memref<128x128xf32, #tpu.memory_space<vmem>>
        %dma_start3A_254 = arith.constant 0 : i32
        %dma_start3A_255 = tpu.memref_slice %arg7[%add3A_184, %dma_start3A_254] : memref<40x128xi32, #tpu.memory_space<vmem>> -> memref<1x128xi32, #tpu.memory_space<vmem>>
        %dma_start3A_256 = tpu.memref_squeeze %dma_start3A_255 : memref<1x128xi32, #tpu.memory_space<vmem>> -> memref<128xi32, #tpu.memory_space<vmem>>
        %dma_start3A_257 = arith.constant 0 : i32
        %dma_start3A_258 = arith.constant 0 : i32
        %dma_start3A_259 = tpu.memref_slice %arg5[%dma_start3A_257, %dma_start3A_258] : memref<10240x128xf32, #tpu.memory_space<vmem_shared>> -> memref<10240x128xf32, #tpu.memory_space<vmem_shared>>
        tpu.enqueue_indirect_dma source(%dma_start3A_253 : memref<128x128xf32, #tpu.memory_space<vmem>>) target(%dma_start3A_259 : memref<10240x128xf32, #tpu.memory_space<vmem_shared>>) offsets(%dma_start3A_256 : memref<128xi32, #tpu.memory_space<vmem>>) semaphore(%run_scoped3A_249 : memref<!tpu.dma_semaphore, #tpu.memory_space<semaphore_mem>>) {add = true}
        %dma_wait3A_260 = arith.constant 0 : i32
        %dma_wait3A_261 = arith.constant 0 : i32
        %dma_wait3A_262 = tpu.memref_slice %arg8[%run_scoped3A_199, %dma_wait3A_260, %dma_wait3A_261] : memref<2x128x128xf32, #tpu.memory_space<vmem>> -> memref<1x128x128xf32, #tpu.memory_space<vmem>>
        %dma_wait3A_263 = tpu.memref_squeeze %dma_wait3A_262 : memref<1x128x128xf32, #tpu.memory_space<vmem>> -> memref<128x128xf32, #tpu.memory_space<vmem>>
        %dma_wait3A_264 = arith.constant 0 : i32
        %dma_wait3A_265 = tpu.memref_slice %arg7[%add3A_184, %dma_wait3A_264] : memref<40x128xi32, #tpu.memory_space<vmem>> -> memref<1x128xi32, #tpu.memory_space<vmem>>
        %dma_wait3A_266 = tpu.memref_squeeze %dma_wait3A_265 : memref<1x128xi32, #tpu.memory_space<vmem>> -> memref<128xi32, #tpu.memory_space<vmem>>
        %dma_wait3A_267 = arith.constant 0 : i32
        %dma_wait3A_268 = arith.constant 0 : i32
        %dma_wait3A_269 = tpu.memref_slice %arg5[%dma_wait3A_267, %dma_wait3A_268] : memref<10240x128xf32, #tpu.memory_space<vmem_shared>> -> memref<10240x128xf32, #tpu.memory_space<vmem_shared>>
        tpu.wait_indirect_dma semaphore(%run_scoped3A_249 : memref<!tpu.dma_semaphore, #tpu.memory_space<semaphore_mem>>) src(%dma_wait3A_263 : memref<128x128xf32, #tpu.memory_space<vmem>>) dst(%dma_wait3A_269 : memref<10240x128xf32, #tpu.memory_space<vmem_shared>>)
        tpu.yield
      }) : () -> ()
      %add3A_200 = arith.constant 2 : i32
      %add3A_201 = arith.addi %add3A_184, %add3A_200 : i32
      %dma_start3A_202 = arith.constant 0 : i32
      %dma_start3A_203 = arith.constant 0 : i32
      %dma_start3A_204 = arith.constant 0 : i32
      %dma_start3A_205 = arith.constant 0 : i32
      %dma_start3A_206 = tpu.memref_slice %arg8[%dma_start3A_202, %dma_start3A_204, %dma_start3A_205] : memref<2x128x128xf32, #tpu.memory_space<vmem>> -> memref<1x128x128xf32, #tpu.memory_space<vmem>>
      %dma_start3A_207 = tpu.memref_squeeze %dma_start3A_206 : memref<1x128x128xf32, #tpu.memory_space<vmem>> -> memref<128x128xf32, #tpu.memory_space<vmem>>
      %dma_start3A_208 = arith.constant 0 : i32
      %dma_start3A_209 = tpu.memref_slice %arg6[%add3A_201, %dma_start3A_208] : memref<40x128xi32, #tpu.memory_space<vmem>> -> memref<1x128xi32, #tpu.memory_space<vmem>>
      %dma_start3A_210 = tpu.memref_squeeze %dma_start3A_209 : memref<1x128xi32, #tpu.memory_space<vmem>> -> memref<128xi32, #tpu.memory_space<vmem>>
      %dma_start3A_211 = arith.constant 0 : i32
      %dma_start3A_212 = arith.constant 0 : i32
      %dma_start3A_213 = tpu.memref_slice %arg2[%dma_start3A_211, %dma_start3A_212] : memref<10000x128xf32, #tpu.memory_space<hbm>> -> memref<10000x128xf32, #tpu.memory_space<hbm>>
      %dma_start3A_214 = tpu.memref_slice %arg9[%dma_start3A_203] : memref<2x!tpu.dma_semaphore, #tpu.memory_space<semaphore_mem>> -> memref<1x!tpu.dma_semaphore, #tpu.memory_space<semaphore_mem>>
      %dma_start3A_215 = tpu.memref_squeeze %dma_start3A_214 : memref<1x!tpu.dma_semaphore, #tpu.memory_space<semaphore_mem>> -> memref<!tpu.dma_semaphore, #tpu.memory_space<semaphore_mem>>
      tpu.enqueue_indirect_dma source(%dma_start3A_213 : memref<10000x128xf32, #tpu.memory_space<hbm>>) target(%dma_start3A_207 : memref<128x128xf32, #tpu.memory_space<vmem>>) offsets(%dma_start3A_210 : memref<128xi32, #tpu.memory_space<vmem>>) semaphore(%dma_start3A_215 : memref<!tpu.dma_semaphore, #tpu.memory_space<semaphore_mem>>)
      %add3A_216 = arith.constant 1 : i32
      %add3A_217 = arith.addi %add3A_182, %add3A_216 : i32
      %dma_wait3A_218 = arith.constant 1 : i32
      %dma_wait3A_219 = arith.constant 1 : i32
      %dma_wait3A_220 = arith.constant 0 : i32
      %dma_wait3A_221 = arith.constant 0 : i32
      %dma_wait3A_222 = tpu.memref_slice %arg8[%dma_wait3A_218, %dma_wait3A_220, %dma_wait3A_221] : memref<2x128x128xf32, #tpu.memory_space<vmem>> -> memref<1x128x128xf32, #tpu.memory_space<vmem>>
      %dma_wait3A_223 = tpu.memref_squeeze %dma_wait3A_222 : memref<1x128x128xf32, #tpu.memory_space<vmem>> -> memref<128x128xf32, #tpu.memory_space<vmem>>
      %dma_wait3A_224 = arith.constant 0 : i32
      %dma_wait3A_225 = tpu.memref_slice %arg6[%add3A_217, %dma_wait3A_224] : memref<40x128xi32, #tpu.memory_space<vmem>> -> memref<1x128xi32, #tpu.memory_space<vmem>>
      %dma_wait3A_226 = tpu.memref_squeeze %dma_wait3A_225 : memref<1x128xi32, #tpu.memory_space<vmem>> -> memref<128xi32, #tpu.memory_space<vmem>>
      %dma_wait3A_227 = arith.constant 0 : i32
      %dma_wait3A_228 = arith.constant 0 : i32
      %dma_wait3A_229 = tpu.memref_slice %arg2[%dma_wait3A_227, %dma_wait3A_228] : memref<10000x128xf32, #tpu.memory_space<hbm>> -> memref<10000x128xf32, #tpu.memory_space<hbm>>
      %dma_wait3A_230 = tpu.memref_slice %arg9[%dma_wait3A_219] : memref<2x!tpu.dma_semaphore, #tpu.memory_space<semaphore_mem>> -> memref<1x!tpu.dma_semaphore, #tpu.memory_space<semaphore_mem>>
      %dma_wait3A_231 = tpu.memref_squeeze %dma_wait3A_230 : memref<1x!tpu.dma_semaphore, #tpu.memory_space<semaphore_mem>> -> memref<!tpu.dma_semaphore, #tpu.memory_space<semaphore_mem>>
      tpu.wait_indirect_dma semaphore(%dma_wait3A_231 : memref<!tpu.dma_semaphore, #tpu.memory_space<semaphore_mem>>) src(%dma_wait3A_229 : memref<10000x128xf32, #tpu.memory_space<hbm>>) dst(%dma_wait3A_223 : memref<128x128xf32, #tpu.memory_space<vmem>>)
      %run_scoped3A_232 = arith.constant 1 : i32
      "tpu.region"() ({
        %run_scoped3A_249 = tpu.sem_alloc : memref<!tpu.dma_semaphore, #tpu.memory_space<semaphore_mem>>
        %dma_start3A_250 = arith.constant 0 : i32
        %dma_start3A_251 = arith.constant 0 : i32
        %dma_start3A_252 = tpu.memref_slice %arg8[%run_scoped3A_232, %dma_start3A_250, %dma_start3A_251] : memref<2x128x128xf32, #tpu.memory_space<vmem>> -> memref<1x128x128xf32, #tpu.memory_space<vmem>>
        %dma_start3A_253 = tpu.memref_squeeze %dma_start3A_252 : memref<1x128x128xf32, #tpu.memory_space<vmem>> -> memref<128x128xf32, #tpu.memory_space<vmem>>
        %dma_start3A_254 = arith.constant 0 : i32
        %dma_start3A_255 = tpu.memref_slice %arg7[%add3A_217, %dma_start3A_254] : memref<40x128xi32, #tpu.memory_space<vmem>> -> memref<1x128xi32, #tpu.memory_space<vmem>>
        %dma_start3A_256 = tpu.memref_squeeze %dma_start3A_255 : memref<1x128xi32, #tpu.memory_space<vmem>> -> memref<128xi32, #tpu.memory_space<vmem>>
        %dma_start3A_257 = arith.constant 0 : i32
        %dma_start3A_258 = arith.constant 0 : i32
        %dma_start3A_259 = tpu.memref_slice %arg5[%dma_start3A_257, %dma_start3A_258] : memref<10240x128xf32, #tpu.memory_space<vmem_shared>> -> memref<10240x128xf32, #tpu.memory_space<vmem_shared>>
        tpu.enqueue_indirect_dma source(%dma_start3A_253 : memref<128x128xf32, #tpu.memory_space<vmem>>) target(%dma_start3A_259 : memref<10240x128xf32, #tpu.memory_space<vmem_shared>>) offsets(%dma_start3A_256 : memref<128xi32, #tpu.memory_space<vmem>>) semaphore(%run_scoped3A_249 : memref<!tpu.dma_semaphore, #tpu.memory_space<semaphore_mem>>) {add = true}
        %dma_wait3A_260 = arith.constant 0 : i32
        %dma_wait3A_261 = arith.constant 0 : i32
        %dma_wait3A_262 = tpu.memref_slice %arg8[%run_scoped3A_232, %dma_wait3A_260, %dma_wait3A_261] : memref<2x128x128xf32, #tpu.memory_space<vmem>> -> memref<1x128x128xf32, #tpu.memory_space<vmem>>
        %dma_wait3A_263 = tpu.memref_squeeze %dma_wait3A_262 : memref<1x128x128xf32, #tpu.memory_space<vmem>> -> memref<128x128xf32, #tpu.memory_space<vmem>>
        %dma_wait3A_264 = arith.constant 0 : i32
        %dma_wait3A_265 = tpu.memref_slice %arg7[%add3A_217, %dma_wait3A_264] : memref<40x128xi32, #tpu.memory_space<vmem>> -> memref<1x128xi32, #tpu.memory_space<vmem>>
        %dma_wait3A_266 = tpu.memref_squeeze %dma_wait3A_265 : memref<1x128xi32, #tpu.memory_space<vmem>> -> memref<128xi32, #tpu.memory_space<vmem>>
        %dma_wait3A_267 = arith.constant 0 : i32
        %dma_wait3A_268 = arith.constant 0 : i32
        %dma_wait3A_269 = tpu.memref_slice %arg5[%dma_wait3A_267, %dma_wait3A_268] : memref<10240x128xf32, #tpu.memory_space<vmem_shared>> -> memref<10240x128xf32, #tpu.memory_space<vmem_shared>>
        tpu.wait_indirect_dma semaphore(%run_scoped3A_249 : memref<!tpu.dma_semaphore, #tpu.memory_space<semaphore_mem>>) src(%dma_wait3A_263 : memref<128x128xf32, #tpu.memory_space<vmem>>) dst(%dma_wait3A_269 : memref<10240x128xf32, #tpu.memory_space<vmem_shared>>)
        tpu.yield
      }) : () -> ()
      %add3A_233 = arith.constant 2 : i32
      %add3A_234 = arith.addi %add3A_217, %add3A_233 : i32
      %dma_start3A_235 = arith.constant 1 : i32
      %dma_start3A_236 = arith.constant 1 : i32
      %dma_start3A_237 = arith.constant 0 : i32
      %dma_start3A_238 = arith.constant 0 : i32
      %dma_start3A_239 = tpu.memref_slice %arg8[%dma_start3A_235, %dma_start3A_237, %dma_start3A_238] : memref<2x128x128xf32, #tpu.memory_space<vmem>> -> memref<1x128x128xf32, #tpu.memory_space<vmem>>
      %dma_start3A_240 = tpu.memref_squeeze %dma_start3A_239 : memref<1x128x128xf32, #tpu.memory_space<vmem>> -> memref<128x128xf32, #tpu.memory_space<vmem>>
      %dma_start3A_241 = arith.constant 0 : i32
      %dma_start3A_242 = tpu.memref_slice %arg6[%add3A_234, %dma_start3A_241] : memref<40x128xi32, #tpu.memory_space<vmem>> -> memref<1x128xi32, #tpu.memory_space<vmem>>
      %dma_start3A_243 = tpu.memref_squeeze %dma_start3A_242 : memref<1x128xi32, #tpu.memory_space<vmem>> -> memref<128xi32, #tpu.memory_space<vmem>>
      %dma_start3A_244 = arith.constant 0 : i32
      %dma_start3A_245 = arith.constant 0 : i32
      %dma_start3A_246 = tpu.memref_slice %arg2[%dma_start3A_244, %dma_start3A_245] : memref<10000x128xf32, #tpu.memory_space<hbm>> -> memref<10000x128xf32, #tpu.memory_space<hbm>>
      %dma_start3A_247 = tpu.memref_slice %arg9[%dma_start3A_236] : memref<2x!tpu.dma_semaphore, #tpu.memory_space<semaphore_mem>> -> memref<1x!tpu.dma_semaphore, #tpu.memory_space<semaphore_mem>>
      %dma_start3A_248 = tpu.memref_squeeze %dma_start3A_247 : memref<1x!tpu.dma_semaphore, #tpu.memory_space<semaphore_mem>> -> memref<!tpu.dma_semaphore, #tpu.memory_space<semaphore_mem>>
      tpu.enqueue_indirect_dma source(%dma_start3A_246 : memref<10000x128xf32, #tpu.memory_space<hbm>>) target(%dma_start3A_240 : memref<128x128xf32, #tpu.memory_space<vmem>>) offsets(%dma_start3A_243 : memref<128xi32, #tpu.memory_space<vmem>>) semaphore(%dma_start3A_248 : memref<!tpu.dma_semaphore, #tpu.memory_space<semaphore_mem>>)
    }
    %scan3A_138 = arith.constant 19 : i32
    %dma_wait3A_139 = arith.constant 38 : i32
    %dma_wait3A_140 = arith.constant 0 : i32
    %dma_wait3A_141 = arith.constant 0 : i32
    %dma_wait3A_142 = arith.constant 0 : i32
    %dma_wait3A_143 = arith.constant 0 : i32
    %dma_wait3A_144 = tpu.memref_slice %arg8[%dma_wait3A_140, %dma_wait3A_142, %dma_wait3A_143] : memref<2x128x128xf32, #tpu.memory_space<vmem>> -> memref<1x128x128xf32, #tpu.memory_space<vmem>>
    %dma_wait3A_145 = tpu.memref_squeeze %dma_wait3A_144 : memref<1x128x128xf32, #tpu.memory_space<vmem>> -> memref<128x128xf32, #tpu.memory_space<vmem>>
    %dma_wait3A_146 = arith.constant 0 : i32
    %dma_wait3A_147 = tpu.memref_slice %arg6[%dma_wait3A_139, %dma_wait3A_146] : memref<40x128xi32, #tpu.memory_space<vmem>> -> memref<1x128xi32, #tpu.memory_space<vmem>>
    %dma_wait3A_148 = tpu.memref_squeeze %dma_wait3A_147 : memref<1x128xi32, #tpu.memory_space<vmem>> -> memref<128xi32, #tpu.memory_space<vmem>>
    %dma_wait3A_149 = arith.constant 0 : i32
    %dma_wait3A_150 = arith.constant 0 : i32
    %dma_wait3A_151 = tpu.memref_slice %arg2[%dma_wait3A_149, %dma_wait3A_150] : memref<10000x128xf32, #tpu.memory_space<hbm>> -> memref<10000x128xf32, #tpu.memory_space<hbm>>
    %dma_wait3A_152 = tpu.memref_slice %arg9[%dma_wait3A_141] : memref<2x!tpu.dma_semaphore, #tpu.memory_space<semaphore_mem>> -> memref<1x!tpu.dma_semaphore, #tpu.memory_space<semaphore_mem>>
    %dma_wait3A_153 = tpu.memref_squeeze %dma_wait3A_152 : memref<1x!tpu.dma_semaphore, #tpu.memory_space<semaphore_mem>> -> memref<!tpu.dma_semaphore, #tpu.memory_space<semaphore_mem>>
    tpu.wait_indirect_dma semaphore(%dma_wait3A_153 : memref<!tpu.dma_semaphore, #tpu.memory_space<semaphore_mem>>) src(%dma_wait3A_151 : memref<10000x128xf32, #tpu.memory_space<hbm>>) dst(%dma_wait3A_145 : memref<128x128xf32, #tpu.memory_space<vmem>>)
    %run_scoped3A_154 = arith.constant 0 : i32
    %run_scoped3A_155 = arith.constant 38 : i32
    "tpu.region"() ({
      %run_scoped3A_178 = tpu.sem_alloc : memref<!tpu.dma_semaphore, #tpu.memory_space<semaphore_mem>>
      %dma_start3A_179 = arith.constant 0 : i32
      %dma_start3A_180 = arith.constant 0 : i32
      %dma_start3A_181 = tpu.memref_slice %arg8[%run_scoped3A_154, %dma_start3A_179, %dma_start3A_180] : memref<2x128x128xf32, #tpu.memory_space<vmem>> -> memref<1x128x128xf32, #tpu.memory_space<vmem>>
      %dma_start3A_182 = tpu.memref_squeeze %dma_start3A_181 : memref<1x128x128xf32, #tpu.memory_space<vmem>> -> memref<128x128xf32, #tpu.memory_space<vmem>>
      %dma_start3A_183 = arith.constant 0 : i32
      %dma_start3A_184 = tpu.memref_slice %arg7[%run_scoped3A_155, %dma_start3A_183] : memref<40x128xi32, #tpu.memory_space<vmem>> -> memref<1x128xi32, #tpu.memory_space<vmem>>
      %dma_start3A_185 = tpu.memref_squeeze %dma_start3A_184 : memref<1x128xi32, #tpu.memory_space<vmem>> -> memref<128xi32, #tpu.memory_space<vmem>>
      %dma_start3A_186 = arith.constant 0 : i32
      %dma_start3A_187 = arith.constant 0 : i32
      %dma_start3A_188 = tpu.memref_slice %arg5[%dma_start3A_186, %dma_start3A_187] : memref<10240x128xf32, #tpu.memory_space<vmem_shared>> -> memref<10240x128xf32, #tpu.memory_space<vmem_shared>>
      tpu.enqueue_indirect_dma source(%dma_start3A_182 : memref<128x128xf32, #tpu.memory_space<vmem>>) target(%dma_start3A_188 : memref<10240x128xf32, #tpu.memory_space<vmem_shared>>) offsets(%dma_start3A_185 : memref<128xi32, #tpu.memory_space<vmem>>) semaphore(%run_scoped3A_178 : memref<!tpu.dma_semaphore, #tpu.memory_space<semaphore_mem>>) {add = true}
      %dma_wait3A_189 = arith.constant 0 : i32
      %dma_wait3A_190 = arith.constant 0 : i32
      %dma_wait3A_191 = tpu.memref_slice %arg8[%run_scoped3A_154, %dma_wait3A_189, %dma_wait3A_190] : memref<2x128x128xf32, #tpu.memory_space<vmem>> -> memref<1x128x128xf32, #tpu.memory_space<vmem>>
      %dma_wait3A_192 = tpu.memref_squeeze %dma_wait3A_191 : memref<1x128x128xf32, #tpu.memory_space<vmem>> -> memref<128x128xf32, #tpu.memory_space<vmem>>
      %dma_wait3A_193 = arith.constant 0 : i32
      %dma_wait3A_194 = tpu.memref_slice %arg7[%run_scoped3A_155, %dma_wait3A_193] : memref<40x128xi32, #tpu.memory_space<vmem>> -> memref<1x128xi32, #tpu.memory_space<vmem>>
      %dma_wait3A_195 = tpu.memref_squeeze %dma_wait3A_194 : memref<1x128xi32, #tpu.memory_space<vmem>> -> memref<128xi32, #tpu.memory_space<vmem>>
      %dma_wait3A_196 = arith.constant 0 : i32
      %dma_wait3A_197 = arith.constant 0 : i32
      %dma_wait3A_198 = tpu.memref_slice %arg5[%dma_wait3A_196, %dma_wait3A_197] : memref<10240x128xf32, #tpu.memory_space<vmem_shared>> -> memref<10240x128xf32, #tpu.memory_space<vmem_shared>>
      tpu.wait_indirect_dma semaphore(%run_scoped3A_178 : memref<!tpu.dma_semaphore, #tpu.memory_space<semaphore_mem>>) src(%dma_wait3A_192 : memref<128x128xf32, #tpu.memory_space<vmem>>) dst(%dma_wait3A_198 : memref<10240x128xf32, #tpu.memory_space<vmem_shared>>)
      tpu.yield
    }) : () -> ()
    %dma_wait3A_156 = arith.constant 39 : i32
    %dma_wait3A_157 = arith.constant 1 : i32
    %dma_wait3A_158 = arith.constant 1 : i32
    %dma_wait3A_159 = arith.constant 0 : i32
    %dma_wait3A_160 = arith.constant 0 : i32
    %dma_wait3A_161 = tpu.memref_slice %arg8[%dma_wait3A_157, %dma_wait3A_159, %dma_wait3A_160] : memref<2x128x128xf32, #tpu.memory_space<vmem>> -> memref<1x128x128xf32, #tpu.memory_space<vmem>>
    %dma_wait3A_162 = tpu.memref_squeeze %dma_wait3A_161 : memref<1x128x128xf32, #tpu.memory_space<vmem>> -> memref<128x128xf32, #tpu.memory_space<vmem>>
    %dma_wait3A_163 = arith.constant 0 : i32
    %dma_wait3A_164 = tpu.memref_slice %arg6[%dma_wait3A_156, %dma_wait3A_163] : memref<40x128xi32, #tpu.memory_space<vmem>> -> memref<1x128xi32, #tpu.memory_space<vmem>>
    %dma_wait3A_165 = tpu.memref_squeeze %dma_wait3A_164 : memref<1x128xi32, #tpu.memory_space<vmem>> -> memref<128xi32, #tpu.memory_space<vmem>>
    %dma_wait3A_166 = arith.constant 0 : i32
    %dma_wait3A_167 = arith.constant 0 : i32
    %dma_wait3A_168 = tpu.memref_slice %arg2[%dma_wait3A_166, %dma_wait3A_167] : memref<10000x128xf32, #tpu.memory_space<hbm>> -> memref<10000x128xf32, #tpu.memory_space<hbm>>
    %dma_wait3A_169 = tpu.memref_slice %arg9[%dma_wait3A_158] : memref<2x!tpu.dma_semaphore, #tpu.memory_space<semaphore_mem>> -> memref<1x!tpu.dma_semaphore, #tpu.memory_space<semaphore_mem>>
    %dma_wait3A_170 = tpu.memref_squeeze %dma_wait3A_169 : memref<1x!tpu.dma_semaphore, #tpu.memory_space<semaphore_mem>> -> memref<!tpu.dma_semaphore, #tpu.memory_space<semaphore_mem>>
    tpu.wait_indirect_dma semaphore(%dma_wait3A_170 : memref<!tpu.dma_semaphore, #tpu.memory_space<semaphore_mem>>) src(%dma_wait3A_168 : memref<10000x128xf32, #tpu.memory_space<hbm>>) dst(%dma_wait3A_162 : memref<128x128xf32, #tpu.memory_space<vmem>>)
    %run_scoped3A_171 = arith.constant 1 : i32
    %run_scoped3A_172 = arith.constant 39 : i32
    "tpu.region"() ({
      %run_scoped3A_178 = tpu.sem_alloc : memref<!tpu.dma_semaphore, #tpu.memory_space<semaphore_mem>>
      %dma_start3A_179 = arith.constant 0 : i32
      %dma_start3A_180 = arith.constant 0 : i32
      %dma_start3A_181 = tpu.memref_slice %arg8[%run_scoped3A_171, %dma_start3A_179, %dma_start3A_180] : memref<2x128x128xf32, #tpu.memory_space<vmem>> -> memref<1x128x128xf32, #tpu.memory_space<vmem>>
      %dma_start3A_182 = tpu.memref_squeeze %dma_start3A_181 : memref<1x128x128xf32, #tpu.memory_space<vmem>> -> memref<128x128xf32, #tpu.memory_space<vmem>>
      %dma_start3A_183 = arith.constant 0 : i32
      %dma_start3A_184 = tpu.memref_slice %arg7[%run_scoped3A_172, %dma_start3A_183] : memref<40x128xi32, #tpu.memory_space<vmem>> -> memref<1x128xi32, #tpu.memory_space<vmem>>
      %dma_start3A_185 = tpu.memref_squeeze %dma_start3A_184 : memref<1x128xi32, #tpu.memory_space<vmem>> -> memref<128xi32, #tpu.memory_space<vmem>>
      %dma_start3A_186 = arith.constant 0 : i32
      %dma_start3A_187 = arith.constant 0 : i32
      %dma_start3A_188 = tpu.memref_slice %arg5[%dma_start3A_186, %dma_start3A_187] : memref<10240x128xf32, #tpu.memory_space<vmem_shared>> -> memref<10240x128xf32, #tpu.memory_space<vmem_shared>>
      tpu.enqueue_indirect_dma source(%dma_start3A_182 : memref<128x128xf32, #tpu.memory_space<vmem>>) target(%dma_start3A_188 : memref<10240x128xf32, #tpu.memory_space<vmem_shared>>) offsets(%dma_start3A_185 : memref<128xi32, #tpu.memory_space<vmem>>) semaphore(%run_scoped3A_178 : memref<!tpu.dma_semaphore, #tpu.memory_space<semaphore_mem>>) {add = true}
      %dma_wait3A_189 = arith.constant 0 : i32
      %dma_wait3A_190 = arith.constant 0 : i32
      %dma_wait3A_191 = tpu.memref_slice %arg8[%run_scoped3A_171, %dma_wait3A_189, %dma_wait3A_190] : memref<2x128x128xf32, #tpu.memory_space<vmem>> -> memref<1x128x128xf32, #tpu.memory_space<vmem>>
      %dma_wait3A_192 = tpu.memref_squeeze %dma_wait3A_191 : memref<1x128x128xf32, #tpu.memory_space<vmem>> -> memref<128x128xf32, #tpu.memory_space<vmem>>
      %dma_wait3A_193 = arith.constant 0 : i32
      %dma_wait3A_194 = tpu.memref_slice %arg7[%run_scoped3A_172, %dma_wait3A_193] : memref<40x128xi32, #tpu.memory_space<vmem>> -> memref<1x128xi32, #tpu.memory_space<vmem>>
      %dma_wait3A_195 = tpu.memref_squeeze %dma_wait3A_194 : memref<1x128xi32, #tpu.memory_space<vmem>> -> memref<128xi32, #tpu.memory_space<vmem>>
      %dma_wait3A_196 = arith.constant 0 : i32
      %dma_wait3A_197 = arith.constant 0 : i32
      %dma_wait3A_198 = tpu.memref_slice %arg5[%dma_wait3A_196, %dma_wait3A_197] : memref<10240x128xf32, #tpu.memory_space<vmem_shared>> -> memref<10240x128xf32, #tpu.memory_space<vmem_shared>>
      tpu.wait_indirect_dma semaphore(%run_scoped3A_178 : memref<!tpu.dma_semaphore, #tpu.memory_space<semaphore_mem>>) src(%dma_wait3A_192 : memref<128x128xf32, #tpu.memory_space<vmem>>) dst(%dma_wait3A_198 : memref<10240x128xf32, #tpu.memory_space<vmem_shared>>)
      tpu.yield
    }) : () -> ()
    %barrier3A_173 = arith.constant 0 : index
    tpu.barrier barrier_id(%barrier3A_173)
    %mul3A_174 = arith.constant 640 : i32
    %mul3A_175 = arith.muli %arg1, %mul3A_174 : i32
    %mul3A_176 = arith.constant 640 : i32
    %mul3A_177 = arith.muli %arg1, %mul3A_176 : i32
    "tpu.region"() ({
      %run_scoped3A_178 = tpu.sem_alloc : memref<!tpu.dma_semaphore, #tpu.memory_space<semaphore_mem>>
      %dma_start3A_179 = arith.constant 0 : i32
      %dma_start3A_180 = arith.constant 0 : i32
      %dma_start3A_181 = tpu.memref_slice %arg4[%arg0, %dma_start3A_179, %dma_start3A_180] : memref<2x10240x128xf32, #tpu.memory_space<hbm>> -> memref<1x10240x128xf32, #tpu.memory_space<hbm>>
      %dma_start3A_182 = tpu.memref_squeeze %dma_start3A_181 : memref<1x10240x128xf32, #tpu.memory_space<hbm>> -> memref<10240x128xf32, #tpu.memory_space<hbm>>
      %dma_start3A_183 = arith.constant 0 : i32
      %dma_start3A_184 = tpu.memref_slice %dma_start3A_182[%mul3A_177, %dma_start3A_183] : memref<10240x128xf32, #tpu.memory_space<hbm>> -> memref<640x128xf32, #tpu.memory_space<hbm>>
      %dma_start3A_185 = arith.constant 0 : i32
      %dma_start3A_186 = tpu.memref_slice %arg5[%mul3A_175, %dma_start3A_185] : memref<10240x128xf32, #tpu.memory_space<vmem_shared>> -> memref<640x128xf32, #tpu.memory_space<vmem_shared>>
      tpu.enqueue_dma source(%dma_start3A_186 : memref<640x128xf32, #tpu.memory_space<vmem_shared>>) target(%dma_start3A_184 : memref<640x128xf32, #tpu.memory_space<hbm>>) target_semaphore(%run_scoped3A_178 : memref<!tpu.dma_semaphore, #tpu.memory_space<semaphore_mem>>)
      %dma_wait3A_187 = arith.constant 0 : i32
      %dma_wait3A_188 = arith.constant 0 : i32
      %dma_wait3A_189 = tpu.memref_slice %arg4[%arg0, %dma_wait3A_187, %dma_wait3A_188] : memref<2x10240x128xf32, #tpu.memory_space<hbm>> -> memref<1x10240x128xf32, #tpu.memory_space<hbm>>
      %dma_wait3A_190 = tpu.memref_squeeze %dma_wait3A_189 : memref<1x10240x128xf32, #tpu.memory_space<hbm>> -> memref<10240x128xf32, #tpu.memory_space<hbm>>
      %dma_wait3A_191 = arith.constant 0 : i32
      %dma_wait3A_192 = tpu.memref_slice %dma_wait3A_190[%mul3A_177, %dma_wait3A_191] : memref<10240x128xf32, #tpu.memory_space<hbm>> -> memref<640x128xf32, #tpu.memory_space<hbm>>
      %dma_wait3A_193 = arith.constant 0 : i32
      %dma_wait3A_194 = tpu.memref_slice %arg5[%mul3A_175, %dma_wait3A_193] : memref<10240x128xf32, #tpu.memory_space<vmem_shared>> -> memref<640x128xf32, #tpu.memory_space<vmem_shared>>
      tpu.wait_dma2 semaphore(%run_scoped3A_178 : memref<!tpu.dma_semaphore, #tpu.memory_space<semaphore_mem>>) src(%dma_wait3A_194 : memref<640x128xf32, #tpu.memory_space<vmem_shared>>) dst(%dma_wait3A_192 : memref<640x128xf32, #tpu.memory_space<hbm>>)
      tpu.yield
    }) : () -> ()
    return
  }
}

module attributes {stable_mosaic.version = 14 : i64} {
  func.func @_gin_layer_body(%arg0: i32, %arg1: memref<5000x128xf32, #tpu.memory_space<vmem>>, %arg2: memref<2x5000x128xf32, #tpu.memory_space<vmem>>, %arg3: memref<1x1xf32, #tpu.memory_space<smem>>, %arg4: memref<128x256xf32, #tpu.memory_space<vmem>>, %arg5: memref<1x256xf32, #tpu.memory_space<vmem>>, %arg6: memref<1x256xf32, #tpu.memory_space<vmem>>, %arg7: memref<1x256xf32, #tpu.memory_space<vmem>>, %arg8: memref<256x128xf32, #tpu.memory_space<vmem>>, %arg9: memref<1x128xf32, #tpu.memory_space<vmem>>, %arg10: memref<1x128xf32, #tpu.memory_space<vmem>>, %arg11: memref<1x128xf32, #tpu.memory_space<vmem>>, %arg12: memref<10000x128xf32, #tpu.memory_space<vmem>>, %arg13: memref<10000x256xf32, #tpu.memory_space<vmem>>, %arg14: memref<1x256xf32, #tpu.memory_space<vmem>>, %arg15: memref<1x256xf32, #tpu.memory_space<vmem>>) attributes {dimension_semantics = [#tpu.dimension_semantics<arbitrary>], iteration_bounds = array<i64: 3>, scalar_prefetch = 0 : i64, scratch_operands = 3 : i64, tpu.core_type = #tpu.core_type<tc>, window_params = [{transform_indices = @transform_0, window_bounds = array<i64: 5000, 128>}, {transform_indices = @transform_1, window_bounds = array<i64: 2, 5000, 128>}, {transform_indices = @transform_2, window_bounds = array<i64: 1, 1>}, {pipeline_mode = #tpu.pipeline_mode<synchronous>, transform_indices = @transform_3, window_bounds = array<i64: 128, 256>}, {pipeline_mode = #tpu.pipeline_mode<synchronous>, transform_indices = @transform_4, window_bounds = array<i64: 1, 256>}, {pipeline_mode = #tpu.pipeline_mode<synchronous>, transform_indices = @transform_5, window_bounds = array<i64: 1, 256>}, {pipeline_mode = #tpu.pipeline_mode<synchronous>, transform_indices = @transform_6, window_bounds = array<i64: 1, 256>}, {pipeline_mode = #tpu.pipeline_mode<synchronous>, transform_indices = @transform_7, window_bounds = array<i64: 256, 128>}, {pipeline_mode = #tpu.pipeline_mode<synchronous>, transform_indices = @transform_8, window_bounds = array<i64: 1, 128>}, {pipeline_mode = #tpu.pipeline_mode<synchronous>, transform_indices = @transform_9, window_bounds = array<i64: 1, 128>}, {pipeline_mode = #tpu.pipeline_mode<synchronous>, transform_indices = @transform_10, window_bounds = array<i64: 1, 128>}, {pipeline_mode = #tpu.pipeline_mode<synchronous>, transform_indices = @transform_11, window_bounds = array<i64: 10000, 128>}]} {
    %eq3A = arith.constant 0 : i32
    %eq3A_0 = arith.cmpi eq, %arg0, %eq3A : i32
    %convert_element_type3A = arith.extui %eq3A_0 : i1 to i32
    %cond3A = arith.constant 0 : i32
    %cond3A_1 = arith.cmpi ne, %convert_element_type3A, %cond3A : i32
    scf.if %cond3A_1 {
      %broadcast_in_dim3A = arith.constant 0.000000e+00 : f32
      %broadcast_in_dim3A_11 = vector.broadcast %broadcast_in_dim3A : f32 to vector<1x256xf32>
      %swap3A = arith.constant 0 : index
      %swap3A_12 = arith.constant 0 : index
      %swap3A_13 = vector.load %arg14[%swap3A, %swap3A_12] : memref<1x256xf32, #tpu.memory_space<vmem>>, vector<1x256xf32>
      tpu.vector_store %arg14[%swap3A, %swap3A_12], %broadcast_in_dim3A_11 {strides = array<i32>} : memref<1x256xf32, #tpu.memory_space<vmem>>, vector<1x256xf32>,
      %broadcast_in_dim3A_14 = arith.constant 0.000000e+00 : f32
      %broadcast_in_dim3A_15 = vector.broadcast %broadcast_in_dim3A_14 : f32 to vector<1x256xf32>
      %swap3A_16 = arith.constant 0 : index
      %swap3A_17 = arith.constant 0 : index
      %swap3A_18 = vector.load %arg15[%swap3A_16, %swap3A_17] : memref<1x256xf32, #tpu.memory_space<vmem>>, vector<1x256xf32>
      tpu.vector_store %arg15[%swap3A_16, %swap3A_17], %broadcast_in_dim3A_15 {strides = array<i32>} : memref<1x256xf32, #tpu.memory_space<vmem>>, vector<1x256xf32>,
    } else {
    }
    %lt3A = arith.constant 2 : i32
    %lt3A_2 = arith.cmpi slt, %arg0, %lt3A : i32
    %convert_element_type3A_3 = arith.extui %lt3A_2 : i1 to i32
    %cond3A_4 = arith.constant 0 : i32
    %cond3A_5 = arith.cmpi ne, %convert_element_type3A_3, %cond3A_4 : i32
    scf.if %cond3A_5 {
      %get3A = arith.constant 0 : index
      %get3A_11 = arith.constant 0 : index
      %get3A_12 = memref.load %arg3[%get3A, %get3A_11] : memref<1x1xf32, #tpu.memory_space<smem>>
      %add3A = arith.constant 1.000000e+00 : f32
      %add3A_13 = arith.addf %add3A, %get3A_12 : f32
      %get3A_14 = arith.constant 0 : index
      %get3A_15 = arith.constant 0 : index
      %get3A_16 = vector.load %arg1[%get3A_14, %get3A_15] : memref<5000x128xf32, #tpu.memory_space<vmem>>, vector<5000x128xf32>
      %mul3A = vector.broadcast %add3A_13 : f32 to vector<5000x128xf32>
      %mul3A_17 = arith.mulf %mul3A, %get3A_16 : vector<5000x128xf32>
      %get3A_18 = arith.constant 0 : index
      %get3A_19 = arith.constant 0 : index
      %get3A_20 = arith.constant 0 : index
      %get3A_21 = vector.load %arg2[%get3A_18, %get3A_19, %get3A_20] : memref<2x5000x128xf32, #tpu.memory_space<vmem>>, vector<1x5000x128xf32>
      %get3A_22 = vector.shape_cast %get3A_21 : vector<1x5000x128xf32> to vector<5000x128xf32>
      %add3A_23 = arith.addf %mul3A_17, %get3A_22 : vector<5000x128xf32>
      %get3A_24 = arith.constant 1 : index
      %get3A_25 = arith.constant 0 : index
      %get3A_26 = arith.constant 0 : index
      %get3A_27 = vector.load %arg2[%get3A_24, %get3A_25, %get3A_26] : memref<2x5000x128xf32, #tpu.memory_space<vmem>>, vector<1x5000x128xf32>
      %get3A_28 = vector.shape_cast %get3A_27 : vector<1x5000x128xf32> to vector<5000x128xf32>
      %add3A_29 = arith.addf %add3A_23, %get3A_28 : vector<5000x128xf32>
      %get3A_30 = arith.constant 0 : index
      %get3A_31 = arith.constant 0 : index
      %get3A_32 = vector.load %arg4[%get3A_30, %get3A_31] : memref<128x256xf32, #tpu.memory_space<vmem>>, vector<128x256xf32>
      %convert_element_type3A_33 = arith.truncf %add3A_29 : vector<5000x128xf32> to vector<5000x128xbf16>
      %convert_element_type3A_34 = arith.truncf %get3A_32 : vector<128x256xf32> to vector<128x256xbf16>
      %dot_general3A = arith.constant dense<0.000000e+00> : vector<5000x256xf32>
      %dot_general3A_35 = tpu.matmul %convert_element_type3A_33, %convert_element_type3A_34, %dot_general3A {dimension_numbers = #tpu.dot_dimension_numbers<[1], [0], [0], [1], [0, 0, 1, 1], [], []>, transpose_lhs_hint = false} : vector<5000x128xbf16>, vector<128x256xbf16>, vector<5000x256xf32> -> vector<5000x256xf32>
      %get3A_36 = arith.constant 0 : index
      %get3A_37 = arith.constant 0 : index
      %get3A_38 = vector.load %arg5[%get3A_36, %get3A_37] : memref<1x256xf32, #tpu.memory_space<vmem>>, vector<1x256xf32>
      %add3A_39 = vector.broadcast %get3A_38 : vector<1x256xf32> to vector<5000x256xf32>
      %add3A_40 = arith.addf %dot_general3A_35, %add3A_39 : vector<5000x256xf32>
      %mul3A_41 = arith.constant 5000 : i32
      %mul3A_42 = arith.muli %arg0, %mul3A_41 : i32
      %swap3A = arith.index_cast %mul3A_42 : i32 to index
      %swap3A_43 = arith.constant 0 : index
      %swap3A_44 = vector.load %arg13[%swap3A, %swap3A_43] : memref<10000x256xf32, #tpu.memory_space<vmem>>, vector<5000x256xf32>
      tpu.vector_store %arg13[%swap3A, %swap3A_43], %add3A_40 {strides = array<i32>} : memref<10000x256xf32, #tpu.memory_space<vmem>>, vector<5000x256xf32>,
      %get3A_45 = arith.constant 0 : index
      %get3A_46 = arith.constant 0 : index
      %get3A_47 = vector.load %arg14[%get3A_45, %get3A_46] : memref<1x256xf32, #tpu.memory_space<vmem>>, vector<1x256xf32>
      %reduce_sum3A = arith.constant dense<0.000000e+00> : vector<256xf32>
      %reduce_sum3A_48 = vector.multi_reduction <add>, %add3A_40, %reduce_sum3A [0] : vector<5000x256xf32> to vector<256xf32>
      %broadcast_in_dim3A = vector.shape_cast %reduce_sum3A_48 : vector<256xf32> to vector<1x256xf32>
      %add3A_49 = arith.addf %get3A_47, %broadcast_in_dim3A : vector<1x256xf32>
      %swap3A_50 = arith.constant 0 : index
      %swap3A_51 = arith.constant 0 : index
      %swap3A_52 = vector.load %arg14[%swap3A_50, %swap3A_51] : memref<1x256xf32, #tpu.memory_space<vmem>>, vector<1x256xf32>
      tpu.vector_store %arg14[%swap3A_50, %swap3A_51], %add3A_49 {strides = array<i32>} : memref<1x256xf32, #tpu.memory_space<vmem>>, vector<1x256xf32>,
      %get3A_53 = arith.constant 0 : index
      %get3A_54 = arith.constant 0 : index
      %get3A_55 = vector.load %arg15[%get3A_53, %get3A_54] : memref<1x256xf32, #tpu.memory_space<vmem>>, vector<1x256xf32>
      %mul3A_56 = arith.mulf %add3A_40, %add3A_40 : vector<5000x256xf32>
      %reduce_sum3A_57 = arith.constant dense<0.000000e+00> : vector<256xf32>
      %reduce_sum3A_58 = vector.multi_reduction <add>, %mul3A_56, %reduce_sum3A_57 [0] : vector<5000x256xf32> to vector<256xf32>
      %broadcast_in_dim3A_59 = vector.shape_cast %reduce_sum3A_58 : vector<256xf32> to vector<1x256xf32>
      %add3A_60 = arith.addf %get3A_55, %broadcast_in_dim3A_59 : vector<1x256xf32>
      %swap3A_61 = arith.constant 0 : index
      %swap3A_62 = arith.constant 0 : index
      %swap3A_63 = vector.load %arg15[%swap3A_61, %swap3A_62] : memref<1x256xf32, #tpu.memory_space<vmem>>, vector<1x256xf32>
      tpu.vector_store %arg15[%swap3A_61, %swap3A_62], %add3A_60 {strides = array<i32>} : memref<1x256xf32, #tpu.memory_space<vmem>>, vector<1x256xf32>,
    } else {
    }
    %eq3A_6 = arith.constant 2 : i32
    %eq3A_7 = arith.cmpi eq, %arg0, %eq3A_6 : i32
    %convert_element_type3A_8 = arith.extui %eq3A_7 : i1 to i32
    %cond3A_9 = arith.constant 0 : i32
    %cond3A_10 = arith.cmpi ne, %convert_element_type3A_8, %cond3A_9 : i32
    scf.if %cond3A_10 {
      %get3A = arith.constant 0 : index
      %get3A_11 = arith.constant 0 : index
      %get3A_12 = vector.load %arg14[%get3A, %get3A_11] : memref<1x256xf32, #tpu.memory_space<vmem>>, vector<1x256xf32>
      %div3A = arith.constant 1.000000e+04 : f32
      %div3A_13 = vector.broadcast %div3A : f32 to vector<1x256xf32>
      %div3A_14 = arith.divf %get3A_12, %div3A_13 : vector<1x256xf32>
      %get3A_15 = arith.constant 0 : index
      %get3A_16 = arith.constant 0 : index
      %get3A_17 = vector.load %arg15[%get3A_15, %get3A_16] : memref<1x256xf32, #tpu.memory_space<vmem>>, vector<1x256xf32>
      %div3A_18 = arith.constant 1.000000e+04 : f32
      %div3A_19 = vector.broadcast %div3A_18 : f32 to vector<1x256xf32>
      %div3A_20 = arith.divf %get3A_17, %div3A_19 : vector<1x256xf32>
      %mul3A = arith.mulf %div3A_14, %div3A_14 : vector<1x256xf32>
      %sub3A = arith.subf %div3A_20, %mul3A : vector<1x256xf32>
      %get3A_21 = arith.constant 0 : index
      %get3A_22 = arith.constant 0 : index
      %get3A_23 = vector.load %arg13[%get3A_21, %get3A_22] : memref<10000x256xf32, #tpu.memory_space<vmem>>, vector<10000x256xf32>
      %sub3A_24 = vector.broadcast %div3A_14 : vector<1x256xf32> to vector<10000x256xf32>
      %sub3A_25 = arith.subf %get3A_23, %sub3A_24 : vector<10000x256xf32>
      %add3A = arith.constant 9.99999974E-6 : f32
      %add3A_26 = vector.broadcast %add3A : f32 to vector<1x256xf32>
      %add3A_27 = arith.addf %sub3A, %add3A_26 : vector<1x256xf32>
      %sqrt3A = math.sqrt %add3A_27 : vector<1x256xf32>
      %div3A_28 = vector.broadcast %sqrt3A : vector<1x256xf32> to vector<10000x256xf32>
      %div3A_29 = arith.divf %sub3A_25, %div3A_28 : vector<10000x256xf32>
      %get3A_30 = arith.constant 0 : index
      %get3A_31 = arith.constant 0 : index
      %get3A_32 = vector.load %arg6[%get3A_30, %get3A_31] : memref<1x256xf32, #tpu.memory_space<vmem>>, vector<1x256xf32>
      %mul3A_33 = vector.broadcast %get3A_32 : vector<1x256xf32> to vector<10000x256xf32>
      %mul3A_34 = arith.mulf %div3A_29, %mul3A_33 : vector<10000x256xf32>
      %get3A_35 = arith.constant 0 : index
      %get3A_36 = arith.constant 0 : index
      %get3A_37 = vector.load %arg7[%get3A_35, %get3A_36] : memref<1x256xf32, #tpu.memory_space<vmem>>, vector<1x256xf32>
      %add3A_38 = vector.broadcast %get3A_37 : vector<1x256xf32> to vector<10000x256xf32>
      %add3A_39 = arith.addf %mul3A_34, %add3A_38 : vector<10000x256xf32>
      %max3A = arith.constant 0.000000e+00 : f32
      %max3A_40 = vector.broadcast %max3A : f32 to vector<10000x256xf32>
      %max3A_41 = arith.maximumf %add3A_39, %max3A_40 : vector<10000x256xf32>
      %get3A_42 = arith.constant 0 : index
      %get3A_43 = arith.constant 0 : index
      %get3A_44 = vector.load %arg8[%get3A_42, %get3A_43] : memref<256x128xf32, #tpu.memory_space<vmem>>, vector<256x128xf32>
      %convert_element_type3A_45 = arith.truncf %max3A_41 : vector<10000x256xf32> to vector<10000x256xbf16>
      %convert_element_type3A_46 = arith.truncf %get3A_44 : vector<256x128xf32> to vector<256x128xbf16>
      %dot_general3A = arith.constant dense<0.000000e+00> : vector<10000x128xf32>
      %dot_general3A_47 = tpu.matmul %convert_element_type3A_45, %convert_element_type3A_46, %dot_general3A {dimension_numbers = #tpu.dot_dimension_numbers<[1], [0], [0], [1], [0, 0, 1, 1], [], []>, transpose_lhs_hint = false} : vector<10000x256xbf16>, vector<256x128xbf16>, vector<10000x128xf32> -> vector<10000x128xf32>
      %get3A_48 = arith.constant 0 : index
      %get3A_49 = arith.constant 0 : index
      %get3A_50 = vector.load %arg9[%get3A_48, %get3A_49] : memref<1x128xf32, #tpu.memory_space<vmem>>, vector<1x128xf32>
      %add3A_51 = vector.broadcast %get3A_50 : vector<1x128xf32> to vector<10000x128xf32>
      %add3A_52 = arith.addf %dot_general3A_47, %add3A_51 : vector<10000x128xf32>
      %get3A_53 = arith.constant 0 : index
      %get3A_54 = arith.constant 0 : index
      %get3A_55 = vector.load %arg10[%get3A_53, %get3A_54] : memref<1x128xf32, #tpu.memory_space<vmem>>, vector<1x128xf32>
      %get3A_56 = arith.constant 0 : index
      %get3A_57 = arith.constant 0 : index
      %get3A_58 = vector.load %arg11[%get3A_56, %get3A_57] : memref<1x128xf32, #tpu.memory_space<vmem>>, vector<1x128xf32>
      %reduce_sum3A = arith.constant dense<0.000000e+00> : vector<128xf32>
      %reduce_sum3A_59 = vector.multi_reduction <add>, %add3A_52, %reduce_sum3A [0] : vector<10000x128xf32> to vector<128xf32>
      %broadcast_in_dim3A = vector.shape_cast %reduce_sum3A_59 : vector<128xf32> to vector<1x128xf32>
      %div3A_60 = arith.constant 1.000000e+04 : f32
      %div3A_61 = vector.broadcast %div3A_60 : f32 to vector<1x128xf32>
      %div3A_62 = arith.divf %broadcast_in_dim3A, %div3A_61 : vector<1x128xf32>
      %sub3A_63 = vector.broadcast %div3A_62 : vector<1x128xf32> to vector<10000x128xf32>
      %sub3A_64 = arith.subf %add3A_52, %sub3A_63 : vector<10000x128xf32>
      %integer_pow3A = arith.mulf %sub3A_64, %sub3A_64 : vector<10000x128xf32>
      %reduce_sum3A_65 = arith.constant dense<0.000000e+00> : vector<128xf32>
      %reduce_sum3A_66 = vector.multi_reduction <add>, %integer_pow3A, %reduce_sum3A_65 [0] : vector<10000x128xf32> to vector<128xf32>
      %broadcast_in_dim3A_67 = vector.shape_cast %reduce_sum3A_66 : vector<128xf32> to vector<1x128xf32>
      %div3A_68 = arith.constant 1.000000e+04 : f32
      %div3A_69 = vector.broadcast %div3A_68 : f32 to vector<1x128xf32>
      %div3A_70 = arith.divf %broadcast_in_dim3A_67, %div3A_69 : vector<1x128xf32>
      %sub3A_71 = vector.broadcast %div3A_62 : vector<1x128xf32> to vector<10000x128xf32>
      %sub3A_72 = arith.subf %add3A_52, %sub3A_71 : vector<10000x128xf32>
      %add3A_73 = arith.constant 9.99999974E-6 : f32
      %add3A_74 = vector.broadcast %add3A_73 : f32 to vector<1x128xf32>
      %add3A_75 = arith.addf %div3A_70, %add3A_74 : vector<1x128xf32>
      %sqrt3A_76 = math.sqrt %add3A_75 : vector<1x128xf32>
      %div3A_77 = vector.broadcast %sqrt3A_76 : vector<1x128xf32> to vector<10000x128xf32>
      %div3A_78 = arith.divf %sub3A_72, %div3A_77 : vector<10000x128xf32>
      %mul3A_79 = vector.broadcast %get3A_55 : vector<1x128xf32> to vector<10000x128xf32>
      %mul3A_80 = arith.mulf %div3A_78, %mul3A_79 : vector<10000x128xf32>
      %add3A_81 = vector.broadcast %get3A_58 : vector<1x128xf32> to vector<10000x128xf32>
      %add3A_82 = arith.addf %mul3A_80, %add3A_81 : vector<10000x128xf32>
      %max3A_83 = arith.constant 0.000000e+00 : f32
      %max3A_84 = vector.broadcast %max3A_83 : f32 to vector<10000x128xf32>
      %max3A_85 = arith.maximumf %add3A_82, %max3A_84 : vector<10000x128xf32>
      %swap3A = arith.constant 0 : index
      %swap3A_86 = arith.constant 0 : index
      %swap3A_87 = vector.load %arg12[%swap3A, %swap3A_86] : memref<10000x128xf32, #tpu.memory_space<vmem>>, vector<10000x128xf32>
      tpu.vector_store %arg12[%swap3A, %swap3A_86], %max3A_85 {strides = array<i32>} : memref<10000x128xf32, #tpu.memory_space<vmem>>, vector<10000x128xf32>,
    } else {
    }
    return
  }
  func.func @transform_0(%arg0: i32) -> (i32, i32) {
    %min3A = arith.constant 1 : i32
    %min3A_0 = arith.minsi %arg0, %min3A : i32
    %c0_i32 = arith.constant 0 : i32
    %c0_i32_1 = arith.constant 0 : i32
    return %min3A_0, %c0_i32 : i32, i32
  }
  func.func @transform_1(%arg0: i32) -> (i32, i32, i32) {
    %min3A = arith.constant 1 : i32
    %min3A_0 = arith.minsi %arg0, %min3A : i32
    %c0_i32 = arith.constant 0 : i32
    %c0_i32_1 = arith.constant 0 : i32
    %c0_i32_2 = arith.constant 0 : i32
    return %c0_i32, %min3A_0, %c0_i32_1 : i32, i32, i32
  }
  func.func @transform_2(%arg0: i32) -> (i32, i32) {
    %c0_i32 = arith.constant 0 : i32
    %c0_i32_0 = arith.constant 0 : i32
    %c0_i32_1 = arith.constant 0 : i32
    return %c0_i32, %c0_i32_0 : i32, i32
  }
  func.func @transform_3(%arg0: i32) -> (i32, i32) {
    %c0_i32 = arith.constant 0 : i32
    %c0_i32_0 = arith.constant 0 : i32
    %c0_i32_1 = arith.constant 0 : i32
    return %c0_i32, %c0_i32_0 : i32, i32
  }
  func.func @transform_4(%arg0: i32) -> (i32, i32) {
    %c0_i32 = arith.constant 0 : i32
    %c0_i32_0 = arith.constant 0 : i32
    %c0_i32_1 = arith.constant 0 : i32
    return %c0_i32, %c0_i32_0 : i32, i32
  }
  func.func @transform_5(%arg0: i32) -> (i32, i32) {
    %c0_i32 = arith.constant 0 : i32
    %c0_i32_0 = arith.constant 0 : i32
    %c0_i32_1 = arith.constant 0 : i32
    return %c0_i32, %c0_i32_0 : i32, i32
  }
  func.func @transform_6(%arg0: i32) -> (i32, i32) {
    %c0_i32 = arith.constant 0 : i32
    %c0_i32_0 = arith.constant 0 : i32
    %c0_i32_1 = arith.constant 0 : i32
    return %c0_i32, %c0_i32_0 : i32, i32
  }
  func.func @transform_7(%arg0: i32) -> (i32, i32) {
    %c0_i32 = arith.constant 0 : i32
    %c0_i32_0 = arith.constant 0 : i32
    %c0_i32_1 = arith.constant 0 : i32
    return %c0_i32, %c0_i32_0 : i32, i32
  }
  func.func @transform_8(%arg0: i32) -> (i32, i32) {
    %c0_i32 = arith.constant 0 : i32
    %c0_i32_0 = arith.constant 0 : i32
    %c0_i32_1 = arith.constant 0 : i32
    return %c0_i32, %c0_i32_0 : i32, i32
  }
  func.func @transform_9(%arg0: i32) -> (i32, i32) {
    %c0_i32 = arith.constant 0 : i32
    %c0_i32_0 = arith.constant 0 : i32
    %c0_i32_1 = arith.constant 0 : i32
    return %c0_i32, %c0_i32_0 : i32, i32
  }
  func.func @transform_10(%arg0: i32) -> (i32, i32) {
    %c0_i32 = arith.constant 0 : i32
    %c0_i32_0 = arith.constant 0 : i32
    %c0_i32_1 = arith.constant 0 : i32
    return %c0_i32, %c0_i32_0 : i32, i32
  }
  func.func @transform_11(%arg0: i32) -> (i32, i32) {
    %c0_i32 = arith.constant 0 : i32
    %c0_i32_0 = arith.constant 0 : i32
    %c0_i32_1 = arith.constant 0 : i32
    return %c0_i32, %c0_i32_0 : i32, i32
  }
}

module attributes {stable_mosaic.version = 14 : i64} {
  func.func @_final_body(%arg0: i32, %arg1: memref<5000x128xf32, #tpu.memory_space<vmem>>, %arg2: memref<2x5000x128xf32, #tpu.memory_space<vmem>>, %arg3: memref<1x10000xi32, #tpu.memory_space<vmem>>, %arg4: memref<1x1xf32, #tpu.memory_space<smem>>, %arg5: memref<128x256xf32, #tpu.memory_space<vmem>>, %arg6: memref<1x256xf32, #tpu.memory_space<vmem>>, %arg7: memref<1x256xf32, #tpu.memory_space<vmem>>, %arg8: memref<1x256xf32, #tpu.memory_space<vmem>>, %arg9: memref<256x128xf32, #tpu.memory_space<vmem>>, %arg10: memref<1x128xf32, #tpu.memory_space<vmem>>, %arg11: memref<1x128xf32, #tpu.memory_space<vmem>>, %arg12: memref<1x128xf32, #tpu.memory_space<vmem>>, %arg13: memref<128x128xf32, #tpu.memory_space<vmem>>, %arg14: memref<1x128xf32, #tpu.memory_space<vmem>>, %arg15: memref<1x128xf32, #tpu.memory_space<vmem>>, %arg16: memref<1x128xf32, #tpu.memory_space<vmem>>, %arg17: memref<128x40xf32, #tpu.memory_space<vmem>>, %arg18: memref<1x40xf32, #tpu.memory_space<vmem>>, %arg19: memref<64x40xf32, #tpu.memory_space<vmem>>, %arg20: memref<10000x256xf32, #tpu.memory_space<vmem>>, %arg21: memref<1x256xf32, #tpu.memory_space<vmem>>, %arg22: memref<1x256xf32, #tpu.memory_space<vmem>>) attributes {dimension_semantics = [#tpu.dimension_semantics<arbitrary>], iteration_bounds = array<i64: 3>, scalar_prefetch = 0 : i64, scratch_operands = 3 : i64, tpu.core_type = #tpu.core_type<tc>, window_params = [{transform_indices = @transform_0, window_bounds = array<i64: 5000, 128>}, {transform_indices = @transform_1, window_bounds = array<i64: 2, 5000, 128>}, {pipeline_mode = #tpu.pipeline_mode<synchronous>, transform_indices = @transform_2, window_bounds = array<i64: 1, 10000>}, {transform_indices = @transform_3, window_bounds = array<i64: 1, 1>}, {pipeline_mode = #tpu.pipeline_mode<synchronous>, transform_indices = @transform_4, window_bounds = array<i64: 128, 256>}, {pipeline_mode = #tpu.pipeline_mode<synchronous>, transform_indices = @transform_5, window_bounds = array<i64: 1, 256>}, {pipeline_mode = #tpu.pipeline_mode<synchronous>, transform_indices = @transform_6, window_bounds = array<i64: 1, 256>}, {pipeline_mode = #tpu.pipeline_mode<synchronous>, transform_indices = @transform_7, window_bounds = array<i64: 1, 256>}, {pipeline_mode = #tpu.pipeline_mode<synchronous>, transform_indices = @transform_8, window_bounds = array<i64: 256, 128>}, {pipeline_mode = #tpu.pipeline_mode<synchronous>, transform_indices = @transform_9, window_bounds = array<i64: 1, 128>}, {pipeline_mode = #tpu.pipeline_mode<synchronous>, transform_indices = @transform_10, window_bounds = array<i64: 1, 128>}, {pipeline_mode = #tpu.pipeline_mode<synchronous>, transform_indices = @transform_11, window_bounds = array<i64: 1, 128>}, {pipeline_mode = #tpu.pipeline_mode<synchronous>, transform_indices = @transform_12, window_bounds = array<i64: 128, 128>}, {pipeline_mode = #tpu.pipeline_mode<synchronous>, transform_indices = @transform_13, window_bounds = array<i64: 1, 128>}, {pipeline_mode = #tpu.pipeline_mode<synchronous>, transform_indices = @transform_14, window_bounds = array<i64: 1, 128>}, {pipeline_mode = #tpu.pipeline_mode<synchronous>, transform_indices = @transform_15, window_bounds = array<i64: 1, 128>}, {pipeline_mode = #tpu.pipeline_mode<synchronous>, transform_indices = @transform_16, window_bounds = array<i64: 128, 40>}, {pipeline_mode = #tpu.pipeline_mode<synchronous>, transform_indices = @transform_17, window_bounds = array<i64: 1, 40>}, {pipeline_mode = #tpu.pipeline_mode<synchronous>, transform_indices = @transform_18, window_bounds = array<i64: 64, 40>}]} {
    %eq3A = arith.constant 0 : i32
    %eq3A_0 = arith.cmpi eq, %arg0, %eq3A : i32
    %convert_element_type3A = arith.extui %eq3A_0 : i1 to i32
    %cond3A = arith.constant 0 : i32
    %cond3A_1 = arith.cmpi ne, %convert_element_type3A, %cond3A : i32
    scf.if %cond3A_1 {
      %broadcast_in_dim3A = arith.constant 0.000000e+00 : f32
      %broadcast_in_dim3A_11 = vector.broadcast %broadcast_in_dim3A : f32 to vector<1x256xf32>
      %swap3A = arith.constant 0 : index
      %swap3A_12 = arith.constant 0 : index
      %swap3A_13 = vector.load %arg21[%swap3A, %swap3A_12] : memref<1x256xf32, #tpu.memory_space<vmem>>, vector<1x256xf32>
      tpu.vector_store %arg21[%swap3A, %swap3A_12], %broadcast_in_dim3A_11 {strides = array<i32>} : memref<1x256xf32, #tpu.memory_space<vmem>>, vector<1x256xf32>,
      %broadcast_in_dim3A_14 = arith.constant 0.000000e+00 : f32
      %broadcast_in_dim3A_15 = vector.broadcast %broadcast_in_dim3A_14 : f32 to vector<1x256xf32>
      %swap3A_16 = arith.constant 0 : index
      %swap3A_17 = arith.constant 0 : index
      %swap3A_18 = vector.load %arg22[%swap3A_16, %swap3A_17] : memref<1x256xf32, #tpu.memory_space<vmem>>, vector<1x256xf32>
      tpu.vector_store %arg22[%swap3A_16, %swap3A_17], %broadcast_in_dim3A_15 {strides = array<i32>} : memref<1x256xf32, #tpu.memory_space<vmem>>, vector<1x256xf32>,
    } else {
    }
    %lt3A = arith.constant 2 : i32
    %lt3A_2 = arith.cmpi slt, %arg0, %lt3A : i32
    %convert_element_type3A_3 = arith.extui %lt3A_2 : i1 to i32
    %cond3A_4 = arith.constant 0 : i32
    %cond3A_5 = arith.cmpi ne, %convert_element_type3A_3, %cond3A_4 : i32
    scf.if %cond3A_5 {
      %get3A = arith.constant 0 : index
      %get3A_11 = arith.constant 0 : index
      %get3A_12 = memref.load %arg4[%get3A, %get3A_11] : memref<1x1xf32, #tpu.memory_space<smem>>
      %add3A = arith.constant 1.000000e+00 : f32
      %add3A_13 = arith.addf %add3A, %get3A_12 : f32
      %get3A_14 = arith.constant 0 : index
      %get3A_15 = arith.constant 0 : index
      %get3A_16 = vector.load %arg1[%get3A_14, %get3A_15] : memref<5000x128xf32, #tpu.memory_space<vmem>>, vector<5000x128xf32>
      %mul3A = vector.broadcast %add3A_13 : f32 to vector<5000x128xf32>
      %mul3A_17 = arith.mulf %mul3A, %get3A_16 : vector<5000x128xf32>
      %get3A_18 = arith.constant 0 : index
      %get3A_19 = arith.constant 0 : index
      %get3A_20 = arith.constant 0 : index
      %get3A_21 = vector.load %arg2[%get3A_18, %get3A_19, %get3A_20] : memref<2x5000x128xf32, #tpu.memory_space<vmem>>, vector<1x5000x128xf32>
      %get3A_22 = vector.shape_cast %get3A_21 : vector<1x5000x128xf32> to vector<5000x128xf32>
      %add3A_23 = arith.addf %mul3A_17, %get3A_22 : vector<5000x128xf32>
      %get3A_24 = arith.constant 1 : index
      %get3A_25 = arith.constant 0 : index
      %get3A_26 = arith.constant 0 : index
      %get3A_27 = vector.load %arg2[%get3A_24, %get3A_25, %get3A_26] : memref<2x5000x128xf32, #tpu.memory_space<vmem>>, vector<1x5000x128xf32>
      %get3A_28 = vector.shape_cast %get3A_27 : vector<1x5000x128xf32> to vector<5000x128xf32>
      %add3A_29 = arith.addf %add3A_23, %get3A_28 : vector<5000x128xf32>
      %get3A_30 = arith.constant 0 : index
      %get3A_31 = arith.constant 0 : index
      %get3A_32 = vector.load %arg5[%get3A_30, %get3A_31] : memref<128x256xf32, #tpu.memory_space<vmem>>, vector<128x256xf32>
      %convert_element_type3A_33 = arith.truncf %add3A_29 : vector<5000x128xf32> to vector<5000x128xbf16>
      %convert_element_type3A_34 = arith.truncf %get3A_32 : vector<128x256xf32> to vector<128x256xbf16>
      %dot_general3A = arith.constant dense<0.000000e+00> : vector<5000x256xf32>
      %dot_general3A_35 = tpu.matmul %convert_element_type3A_33, %convert_element_type3A_34, %dot_general3A {dimension_numbers = #tpu.dot_dimension_numbers<[1], [0], [0], [1], [0, 0, 1, 1], [], []>, transpose_lhs_hint = false} : vector<5000x128xbf16>, vector<128x256xbf16>, vector<5000x256xf32> -> vector<5000x256xf32>
      %get3A_36 = arith.constant 0 : index
      %get3A_37 = arith.constant 0 : index
      %get3A_38 = vector.load %arg6[%get3A_36, %get3A_37] : memref<1x256xf32, #tpu.memory_space<vmem>>, vector<1x256xf32>
      %add3A_39 = vector.broadcast %get3A_38 : vector<1x256xf32> to vector<5000x256xf32>
      %add3A_40 = arith.addf %dot_general3A_35, %add3A_39 : vector<5000x256xf32>
      %mul3A_41 = arith.constant 5000 : i32
      %mul3A_42 = arith.muli %arg0, %mul3A_41 : i32
      %swap3A = arith.index_cast %mul3A_42 : i32 to index
      %swap3A_43 = arith.constant 0 : index
      %swap3A_44 = vector.load %arg20[%swap3A, %swap3A_43] : memref<10000x256xf32, #tpu.memory_space<vmem>>, vector<5000x256xf32>
      tpu.vector_store %arg20[%swap3A, %swap3A_43], %add3A_40 {strides = array<i32>} : memref<10000x256xf32, #tpu.memory_space<vmem>>, vector<5000x256xf32>,
      %get3A_45 = arith.constant 0 : index
      %get3A_46 = arith.constant 0 : index
      %get3A_47 = vector.load %arg21[%get3A_45, %get3A_46] : memref<1x256xf32, #tpu.memory_space<vmem>>, vector<1x256xf32>
      %reduce_sum3A = arith.constant dense<0.000000e+00> : vector<256xf32>
      %reduce_sum3A_48 = vector.multi_reduction <add>, %add3A_40, %reduce_sum3A [0] : vector<5000x256xf32> to vector<256xf32>
      %broadcast_in_dim3A = vector.shape_cast %reduce_sum3A_48 : vector<256xf32> to vector<1x256xf32>
      %add3A_49 = arith.addf %get3A_47, %broadcast_in_dim3A : vector<1x256xf32>
      %swap3A_50 = arith.constant 0 : index
      %swap3A_51 = arith.constant 0 : index
      %swap3A_52 = vector.load %arg21[%swap3A_50, %swap3A_51] : memref<1x256xf32, #tpu.memory_space<vmem>>, vector<1x256xf32>
      tpu.vector_store %arg21[%swap3A_50, %swap3A_51], %add3A_49 {strides = array<i32>} : memref<1x256xf32, #tpu.memory_space<vmem>>, vector<1x256xf32>,
      %get3A_53 = arith.constant 0 : index
      %get3A_54 = arith.constant 0 : index
      %get3A_55 = vector.load %arg22[%get3A_53, %get3A_54] : memref<1x256xf32, #tpu.memory_space<vmem>>, vector<1x256xf32>
      %mul3A_56 = arith.mulf %add3A_40, %add3A_40 : vector<5000x256xf32>
      %reduce_sum3A_57 = arith.constant dense<0.000000e+00> : vector<256xf32>
      %reduce_sum3A_58 = vector.multi_reduction <add>, %mul3A_56, %reduce_sum3A_57 [0] : vector<5000x256xf32> to vector<256xf32>
      %broadcast_in_dim3A_59 = vector.shape_cast %reduce_sum3A_58 : vector<256xf32> to vector<1x256xf32>
      %add3A_60 = arith.addf %get3A_55, %broadcast_in_dim3A_59 : vector<1x256xf32>
      %swap3A_61 = arith.constant 0 : index
      %swap3A_62 = arith.constant 0 : index
      %swap3A_63 = vector.load %arg22[%swap3A_61, %swap3A_62] : memref<1x256xf32, #tpu.memory_space<vmem>>, vector<1x256xf32>
      tpu.vector_store %arg22[%swap3A_61, %swap3A_62], %add3A_60 {strides = array<i32>} : memref<1x256xf32, #tpu.memory_space<vmem>>, vector<1x256xf32>,
    } else {
    }
    %eq3A_6 = arith.constant 2 : i32
    %eq3A_7 = arith.cmpi eq, %arg0, %eq3A_6 : i32
    %convert_element_type3A_8 = arith.extui %eq3A_7 : i1 to i32
    %cond3A_9 = arith.constant 0 : i32
    %cond3A_10 = arith.cmpi ne, %convert_element_type3A_8, %cond3A_9 : i32
    scf.if %cond3A_10 {
      %get3A = arith.constant 0 : index
      %get3A_11 = arith.constant 0 : index
      %get3A_12 = vector.load %arg21[%get3A, %get3A_11] : memref<1x256xf32, #tpu.memory_space<vmem>>, vector<1x256xf32>
      %div3A = arith.constant 1.000000e+04 : f32
      %div3A_13 = vector.broadcast %div3A : f32 to vector<1x256xf32>
      %div3A_14 = arith.divf %get3A_12, %div3A_13 : vector<1x256xf32>
      %get3A_15 = arith.constant 0 : index
      %get3A_16 = arith.constant 0 : index
      %get3A_17 = vector.load %arg22[%get3A_15, %get3A_16] : memref<1x256xf32, #tpu.memory_space<vmem>>, vector<1x256xf32>
      %div3A_18 = arith.constant 1.000000e+04 : f32
      %div3A_19 = vector.broadcast %div3A_18 : f32 to vector<1x256xf32>
      %div3A_20 = arith.divf %get3A_17, %div3A_19 : vector<1x256xf32>
      %mul3A = arith.mulf %div3A_14, %div3A_14 : vector<1x256xf32>
      %sub3A = arith.subf %div3A_20, %mul3A : vector<1x256xf32>
      %get3A_21 = arith.constant 0 : index
      %get3A_22 = arith.constant 0 : index
      %get3A_23 = vector.load %arg20[%get3A_21, %get3A_22] : memref<10000x256xf32, #tpu.memory_space<vmem>>, vector<10000x256xf32>
      %sub3A_24 = vector.broadcast %div3A_14 : vector<1x256xf32> to vector<10000x256xf32>
      %sub3A_25 = arith.subf %get3A_23, %sub3A_24 : vector<10000x256xf32>
      %add3A = arith.constant 9.99999974E-6 : f32
      %add3A_26 = vector.broadcast %add3A : f32 to vector<1x256xf32>
      %add3A_27 = arith.addf %sub3A, %add3A_26 : vector<1x256xf32>
      %sqrt3A = math.sqrt %add3A_27 : vector<1x256xf32>
      %div3A_28 = vector.broadcast %sqrt3A : vector<1x256xf32> to vector<10000x256xf32>
      %div3A_29 = arith.divf %sub3A_25, %div3A_28 : vector<10000x256xf32>
      %get3A_30 = arith.constant 0 : index
      %get3A_31 = arith.constant 0 : index
      %get3A_32 = vector.load %arg7[%get3A_30, %get3A_31] : memref<1x256xf32, #tpu.memory_space<vmem>>, vector<1x256xf32>
      %mul3A_33 = vector.broadcast %get3A_32 : vector<1x256xf32> to vector<10000x256xf32>
      %mul3A_34 = arith.mulf %div3A_29, %mul3A_33 : vector<10000x256xf32>
      %get3A_35 = arith.constant 0 : index
      %get3A_36 = arith.constant 0 : index
      %get3A_37 = vector.load %arg8[%get3A_35, %get3A_36] : memref<1x256xf32, #tpu.memory_space<vmem>>, vector<1x256xf32>
      %add3A_38 = vector.broadcast %get3A_37 : vector<1x256xf32> to vector<10000x256xf32>
      %add3A_39 = arith.addf %mul3A_34, %add3A_38 : vector<10000x256xf32>
      %max3A = arith.constant 0.000000e+00 : f32
      %max3A_40 = vector.broadcast %max3A : f32 to vector<10000x256xf32>
      %max3A_41 = arith.maximumf %add3A_39, %max3A_40 : vector<10000x256xf32>
      %get3A_42 = arith.constant 0 : index
      %get3A_43 = arith.constant 0 : index
      %get3A_44 = vector.load %arg9[%get3A_42, %get3A_43] : memref<256x128xf32, #tpu.memory_space<vmem>>, vector<256x128xf32>
      %convert_element_type3A_45 = arith.truncf %max3A_41 : vector<10000x256xf32> to vector<10000x256xbf16>
      %convert_element_type3A_46 = arith.truncf %get3A_44 : vector<256x128xf32> to vector<256x128xbf16>
      %dot_general3A = arith.constant dense<0.000000e+00> : vector<10000x128xf32>
      %dot_general3A_47 = tpu.matmul %convert_element_type3A_45, %convert_element_type3A_46, %dot_general3A {dimension_numbers = #tpu.dot_dimension_numbers<[1], [0], [0], [1], [0, 0, 1, 1], [], []>, transpose_lhs_hint = false} : vector<10000x256xbf16>, vector<256x128xbf16>, vector<10000x128xf32> -> vector<10000x128xf32>
      %get3A_48 = arith.constant 0 : index
      %get3A_49 = arith.constant 0 : index
      %get3A_50 = vector.load %arg10[%get3A_48, %get3A_49] : memref<1x128xf32, #tpu.memory_space<vmem>>, vector<1x128xf32>
      %add3A_51 = vector.broadcast %get3A_50 : vector<1x128xf32> to vector<10000x128xf32>
      %add3A_52 = arith.addf %dot_general3A_47, %add3A_51 : vector<10000x128xf32>
      %get3A_53 = arith.constant 0 : index
      %get3A_54 = arith.constant 0 : index
      %get3A_55 = vector.load %arg11[%get3A_53, %get3A_54] : memref<1x128xf32, #tpu.memory_space<vmem>>, vector<1x128xf32>
      %get3A_56 = arith.constant 0 : index
      %get3A_57 = arith.constant 0 : index
      %get3A_58 = vector.load %arg12[%get3A_56, %get3A_57] : memref<1x128xf32, #tpu.memory_space<vmem>>, vector<1x128xf32>
      %reduce_sum3A = arith.constant dense<0.000000e+00> : vector<128xf32>
      %reduce_sum3A_59 = vector.multi_reduction <add>, %add3A_52, %reduce_sum3A [0] : vector<10000x128xf32> to vector<128xf32>
      %broadcast_in_dim3A = vector.shape_cast %reduce_sum3A_59 : vector<128xf32> to vector<1x128xf32>
      %div3A_60 = arith.constant 1.000000e+04 : f32
      %div3A_61 = vector.broadcast %div3A_60 : f32 to vector<1x128xf32>
      %div3A_62 = arith.divf %broadcast_in_dim3A, %div3A_61 : vector<1x128xf32>
      %sub3A_63 = vector.broadcast %div3A_62 : vector<1x128xf32> to vector<10000x128xf32>
      %sub3A_64 = arith.subf %add3A_52, %sub3A_63 : vector<10000x128xf32>
      %integer_pow3A = arith.mulf %sub3A_64, %sub3A_64 : vector<10000x128xf32>
      %reduce_sum3A_65 = arith.constant dense<0.000000e+00> : vector<128xf32>
      %reduce_sum3A_66 = vector.multi_reduction <add>, %integer_pow3A, %reduce_sum3A_65 [0] : vector<10000x128xf32> to vector<128xf32>
      %broadcast_in_dim3A_67 = vector.shape_cast %reduce_sum3A_66 : vector<128xf32> to vector<1x128xf32>
      %div3A_68 = arith.constant 1.000000e+04 : f32
      %div3A_69 = vector.broadcast %div3A_68 : f32 to vector<1x128xf32>
      %div3A_70 = arith.divf %broadcast_in_dim3A_67, %div3A_69 : vector<1x128xf32>
      %sub3A_71 = vector.broadcast %div3A_62 : vector<1x128xf32> to vector<10000x128xf32>
      %sub3A_72 = arith.subf %add3A_52, %sub3A_71 : vector<10000x128xf32>
      %add3A_73 = arith.constant 9.99999974E-6 : f32
      %add3A_74 = vector.broadcast %add3A_73 : f32 to vector<1x128xf32>
      %add3A_75 = arith.addf %div3A_70, %add3A_74 : vector<1x128xf32>
      %sqrt3A_76 = math.sqrt %add3A_75 : vector<1x128xf32>
      %div3A_77 = vector.broadcast %sqrt3A_76 : vector<1x128xf32> to vector<10000x128xf32>
      %div3A_78 = arith.divf %sub3A_72, %div3A_77 : vector<10000x128xf32>
      %mul3A_79 = vector.broadcast %get3A_55 : vector<1x128xf32> to vector<10000x128xf32>
      %mul3A_80 = arith.mulf %div3A_78, %mul3A_79 : vector<10000x128xf32>
      %add3A_81 = vector.broadcast %get3A_58 : vector<1x128xf32> to vector<10000x128xf32>
      %add3A_82 = arith.addf %mul3A_80, %add3A_81 : vector<10000x128xf32>
      %max3A_83 = arith.constant 0.000000e+00 : f32
      %max3A_84 = vector.broadcast %max3A_83 : f32 to vector<10000x128xf32>
      %max3A_85 = arith.maximumf %add3A_82, %max3A_84 : vector<10000x128xf32>
      %iota3A = tpu.iota {dimensions = array<i32: 0>} : vector<64x10000xi32>
      %get3A_86 = arith.constant 0 : index
      %get3A_87 = arith.constant 0 : index
      %get3A_88 = vector.load %arg3[%get3A_86, %get3A_87] : memref<1x10000xi32, #tpu.memory_space<vmem>>, vector<1x10000xi32>
      %eq3A_89 = vector.broadcast %get3A_88 : vector<1x10000xi32> to vector<64x10000xi32>
      %eq3A_90 = arith.cmpi eq, %iota3A, %eq3A_89 : vector<64x10000xi32>
      %convert_element_type3A_91 = arith.extui %eq3A_90 : vector<64x10000xi1> to vector<64x10000xi32>
      %convert_element_type3A_92 = arith.sitofp %convert_element_type3A_91 : vector<64x10000xi32> to vector<64x10000xf32>
      %convert_element_type3A_93 = arith.truncf %convert_element_type3A_92 : vector<64x10000xf32> to vector<64x10000xbf16>
      %convert_element_type3A_94 = arith.truncf %max3A_85 : vector<10000x128xf32> to vector<10000x128xbf16>
      %dot_general3A_95 = arith.constant dense<0.000000e+00> : vector<64x128xf32>
      %dot_general3A_96 = tpu.matmul %convert_element_type3A_93, %convert_element_type3A_94, %dot_general3A_95 {dimension_numbers = #tpu.dot_dimension_numbers<[1], [0], [0], [1], [0, 0, 1, 1], [], []>, transpose_lhs_hint = false} : vector<64x10000xbf16>, vector<10000x128xbf16>, vector<64x128xf32> -> vector<64x128xf32>
      %get3A_97 = arith.constant 0 : index
      %get3A_98 = arith.constant 0 : index
      %get3A_99 = vector.load %arg13[%get3A_97, %get3A_98] : memref<128x128xf32, #tpu.memory_space<vmem>>, vector<128x128xf32>
      %dot_general3A_100 = arith.constant dense<0.000000e+00> : vector<64x128xf32>
      %dot_general3A_101 = tpu.matmul %dot_general3A_96, %get3A_99, %dot_general3A_100 {dimension_numbers = #tpu.dot_dimension_numbers<[1], [0], [0], [1], [0, 0, 1, 1], [], []>, transpose_lhs_hint = false} : vector<64x128xf32>, vector<128x128xf32>, vector<64x128xf32> -> vector<64x128xf32>
      %get3A_102 = arith.constant 0 : index
      %get3A_103 = arith.constant 0 : index
      %get3A_104 = vector.load %arg14[%get3A_102, %get3A_103] : memref<1x128xf32, #tpu.memory_space<vmem>>, vector<1x128xf32>
      %add3A_105 = vector.broadcast %get3A_104 : vector<1x128xf32> to vector<64x128xf32>
      %add3A_106 = arith.addf %dot_general3A_101, %add3A_105 : vector<64x128xf32>
      %get3A_107 = arith.constant 0 : index
      %get3A_108 = arith.constant 0 : index
      %get3A_109 = vector.load %arg15[%get3A_107, %get3A_108] : memref<1x128xf32, #tpu.memory_space<vmem>>, vector<1x128xf32>
      %get3A_110 = arith.constant 0 : index
      %get3A_111 = arith.constant 0 : index
      %get3A_112 = vector.load %arg16[%get3A_110, %get3A_111] : memref<1x128xf32, #tpu.memory_space<vmem>>, vector<1x128xf32>
      %reduce_sum3A_113 = arith.constant dense<0.000000e+00> : vector<128xf32>
      %reduce_sum3A_114 = vector.multi_reduction <add>, %add3A_106, %reduce_sum3A_113 [0] : vector<64x128xf32> to vector<128xf32>
      %broadcast_in_dim3A_115 = vector.shape_cast %reduce_sum3A_114 : vector<128xf32> to vector<1x128xf32>
      %div3A_116 = arith.constant 6.400000e+01 : f32
      %div3A_117 = vector.broadcast %div3A_116 : f32 to vector<1x128xf32>
      %div3A_118 = arith.divf %broadcast_in_dim3A_115, %div3A_117 : vector<1x128xf32>
      %sub3A_119 = vector.broadcast %div3A_118 : vector<1x128xf32> to vector<64x128xf32>
      %sub3A_120 = arith.subf %add3A_106, %sub3A_119 : vector<64x128xf32>
      %integer_pow3A_121 = arith.mulf %sub3A_120, %sub3A_120 : vector<64x128xf32>
      %reduce_sum3A_122 = arith.constant dense<0.000000e+00> : vector<128xf32>
      %reduce_sum3A_123 = vector.multi_reduction <add>, %integer_pow3A_121, %reduce_sum3A_122 [0] : vector<64x128xf32> to vector<128xf32>
      %broadcast_in_dim3A_124 = vector.shape_cast %reduce_sum3A_123 : vector<128xf32> to vector<1x128xf32>
      %div3A_125 = arith.constant 6.400000e+01 : f32
      %div3A_126 = vector.broadcast %div3A_125 : f32 to vector<1x128xf32>
      %div3A_127 = arith.divf %broadcast_in_dim3A_124, %div3A_126 : vector<1x128xf32>
      %sub3A_128 = vector.broadcast %div3A_118 : vector<1x128xf32> to vector<64x128xf32>
      %sub3A_129 = arith.subf %add3A_106, %sub3A_128 : vector<64x128xf32>
      %add3A_130 = arith.constant 9.99999974E-6 : f32
      %add3A_131 = vector.broadcast %add3A_130 : f32 to vector<1x128xf32>
      %add3A_132 = arith.addf %div3A_127, %add3A_131 : vector<1x128xf32>
      %sqrt3A_133 = math.sqrt %add3A_132 : vector<1x128xf32>
      %div3A_134 = vector.broadcast %sqrt3A_133 : vector<1x128xf32> to vector<64x128xf32>
      %div3A_135 = arith.divf %sub3A_129, %div3A_134 : vector<64x128xf32>
      %mul3A_136 = vector.broadcast %get3A_109 : vector<1x128xf32> to vector<64x128xf32>
      %mul3A_137 = arith.mulf %div3A_135, %mul3A_136 : vector<64x128xf32>
      %add3A_138 = vector.broadcast %get3A_112 : vector<1x128xf32> to vector<64x128xf32>
      %add3A_139 = arith.addf %mul3A_137, %add3A_138 : vector<64x128xf32>
      %max3A_140 = arith.constant 0.000000e+00 : f32
      %max3A_141 = vector.broadcast %max3A_140 : f32 to vector<64x128xf32>
      %max3A_142 = arith.maximumf %add3A_139, %max3A_141 : vector<64x128xf32>
      %get3A_143 = arith.constant 0 : index
      %get3A_144 = arith.constant 0 : index
      %get3A_145 = vector.load %arg17[%get3A_143, %get3A_144] : memref<128x40xf32, #tpu.memory_space<vmem>>, vector<128x40xf32>
      %dot_general3A_146 = arith.constant dense<0.000000e+00> : vector<64x40xf32>
      %dot_general3A_147 = tpu.matmul %max3A_142, %get3A_145, %dot_general3A_146 {dimension_numbers = #tpu.dot_dimension_numbers<[1], [0], [0], [1], [0, 0, 1, 1], [], []>, transpose_lhs_hint = false} : vector<64x128xf32>, vector<128x40xf32>, vector<64x40xf32> -> vector<64x40xf32>
      %get3A_148 = arith.constant 0 : index
      %get3A_149 = arith.constant 0 : index
      %get3A_150 = vector.load %arg18[%get3A_148, %get3A_149] : memref<1x40xf32, #tpu.memory_space<vmem>>, vector<1x40xf32>
      %add3A_151 = vector.broadcast %get3A_150 : vector<1x40xf32> to vector<64x40xf32>
      %add3A_152 = arith.addf %dot_general3A_147, %add3A_151 : vector<64x40xf32>
      %reduce_max3A = arith.constant dense<0xFF800000> : vector<64xf32>
      %reduce_max3A_153 = vector.multi_reduction <maximumf>, %add3A_152, %reduce_max3A [1] : vector<64x40xf32> to vector<64xf32>
      %broadcast_in_dim3A_154 = vector.shape_cast %reduce_max3A_153 : vector<64xf32> to vector<64x1xf32>
      %sub3A_155 = vector.broadcast %broadcast_in_dim3A_154 : vector<64x1xf32> to vector<64x40xf32>
      %sub3A_156 = arith.subf %add3A_152, %sub3A_155 : vector<64x40xf32>
      %exp3A = math.exp %sub3A_156 : vector<64x40xf32>
      %reduce_sum3A_157 = arith.constant dense<0.000000e+00> : vector<64xf32>
      %reduce_sum3A_158 = vector.multi_reduction <add>, %exp3A, %reduce_sum3A_157 [1] : vector<64x40xf32> to vector<64xf32>
      %broadcast_in_dim3A_159 = vector.shape_cast %reduce_sum3A_158 : vector<64xf32> to vector<64x1xf32>
      %log3A = math.log %broadcast_in_dim3A_159 : vector<64x1xf32>
      %sub3A_160 = vector.broadcast %log3A : vector<64x1xf32> to vector<64x40xf32>
      %sub3A_161 = arith.subf %sub3A_156, %sub3A_160 : vector<64x40xf32>
      %swap3A = arith.constant 0 : index
      %swap3A_162 = arith.constant 0 : index
      %swap3A_163 = vector.load %arg19[%swap3A, %swap3A_162] : memref<64x40xf32, #tpu.memory_space<vmem>>, vector<64x40xf32>
      tpu.vector_store %arg19[%swap3A, %swap3A_162], %sub3A_161 {strides = array<i32>} : memref<64x40xf32, #tpu.memory_space<vmem>>, vector<64x40xf32>,
    } else {
    }
    return
  }
  func.func @transform_0(%arg0: i32) -> (i32, i32) {
    %min3A = arith.constant 1 : i32
    %min3A_0 = arith.minsi %arg0, %min3A : i32
    %c0_i32 = arith.constant 0 : i32
    %c0_i32_1 = arith.constant 0 : i32
    return %min3A_0, %c0_i32 : i32, i32
  }
  func.func @transform_1(%arg0: i32) -> (i32, i32, i32) {
    %min3A = arith.constant 1 : i32
    %min3A_0 = arith.minsi %arg0, %min3A : i32
    %c0_i32 = arith.constant 0 : i32
    %c0_i32_1 = arith.constant 0 : i32
    %c0_i32_2 = arith.constant 0 : i32
    return %c0_i32, %min3A_0, %c0_i32_1 : i32, i32, i32
  }
  func.func @transform_2(%arg0: i32) -> (i32, i32) {
    %c0_i32 = arith.constant 0 : i32
    %c0_i32_0 = arith.constant 0 : i32
    %c0_i32_1 = arith.constant 0 : i32
    return %c0_i32, %c0_i32_0 : i32, i32
  }
  func.func @transform_3(%arg0: i32) -> (i32, i32) {
    %c0_i32 = arith.constant 0 : i32
    %c0_i32_0 = arith.constant 0 : i32
    %c0_i32_1 = arith.constant 0 : i32
    return %c0_i32, %c0_i32_0 : i32, i32
  }
  func.func @transform_4(%arg0: i32) -> (i32, i32) {
    %c0_i32 = arith.constant 0 : i32
    %c0_i32_0 = arith.constant 0 : i32
    %c0_i32_1 = arith.constant 0 : i32
    return %c0_i32, %c0_i32_0 : i32, i32
  }
  func.func @transform_5(%arg0: i32) -> (i32, i32) {
    %c0_i32 = arith.constant 0 : i32
    %c0_i32_0 = arith.constant 0 : i32
    %c0_i32_1 = arith.constant 0 : i32
    return %c0_i32, %c0_i32_0 : i32, i32
  }
  func.func @transform_6(%arg0: i32) -> (i32, i32) {
    %c0_i32 = arith.constant 0 : i32
    %c0_i32_0 = arith.constant 0 : i32
    %c0_i32_1 = arith.constant 0 : i32
    return %c0_i32, %c0_i32_0 : i32, i32
  }
  func.func @transform_7(%arg0: i32) -> (i32, i32) {
    %c0_i32 = arith.constant 0 : i32
    %c0_i32_0 = arith.constant 0 : i32
    %c0_i32_1 = arith.constant 0 : i32
    return %c0_i32, %c0_i32_0 : i32, i32
  }
  func.func @transform_8(%arg0: i32) -> (i32, i32) {
    %c0_i32 = arith.constant 0 : i32
    %c0_i32_0 = arith.constant 0 : i32
    %c0_i32_1 = arith.constant 0 : i32
    return %c0_i32, %c0_i32_0 : i32, i32
  }
  func.func @transform_9(%arg0: i32) -> (i32, i32) {
    %c0_i32 = arith.constant 0 : i32
    %c0_i32_0 = arith.constant 0 : i32
    %c0_i32_1 = arith.constant 0 : i32
    return %c0_i32, %c0_i32_0 : i32, i32
  }
  func.func @transform_10(%arg0: i32) -> (i32, i32) {
    %c0_i32 = arith.constant 0 : i32
    %c0_i32_0 = arith.constant 0 : i32
    %c0_i32_1 = arith.constant 0 : i32
    return %c0_i32, %c0_i32_0 : i32, i32
  }
  func.func @transform_11(%arg0: i32) -> (i32, i32) {
    %c0_i32 = arith.constant 0 : i32
    %c0_i32_0 = arith.constant 0 : i32
    %c0_i32_1 = arith.constant 0 : i32
    return %c0_i32, %c0_i32_0 : i32, i32
  }
  func.func @transform_12(%arg0: i32) -> (i32, i32) {
    %c0_i32 = arith.constant 0 : i32
    %c0_i32_0 = arith.constant 0 : i32
    %c0_i32_1 = arith.constant 0 : i32
    return %c0_i32, %c0_i32_0 : i32, i32
  }
  func.func @transform_13(%arg0: i32) -> (i32, i32) {
    %c0_i32 = arith.constant 0 : i32
    %c0_i32_0 = arith.constant 0 : i32
    %c0_i32_1 = arith.constant 0 : i32
    return %c0_i32, %c0_i32_0 : i32, i32
  }
  func.func @transform_14(%arg0: i32) -> (i32, i32) {
    %c0_i32 = arith.constant 0 : i32
    %c0_i32_0 = arith.constant 0 : i32
    %c0_i32_1 = arith.constant 0 : i32
    return %c0_i32, %c0_i32_0 : i32, i32
  }
  func.func @transform_15(%arg0: i32) -> (i32, i32) {
    %c0_i32 = arith.constant 0 : i32
    %c0_i32_0 = arith.constant 0 : i32
    %c0_i32_1 = arith.constant 0 : i32
    return %c0_i32, %c0_i32_0 : i32, i32
  }
  func.func @transform_16(%arg0: i32) -> (i32, i32) {
    %c0_i32 = arith.constant 0 : i32
    %c0_i32_0 = arith.constant 0 : i32
    %c0_i32_1 = arith.constant 0 : i32
    return %c0_i32, %c0_i32_0 : i32, i32
  }
  func.func @transform_17(%arg0: i32) -> (i32, i32) {
    %c0_i32 = arith.constant 0 : i32
    %c0_i32_0 = arith.constant 0 : i32
    %c0_i32_1 = arith.constant 0 : i32
    return %c0_i32, %c0_i32_0 : i32, i32
  }
  func.func @transform_18(%arg0: i32) -> (i32, i32) {
    %c0_i32 = arith.constant 0 : i32
    %c0_i32_0 = arith.constant 0 : i32
    %c0_i32_1 = arith.constant 0 : i32
    return %c0_i32, %c0_i32_0 : i32, i32
  }
}

</mosaic_0001>

<sc_bundles>
// kernel: kernel.11.cloned.1.call-start
scs
__scs_entry_jumppad:
0x0: {  	(pc) =	sbr.rel $0x88, $3  }
0x1: {  	(tag) =	ssettag $0x0;
	lr =	simm.s32 $0x1  }
0x2: {  	[smem:$0x3F7D] =	sst lr;
	_ =	strace $0xD0000000  }
0x3: {  	_ = 	snop  }
0x4: {  	_ = 	snop  }
0x5: {  	_ = 	snop  }
0x6: {  	_ = 	snop  }
0x7: {  	_ = 	snop  }
__scs_overlays_trampoline_lowered:
0x8: {  	[smem:$0x3F8C] =	sst s0  }
0x9: {  	[smem:$0x3F8D] =	sst s1  }
0xa: {  	[smem:$0x3F8E] =	sst s2  }
0xb: {  	[smem:$0x3F8F] =	sst s3  }
0xc: {  	[smem:$0x3F90] =	sst s4  }
0xd: {  	[smem:$0x3F91] =	sst s5  }
0xe: {  	[smem:$0x3F92] =	sst s6  }
0xf: {  	[smem:$0x3F93] =	sst s7  }
0x10: {  	[smem:$0x3F94] =	sst s8  }
0x11: {  	[smem:$0x3F95] =	sst s9;
	s0 =	simm.s32 @!p0 $0x0  }
0x12: {  	s1 =	sld [smem:$0x3F7B];
	s0 =	simm.s32 @p0 $0x1  }
0x13: {  	[smem:$0x3F96] =	sst s0;
	s0 =	simm.s32 @!p1 $0x0  }
0x14: {  	s2 =	sld [smem:$0x3F7A];
	s0 =	simm.s32 @p1 $0x1  }
0x15: {  	[smem:$0x3F97] =	sst s0;
	s0 =	simm.s32 @!p2 $0x0  }
0x16: {  	s3 =	sld [smem:$0x3FDB];
	s0 =	simm.s32 @p2 $0x1  }
0x17: {  	s4 =	simm.s32 $0x1BF5;
	[smem:$0x3F99] =	sst s0  }
0x18: {  	s0 =	sld [smem:$0x3F7C];
	_ =	swait.ge [sflag:s4], $0x0  }
0x19: {  	s7 =	sld [smem:$0x3F7D]  }
0x1a: {  	s8 =	sadd.s32 $0xFFFFE003, lr  }
0x1b: {  	s9 =	sadd.s32 $0xFFFFFEF7, lr;
	s5 =	simm.s32 $0xFFFFFFFF;
	p2 =	slt.u32 s8, $0xFFFFF086  }
0x1c: {  	p1 =	slt.u32 s9, $0xF7A;
	s5 =	simm.s32 @!p2 $0x0  }
0x1d: {  	s5 =	simm.s32 @p1 $0x1;
	p0 =	seq.s32 s7, s2  }
0x1e: {  	s7 =	smul.u32 @!p0 $0xF7A, s2;
	p2 =	seq.s32 @!p0 s5, $0x0  }
0x1f: {  	s9 =	smul.u32 $0xF7A, s1;
	s8 =	simm.s32 @!p0 $0x1BF5;
	p2 =	por !p2, p0  }
0x20: {  	[sflag:s8] =	ssyncset.s32 @!p0 $0xFFFFF086;
	s6 =	sadd.s32 @!p0 s3, s7;
	s7 =	simm.s32 @!p0 $0x108  }
0x21: {  	s3 =	sadd.s32 s3, s9;
	s6 =	sadd.s32 @!p0 $0x88, s6;
	s7 =	simm.s32 @p2 $0x1082  }
0x22: {  	[simem:s7], [sflag:s8] =	dma.local @!p0 [hbm:s6], $0xF7A  }
0x23: {  	s9 =	sor.u32 $0xD0000000, s2;
	s6 =	simm.s32 $0x108;
	_ =	swait.ge @!p0 [sflag:s8], $0x0  }
0x24: {  	s3 =	sadd.s32 $0x88, s3;
	s6 =	simm.s32 @!p1 $0x1082;
	[sflag:s4] =	ssyncset.s32 $0xFFFFF086  }
0x25: {  	[simem:s6], [sflag:s4] =	dma.local [hbm:s3], $0xF7A  }
0x26: {  	[smem:$0x3F7D] =	sst s1;
	(tag) =	ssettag s2;
	_ =	strace s9  }
0x27: {  	s1 =	sld [smem:$0x3F8D]  }
0x28: {  	s2 =	sld [smem:$0x3F8E]  }
0x29: {  	s4 =	sld [smem:$0x3F90]  }
0x2a: {  	p0 =	seq.s32 s5, $0x0;
	s5 =	sld [smem:$0x3F91]  }
0x2b: {  	s6 =	sld [smem:$0x3F92]  }
0x2c: {  	s7 =	sld [smem:$0x3F93]  }
0x2d: {  	s3 =	simm.s32 $0x108;
	s8 =	sld [smem:$0x3F94]  }
0x2e: {  	s3 =	simm.s32 @!p0 $0x1082;
	s9 =	sld [smem:$0x3F95]  }
0x2f: {  	lr =	sadd.s32 s0, s3;
	s0 =	sld [smem:$0x3F8C]  }
0x30: {  	s3 =	sld [smem:$0x3F8F]  }
0x31: {  	[smem:$0x3F98] =	sst s10  }
0x32: {  	s10 =	sld [smem:$0x3F96];
	_ =	sdelay $0x3  }
0x33: {  	p0 =	seq.s32 s10, $0x1;
	s10 =	sld [smem:$0x3F98];
	_ =	sdelay $0x3  }
0x34: {  	[smem:$0x3F98] =	sst s10  }
0x35: {  	s10 =	sld [smem:$0x3F97];
	_ =	sdelay $0x3  }
0x36: {  	p1 =	seq.s32 s10, $0x1;
	s10 =	sld [smem:$0x3F98];
	_ =	sdelay $0x3  }
0x37: {  	[smem:$0x3F98] =	sst s10  }
0x38: {  	s10 =	sld [smem:$0x3F99]  }
0x39: {  	_ = 	snop;
	(pc) =	sbr.ind lr, $3  }
0x3a: {  	_ = 	snop  }
0x3b: {  	_ = 	snop  }
0x3c: {  	p2 =	seq.s32 s10, $0x1;
	s10 =	sld [smem:$0x3F98]  }
0x3d: {  	_ =	shalt  }
0x3e: {  	_ =	shalt  }
0x3f: {  	_ =	shalt  }
0x40: {  	_ =	shalt  }
0x41: {  	_ =	shalt  }
0x42: {  	_ =	shalt  }
0x43: {  	_ =	shalt  }
0x44: {  	_ =	shalt  }
0x45: {  	_ =	shalt  }
0x46: {  	_ =	shalt  }
0x47: {  	_ =	shalt  }
0x48: {  	_ =	shalt  }
0x49: {  	_ =	shalt  }
0x4a: {  	_ =	shalt  }
0x4b: {  	_ =	shalt  }
0x4c: {  	_ =	shalt  }
0x4d: {  	_ =	shalt  }
0x4e: {  	_ =	shalt  }
0x4f: {  	_ =	shalt  }
0x50: {  	_ =	shalt  }
0x51: {  	_ =	shalt  }
0x52: {  	_ =	shalt  }
0x53: {  	_ =	shalt  }
0x54: {  	_ =	shalt  }
0x55: {  	_ =	shalt  }
0x56: {  	_ =	shalt  }
0x57: {  	_ =	shalt  }
0x58: {  	_ =	shalt  }
0x59: {  	_ =	shalt  }
0x5a: {  	_ =	shalt  }
0x5b: {  	_ =	shalt  }
0x5c: {  	_ =	shalt  }
0x5d: {  	_ =	shalt  }
0x5e: {  	_ =	shalt  }
0x5f: {  	_ =	shalt  }
0x60: {  	_ =	shalt  }
0x61: {  	_ =	shalt  }
0x62: {  	_ =	shalt  }
0x63: {  	_ =	shalt  }
0x64: {  	_ =	shalt  }
0x65: {  	_ =	shalt  }
0x66: {  	_ =	shalt  }
0x67: {  	_ =	shalt  }
0x68: {  	_ =	shalt  }
0x69: {  	_ =	shalt  }
0x6a: {  	_ =	shalt  }
0x6b: {  	_ =	shalt  }
0x6c: {  	_ =	shalt  }
0x6d: {  	_ =	shalt  }
0x6e: {  	_ =	shalt  }
0x6f: {  	_ =	shalt  }
0x70: {  	_ =	shalt  }
0x71: {  	_ =	shalt  }
0x72: {  	_ =	shalt  }
0x73: {  	_ =	shalt  }
0x74: {  	_ =	shalt  }
0x75: {  	_ =	shalt  }
0x76: {  	_ =	shalt  }
0x77: {  	_ =	shalt  }
0x78: {  	_ =	shalt  }
0x79: {  	_ =	shalt  }
0x7a: {  	_ =	shalt  }
0x7b: {  	_ =	shalt  }
0x7c: {  	_ =	shalt  }
0x7d: {  	_ =	shalt  }
0x7e: {  	_ =	shalt  }
0x7f: {  	_ =	shalt  }
0x80: {  	_ =	shalt  }
0x81: {  	_ =	shalt  }
0x82: {  	_ =	shalt  }
0x83: {  	_ =	shalt  }
0x84: {  	_ =	shalt  }
0x85: {  	_ =	shalt  }
0x86: {  	_ =	shalt  }
0x87: {  	_ =	shalt  }
.Lfunc_end0:
.L_simem_size_0:
called_computation.1_lowered:
.L_overlay_start_0:
0x88: {  	s2 =	sld [smem:$0x3FD9]  }
0x89: {  	s3 =	sld [smem:$0x3FFE];
	_ =	sdelay $0x1  }
0x8a: {  	s1 =	srdreg.scid  }
0x8b: {  	s0 =	sand.u32 $0x1, s1  }
0x8c: {  	s16 =	sshll.u32 s0, $0xA;
	s2 =	sadd.s32 s3, s2  }
0x8d: {  	s2 =	sadd.s32 s2, s16  }
0x8e: {  	[smem:$0x3FA4] =	sst s2  }
0x8f: {  	_ = 	snop  }
0x90: {  	(tm) =	ssettm $0x1  }
0x91: {  	s17 =	sld [smem:$0x3FFB];
	_ =	sdelay $0x3  }
0x92: {  	_ =	strace s17  }
0x93: {  	s2 =	sld [smem:$0x3FFC];
	_ =	sdelay $0x3  }
0x94: {  	_ =	strace s2  }
0x95: {  	s2 =	sld [smem:$0x3FFD];
	_ =	sdelay $0x3  }
0x96: {  	_ =	strace s2  }
0x97: {  	_ =	strace $0x8FFFFFFF  }
0x98: {  	s18 =	sld [smem:$0x3FDB];
	_ =	sdelay $0x1  }
0x99: {  	s19 =	simm.s32 $_scs_section_size  }
0x9a: {  	s4 =	simm.s32 $_size__tile_overlayer_lowered;
	s5 =	simm.s32 $_tile_overlayer_lowered  }
0x9b: {  	s22 =	simm.s32 $0x1BFF;
	s21 =	sshll.u32 s5, $0x1;
	s2 =	sadd.s32 s19, s18  }
0x9c: {  	s6 =	simm.s32 $0x0;
	s20 =	sshll.u32 s4, $0x1;
	s4 =	sadd.s32 s21, s2  }
0x9d: {  	[timem:s6], [sflag:s22] =	dma.local [hbm:s4], s20  }
0x9e: {  	_ =	swait.ge [sflag:s22], s20  }
0x9f: {  	s3 =	ssub.s32 $0x0, s20;
	[sflag:s22] =	ssyncset.done $0x0  }
0xa0: {  	[sflag:s22] =	ssyncadd.s32 s3;
	_ =	sdelay $0x1  }
0xa1: {  	s23 =	simm.s32 $0x1B8B  }
0xa2: {  	_ =	swait.ge [sflag:s23], $0x1  }
0xa3: {  	[sflag:s23] =	ssyncset.done $0x0  }
0xa4: {  	s25 =	simm.s32 $0x1B8E;
	s24 =	sld [smem:$0x3FFE];
	[sflag:s23] =	ssyncadd.s32 $0xFFFFFFFF  }
0xa5: {  	s26 =	simm.s32 $execute0_lowered;
	[smem:$0x3FD2] =	sst s25  }
0xa6: {  	s4 =	sshll.u32 s26, $0x1;
	_ =	strace $0x80000049;
	[dreg:$0x1] =	wrdreg $0xFFFFFFFF  }
0xa7: {  	s28 =	simm.s32 $_size_execute0_lowered;
	s2 =	sadd.s32 s2, s4;
	[dreg:$0x0] =	wrdreg $0x0  }
0xa8: {  	s4 =	sshll.u32 s28, $0x1;
	[dreg:$0x2] =	wrdreg s2  }
0xa9: {  	[dreg:$0x3] =	wrdreg s4  }
0xaa: {  	[dreg:$0x4] =	wrdreg $0xC0  }
0xab: {  	_ =	task [dreg:s6], $0x5FFFF  }
0xac: {  	[dreg:$0x1] =	wrdreg $0xFFFFFFFF  }
0xad: {  	[dreg:$0x0] =	wrdreg $0x60  }
0xae: {  	[dreg:$0x2] =	wrdreg s24  }
0xaf: {  	[dreg:$0x3] =	wrdreg $0x0  }
0xb0: {  	[dreg:$0x4] =	wrdreg $0x9  }
0xb1: {  	_ =	task.clear_ibuf [dreg:s6], $0x5FFFF;
	_ =	strace $0x90000049  }
0xb2: {  	s29 =	simm.s32 $0x9;
	_ =	strace $0x8000004B  }
0xb3: {  	_ =	swait.ge [sflag:s29], $0x1  }
0xb4: {  	[sflag:s29] =	ssyncadd.s32 $0xFFFFFFFF  }
0xb5: {  	_ =	strace $0x9000004B  }
0xb6: {  	_ =	sfence  }
0xb7: {  	s30 =	sld [smem:$0x0];
	_ =	sdelay $0x2  }
0xb8: {  	s31 =	sshll.u32 s1, $0xD;
	s1 =	sshrl.u32 s1, $0x2  }
0xb9: {  	s3 =	sand.u32 $0x4000, s31;
	s1 =	sadd.s32 s1, s30  }
0xba: {  	s0 =	sor.u32 s3, s0;
	s1 =	sshll.u32 s1, $0x11  }
0xbb: {  	s0 =	sor.u32 s1, s0  }
0xbc: {  	s0 =	sadd.s32 $0x8F2B, s0  }
0xbd: {  	[sflag:s0] =	ssyncadd.remote.s32 $0x1  }
0xbe: {  	_ =	sfence.sel $0xFFFF  }
0xbf: {  	[dreg:$0x0] =	wrdreg $0xFFFFFFFF;
	(pc) =	sbr.abs _section_cstart, $3  }
0xc0: {  	[dreg:$0x1] =	wrdreg $0xFFFFFFFF  }
0xc1: {  	_ =	task.clear_ibuf [dreg:s6], $0x2FFFF;
	_ =	strace $0x9FFFFFFF  }
0xc2: {  	(tm) =	ssettm $0x7FFFFFFF  }
0xc3: {  	_ =	shalt  }
tec
execute0_lowered:
.L_overlay_start_1:
0x0: {  	(tag) =	ssettag $0x1  }
0x1: {  	s11 =	rddreg [dreg:$0x0]  }
0x2: {  	s1 =	rddreg [dreg:$0x1]  }
0x3: {  	s2 =	srdreg.scid;
	s0 =	rddreg [dreg:$0x2];
	s3 =	simm.s32 $0x0  }
0x4: {  	s14 =	simm.s32 $0x14000;
	s17 =	simm.s32 $0x80;
	s18 =	simm.s32 $0x14080  }
0x5: {  	s19 =	simm.s32 $0x1A800;
	s20 =	simm.s32 $0x1;
	s21 =	simm.s32 $0x2  }
0x6: {  	s22 =	simm.s32 $0x16700;
	s5 =	sand.u32 $0x1, s2;
	s2 =	stileid.u32  }
0x7: {  	s23 =	simm.s32 $0x16780;
	[smem:$0x7FF] =	sst s3;
	s7 =	smul.u32 $0x50000, s2  }
0x8: {  	s16 =	sadd.s32 $0x10000, s11;
	s4 =	sshll.u32 s5, $0x4;
	s29 =	smul.u32 $0x28000, s5  }
0x9: {  	_ =	strace $0x8000004A;
	s8 =	ssub.s32 $0x2, s5;
	s25 =	smul.u32 $0x2800, s2  }
0xa: {  	s6 =	sor.u32 s2, s4;
	s4 =	sadd.s32 $0x1A000, s11;
	s31 =	sshrl.u32 s8, $0x1  }
0xb: {  	s15 =	smul.u32 $0x500, s6;
	s30 =	sshrl.u32 s7, $0x2;
	s12 =	sadd.s32 s29, s11  }
0xc: {  	s13 =	ssub.s32 s8, s31;
	s5 =	sadd.s32 s30, s1;
	s24 =	sadd.s32 $0x41200, s12  }
0xd: {  	s12 =	simm.s32 $0x16800;
	s10 =	sadd.s32 s15, s11;
	s6 =	sadd.s32 $0x4000, s5  }
0xe: {  	s7 =	sadd.s32 $0x8000, s5;
	s8 =	sadd.s32 $0xC000, s5;
	s9 =	sadd.s32 $0x10000, s5  }
0xf: {  	s11 =	smax.u32 s13, $0x1;
	s13 =	simm.s32 $0x3;
	s15 =	sadd.s32 s15, s16  }
0x10: {  	v0 =	vimm.f32 $0.0e+00;
	s16 =	simm.s32 $0x15400;
	s24 =	sadd.s32 s25, s24;
	s10 =	sadd.s32 $0x6000, s10  }
.LBB2_1:
0x11: {  	s25 =	simm.s32 $0x0;
	s26 =	simm.s32 $0x200  }
.LBB2_2:
0x12: {  	p0 =	sne.s32 s26, $0xFE00;
	[tilespmem:s25+$0x16870] =	vst v0  }
0x13: {  	[tilespmem:s25+$0x16800] =	vst v0  }
0x14: {  	[tilespmem:s25+$0x16810] =	vst v0  }
.Ltmp0:
0x15: {  	[tilespmem:s25+$0x16820] =	vst v0;
	(pc) =	sbr.rel @p0 .LBB2_2-.Ltmp0, $4  }
0x16: {  	[tilespmem:s25+$0x16830] =	vst v0  }
0x17: {  	[tilespmem:s25+$0x16840] =	vst v0  }
0x18: {  	[tilespmem:s25+$0x16850] =	vst v0  }
0x19: {  	[tilespmem:s25+$0x16860] =	vst v0;
	s25 =	sshra.s32 s26, $0x2;
	s26 =	sadd.s32 $0x200, s26  }
0x1a: {  	[tilespmem:s25+$0x16870] =	vst v0  }
0x1b: {  	[tilespmem:s25+$0x16800] =	vst v0  }
0x1c: {  	[tilespmem:s25+$0x16810] =	vst v0  }
0x1d: {  	[tilespmem:s25+$0x16820] =	vst v0  }
0x1e: {  	[tilespmem:s25+$0x16830] =	vst v0  }
0x1f: {  	[tilespmem:s25+$0x16840] =	vst v0  }
0x20: {  	[tilespmem:s25+$0x16850] =	vst v0  }
0x21: {  	[tilespmem:s25+$0x16860] =	vst v0  }
0x22: {  	[spmem:s5] =	stream.linear.scatter [tilespmem:s12], [sflag:$0x3], $0x4000, $0x38;
	[tilespmem:$0x1E800] =	vst v63  }
0x23: {  	_ =	swait.ge [sflag:s13], $0x4000  }
0x24: {  	[sflag:s13] =	ssyncset.done $0x0  }
0x25: {  	[sflag:s13] =	ssyncadd.s32 $0xFFFFC000  }
0x26: {  	[spmem:s6] =	stream.linear.scatter [tilespmem:s12], [sflag:$0x3], $0x4000, $0x38;
	[tilespmem:$0x1E800] =	vst v63  }
0x27: {  	_ =	swait.ge [sflag:s13], $0x4000  }
0x28: {  	[sflag:s13] =	ssyncset.done $0x0  }
0x29: {  	[sflag:s13] =	ssyncadd.s32 $0xFFFFC000  }
0x2a: {  	[spmem:s7] =	stream.linear.scatter [tilespmem:s12], [sflag:$0x3], $0x4000, $0x38;
	[tilespmem:$0x1E800] =	vst v63  }
0x2b: {  	_ =	swait.ge [sflag:s13], $0x4000  }
0x2c: {  	[sflag:s13] =	ssyncset.done $0x0  }
0x2d: {  	[sflag:s13] =	ssyncadd.s32 $0xFFFFC000  }
0x2e: {  	[spmem:s8] =	stream.linear.scatter [tilespmem:s12], [sflag:$0x3], $0x4000, $0x38;
	[tilespmem:$0x1E800] =	vst v63  }
0x2f: {  	_ =	swait.ge [sflag:s13], $0x4000  }
0x30: {  	[sflag:s13] =	ssyncset.done $0x0  }
0x31: {  	[sflag:s13] =	ssyncadd.s32 $0xFFFFC000  }
0x32: {  	[spmem:s9] =	stream.linear.scatter [tilespmem:s12], [sflag:$0x3], $0x4000, $0x38;
	[tilespmem:$0x1E800] =	vst v63  }
0x33: {  	_ =	swait.ge [sflag:s13], $0x4000  }
0x34: {  	[sflag:s13] =	ssyncset.done $0x0  }
0x35: {  	[sflag:s13] =	ssyncadd.s32 $0xFFFFC000  }
0x36: {  	s28 =	simm.s32 $0x0;
	[bflag:$0x0] =	sbarrier.arrive $0xFFFF  }
0x37: {  	[tilespmem:s14], [sflag:$0x3] =	stream.linear.gather [hbm4b:s10+s28], $0x1400, $0x38;
	[tilespmem:$0x1E800] =	vst v63  }
0x38: {  	_ =	swait.ge [sflag:s13], $0x1400  }
0x39: {  	[sflag:s13] =	ssyncset.done $0x0  }
0x3a: {  	[sflag:s13] =	ssyncadd.s32 $0xFFFFEC00  }
0x3b: {  	[tilespmem:s16], [sflag:$0x3] =	stream.linear.gather [hbm4b:s15+s28], $0x1400, $0x38;
	[tilespmem:$0x1E800] =	vst v63  }
0x3c: {  	_ =	swait.ge [sflag:s13], $0x1400  }
0x3d: {  	[sflag:s13] =	ssyncset.done $0x0  }
0x3e: {  	[sflag:s13] =	ssyncadd.s32 $0xFFFFEC00  }
0x3f: {  	[tilespmem:s12], [sflag:$0x1] =	stream.indirect.gather [hbm4b:s4+s17], $0x80, s14, s17, $0xb8;
	[tilespmem:$0x1E800] =	vst v63  }
0x40: {  	_ = 	snop  }
0x41: {  	[tilespmem:s19], [sflag:$0x2] =	stream.indirect.gather [hbm4b:s4+s17], $0x80, s18, s17, $0xb8;
	[tilespmem:$0x1E800] =	vst v63  }
0x42: {  	_ =	swait.ge [sflag:s20], $0x4000  }
0x43: {  	[sflag:s20] =	ssyncset.done $0x0  }
0x44: {  	s29 =	simm.s32 $0x15400;
	[sflag:s20] =	ssyncadd.s32 $0xFFFFC000  }
0x45: {  	[spmem:s1] =	stream.indirect.scatter.add.f32 [tilespmem:s12], [sflag:$0x3], $0x80, s29, s17, $0xb8;
	[tilespmem:$0x1E800] =	vst v63  }
0x46: {  	_ =	swait.ge [sflag:s13], $0x4000  }
0x47: {  	[sflag:s13] =	ssyncset.done $0x0  }
0x48: {  	s30 =	simm.s32 $0x14100;
	[sflag:s13] =	ssyncadd.s32 $0xFFFFC000  }
0x49: {  	[tilespmem:s12], [sflag:$0x1] =	stream.indirect.gather [hbm4b:s4+s17], $0x80, s30, s17, $0xb8;
	[tilespmem:$0x1E800] =	vst v63  }
0x4a: {  	_ =	swait.ge [sflag:s21], $0x4000  }
0x4b: {  	[sflag:s21] =	ssyncset.done $0x0  }
0x4c: {  	s31 =	simm.s32 $0x15480;
	[sflag:s21] =	ssyncadd.s32 $0xFFFFC000  }
0x4d: {  	[spmem:s1] =	stream.indirect.scatter.add.f32 [tilespmem:s19], [sflag:$0x3], $0x80, s31, s17, $0xb8;
	[tilespmem:$0x1E800] =	vst v63  }
0x4e: {  	_ =	swait.ge [sflag:s13], $0x4000  }
0x4f: {  	[sflag:s13] =	ssyncset.done $0x0  }
0x50: {  	s25 =	simm.s32 $0x400;
	s26 =	simm.s32 $0x14180;
	[sflag:s13] =	ssyncadd.s32 $0xFFFFC000  }
.LBB2_4:
0x51: {  	[tilespmem:s19], [sflag:$0x2] =	stream.indirect.gather [hbm4b:s4+s17], $0x80, s26, s17, $0xb8;
	[tilespmem:$0x1E800] =	vst v63  }
0x52: {  	s26 =	smov.u32 s25  }
0x53: {  	p0 =	sne.s32 s25, $0x4800;
	s25 =	sadd.s32 $0x400, s25;
	_ =	swait.ge [sflag:s20], $0x4000  }
0x54: {  	s26 =	sshra.s32 s26, $0x2;
	[sflag:s20] =	ssyncset.done $0x0  }
0x55: {  	s28 =	sadd.s32 $0x15400, s26;
	[sflag:s20] =	ssyncadd.s32 $0xFFFFC000  }
0x56: {  	[spmem:s1] =	stream.indirect.scatter.add.f32 [tilespmem:s12], [sflag:$0x3], $0x80, s28, s17, $0xb8;
	[tilespmem:$0x1E800] =	vst v63  }
0x57: {  	_ =	swait.ge [sflag:s13], $0x4000  }
0x58: {  	[sflag:s13] =	ssyncset.done $0x0  }
0x59: {  	s28 =	sadd.s32 $0x14100, s26;
	[sflag:s13] =	ssyncadd.s32 $0xFFFFC000  }
0x5a: {  	[tilespmem:s12], [sflag:$0x1] =	stream.indirect.gather [hbm4b:s4+s17], $0x80, s28, s17, $0xb8;
	[tilespmem:$0x1E800] =	vst v63  }
0x5b: {  	_ =	swait.ge [sflag:s21], $0x4000  }
0x5c: {  	[sflag:s21] =	ssyncset.done $0x0  }
.Ltmp1:
0x5d: {  	s28 =	sadd.s32 $0x15480, s26;
	[sflag:s21] =	ssyncadd.s32 $0xFFFFC000;
	(pc) =	sbr.rel @p0 .LBB2_4-.Ltmp1, $4  }
0x5e: {  	[spmem:s1] =	stream.indirect.scatter.add.f32 [tilespmem:s19], [sflag:$0x3], $0x80, s28, s17, $0xb8;
	[tilespmem:$0x1E800] =	vst v63  }
0x5f: {  	_ =	swait.ge [sflag:s13], $0x4000  }
0x60: {  	[sflag:s13] =	ssyncset.done $0x0  }
0x61: {  	s26 =	sadd.s32 $0x14180, s26;
	[sflag:s13] =	ssyncadd.s32 $0xFFFFC000  }
0x62: {  	[tilespmem:s19], [sflag:$0x2] =	stream.indirect.gather [hbm4b:s4+s17], $0x80, s26, s17, $0xb8;
	[tilespmem:$0x1E800] =	vst v63  }
0x63: {  	_ =	swait.ge [sflag:s20], $0x4000  }
0x64: {  	[sflag:s20] =	ssyncset.done $0x0  }
0x65: {  	[sflag:s20] =	ssyncadd.s32 $0xFFFFC000  }
0x66: {  	[spmem:s1] =	stream.indirect.scatter.add.f32 [tilespmem:s12], [sflag:$0x3], $0x80, s22, s17, $0xb8;
	[tilespmem:$0x1E800] =	vst v63  }
0x67: {  	_ =	swait.ge [sflag:s13], $0x4000  }
0x68: {  	[sflag:s13] =	ssyncset.done $0x0  }
0x69: {  	[sflag:s13] =	ssyncadd.s32 $0xFFFFC000  }
0x6a: {  	_ =	swait.ge [sflag:s21], $0x4000  }
0x6b: {  	[sflag:s21] =	ssyncset.done $0x0  }
0x6c: {  	[sflag:s21] =	ssyncadd.s32 $0xFFFFC000  }
0x6d: {  	[spmem:s1] =	stream.indirect.scatter.add.f32 [tilespmem:s19], [sflag:$0x3], $0x80, s23, s17, $0xb8;
	[tilespmem:$0x1E800] =	vst v63  }
0x6e: {  	_ =	swait.ge [sflag:s13], $0x4000  }
0x6f: {  	[sflag:s13] =	ssyncset.done $0x0  }
0x70: {  	s25 =	sadd.s32 $0x280, s10;
	s31 =	simm.s32 $0x0;
	[sflag:s13] =	ssyncadd.s32 $0xFFFFC000  }
0x71: {  	[tilespmem:s14], [sflag:$0x3] =	stream.linear.gather [hbm4b:s25+s31], $0x1400, $0x38;
	[tilespmem:$0x1E800] =	vst v63  }
0x72: {  	_ =	swait.ge [sflag:s13], $0x1400  }
0x73: {  	[sflag:s13] =	ssyncset.done $0x0  }
0x74: {  	s28 =	sadd.s32 $0x280, s15;
	[sflag:s13] =	ssyncadd.s32 $0xFFFFEC00  }
0x75: {  	[tilespmem:s16], [sflag:$0x3] =	stream.linear.gather [hbm4b:s28+s31], $0x1400, $0x38;
	[tilespmem:$0x1E800] =	vst v63  }
0x76: {  	_ =	swait.ge [sflag:s13], $0x1400  }
0x77: {  	[sflag:s13] =	ssyncset.done $0x0  }
0x78: {  	[sflag:s13] =	ssyncadd.s32 $0xFFFFEC00  }
0x79: {  	[tilespmem:s12], [sflag:$0x1] =	stream.indirect.gather [hbm4b:s4+s17], $0x80, s14, s17, $0xb8;
	[tilespmem:$0x1E800] =	vst v63  }
0x7a: {  	_ = 	snop  }
0x7b: {  	[tilespmem:s19], [sflag:$0x2] =	stream.indirect.gather [hbm4b:s4+s17], $0x80, s18, s17, $0xb8;
	[tilespmem:$0x1E800] =	vst v63  }
0x7c: {  	_ =	swait.ge [sflag:s20], $0x4000  }
0x7d: {  	[sflag:s20] =	ssyncset.done $0x0  }
0x7e: {  	s29 =	simm.s32 $0x15400;
	[sflag:s20] =	ssyncadd.s32 $0xFFFFC000  }
0x7f: {  	[spmem:s1] =	stream.indirect.scatter.add.f32 [tilespmem:s12], [sflag:$0x3], $0x80, s29, s17, $0xb8;
	[tilespmem:$0x1E800] =	vst v63  }
0x80: {  	_ =	swait.ge [sflag:s13], $0x4000  }
0x81: {  	[sflag:s13] =	ssyncset.done $0x0  }
0x82: {  	s30 =	simm.s32 $0x14100;
	[sflag:s13] =	ssyncadd.s32 $0xFFFFC000  }
0x83: {  	[tilespmem:s12], [sflag:$0x1] =	stream.indirect.gather [hbm4b:s4+s17], $0x80, s30, s17, $0xb8;
	[tilespmem:$0x1E800] =	vst v63  }
0x84: {  	_ =	swait.ge [sflag:s21], $0x4000  }
0x85: {  	[sflag:s21] =	ssyncset.done $0x0  }
0x86: {  	s31 =	simm.s32 $0x15480;
	[sflag:s21] =	ssyncadd.s32 $0xFFFFC000  }
0x87: {  	[spmem:s1] =	stream.indirect.scatter.add.f32 [tilespmem:s19], [sflag:$0x3], $0x80, s31, s17, $0xb8;
	[tilespmem:$0x1E800] =	vst v63  }
0x88: {  	_ =	swait.ge [sflag:s13], $0x4000  }
0x89: {  	[sflag:s13] =	ssyncset.done $0x0  }
0x8a: {  	s26 =	simm.s32 $0x14180;
	s25 =	simm.s32 $0x400;
	[sflag:s13] =	ssyncadd.s32 $0xFFFFC000  }
.LBB2_6:
0x8b: {  	[tilespmem:s19], [sflag:$0x2] =	stream.indirect.gather [hbm4b:s4+s17], $0x80, s26, s17, $0xb8;
	[tilespmem:$0x1E800] =	vst v63  }
0x8c: {  	s26 =	smov.u32 s25  }
0x8d: {  	p0 =	sne.s32 s25, $0x4800;
	s25 =	sadd.s32 $0x400, s25;
	_ =	swait.ge [sflag:s20], $0x4000  }
0x8e: {  	s26 =	sshra.s32 s26, $0x2;
	[sflag:s20] =	ssyncset.done $0x0  }
0x8f: {  	s28 =	sadd.s32 $0x15400, s26;
	[sflag:s20] =	ssyncadd.s32 $0xFFFFC000  }
0x90: {  	[spmem:s1] =	stream.indirect.scatter.add.f32 [tilespmem:s12], [sflag:$0x3], $0x80, s28, s17, $0xb8;
	[tilespmem:$0x1E800] =	vst v63  }
0x91: {  	_ =	swait.ge [sflag:s13], $0x4000  }
0x92: {  	[sflag:s13] =	ssyncset.done $0x0  }
0x93: {  	s28 =	sadd.s32 $0x14100, s26;
	[sflag:s13] =	ssyncadd.s32 $0xFFFFC000  }
0x94: {  	[tilespmem:s12], [sflag:$0x1] =	stream.indirect.gather [hbm4b:s4+s17], $0x80, s28, s17, $0xb8;
	[tilespmem:$0x1E800] =	vst v63  }
0x95: {  	_ =	swait.ge [sflag:s21], $0x4000  }
0x96: {  	[sflag:s21] =	ssyncset.done $0x0  }
.Ltmp2:
0x97: {  	s28 =	sadd.s32 $0x15480, s26;
	[sflag:s21] =	ssyncadd.s32 $0xFFFFC000;
	(pc) =	sbr.rel @p0 .LBB2_6-.Ltmp2, $4  }
0x98: {  	[spmem:s1] =	stream.indirect.scatter.add.f32 [tilespmem:s19], [sflag:$0x3], $0x80, s28, s17, $0xb8;
	[tilespmem:$0x1E800] =	vst v63  }
0x99: {  	_ =	swait.ge [sflag:s13], $0x4000  }
0x9a: {  	[sflag:s13] =	ssyncset.done $0x0  }
0x9b: {  	s26 =	sadd.s32 $0x14180, s26;
	[sflag:s13] =	ssyncadd.s32 $0xFFFFC000  }
0x9c: {  	[tilespmem:s19], [sflag:$0x2] =	stream.indirect.gather [hbm4b:s4+s17], $0x80, s26, s17, $0xb8;
	[tilespmem:$0x1E800] =	vst v63  }
0x9d: {  	_ =	swait.ge [sflag:s20], $0x4000  }
0x9e: {  	[sflag:s20] =	ssyncset.done $0x0  }
0x9f: {  	[sflag:s20] =	ssyncadd.s32 $0xFFFFC000  }
0xa0: {  	[spmem:s1] =	stream.indirect.scatter.add.f32 [tilespmem:s12], [sflag:$0x3], $0x80, s22, s17, $0xb8;
	[tilespmem:$0x1E800] =	vst v63  }
0xa1: {  	_ =	swait.ge [sflag:s13], $0x4000  }
0xa2: {  	[sflag:s13] =	ssyncset.done $0x0  }
0xa3: {  	[sflag:s13] =	ssyncadd.s32 $0xFFFFC000  }
0xa4: {  	_ =	swait.ge [sflag:s21], $0x4000  }
0xa5: {  	[sflag:s21] =	ssyncset.done $0x0  }
0xa6: {  	[sflag:s21] =	ssyncadd.s32 $0xFFFFC000  }
0xa7: {  	[spmem:s1] =	stream.indirect.scatter.add.f32 [tilespmem:s19], [sflag:$0x3], $0x80, s23, s17, $0xb8;
	[tilespmem:$0x1E800] =	vst v63  }
0xa8: {  	_ =	swait.ge [sflag:s13], $0x4000  }
0xa9: {  	s25 =	sshll.u32 s2, $0x6;
	s3 =	sadd.s32 $0x1, s3;
	[sflag:s13] =	ssyncset.done $0x0  }
0xaa: {  	s31 =	sshrl.u32 s5, $0x3;
	p0 =	sne.s32 s3, s11;
	[sflag:s13] =	ssyncadd.s32 $0xFFFFC000  }
.Ltmp3:
0xab: {  	s25 =	sor.u32 $0x1C03, s25;
	[bflag:$0x0] =	sbarrier.arrive $0xFFFF;
	(pc) =	sbr.rel @p0 .LBB2_1-.Ltmp3, $4  }
0xac: {  	[hbm:s24], [sflag:s25] =	dma.local [spmem:s31], $0x2800  }
0xad: {  	_ =	swait.ge [sflag:s13], $0x2800  }
0xae: {  	[sflag:s13] =	ssyncset.done $0x0  }
0xaf: {  	[sflag:s13] =	ssyncadd.s32 $0xFFFFD800  }
0xb0: {  	_ =	sfence.sel $0x180000  }
0xb1: {  	[bflag:$0x0] =	sbarrier.arrive $0xFFFF  }
0xb2: {  	p0 =	sne.s32 s2, $0x0;
	_ =	strace $0x9000004A  }
0xb3: {  	s0 =	sadd.s32 @!p0 $0x100000, s0;
	[bflag:$0x2] =	sbarrier.arrive $0xFFFF  }
0xb4: {  	[sflag:s0] =	ssyncadd.tile.s32 @!p0 $0x1;
	_ =	shalt  }
.Lfunc_end2:
_tile_overlayer_lowered:
.L_overlay_start_2:
0xb5: {  	(tag) =	ssettag $0x2  }
0xb6: {  	s0 =	rddreg [dreg:$0x0];
	s2 =	stileid.u32  }
0xb7: {  	s1 =	rddreg [dreg:$0x1];
	p0 =	sne.s32 s2, $0x0  }
0xb8: {  	s3 =	rddreg [dreg:$0x2];
	[bflag:$0x3] =	sbarrier.arrive $0xFFFF;
	s2 =	simm.s32 @!p0 $0x1C03  }
0xb9: {  	[timem:s3], [sflag:s2] =	dma.local @!p0 [hbm:s0], s1  }
0xba: {  	s0 =	simm.s32 @!p0 $0x3  }
0xbb: {  	_ =	swait.ge @!p0 [sflag:s0], s1  }
0xbc: {  	s1 =	ssub.s32 @!p0 $0x0, s1;
	[sflag:s0] =	ssyncset.done @!p0 $0x0  }
0xbd: {  	[sflag:s0] =	ssyncadd.s32 @!p0 s1  }
0xbe: {  	[bflag:$0x3] =	sbarrier.arrive $0xFFFF  }
0xbf: {  	_ =	shalt  }

// kernel: kernel.14.cloned.1.call-start
scs
__scs_entry_jumppad:
0x0: {  	(pc) =	sbr.rel $0x88, $3  }
0x1: {  	(tag) =	ssettag $0x0;
	lr =	simm.s32 $0x1  }
0x2: {  	[smem:$0x3F7D] =	sst lr;
	_ =	strace $0xD0000000  }
0x3: {  	_ = 	snop  }
0x4: {  	_ = 	snop  }
0x5: {  	_ = 	snop  }
0x6: {  	_ = 	snop  }
0x7: {  	_ = 	snop  }
__scs_overlays_trampoline_lowered:
0x8: {  	[smem:$0x3F8C] =	sst s0  }
0x9: {  	[smem:$0x3F8D] =	sst s1  }
0xa: {  	[smem:$0x3F8E] =	sst s2  }
0xb: {  	[smem:$0x3F8F] =	sst s3  }
0xc: {  	[smem:$0x3F90] =	sst s4  }
0xd: {  	[smem:$0x3F91] =	sst s5  }
0xe: {  	[smem:$0x3F92] =	sst s6  }
0xf: {  	[smem:$0x3F93] =	sst s7  }
0x10: {  	[smem:$0x3F94] =	sst s8  }
0x11: {  	[smem:$0x3F95] =	sst s9;
	s0 =	simm.s32 @!p0 $0x0  }
0x12: {  	s1 =	sld [smem:$0x3F7B];
	s0 =	simm.s32 @p0 $0x1  }
0x13: {  	[smem:$0x3F96] =	sst s0;
	s0 =	simm.s32 @!p1 $0x0  }
0x14: {  	s2 =	sld [smem:$0x3F7A];
	s0 =	simm.s32 @p1 $0x1  }
0x15: {  	[smem:$0x3F97] =	sst s0;
	s0 =	simm.s32 @!p2 $0x0  }
0x16: {  	s3 =	sld [smem:$0x3FDB];
	s0 =	simm.s32 @p2 $0x1  }
0x17: {  	s4 =	simm.s32 $0x1BF5;
	[smem:$0x3F99] =	sst s0  }
0x18: {  	s0 =	sld [smem:$0x3F7C];
	_ =	swait.ge [sflag:s4], $0x0  }
0x19: {  	s7 =	sld [smem:$0x3F7D]  }
0x1a: {  	s8 =	sadd.s32 $0xFFFFE003, lr  }
0x1b: {  	s9 =	sadd.s32 $0xFFFFFEF7, lr;
	s5 =	simm.s32 $0xFFFFFFFF;
	p2 =	slt.u32 s8, $0xFFFFF086  }
0x1c: {  	p1 =	slt.u32 s9, $0xF7A;
	s5 =	simm.s32 @!p2 $0x0  }
0x1d: {  	s5 =	simm.s32 @p1 $0x1;
	p0 =	seq.s32 s7, s2  }
0x1e: {  	s7 =	smul.u32 @!p0 $0xF7A, s2;
	p2 =	seq.s32 @!p0 s5, $0x0  }
0x1f: {  	s9 =	smul.u32 $0xF7A, s1;
	s8 =	simm.s32 @!p0 $0x1BF5;
	p2 =	por !p2, p0  }
0x20: {  	[sflag:s8] =	ssyncset.s32 @!p0 $0xFFFFF086;
	s6 =	sadd.s32 @!p0 s3, s7;
	s7 =	simm.s32 @!p0 $0x108  }
0x21: {  	s3 =	sadd.s32 s3, s9;
	s6 =	sadd.s32 @!p0 $0x88, s6;
	s7 =	simm.s32 @p2 $0x1082  }
0x22: {  	[simem:s7], [sflag:s8] =	dma.local @!p0 [hbm:s6], $0xF7A  }
0x23: {  	s9 =	sor.u32 $0xD0000000, s2;
	s6 =	simm.s32 $0x108;
	_ =	swait.ge @!p0 [sflag:s8], $0x0  }
0x24: {  	s3 =	sadd.s32 $0x88, s3;
	s6 =	simm.s32 @!p1 $0x1082;
	[sflag:s4] =	ssyncset.s32 $0xFFFFF086  }
0x25: {  	[simem:s6], [sflag:s4] =	dma.local [hbm:s3], $0xF7A  }
0x26: {  	[smem:$0x3F7D] =	sst s1;
	(tag) =	ssettag s2;
	_ =	strace s9  }
0x27: {  	s1 =	sld [smem:$0x3F8D]  }
0x28: {  	s2 =	sld [smem:$0x3F8E]  }
0x29: {  	s4 =	sld [smem:$0x3F90]  }
0x2a: {  	p0 =	seq.s32 s5, $0x0;
	s5 =	sld [smem:$0x3F91]  }
0x2b: {  	s6 =	sld [smem:$0x3F92]  }
0x2c: {  	s7 =	sld [smem:$0x3F93]  }
0x2d: {  	s3 =	simm.s32 $0x108;
	s8 =	sld [smem:$0x3F94]  }
0x2e: {  	s3 =	simm.s32 @!p0 $0x1082;
	s9 =	sld [smem:$0x3F95]  }
0x2f: {  	lr =	sadd.s32 s0, s3;
	s0 =	sld [smem:$0x3F8C]  }
0x30: {  	s3 =	sld [smem:$0x3F8F]  }
0x31: {  	[smem:$0x3F98] =	sst s10  }
0x32: {  	s10 =	sld [smem:$0x3F96];
	_ =	sdelay $0x3  }
0x33: {  	p0 =	seq.s32 s10, $0x1;
	s10 =	sld [smem:$0x3F98];
	_ =	sdelay $0x3  }
0x34: {  	[smem:$0x3F98] =	sst s10  }
0x35: {  	s10 =	sld [smem:$0x3F97];
	_ =	sdelay $0x3  }
0x36: {  	p1 =	seq.s32 s10, $0x1;
	s10 =	sld [smem:$0x3F98];
	_ =	sdelay $0x3  }
0x37: {  	[smem:$0x3F98] =	sst s10  }
0x38: {  	s10 =	sld [smem:$0x3F99]  }
0x39: {  	_ = 	snop;
	(pc) =	sbr.ind lr, $3  }
0x3a: {  	_ = 	snop  }
0x3b: {  	_ = 	snop  }
0x3c: {  	p2 =	seq.s32 s10, $0x1;
	s10 =	sld [smem:$0x3F98]  }
0x3d: {  	_ =	shalt  }
0x3e: {  	_ =	shalt  }
0x3f: {  	_ =	shalt  }
0x40: {  	_ =	shalt  }
0x41: {  	_ =	shalt  }
0x42: {  	_ =	shalt  }
0x43: {  	_ =	shalt  }
0x44: {  	_ =	shalt  }
0x45: {  	_ =	shalt  }
0x46: {  	_ =	shalt  }
0x47: {  	_ =	shalt  }
0x48: {  	_ =	shalt  }
0x49: {  	_ =	shalt  }
0x4a: {  	_ =	shalt  }
0x4b: {  	_ =	shalt  }
0x4c: {  	_ =	shalt  }
0x4d: {  	_ =	shalt  }
0x4e: {  	_ =	shalt  }
0x4f: {  	_ =	shalt  }
0x50: {  	_ =	shalt  }
0x51: {  	_ =	shalt  }
0x52: {  	_ =	shalt  }
0x53: {  	_ =	shalt  }
0x54: {  	_ =	shalt  }
0x55: {  	_ =	shalt  }
0x56: {  	_ =	shalt  }
0x57: {  	_ =	shalt  }
0x58: {  	_ =	shalt  }
0x59: {  	_ =	shalt  }
0x5a: {  	_ =	shalt  }
0x5b: {  	_ =	shalt  }
0x5c: {  	_ =	shalt  }
0x5d: {  	_ =	shalt  }
0x5e: {  	_ =	shalt  }
0x5f: {  	_ =	shalt  }
0x60: {  	_ =	shalt  }
0x61: {  	_ =	shalt  }
0x62: {  	_ =	shalt  }
0x63: {  	_ =	shalt  }
0x64: {  	_ =	shalt  }
0x65: {  	_ =	shalt  }
0x66: {  	_ =	shalt  }
0x67: {  	_ =	shalt  }
0x68: {  	_ =	shalt  }
0x69: {  	_ =	shalt  }
0x6a: {  	_ =	shalt  }
0x6b: {  	_ =	shalt  }
0x6c: {  	_ =	shalt  }
0x6d: {  	_ =	shalt  }
0x6e: {  	_ =	shalt  }
0x6f: {  	_ =	shalt  }
0x70: {  	_ =	shalt  }
0x71: {  	_ =	shalt  }
0x72: {  	_ =	shalt  }
0x73: {  	_ =	shalt  }
0x74: {  	_ =	shalt  }
0x75: {  	_ =	shalt  }
0x76: {  	_ =	shalt  }
0x77: {  	_ =	shalt  }
0x78: {  	_ =	shalt  }
0x79: {  	_ =	shalt  }
0x7a: {  	_ =	shalt  }
0x7b: {  	_ =	shalt  }
0x7c: {  	_ =	shalt  }
0x7d: {  	_ =	shalt  }
0x7e: {  	_ =	shalt  }
0x7f: {  	_ =	shalt  }
0x80: {  	_ =	shalt  }
0x81: {  	_ =	shalt  }
0x82: {  	_ =	shalt  }
0x83: {  	_ =	shalt  }
0x84: {  	_ =	shalt  }
0x85: {  	_ =	shalt  }
0x86: {  	_ =	shalt  }
0x87: {  	_ =	shalt  }
.Lfunc_end0:
.L_simem_size_0:
called_computation.2_lowered:
.L_overlay_start_0:
0x88: {  	s2 =	sld [smem:$0x3FD9]  }
0x89: {  	s3 =	sld [smem:$0x3FFE];
	_ =	sdelay $0x1  }
0x8a: {  	s1 =	srdreg.scid  }
0x8b: {  	s0 =	sand.u32 $0x1, s1  }
0x8c: {  	s16 =	sshll.u32 s0, $0xA;
	s2 =	sadd.s32 s3, s2  }
0x8d: {  	s2 =	sadd.s32 s2, s16  }
0x8e: {  	[smem:$0x3FA4] =	sst s2  }
0x8f: {  	_ = 	snop  }
0x90: {  	(tm) =	ssettm $0x1  }
0x91: {  	s17 =	sld [smem:$0x3FFB];
	_ =	sdelay $0x3  }
0x92: {  	_ =	strace s17  }
0x93: {  	s2 =	sld [smem:$0x3FFC];
	_ =	sdelay $0x3  }
0x94: {  	_ =	strace s2  }
0x95: {  	s2 =	sld [smem:$0x3FFD];
	_ =	sdelay $0x3  }
0x96: {  	_ =	strace s2  }
0x97: {  	_ =	strace $0x8FFFFFFF  }
0x98: {  	s18 =	sld [smem:$0x3FDB];
	_ =	sdelay $0x1  }
0x99: {  	s19 =	simm.s32 $_scs_section_size  }
0x9a: {  	s4 =	simm.s32 $_size__tile_overlayer_lowered;
	s5 =	simm.s32 $_tile_overlayer_lowered  }
0x9b: {  	s22 =	simm.s32 $0x1BFF;
	s21 =	sshll.u32 s5, $0x1;
	s2 =	sadd.s32 s19, s18  }
0x9c: {  	s6 =	simm.s32 $0x0;
	s20 =	sshll.u32 s4, $0x1;
	s4 =	sadd.s32 s21, s2  }
0x9d: {  	[timem:s6], [sflag:s22] =	dma.local [hbm:s4], s20  }
0x9e: {  	_ =	swait.ge [sflag:s22], s20  }
0x9f: {  	s3 =	ssub.s32 $0x0, s20;
	[sflag:s22] =	ssyncset.done $0x0  }
0xa0: {  	[sflag:s22] =	ssyncadd.s32 s3;
	_ =	sdelay $0x1  }
0xa1: {  	s23 =	simm.s32 $0x1B8B  }
0xa2: {  	_ =	swait.ge [sflag:s23], $0x1  }
0xa3: {  	[sflag:s23] =	ssyncset.done $0x0  }
0xa4: {  	s25 =	simm.s32 $0x1B8E;
	s24 =	sld [smem:$0x3FFE];
	[sflag:s23] =	ssyncadd.s32 $0xFFFFFFFF  }
0xa5: {  	s26 =	simm.s32 $execute0_lowered;
	[smem:$0x3FD2] =	sst s25  }
0xa6: {  	s4 =	sshll.u32 s26, $0x1;
	_ =	strace $0x8000004C;
	[dreg:$0x1] =	wrdreg $0xFFFFFFFF  }
0xa7: {  	s28 =	simm.s32 $_size_execute0_lowered;
	s2 =	sadd.s32 s2, s4;
	[dreg:$0x0] =	wrdreg $0x0  }
0xa8: {  	s4 =	sshll.u32 s28, $0x1;
	[dreg:$0x2] =	wrdreg s2  }
0xa9: {  	[dreg:$0x3] =	wrdreg s4  }
0xaa: {  	[dreg:$0x4] =	wrdreg $0xC0  }
0xab: {  	_ =	task [dreg:s6], $0x5FFFF  }
0xac: {  	[dreg:$0x1] =	wrdreg $0xFFFFFFFF  }
0xad: {  	[dreg:$0x0] =	wrdreg $0x60  }
0xae: {  	[dreg:$0x2] =	wrdreg s24  }
0xaf: {  	[dreg:$0x3] =	wrdreg $0x0  }
0xb0: {  	[dreg:$0x4] =	wrdreg $0x9  }
0xb1: {  	_ =	task.clear_ibuf [dreg:s6], $0x5FFFF;
	_ =	strace $0x9000004C  }
0xb2: {  	s29 =	simm.s32 $0x9;
	_ =	strace $0x8000004E  }
0xb3: {  	_ =	swait.ge [sflag:s29], $0x1  }
0xb4: {  	[sflag:s29] =	ssyncadd.s32 $0xFFFFFFFF  }
0xb5: {  	_ =	strace $0x9000004E  }
0xb6: {  	_ =	sfence  }
0xb7: {  	s30 =	sld [smem:$0x0];
	_ =	sdelay $0x2  }
0xb8: {  	s31 =	sshll.u32 s1, $0xD;
	s1 =	sshrl.u32 s1, $0x2  }
0xb9: {  	s3 =	sand.u32 $0x4000, s31;
	s1 =	sadd.s32 s1, s30  }
0xba: {  	s0 =	sor.u32 s3, s0;
	s1 =	sshll.u32 s1, $0x11  }
0xbb: {  	s0 =	sor.u32 s1, s0  }
0xbc: {  	s0 =	sadd.s32 $0x8F2B, s0  }
0xbd: {  	[sflag:s0] =	ssyncadd.remote.s32 $0x1  }
0xbe: {  	_ =	sfence.sel $0xFFFF  }
0xbf: {  	[dreg:$0x0] =	wrdreg $0xFFFFFFFF;
	(pc) =	sbr.abs _section_cstart, $3  }
0xc0: {  	[dreg:$0x1] =	wrdreg $0xFFFFFFFF  }
0xc1: {  	_ =	task.clear_ibuf [dreg:s6], $0x2FFFF;
	_ =	strace $0x9FFFFFFF  }
0xc2: {  	(tm) =	ssettm $0x7FFFFFFF  }
0xc3: {  	_ =	shalt  }
tec
execute0_lowered:
.L_overlay_start_1:
0x0: {  	(tag) =	ssettag $0x1  }
0x1: {  	s11 =	rddreg [dreg:$0x0]  }
0x2: {  	s1 =	rddreg [dreg:$0x1]  }
0x3: {  	s2 =	srdreg.scid;
	s0 =	rddreg [dreg:$0x2];
	s3 =	simm.s32 $0x0  }
0x4: {  	s14 =	simm.s32 $0x14000;
	s17 =	simm.s32 $0x80;
	s18 =	simm.s32 $0x14080  }
0x5: {  	s19 =	simm.s32 $0x1A800;
	s20 =	simm.s32 $0x1;
	s21 =	simm.s32 $0x2  }
0x6: {  	s22 =	simm.s32 $0x16700;
	s5 =	sand.u32 $0x1, s2;
	s2 =	stileid.u32  }
0x7: {  	s23 =	simm.s32 $0x16780;
	[smem:$0x7FF] =	sst s3;
	s7 =	smul.u32 $0x50000, s2  }
0x8: {  	s16 =	sadd.s32 $0x10000, s11;
	s4 =	sshll.u32 s5, $0x4;
	s29 =	smul.u32 $0x28000, s5  }
0x9: {  	_ =	strace $0x8000004D;
	s8 =	ssub.s32 $0x2, s5;
	s25 =	smul.u32 $0x2800, s2  }
0xa: {  	s6 =	sor.u32 s2, s4;
	s4 =	sadd.s32 $0x1A000, s11;
	s31 =	sshrl.u32 s8, $0x1  }
0xb: {  	s15 =	smul.u32 $0x500, s6;
	s30 =	sshrl.u32 s7, $0x2;
	s12 =	sadd.s32 s29, s11  }
0xc: {  	s13 =	ssub.s32 s8, s31;
	s5 =	sadd.s32 s30, s1;
	s24 =	sadd.s32 $0x41200, s12  }
0xd: {  	s12 =	simm.s32 $0x16800;
	s10 =	sadd.s32 s15, s11;
	s6 =	sadd.s32 $0x4000, s5  }
0xe: {  	s7 =	sadd.s32 $0x8000, s5;
	s8 =	sadd.s32 $0xC000, s5;
	s9 =	sadd.s32 $0x10000, s5  }
0xf: {  	s11 =	smax.u32 s13, $0x1;
	s13 =	simm.s32 $0x3;
	s15 =	sadd.s32 s15, s16  }
0x10: {  	v0 =	vimm.f32 $0.0e+00;
	s16 =	simm.s32 $0x15400;
	s24 =	sadd.s32 s25, s24;
	s10 =	sadd.s32 $0x6000, s10  }
.LBB2_1:
0x11: {  	s25 =	simm.s32 $0x0;
	s26 =	simm.s32 $0x200  }
.LBB2_2:
0x12: {  	p0 =	sne.s32 s26, $0xFE00;
	[tilespmem:s25+$0x16870] =	vst v0  }
0x13: {  	[tilespmem:s25+$0x16800] =	vst v0  }
0x14: {  	[tilespmem:s25+$0x16810] =	vst v0  }
.Ltmp0:
0x15: {  	[tilespmem:s25+$0x16820] =	vst v0;
	(pc) =	sbr.rel @p0 .LBB2_2-.Ltmp0, $4  }
0x16: {  	[tilespmem:s25+$0x16830] =	vst v0  }
0x17: {  	[tilespmem:s25+$0x16840] =	vst v0  }
0x18: {  	[tilespmem:s25+$0x16850] =	vst v0  }
0x19: {  	[tilespmem:s25+$0x16860] =	vst v0;
	s25 =	sshra.s32 s26, $0x2;
	s26 =	sadd.s32 $0x200, s26  }
0x1a: {  	[tilespmem:s25+$0x16870] =	vst v0  }
0x1b: {  	[tilespmem:s25+$0x16800] =	vst v0  }
0x1c: {  	[tilespmem:s25+$0x16810] =	vst v0  }
0x1d: {  	[tilespmem:s25+$0x16820] =	vst v0  }
0x1e: {  	[tilespmem:s25+$0x16830] =	vst v0  }
0x1f: {  	[tilespmem:s25+$0x16840] =	vst v0  }
0x20: {  	[tilespmem:s25+$0x16850] =	vst v0  }
0x21: {  	[tilespmem:s25+$0x16860] =	vst v0  }
0x22: {  	[spmem:s5] =	stream.linear.scatter [tilespmem:s12], [sflag:$0x3], $0x4000, $0x38;
	[tilespmem:$0x1E800] =	vst v63  }
0x23: {  	_ =	swait.ge [sflag:s13], $0x4000  }
0x24: {  	[sflag:s13] =	ssyncset.done $0x0  }
0x25: {  	[sflag:s13] =	ssyncadd.s32 $0xFFFFC000  }
0x26: {  	[spmem:s6] =	stream.linear.scatter [tilespmem:s12], [sflag:$0x3], $0x4000, $0x38;
	[tilespmem:$0x1E800] =	vst v63  }
0x27: {  	_ =	swait.ge [sflag:s13], $0x4000  }
0x28: {  	[sflag:s13] =	ssyncset.done $0x0  }
0x29: {  	[sflag:s13] =	ssyncadd.s32 $0xFFFFC000  }
0x2a: {  	[spmem:s7] =	stream.linear.scatter [tilespmem:s12], [sflag:$0x3], $0x4000, $0x38;
	[tilespmem:$0x1E800] =	vst v63  }
0x2b: {  	_ =	swait.ge [sflag:s13], $0x4000  }
0x2c: {  	[sflag:s13] =	ssyncset.done $0x0  }
0x2d: {  	[sflag:s13] =	ssyncadd.s32 $0xFFFFC000  }
0x2e: {  	[spmem:s8] =	stream.linear.scatter [tilespmem:s12], [sflag:$0x3], $0x4000, $0x38;
	[tilespmem:$0x1E800] =	vst v63  }
0x2f: {  	_ =	swait.ge [sflag:s13], $0x4000  }
0x30: {  	[sflag:s13] =	ssyncset.done $0x0  }
0x31: {  	[sflag:s13] =	ssyncadd.s32 $0xFFFFC000  }
0x32: {  	[spmem:s9] =	stream.linear.scatter [tilespmem:s12], [sflag:$0x3], $0x4000, $0x38;
	[tilespmem:$0x1E800] =	vst v63  }
0x33: {  	_ =	swait.ge [sflag:s13], $0x4000  }
0x34: {  	[sflag:s13] =	ssyncset.done $0x0  }
0x35: {  	[sflag:s13] =	ssyncadd.s32 $0xFFFFC000  }
0x36: {  	s28 =	simm.s32 $0x0;
	[bflag:$0x0] =	sbarrier.arrive $0xFFFF  }
0x37: {  	[tilespmem:s14], [sflag:$0x3] =	stream.linear.gather [hbm4b:s10+s28], $0x1400, $0x38;
	[tilespmem:$0x1E800] =	vst v63  }
0x38: {  	_ =	swait.ge [sflag:s13], $0x1400  }
0x39: {  	[sflag:s13] =	ssyncset.done $0x0  }
0x3a: {  	[sflag:s13] =	ssyncadd.s32 $0xFFFFEC00  }
0x3b: {  	[tilespmem:s16], [sflag:$0x3] =	stream.linear.gather [hbm4b:s15+s28], $0x1400, $0x38;
	[tilespmem:$0x1E800] =	vst v63  }
0x3c: {  	_ =	swait.ge [sflag:s13], $0x1400  }
0x3d: {  	[sflag:s13] =	ssyncset.done $0x0  }
0x3e: {  	[sflag:s13] =	ssyncadd.s32 $0xFFFFEC00  }
0x3f: {  	[tilespmem:s12], [sflag:$0x1] =	stream.indirect.gather [hbm4b:s4+s17], $0x80, s14, s17, $0xb8;
	[tilespmem:$0x1E800] =	vst v63  }
0x40: {  	_ = 	snop  }
0x41: {  	[tilespmem:s19], [sflag:$0x2] =	stream.indirect.gather [hbm4b:s4+s17], $0x80, s18, s17, $0xb8;
	[tilespmem:$0x1E800] =	vst v63  }
0x42: {  	_ =	swait.ge [sflag:s20], $0x4000  }
0x43: {  	[sflag:s20] =	ssyncset.done $0x0  }
0x44: {  	s29 =	simm.s32 $0x15400;
	[sflag:s20] =	ssyncadd.s32 $0xFFFFC000  }
0x45: {  	[spmem:s1] =	stream.indirect.scatter.add.f32 [tilespmem:s12], [sflag:$0x3], $0x80, s29, s17, $0xb8;
	[tilespmem:$0x1E800] =	vst v63  }
0x46: {  	_ =	swait.ge [sflag:s13], $0x4000  }
0x47: {  	[sflag:s13] =	ssyncset.done $0x0  }
0x48: {  	s30 =	simm.s32 $0x14100;
	[sflag:s13] =	ssyncadd.s32 $0xFFFFC000  }
0x49: {  	[tilespmem:s12], [sflag:$0x1] =	stream.indirect.gather [hbm4b:s4+s17], $0x80, s30, s17, $0xb8;
	[tilespmem:$0x1E800] =	vst v63  }
0x4a: {  	_ =	swait.ge [sflag:s21], $0x4000  }
0x4b: {  	[sflag:s21] =	ssyncset.done $0x0  }
0x4c: {  	s31 =	simm.s32 $0x15480;
	[sflag:s21] =	ssyncadd.s32 $0xFFFFC000  }
0x4d: {  	[spmem:s1] =	stream.indirect.scatter.add.f32 [tilespmem:s19], [sflag:$0x3], $0x80, s31, s17, $0xb8;
	[tilespmem:$0x1E800] =	vst v63  }
0x4e: {  	_ =	swait.ge [sflag:s13], $0x4000  }
0x4f: {  	[sflag:s13] =	ssyncset.done $0x0  }
0x50: {  	s25 =	simm.s32 $0x400;
	s26 =	simm.s32 $0x14180;
	[sflag:s13] =	ssyncadd.s32 $0xFFFFC000  }
.LBB2_4:
0x51: {  	[tilespmem:s19], [sflag:$0x2] =	stream.indirect.gather [hbm4b:s4+s17], $0x80, s26, s17, $0xb8;
	[tilespmem:$0x1E800] =	vst v63  }
0x52: {  	s26 =	smov.u32 s25  }
0x53: {  	p0 =	sne.s32 s25, $0x4800;
	s25 =	sadd.s32 $0x400, s25;
	_ =	swait.ge [sflag:s20], $0x4000  }
0x54: {  	s26 =	sshra.s32 s26, $0x2;
	[sflag:s20] =	ssyncset.done $0x0  }
0x55: {  	s28 =	sadd.s32 $0x15400, s26;
	[sflag:s20] =	ssyncadd.s32 $0xFFFFC000  }
0x56: {  	[spmem:s1] =	stream.indirect.scatter.add.f32 [tilespmem:s12], [sflag:$0x3], $0x80, s28, s17, $0xb8;
	[tilespmem:$0x1E800] =	vst v63  }
0x57: {  	_ =	swait.ge [sflag:s13], $0x4000  }
0x58: {  	[sflag:s13] =	ssyncset.done $0x0  }
0x59: {  	s28 =	sadd.s32 $0x14100, s26;
	[sflag:s13] =	ssyncadd.s32 $0xFFFFC000  }
0x5a: {  	[tilespmem:s12], [sflag:$0x1] =	stream.indirect.gather [hbm4b:s4+s17], $0x80, s28, s17, $0xb8;
	[tilespmem:$0x1E800] =	vst v63  }
0x5b: {  	_ =	swait.ge [sflag:s21], $0x4000  }
0x5c: {  	[sflag:s21] =	ssyncset.done $0x0  }
.Ltmp1:
0x5d: {  	s28 =	sadd.s32 $0x15480, s26;
	[sflag:s21] =	ssyncadd.s32 $0xFFFFC000;
	(pc) =	sbr.rel @p0 .LBB2_4-.Ltmp1, $4  }
0x5e: {  	[spmem:s1] =	stream.indirect.scatter.add.f32 [tilespmem:s19], [sflag:$0x3], $0x80, s28, s17, $0xb8;
	[tilespmem:$0x1E800] =	vst v63  }
0x5f: {  	_ =	swait.ge [sflag:s13], $0x4000  }
0x60: {  	[sflag:s13] =	ssyncset.done $0x0  }
0x61: {  	s26 =	sadd.s32 $0x14180, s26;
	[sflag:s13] =	ssyncadd.s32 $0xFFFFC000  }
0x62: {  	[tilespmem:s19], [sflag:$0x2] =	stream.indirect.gather [hbm4b:s4+s17], $0x80, s26, s17, $0xb8;
	[tilespmem:$0x1E800] =	vst v63  }
0x63: {  	_ =	swait.ge [sflag:s20], $0x4000  }
0x64: {  	[sflag:s20] =	ssyncset.done $0x0  }
0x65: {  	[sflag:s20] =	ssyncadd.s32 $0xFFFFC000  }
0x66: {  	[spmem:s1] =	stream.indirect.scatter.add.f32 [tilespmem:s12], [sflag:$0x3], $0x80, s22, s17, $0xb8;
	[tilespmem:$0x1E800] =	vst v63  }
0x67: {  	_ =	swait.ge [sflag:s13], $0x4000  }
0x68: {  	[sflag:s13] =	ssyncset.done $0x0  }
0x69: {  	[sflag:s13] =	ssyncadd.s32 $0xFFFFC000  }
0x6a: {  	_ =	swait.ge [sflag:s21], $0x4000  }
0x6b: {  	[sflag:s21] =	ssyncset.done $0x0  }
0x6c: {  	[sflag:s21] =	ssyncadd.s32 $0xFFFFC000  }
0x6d: {  	[spmem:s1] =	stream.indirect.scatter.add.f32 [tilespmem:s19], [sflag:$0x3], $0x80, s23, s17, $0xb8;
	[tilespmem:$0x1E800] =	vst v63  }
0x6e: {  	_ =	swait.ge [sflag:s13], $0x4000  }
0x6f: {  	[sflag:s13] =	ssyncset.done $0x0  }
0x70: {  	s25 =	sadd.s32 $0x280, s10;
	s31 =	simm.s32 $0x0;
	[sflag:s13] =	ssyncadd.s32 $0xFFFFC000  }
0x71: {  	[tilespmem:s14], [sflag:$0x3] =	stream.linear.gather [hbm4b:s25+s31], $0x1400, $0x38;
	[tilespmem:$0x1E800] =	vst v63  }
0x72: {  	_ =	swait.ge [sflag:s13], $0x1400  }
0x73: {  	[sflag:s13] =	ssyncset.done $0x0  }
0x74: {  	s28 =	sadd.s32 $0x280, s15;
	[sflag:s13] =	ssyncadd.s32 $0xFFFFEC00  }
0x75: {  	[tilespmem:s16], [sflag:$0x3] =	stream.linear.gather [hbm4b:s28+s31], $0x1400, $0x38;
	[tilespmem:$0x1E800] =	vst v63  }
0x76: {  	_ =	swait.ge [sflag:s13], $0x1400  }
0x77: {  	[sflag:s13] =	ssyncset.done $0x0  }
0x78: {  	[sflag:s13] =	ssyncadd.s32 $0xFFFFEC00  }
0x79: {  	[tilespmem:s12], [sflag:$0x1] =	stream.indirect.gather [hbm4b:s4+s17], $0x80, s14, s17, $0xb8;
	[tilespmem:$0x1E800] =	vst v63  }
0x7a: {  	_ = 	snop  }
0x7b: {  	[tilespmem:s19], [sflag:$0x2] =	stream.indirect.gather [hbm4b:s4+s17], $0x80, s18, s17, $0xb8;
	[tilespmem:$0x1E800] =	vst v63  }
0x7c: {  	_ =	swait.ge [sflag:s20], $0x4000  }
0x7d: {  	[sflag:s20] =	ssyncset.done $0x0  }
0x7e: {  	s29 =	simm.s32 $0x15400;
	[sflag:s20] =	ssyncadd.s32 $0xFFFFC000  }
0x7f: {  	[spmem:s1] =	stream.indirect.scatter.add.f32 [tilespmem:s12], [sflag:$0x3], $0x80, s29, s17, $0xb8;
	[tilespmem:$0x1E800] =	vst v63  }
0x80: {  	_ =	swait.ge [sflag:s13], $0x4000  }
0x81: {  	[sflag:s13] =	ssyncset.done $0x0  }
0x82: {  	s30 =	simm.s32 $0x14100;
	[sflag:s13] =	ssyncadd.s32 $0xFFFFC000  }
0x83: {  	[tilespmem:s12], [sflag:$0x1] =	stream.indirect.gather [hbm4b:s4+s17], $0x80, s30, s17, $0xb8;
	[tilespmem:$0x1E800] =	vst v63  }
0x84: {  	_ =	swait.ge [sflag:s21], $0x4000  }
0x85: {  	[sflag:s21] =	ssyncset.done $0x0  }
0x86: {  	s31 =	simm.s32 $0x15480;
	[sflag:s21] =	ssyncadd.s32 $0xFFFFC000  }
0x87: {  	[spmem:s1] =	stream.indirect.scatter.add.f32 [tilespmem:s19], [sflag:$0x3], $0x80, s31, s17, $0xb8;
	[tilespmem:$0x1E800] =	vst v63  }
0x88: {  	_ =	swait.ge [sflag:s13], $0x4000  }
0x89: {  	[sflag:s13] =	ssyncset.done $0x0  }
0x8a: {  	s26 =	simm.s32 $0x14180;
	s25 =	simm.s32 $0x400;
	[sflag:s13] =	ssyncadd.s32 $0xFFFFC000  }
.LBB2_6:
0x8b: {  	[tilespmem:s19], [sflag:$0x2] =	stream.indirect.gather [hbm4b:s4+s17], $0x80, s26, s17, $0xb8;
	[tilespmem:$0x1E800] =	vst v63  }
0x8c: {  	s26 =	smov.u32 s25  }
0x8d: {  	p0 =	sne.s32 s25, $0x4800;
	s25 =	sadd.s32 $0x400, s25;
	_ =	swait.ge [sflag:s20], $0x4000  }
0x8e: {  	s26 =	sshra.s32 s26, $0x2;
	[sflag:s20] =	ssyncset.done $0x0  }
0x8f: {  	s28 =	sadd.s32 $0x15400, s26;
	[sflag:s20] =	ssyncadd.s32 $0xFFFFC000  }
0x90: {  	[spmem:s1] =	stream.indirect.scatter.add.f32 [tilespmem:s12], [sflag:$0x3], $0x80, s28, s17, $0xb8;
	[tilespmem:$0x1E800] =	vst v63  }
0x91: {  	_ =	swait.ge [sflag:s13], $0x4000  }
0x92: {  	[sflag:s13] =	ssyncset.done $0x0  }
0x93: {  	s28 =	sadd.s32 $0x14100, s26;
	[sflag:s13] =	ssyncadd.s32 $0xFFFFC000  }
0x94: {  	[tilespmem:s12], [sflag:$0x1] =	stream.indirect.gather [hbm4b:s4+s17], $0x80, s28, s17, $0xb8;
	[tilespmem:$0x1E800] =	vst v63  }
0x95: {  	_ =	swait.ge [sflag:s21], $0x4000  }
0x96: {  	[sflag:s21] =	ssyncset.done $0x0  }
.Ltmp2:
0x97: {  	s28 =	sadd.s32 $0x15480, s26;
	[sflag:s21] =	ssyncadd.s32 $0xFFFFC000;
	(pc) =	sbr.rel @p0 .LBB2_6-.Ltmp2, $4  }
0x98: {  	[spmem:s1] =	stream.indirect.scatter.add.f32 [tilespmem:s19], [sflag:$0x3], $0x80, s28, s17, $0xb8;
	[tilespmem:$0x1E800] =	vst v63  }
0x99: {  	_ =	swait.ge [sflag:s13], $0x4000  }
0x9a: {  	[sflag:s13] =	ssyncset.done $0x0  }
0x9b: {  	s26 =	sadd.s32 $0x14180, s26;
	[sflag:s13] =	ssyncadd.s32 $0xFFFFC000  }
0x9c: {  	[tilespmem:s19], [sflag:$0x2] =	stream.indirect.gather [hbm4b:s4+s17], $0x80, s26, s17, $0xb8;
	[tilespmem:$0x1E800] =	vst v63  }
0x9d: {  	_ =	swait.ge [sflag:s20], $0x4000  }
0x9e: {  	[sflag:s20] =	ssyncset.done $0x0  }
0x9f: {  	[sflag:s20] =	ssyncadd.s32 $0xFFFFC000  }
0xa0: {  	[spmem:s1] =	stream.indirect.scatter.add.f32 [tilespmem:s12], [sflag:$0x3], $0x80, s22, s17, $0xb8;
	[tilespmem:$0x1E800] =	vst v63  }
0xa1: {  	_ =	swait.ge [sflag:s13], $0x4000  }
0xa2: {  	[sflag:s13] =	ssyncset.done $0x0  }
0xa3: {  	[sflag:s13] =	ssyncadd.s32 $0xFFFFC000  }
0xa4: {  	_ =	swait.ge [sflag:s21], $0x4000  }
0xa5: {  	[sflag:s21] =	ssyncset.done $0x0  }
0xa6: {  	[sflag:s21] =	ssyncadd.s32 $0xFFFFC000  }
0xa7: {  	[spmem:s1] =	stream.indirect.scatter.add.f32 [tilespmem:s19], [sflag:$0x3], $0x80, s23, s17, $0xb8;
	[tilespmem:$0x1E800] =	vst v63  }
0xa8: {  	_ =	swait.ge [sflag:s13], $0x4000  }
0xa9: {  	s25 =	sshll.u32 s2, $0x6;
	s3 =	sadd.s32 $0x1, s3;
	[sflag:s13] =	ssyncset.done $0x0  }
0xaa: {  	s31 =	sshrl.u32 s5, $0x3;
	p0 =	sne.s32 s3, s11;
	[sflag:s13] =	ssyncadd.s32 $0xFFFFC000  }
.Ltmp3:
0xab: {  	s25 =	sor.u32 $0x1C03, s25;
	[bflag:$0x0] =	sbarrier.arrive $0xFFFF;
	(pc) =	sbr.rel @p0 .LBB2_1-.Ltmp3, $4  }
0xac: {  	[hbm:s24], [sflag:s25] =	dma.local [spmem:s31], $0x2800  }
0xad: {  	_ =	swait.ge [sflag:s13], $0x2800  }
0xae: {  	[sflag:s13] =	ssyncset.done $0x0  }
0xaf: {  	[sflag:s13] =	ssyncadd.s32 $0xFFFFD800  }
0xb0: {  	_ =	sfence.sel $0x180000  }
0xb1: {  	[bflag:$0x0] =	sbarrier.arrive $0xFFFF  }
0xb2: {  	p0 =	sne.s32 s2, $0x0;
	_ =	strace $0x9000004D  }
0xb3: {  	s0 =	sadd.s32 @!p0 $0x100000, s0;
	[bflag:$0x2] =	sbarrier.arrive $0xFFFF  }
0xb4: {  	[sflag:s0] =	ssyncadd.tile.s32 @!p0 $0x1;
	_ =	shalt  }
.Lfunc_end2:
_tile_overlayer_lowered:
.L_overlay_start_2:
0xb5: {  	(tag) =	ssettag $0x2  }
0xb6: {  	s0 =	rddreg [dreg:$0x0];
	s2 =	stileid.u32  }
0xb7: {  	s1 =	rddreg [dreg:$0x1];
	p0 =	sne.s32 s2, $0x0  }
0xb8: {  	s3 =	rddreg [dreg:$0x2];
	[bflag:$0x3] =	sbarrier.arrive $0xFFFF;
	s2 =	simm.s32 @!p0 $0x1C03  }
0xb9: {  	[timem:s3], [sflag:s2] =	dma.local @!p0 [hbm:s0], s1  }
0xba: {  	s0 =	simm.s32 @!p0 $0x3  }
0xbb: {  	_ =	swait.ge @!p0 [sflag:s0], s1  }
0xbc: {  	s1 =	ssub.s32 @!p0 $0x0, s1;
	[sflag:s0] =	ssyncset.done @!p0 $0x0  }
0xbd: {  	[sflag:s0] =	ssyncadd.s32 @!p0 s1  }
0xbe: {  	[bflag:$0x3] =	sbarrier.arrive $0xFFFF  }
0xbf: {  	_ =	shalt  }

// kernel: kernel.8.cloned.1.call-start
scs
__scs_entry_jumppad:
0x0: {  	(pc) =	sbr.rel $0x88, $3  }
0x1: {  	(tag) =	ssettag $0x0;
	lr =	simm.s32 $0x1  }
0x2: {  	[smem:$0x3F7D] =	sst lr;
	_ =	strace $0xD0000000  }
0x3: {  	_ = 	snop  }
0x4: {  	_ = 	snop  }
0x5: {  	_ = 	snop  }
0x6: {  	_ = 	snop  }
0x7: {  	_ = 	snop  }
__scs_overlays_trampoline_lowered:
0x8: {  	[smem:$0x3F8C] =	sst s0  }
0x9: {  	[smem:$0x3F8D] =	sst s1  }
0xa: {  	[smem:$0x3F8E] =	sst s2  }
0xb: {  	[smem:$0x3F8F] =	sst s3  }
0xc: {  	[smem:$0x3F90] =	sst s4  }
0xd: {  	[smem:$0x3F91] =	sst s5  }
0xe: {  	[smem:$0x3F92] =	sst s6  }
0xf: {  	[smem:$0x3F93] =	sst s7  }
0x10: {  	[smem:$0x3F94] =	sst s8  }
0x11: {  	[smem:$0x3F95] =	sst s9;
	s0 =	simm.s32 @!p0 $0x0  }
0x12: {  	s1 =	sld [smem:$0x3F7B];
	s0 =	simm.s32 @p0 $0x1  }
0x13: {  	[smem:$0x3F96] =	sst s0;
	s0 =	simm.s32 @!p1 $0x0  }
0x14: {  	s2 =	sld [smem:$0x3F7A];
	s0 =	simm.s32 @p1 $0x1  }
0x15: {  	[smem:$0x3F97] =	sst s0;
	s0 =	simm.s32 @!p2 $0x0  }
0x16: {  	s3 =	sld [smem:$0x3FDB];
	s0 =	simm.s32 @p2 $0x1  }
0x17: {  	s4 =	simm.s32 $0x1BF5;
	[smem:$0x3F99] =	sst s0  }
0x18: {  	s0 =	sld [smem:$0x3F7C];
	_ =	swait.ge [sflag:s4], $0x0  }
0x19: {  	s7 =	sld [smem:$0x3F7D]  }
0x1a: {  	s8 =	sadd.s32 $0xFFFFE003, lr  }
0x1b: {  	s9 =	sadd.s32 $0xFFFFFEF7, lr;
	s5 =	simm.s32 $0xFFFFFFFF;
	p2 =	slt.u32 s8, $0xFFFFF086  }
0x1c: {  	p1 =	slt.u32 s9, $0xF7A;
	s5 =	simm.s32 @!p2 $0x0  }
0x1d: {  	s5 =	simm.s32 @p1 $0x1;
	p0 =	seq.s32 s7, s2  }
0x1e: {  	s7 =	smul.u32 @!p0 $0xF7A, s2;
	p2 =	seq.s32 @!p0 s5, $0x0  }
0x1f: {  	s9 =	smul.u32 $0xF7A, s1;
	s8 =	simm.s32 @!p0 $0x1BF5;
	p2 =	por !p2, p0  }
0x20: {  	[sflag:s8] =	ssyncset.s32 @!p0 $0xFFFFF086;
	s6 =	sadd.s32 @!p0 s3, s7;
	s7 =	simm.s32 @!p0 $0x108  }
0x21: {  	s3 =	sadd.s32 s3, s9;
	s6 =	sadd.s32 @!p0 $0x88, s6;
	s7 =	simm.s32 @p2 $0x1082  }
0x22: {  	[simem:s7], [sflag:s8] =	dma.local @!p0 [hbm:s6], $0xF7A  }
0x23: {  	s9 =	sor.u32 $0xD0000000, s2;
	s6 =	simm.s32 $0x108;
	_ =	swait.ge @!p0 [sflag:s8], $0x0  }
0x24: {  	s3 =	sadd.s32 $0x88, s3;
	s6 =	simm.s32 @!p1 $0x1082;
	[sflag:s4] =	ssyncset.s32 $0xFFFFF086  }
0x25: {  	[simem:s6], [sflag:s4] =	dma.local [hbm:s3], $0xF7A  }
0x26: {  	[smem:$0x3F7D] =	sst s1;
	(tag) =	ssettag s2;
	_ =	strace s9  }
0x27: {  	s1 =	sld [smem:$0x3F8D]  }
0x28: {  	s2 =	sld [smem:$0x3F8E]  }
0x29: {  	s4 =	sld [smem:$0x3F90]  }
0x2a: {  	p0 =	seq.s32 s5, $0x0;
	s5 =	sld [smem:$0x3F91]  }
0x2b: {  	s6 =	sld [smem:$0x3F92]  }
0x2c: {  	s7 =	sld [smem:$0x3F93]  }
0x2d: {  	s3 =	simm.s32 $0x108;
	s8 =	sld [smem:$0x3F94]  }
0x2e: {  	s3 =	simm.s32 @!p0 $0x1082;
	s9 =	sld [smem:$0x3F95]  }
0x2f: {  	lr =	sadd.s32 s0, s3;
	s0 =	sld [smem:$0x3F8C]  }
0x30: {  	s3 =	sld [smem:$0x3F8F]  }
0x31: {  	[smem:$0x3F98] =	sst s10  }
0x32: {  	s10 =	sld [smem:$0x3F96];
	_ =	sdelay $0x3  }
0x33: {  	p0 =	seq.s32 s10, $0x1;
	s10 =	sld [smem:$0x3F98];
	_ =	sdelay $0x3  }
0x34: {  	[smem:$0x3F98] =	sst s10  }
0x35: {  	s10 =	sld [smem:$0x3F97];
	_ =	sdelay $0x3  }
0x36: {  	p1 =	seq.s32 s10, $0x1;
	s10 =	sld [smem:$0x3F98];
	_ =	sdelay $0x3  }
0x37: {  	[smem:$0x3F98] =	sst s10  }
0x38: {  	s10 =	sld [smem:$0x3F99]  }
0x39: {  	_ = 	snop;
	(pc) =	sbr.ind lr, $3  }
0x3a: {  	_ = 	snop  }
0x3b: {  	_ = 	snop  }
0x3c: {  	p2 =	seq.s32 s10, $0x1;
	s10 =	sld [smem:$0x3F98]  }
0x3d: {  	_ =	shalt  }
0x3e: {  	_ =	shalt  }
0x3f: {  	_ =	shalt  }
0x40: {  	_ =	shalt  }
0x41: {  	_ =	shalt  }
0x42: {  	_ =	shalt  }
0x43: {  	_ =	shalt  }
0x44: {  	_ =	shalt  }
0x45: {  	_ =	shalt  }
0x46: {  	_ =	shalt  }
0x47: {  	_ =	shalt  }
0x48: {  	_ =	shalt  }
0x49: {  	_ =	shalt  }
0x4a: {  	_ =	shalt  }
0x4b: {  	_ =	shalt  }
0x4c: {  	_ =	shalt  }
0x4d: {  	_ =	shalt  }
0x4e: {  	_ =	shalt  }
0x4f: {  	_ =	shalt  }
0x50: {  	_ =	shalt  }
0x51: {  	_ =	shalt  }
0x52: {  	_ =	shalt  }
0x53: {  	_ =	shalt  }
0x54: {  	_ =	shalt  }
0x55: {  	_ =	shalt  }
0x56: {  	_ =	shalt  }
0x57: {  	_ =	shalt  }
0x58: {  	_ =	shalt  }
0x59: {  	_ =	shalt  }
0x5a: {  	_ =	shalt  }
0x5b: {  	_ =	shalt  }
0x5c: {  	_ =	shalt  }
0x5d: {  	_ =	shalt  }
0x5e: {  	_ =	shalt  }
0x5f: {  	_ =	shalt  }
0x60: {  	_ =	shalt  }
0x61: {  	_ =	shalt  }
0x62: {  	_ =	shalt  }
0x63: {  	_ =	shalt  }
0x64: {  	_ =	shalt  }
0x65: {  	_ =	shalt  }
0x66: {  	_ =	shalt  }
0x67: {  	_ =	shalt  }
0x68: {  	_ =	shalt  }
0x69: {  	_ =	shalt  }
0x6a: {  	_ =	shalt  }
0x6b: {  	_ =	shalt  }
0x6c: {  	_ =	shalt  }
0x6d: {  	_ =	shalt  }
0x6e: {  	_ =	shalt  }
0x6f: {  	_ =	shalt  }
0x70: {  	_ =	shalt  }
0x71: {  	_ =	shalt  }
0x72: {  	_ =	shalt  }
0x73: {  	_ =	shalt  }
0x74: {  	_ =	shalt  }
0x75: {  	_ =	shalt  }
0x76: {  	_ =	shalt  }
0x77: {  	_ =	shalt  }
0x78: {  	_ =	shalt  }
0x79: {  	_ =	shalt  }
0x7a: {  	_ =	shalt  }
0x7b: {  	_ =	shalt  }
0x7c: {  	_ =	shalt  }
0x7d: {  	_ =	shalt  }
0x7e: {  	_ =	shalt  }
0x7f: {  	_ =	shalt  }
0x80: {  	_ =	shalt  }
0x81: {  	_ =	shalt  }
0x82: {  	_ =	shalt  }
0x83: {  	_ =	shalt  }
0x84: {  	_ =	shalt  }
0x85: {  	_ =	shalt  }
0x86: {  	_ =	shalt  }
0x87: {  	_ =	shalt  }
.Lfunc_end0:
.L_simem_size_0:
called_computation_lowered:
.L_overlay_start_0:
0x88: {  	s2 =	sld [smem:$0x3FD9]  }
0x89: {  	s3 =	sld [smem:$0x3FFE];
	_ =	sdelay $0x1  }
0x8a: {  	s1 =	srdreg.scid  }
0x8b: {  	s0 =	sand.u32 $0x1, s1  }
0x8c: {  	s17 =	sshll.u32 s0, $0xA;
	s2 =	sadd.s32 s3, s2  }
0x8d: {  	s2 =	sadd.s32 s2, s17  }
0x8e: {  	[smem:$0x3FA4] =	sst s2  }
0x8f: {  	_ = 	snop  }
0x90: {  	s2 =	sld [smem:$0x3FC9];
	(tm) =	ssettm $0x1  }
0x91: {  	s18 =	sld [smem:$0x3FFB];
	_ =	sdelay $0x3  }
0x92: {  	_ =	strace s18  }
0x93: {  	s3 =	sld [smem:$0x3FFC];
	_ =	sdelay $0x3  }
0x94: {  	_ =	strace s3  }
0x95: {  	s3 =	sld [smem:$0x3FFD];
	_ =	sdelay $0x3  }
0x96: {  	_ =	strace s3  }
0x97: {  	_ =	strace $0x8FFFFFFF  }
0x98: {  	s19 =	sld [smem:$0x3FDB];
	_ =	sdelay $0x1  }
0x99: {  	s4 =	simm.s32 $_scs_section_size  }
0x9a: {  	s5 =	simm.s32 $_size__tile_overlayer_lowered;
	s6 =	simm.s32 $_tile_overlayer_lowered  }
0x9b: {  	s22 =	simm.s32 $0x1BFF;
	s21 =	sshll.u32 s6, $0x1;
	s3 =	sadd.s32 s4, s19  }
0x9c: {  	s7 =	simm.s32 $0x0;
	s20 =	sshll.u32 s5, $0x1;
	s5 =	sadd.s32 s21, s3  }
0x9d: {  	[timem:s7], [sflag:s22] =	dma.local [hbm:s5], s20  }
0x9e: {  	_ =	swait.ge [sflag:s22], s20  }
0x9f: {  	s4 =	ssub.s32 $0x0, s20;
	[sflag:s22] =	ssyncset.done $0x0  }
0xa0: {  	[sflag:s22] =	ssyncadd.s32 s4;
	_ =	sdelay $0x1  }
0xa1: {  	s23 =	simm.s32 $0x1B8B  }
0xa2: {  	_ =	swait.ge [sflag:s23], $0x1  }
0xa3: {  	[sflag:s23] =	ssyncset.done $0x0  }
0xa4: {  	s25 =	simm.s32 $0x1B8E;
	s24 =	sld [smem:$0x3FFE];
	[sflag:s23] =	ssyncadd.s32 $0xFFFFFFFF  }
0xa5: {  	s26 =	simm.s32 $execute0_lowered;
	[smem:$0x3FD2] =	sst s25  }
0xa6: {  	s5 =	sshll.u32 s26, $0x1;
	_ =	strace $0x80000046;
	[dreg:$0x1] =	wrdreg $0xFFFFFFFF  }
0xa7: {  	s28 =	simm.s32 $_size_execute0_lowered;
	s3 =	sadd.s32 s3, s5;
	[dreg:$0x0] =	wrdreg $0x0  }
0xa8: {  	s5 =	sshll.u32 s28, $0x1;
	[dreg:$0x2] =	wrdreg s3  }
0xa9: {  	[dreg:$0x3] =	wrdreg s5  }
0xaa: {  	[dreg:$0x4] =	wrdreg $0xC0  }
0xab: {  	_ =	task [dreg:s7], $0x5FFFF  }
0xac: {  	[dreg:$0x1] =	wrdreg $0xFFFFFFFF  }
0xad: {  	[dreg:$0x0] =	wrdreg $0x60  }
0xae: {  	[dreg:$0x2] =	wrdreg s2  }
0xaf: {  	[dreg:$0x3] =	wrdreg s24  }
0xb0: {  	[dreg:$0x4] =	wrdreg $0x0  }
0xb1: {  	[dreg:$0x5] =	wrdreg $0x9  }
0xb2: {  	_ =	task.clear_ibuf [dreg:s7], $0x6FFFF;
	_ =	strace $0x90000046  }
0xb3: {  	s29 =	simm.s32 $0x9;
	_ =	strace $0x80000048  }
0xb4: {  	_ =	swait.ge [sflag:s29], $0x1  }
0xb5: {  	[sflag:s29] =	ssyncadd.s32 $0xFFFFFFFF  }
0xb6: {  	_ =	strace $0x90000048  }
0xb7: {  	_ =	sfence  }
0xb8: {  	s30 =	sld [smem:$0x0];
	_ =	sdelay $0x2  }
0xb9: {  	s31 =	sshll.u32 s1, $0xD;
	s1 =	sshrl.u32 s1, $0x2  }
0xba: {  	s3 =	sand.u32 $0x4000, s31;
	s1 =	sadd.s32 s1, s30  }
0xbb: {  	s0 =	sor.u32 s3, s0;
	s1 =	sshll.u32 s1, $0x11  }
0xbc: {  	s0 =	sor.u32 s1, s0  }
0xbd: {  	s0 =	sadd.s32 $0x8F2B, s0  }
0xbe: {  	[sflag:s0] =	ssyncadd.remote.s32 $0x1  }
0xbf: {  	_ =	sfence.sel $0xFFFF  }
0xc0: {  	[dreg:$0x0] =	wrdreg $0xFFFFFFFF;
	(pc) =	sbr.abs _section_cstart, $3  }
0xc1: {  	[dreg:$0x1] =	wrdreg $0xFFFFFFFF  }
0xc2: {  	_ =	task.clear_ibuf [dreg:s7], $0x2FFFF;
	_ =	strace $0x9FFFFFFF  }
0xc3: {  	(tm) =	ssettm $0x7FFFFFFF  }
tec
execute0_lowered:
.L_overlay_start_1:
0x0: {  	(tag) =	ssettag $0x1  }
0x1: {  	s1 =	rddreg [dreg:$0x0]  }
0x2: {  	s11 =	rddreg [dreg:$0x1]  }
0x3: {  	s2 =	rddreg [dreg:$0x2]  }
0x4: {  	s3 =	srdreg.scid;
	s0 =	rddreg [dreg:$0x3]  }
0x5: {  	s4 =	simm.s32 $0x0;
	s14 =	simm.s32 $0x14000;
	s17 =	simm.s32 $0x80  }
0x6: {  	s18 =	simm.s32 $0x14080;
	s19 =	simm.s32 $0x1A800;
	s20 =	simm.s32 $0x1  }
0x7: {  	s21 =	simm.s32 $0x2;
	s22 =	simm.s32 $0x16700;
	s23 =	simm.s32 $0x16780  }
0x8: {  	s5 =	sand.u32 $0x1, s3;
	s3 =	stileid.u32;
	[smem:$0x7FF] =	sst s4  }
0x9: {  	s16 =	sadd.s32 $0x10000, s11;
	s6 =	sshll.u32 s5, $0x4;
	s7 =	smul.u32 $0x50000, s3  }
0xa: {  	_ =	strace $0x80000047;
	s29 =	smul.u32 $0x28000, s5;
	s8 =	ssub.s32 $0x2, s5  }
0xb: {  	s25 =	smul.u32 $0x2800, s3;
	s6 =	sor.u32 s3, s6;
	s31 =	sshrl.u32 s8, $0x1  }
0xc: {  	s15 =	smul.u32 $0x500, s6;
	s30 =	sshrl.u32 s7, $0x2;
	s12 =	sadd.s32 s29, s11  }
0xd: {  	s13 =	ssub.s32 s8, s31;
	s5 =	sadd.s32 s30, s2;
	s24 =	sadd.s32 $0x1A000, s12  }
0xe: {  	s12 =	simm.s32 $0x16800;
	s10 =	sadd.s32 s15, s11;
	s6 =	sadd.s32 $0x4000, s5  }
0xf: {  	s7 =	sadd.s32 $0x8000, s5;
	s8 =	sadd.s32 $0xC000, s5;
	s9 =	sadd.s32 $0x10000, s5  }
0x10: {  	s11 =	smax.u32 s13, $0x1;
	s13 =	simm.s32 $0x3;
	s15 =	sadd.s32 s15, s16  }
0x11: {  	v0 =	vimm.f32 $0.0e+00;
	s16 =	simm.s32 $0x15400;
	s24 =	sadd.s32 s25, s24;
	s10 =	sadd.s32 $0x6000, s10  }
.LBB2_1:
0x12: {  	s25 =	simm.s32 $0x0;
	s26 =	simm.s32 $0x200  }
.LBB2_2:
0x13: {  	p0 =	sne.s32 s26, $0xFE00;
	[tilespmem:s25+$0x16870] =	vst v0  }
0x14: {  	[tilespmem:s25+$0x16800] =	vst v0  }
0x15: {  	[tilespmem:s25+$0x16810] =	vst v0  }
.Ltmp0:
0x16: {  	[tilespmem:s25+$0x16820] =	vst v0;
	(pc) =	sbr.rel @p0 .LBB2_2-.Ltmp0, $4  }
0x17: {  	[tilespmem:s25+$0x16830] =	vst v0  }
0x18: {  	[tilespmem:s25+$0x16840] =	vst v0  }
0x19: {  	[tilespmem:s25+$0x16850] =	vst v0  }
0x1a: {  	[tilespmem:s25+$0x16860] =	vst v0;
	s25 =	sshra.s32 s26, $0x2;
	s26 =	sadd.s32 $0x200, s26  }
0x1b: {  	[tilespmem:s25+$0x16870] =	vst v0  }
0x1c: {  	[tilespmem:s25+$0x16800] =	vst v0  }
0x1d: {  	[tilespmem:s25+$0x16810] =	vst v0  }
0x1e: {  	[tilespmem:s25+$0x16820] =	vst v0  }
0x1f: {  	[tilespmem:s25+$0x16830] =	vst v0  }
0x20: {  	[tilespmem:s25+$0x16840] =	vst v0  }
0x21: {  	[tilespmem:s25+$0x16850] =	vst v0  }
0x22: {  	[tilespmem:s25+$0x16860] =	vst v0  }
0x23: {  	[spmem:s5] =	stream.linear.scatter [tilespmem:s12], [sflag:$0x3], $0x4000, $0x38;
	[tilespmem:$0x1E800] =	vst v63  }
0x24: {  	_ =	swait.ge [sflag:s13], $0x4000  }
0x25: {  	[sflag:s13] =	ssyncset.done $0x0  }
0x26: {  	[sflag:s13] =	ssyncadd.s32 $0xFFFFC000  }
0x27: {  	[spmem:s6] =	stream.linear.scatter [tilespmem:s12], [sflag:$0x3], $0x4000, $0x38;
	[tilespmem:$0x1E800] =	vst v63  }
0x28: {  	_ =	swait.ge [sflag:s13], $0x4000  }
0x29: {  	[sflag:s13] =	ssyncset.done $0x0  }
0x2a: {  	[sflag:s13] =	ssyncadd.s32 $0xFFFFC000  }
0x2b: {  	[spmem:s7] =	stream.linear.scatter [tilespmem:s12], [sflag:$0x3], $0x4000, $0x38;
	[tilespmem:$0x1E800] =	vst v63  }
0x2c: {  	_ =	swait.ge [sflag:s13], $0x4000  }
0x2d: {  	[sflag:s13] =	ssyncset.done $0x0  }
0x2e: {  	[sflag:s13] =	ssyncadd.s32 $0xFFFFC000  }
0x2f: {  	[spmem:s8] =	stream.linear.scatter [tilespmem:s12], [sflag:$0x3], $0x4000, $0x38;
	[tilespmem:$0x1E800] =	vst v63  }
0x30: {  	_ =	swait.ge [sflag:s13], $0x4000  }
0x31: {  	[sflag:s13] =	ssyncset.done $0x0  }
0x32: {  	[sflag:s13] =	ssyncadd.s32 $0xFFFFC000  }
0x33: {  	[spmem:s9] =	stream.linear.scatter [tilespmem:s12], [sflag:$0x3], $0x4000, $0x38;
	[tilespmem:$0x1E800] =	vst v63  }
0x34: {  	_ =	swait.ge [sflag:s13], $0x4000  }
0x35: {  	[sflag:s13] =	ssyncset.done $0x0  }
0x36: {  	[sflag:s13] =	ssyncadd.s32 $0xFFFFC000  }
0x37: {  	s28 =	simm.s32 $0x0;
	[bflag:$0x0] =	sbarrier.arrive $0xFFFF  }
0x38: {  	[tilespmem:s14], [sflag:$0x3] =	stream.linear.gather [hbm4b:s10+s28], $0x1400, $0x38;
	[tilespmem:$0x1E800] =	vst v63  }
0x39: {  	_ =	swait.ge [sflag:s13], $0x1400  }
0x3a: {  	[sflag:s13] =	ssyncset.done $0x0  }
0x3b: {  	[sflag:s13] =	ssyncadd.s32 $0xFFFFEC00  }
0x3c: {  	[tilespmem:s16], [sflag:$0x3] =	stream.linear.gather [hbm4b:s15+s28], $0x1400, $0x38;
	[tilespmem:$0x1E800] =	vst v63  }
0x3d: {  	_ =	swait.ge [sflag:s13], $0x1400  }
0x3e: {  	[sflag:s13] =	ssyncset.done $0x0  }
0x3f: {  	[sflag:s13] =	ssyncadd.s32 $0xFFFFEC00  }
0x40: {  	[tilespmem:s12], [sflag:$0x1] =	stream.indirect.gather [hbm4b:s1+s17], $0x80, s14, s17, $0xb8;
	[tilespmem:$0x1E800] =	vst v63  }
0x41: {  	_ = 	snop  }
0x42: {  	[tilespmem:s19], [sflag:$0x2] =	stream.indirect.gather [hbm4b:s1+s17], $0x80, s18, s17, $0xb8;
	[tilespmem:$0x1E800] =	vst v63  }
0x43: {  	_ =	swait.ge [sflag:s20], $0x4000  }
0x44: {  	[sflag:s20] =	ssyncset.done $0x0  }
0x45: {  	s29 =	simm.s32 $0x15400;
	[sflag:s20] =	ssyncadd.s32 $0xFFFFC000  }
0x46: {  	[spmem:s2] =	stream.indirect.scatter.add.f32 [tilespmem:s12], [sflag:$0x3], $0x80, s29, s17, $0xb8;
	[tilespmem:$0x1E800] =	vst v63  }
0x47: {  	_ =	swait.ge [sflag:s13], $0x4000  }
0x48: {  	[sflag:s13] =	ssyncset.done $0x0  }
0x49: {  	s30 =	simm.s32 $0x14100;
	[sflag:s13] =	ssyncadd.s32 $0xFFFFC000  }
0x4a: {  	[tilespmem:s12], [sflag:$0x1] =	stream.indirect.gather [hbm4b:s1+s17], $0x80, s30, s17, $0xb8;
	[tilespmem:$0x1E800] =	vst v63  }
0x4b: {  	_ =	swait.ge [sflag:s21], $0x4000  }
0x4c: {  	[sflag:s21] =	ssyncset.done $0x0  }
0x4d: {  	s31 =	simm.s32 $0x15480;
	[sflag:s21] =	ssyncadd.s32 $0xFFFFC000  }
0x4e: {  	[spmem:s2] =	stream.indirect.scatter.add.f32 [tilespmem:s19], [sflag:$0x3], $0x80, s31, s17, $0xb8;
	[tilespmem:$0x1E800] =	vst v63  }
0x4f: {  	_ =	swait.ge [sflag:s13], $0x4000  }
0x50: {  	[sflag:s13] =	ssyncset.done $0x0  }
0x51: {  	s25 =	simm.s32 $0x400;
	s26 =	simm.s32 $0x14180;
	[sflag:s13] =	ssyncadd.s32 $0xFFFFC000  }
.LBB2_4:
0x52: {  	[tilespmem:s19], [sflag:$0x2] =	stream.indirect.gather [hbm4b:s1+s17], $0x80, s26, s17, $0xb8;
	[tilespmem:$0x1E800] =	vst v63  }
0x53: {  	s26 =	smov.u32 s25  }
0x54: {  	p0 =	sne.s32 s25, $0x4800;
	s25 =	sadd.s32 $0x400, s25;
	_ =	swait.ge [sflag:s20], $0x4000  }
0x55: {  	s26 =	sshra.s32 s26, $0x2;
	[sflag:s20] =	ssyncset.done $0x0  }
0x56: {  	s28 =	sadd.s32 $0x15400, s26;
	[sflag:s20] =	ssyncadd.s32 $0xFFFFC000  }
0x57: {  	[spmem:s2] =	stream.indirect.scatter.add.f32 [tilespmem:s12], [sflag:$0x3], $0x80, s28, s17, $0xb8;
	[tilespmem:$0x1E800] =	vst v63  }
0x58: {  	_ =	swait.ge [sflag:s13], $0x4000  }
0x59: {  	[sflag:s13] =	ssyncset.done $0x0  }
0x5a: {  	s28 =	sadd.s32 $0x14100, s26;
	[sflag:s13] =	ssyncadd.s32 $0xFFFFC000  }
0x5b: {  	[tilespmem:s12], [sflag:$0x1] =	stream.indirect.gather [hbm4b:s1+s17], $0x80, s28, s17, $0xb8;
	[tilespmem:$0x1E800] =	vst v63  }
0x5c: {  	_ =	swait.ge [sflag:s21], $0x4000  }
0x5d: {  	[sflag:s21] =	ssyncset.done $0x0  }
.Ltmp1:
0x5e: {  	s28 =	sadd.s32 $0x15480, s26;
	[sflag:s21] =	ssyncadd.s32 $0xFFFFC000;
	(pc) =	sbr.rel @p0 .LBB2_4-.Ltmp1, $4  }
0x5f: {  	[spmem:s2] =	stream.indirect.scatter.add.f32 [tilespmem:s19], [sflag:$0x3], $0x80, s28, s17, $0xb8;
	[tilespmem:$0x1E800] =	vst v63  }
0x60: {  	_ =	swait.ge [sflag:s13], $0x4000  }
0x61: {  	[sflag:s13] =	ssyncset.done $0x0  }
0x62: {  	s26 =	sadd.s32 $0x14180, s26;
	[sflag:s13] =	ssyncadd.s32 $0xFFFFC000  }
0x63: {  	[tilespmem:s19], [sflag:$0x2] =	stream.indirect.gather [hbm4b:s1+s17], $0x80, s26, s17, $0xb8;
	[tilespmem:$0x1E800] =	vst v63  }
0x64: {  	_ =	swait.ge [sflag:s20], $0x4000  }
0x65: {  	[sflag:s20] =	ssyncset.done $0x0  }
0x66: {  	[sflag:s20] =	ssyncadd.s32 $0xFFFFC000  }
0x67: {  	[spmem:s2] =	stream.indirect.scatter.add.f32 [tilespmem:s12], [sflag:$0x3], $0x80, s22, s17, $0xb8;
	[tilespmem:$0x1E800] =	vst v63  }
0x68: {  	_ =	swait.ge [sflag:s13], $0x4000  }
0x69: {  	[sflag:s13] =	ssyncset.done $0x0  }
0x6a: {  	[sflag:s13] =	ssyncadd.s32 $0xFFFFC000  }
0x6b: {  	_ =	swait.ge [sflag:s21], $0x4000  }
0x6c: {  	[sflag:s21] =	ssyncset.done $0x0  }
0x6d: {  	[sflag:s21] =	ssyncadd.s32 $0xFFFFC000  }
0x6e: {  	[spmem:s2] =	stream.indirect.scatter.add.f32 [tilespmem:s19], [sflag:$0x3], $0x80, s23, s17, $0xb8;
	[tilespmem:$0x1E800] =	vst v63  }
0x6f: {  	_ =	swait.ge [sflag:s13], $0x4000  }
0x70: {  	[sflag:s13] =	ssyncset.done $0x0  }
0x71: {  	s25 =	sadd.s32 $0x280, s10;
	s31 =	simm.s32 $0x0;
	[sflag:s13] =	ssyncadd.s32 $0xFFFFC000  }
0x72: {  	[tilespmem:s14], [sflag:$0x3] =	stream.linear.gather [hbm4b:s25+s31], $0x1400, $0x38;
	[tilespmem:$0x1E800] =	vst v63  }
0x73: {  	_ =	swait.ge [sflag:s13], $0x1400  }
0x74: {  	[sflag:s13] =	ssyncset.done $0x0  }
0x75: {  	s28 =	sadd.s32 $0x280, s15;
	[sflag:s13] =	ssyncadd.s32 $0xFFFFEC00  }
0x76: {  	[tilespmem:s16], [sflag:$0x3] =	stream.linear.gather [hbm4b:s28+s31], $0x1400, $0x38;
	[tilespmem:$0x1E800] =	vst v63  }
0x77: {  	_ =	swait.ge [sflag:s13], $0x1400  }
0x78: {  	[sflag:s13] =	ssyncset.done $0x0  }
0x79: {  	[sflag:s13] =	ssyncadd.s32 $0xFFFFEC00  }
0x7a: {  	[tilespmem:s12], [sflag:$0x1] =	stream.indirect.gather [hbm4b:s1+s17], $0x80, s14, s17, $0xb8;
	[tilespmem:$0x1E800] =	vst v63  }
0x7b: {  	_ = 	snop  }
0x7c: {  	[tilespmem:s19], [sflag:$0x2] =	stream.indirect.gather [hbm4b:s1+s17], $0x80, s18, s17, $0xb8;
	[tilespmem:$0x1E800] =	vst v63  }
0x7d: {  	_ =	swait.ge [sflag:s20], $0x4000  }
0x7e: {  	[sflag:s20] =	ssyncset.done $0x0  }
0x7f: {  	s29 =	simm.s32 $0x15400;
	[sflag:s20] =	ssyncadd.s32 $0xFFFFC000  }
0x80: {  	[spmem:s2] =	stream.indirect.scatter.add.f32 [tilespmem:s12], [sflag:$0x3], $0x80, s29, s17, $0xb8;
	[tilespmem:$0x1E800] =	vst v63  }
0x81: {  	_ =	swait.ge [sflag:s13], $0x4000  }
0x82: {  	[sflag:s13] =	ssyncset.done $0x0  }
0x83: {  	s30 =	simm.s32 $0x14100;
	[sflag:s13] =	ssyncadd.s32 $0xFFFFC000  }
0x84: {  	[tilespmem:s12], [sflag:$0x1] =	stream.indirect.gather [hbm4b:s1+s17], $0x80, s30, s17, $0xb8;
	[tilespmem:$0x1E800] =	vst v63  }
0x85: {  	_ =	swait.ge [sflag:s21], $0x4000  }
0x86: {  	[sflag:s21] =	ssyncset.done $0x0  }
0x87: {  	s31 =	simm.s32 $0x15480;
	[sflag:s21] =	ssyncadd.s32 $0xFFFFC000  }
0x88: {  	[spmem:s2] =	stream.indirect.scatter.add.f32 [tilespmem:s19], [sflag:$0x3], $0x80, s31, s17, $0xb8;
	[tilespmem:$0x1E800] =	vst v63  }
0x89: {  	_ =	swait.ge [sflag:s13], $0x4000  }
0x8a: {  	[sflag:s13] =	ssyncset.done $0x0  }
0x8b: {  	s26 =	simm.s32 $0x14180;
	s25 =	simm.s32 $0x400;
	[sflag:s13] =	ssyncadd.s32 $0xFFFFC000  }
.LBB2_6:
0x8c: {  	[tilespmem:s19], [sflag:$0x2] =	stream.indirect.gather [hbm4b:s1+s17], $0x80, s26, s17, $0xb8;
	[tilespmem:$0x1E800] =	vst v63  }
0x8d: {  	s26 =	smov.u32 s25  }
0x8e: {  	p0 =	sne.s32 s25, $0x4800;
	s25 =	sadd.s32 $0x400, s25;
	_ =	swait.ge [sflag:s20], $0x4000  }
0x8f: {  	s26 =	sshra.s32 s26, $0x2;
	[sflag:s20] =	ssyncset.done $0x0  }
0x90: {  	s28 =	sadd.s32 $0x15400, s26;
	[sflag:s20] =	ssyncadd.s32 $0xFFFFC000  }
0x91: {  	[spmem:s2] =	stream.indirect.scatter.add.f32 [tilespmem:s12], [sflag:$0x3], $0x80, s28, s17, $0xb8;
	[tilespmem:$0x1E800] =	vst v63  }
0x92: {  	_ =	swait.ge [sflag:s13], $0x4000  }
0x93: {  	[sflag:s13] =	ssyncset.done $0x0  }
0x94: {  	s28 =	sadd.s32 $0x14100, s26;
	[sflag:s13] =	ssyncadd.s32 $0xFFFFC000  }
0x95: {  	[tilespmem:s12], [sflag:$0x1] =	stream.indirect.gather [hbm4b:s1+s17], $0x80, s28, s17, $0xb8;
	[tilespmem:$0x1E800] =	vst v63  }
0x96: {  	_ =	swait.ge [sflag:s21], $0x4000  }
0x97: {  	[sflag:s21] =	ssyncset.done $0x0  }
.Ltmp2:
0x98: {  	s28 =	sadd.s32 $0x15480, s26;
	[sflag:s21] =	ssyncadd.s32 $0xFFFFC000;
	(pc) =	sbr.rel @p0 .LBB2_6-.Ltmp2, $4  }
0x99: {  	[spmem:s2] =	stream.indirect.scatter.add.f32 [tilespmem:s19], [sflag:$0x3], $0x80, s28, s17, $0xb8;
	[tilespmem:$0x1E800] =	vst v63  }
0x9a: {  	_ =	swait.ge [sflag:s13], $0x4000  }
0x9b: {  	[sflag:s13] =	ssyncset.done $0x0  }
0x9c: {  	s26 =	sadd.s32 $0x14180, s26;
	[sflag:s13] =	ssyncadd.s32 $0xFFFFC000  }
0x9d: {  	[tilespmem:s19], [sflag:$0x2] =	stream.indirect.gather [hbm4b:s1+s17], $0x80, s26, s17, $0xb8;
	[tilespmem:$0x1E800] =	vst v63  }
0x9e: {  	_ =	swait.ge [sflag:s20], $0x4000  }
0x9f: {  	[sflag:s20] =	ssyncset.done $0x0  }
0xa0: {  	[sflag:s20] =	ssyncadd.s32 $0xFFFFC000  }
0xa1: {  	[spmem:s2] =	stream.indirect.scatter.add.f32 [tilespmem:s12], [sflag:$0x3], $0x80, s22, s17, $0xb8;
	[tilespmem:$0x1E800] =	vst v63  }
0xa2: {  	_ =	swait.ge [sflag:s13], $0x4000  }
0xa3: {  	[sflag:s13] =	ssyncset.done $0x0  }
0xa4: {  	[sflag:s13] =	ssyncadd.s32 $0xFFFFC000  }
0xa5: {  	_ =	swait.ge [sflag:s21], $0x4000  }
0xa6: {  	[sflag:s21] =	ssyncset.done $0x0  }
0xa7: {  	[sflag:s21] =	ssyncadd.s32 $0xFFFFC000  }
0xa8: {  	[spmem:s2] =	stream.indirect.scatter.add.f32 [tilespmem:s19], [sflag:$0x3], $0x80, s23, s17, $0xb8;
	[tilespmem:$0x1E800] =	vst v63  }
0xa9: {  	_ =	swait.ge [sflag:s13], $0x4000  }
0xaa: {  	s25 =	sshll.u32 s3, $0x6;
	s4 =	sadd.s32 $0x1, s4;
	[sflag:s13] =	ssyncset.done $0x0  }
0xab: {  	s31 =	sshrl.u32 s5, $0x3;
	p0 =	sne.s32 s4, s11;
	[sflag:s13] =	ssyncadd.s32 $0xFFFFC000  }
.Ltmp3:
0xac: {  	s25 =	sor.u32 $0x1C03, s25;
	[bflag:$0x0] =	sbarrier.arrive $0xFFFF;
	(pc) =	sbr.rel @p0 .LBB2_1-.Ltmp3, $4  }
0xad: {  	[hbm:s24], [sflag:s25] =	dma.local [spmem:s31], $0x2800  }
0xae: {  	_ =	swait.ge [sflag:s13], $0x2800  }
0xaf: {  	[sflag:s13] =	ssyncset.done $0x0  }
0xb0: {  	[sflag:s13] =	ssyncadd.s32 $0xFFFFD800  }
0xb1: {  	_ =	sfence.sel $0x180000  }
0xb2: {  	[bflag:$0x0] =	sbarrier.arrive $0xFFFF  }
0xb3: {  	p0 =	sne.s32 s3, $0x0;
	_ =	strace $0x90000047  }
0xb4: {  	s0 =	sadd.s32 @!p0 $0x100000, s0;
	[bflag:$0x2] =	sbarrier.arrive $0xFFFF  }
0xb5: {  	[sflag:s0] =	ssyncadd.tile.s32 @!p0 $0x1;
	_ =	shalt  }
.Lfunc_end2:
_tile_overlayer_lowered:
.L_overlay_start_2:
0xb6: {  	(tag) =	ssettag $0x2  }
0xb7: {  	s0 =	rddreg [dreg:$0x0];
	s2 =	stileid.u32  }
0xb8: {  	s1 =	rddreg [dreg:$0x1];
	p0 =	sne.s32 s2, $0x0  }
0xb9: {  	s3 =	rddreg [dreg:$0x2];
	[bflag:$0x3] =	sbarrier.arrive $0xFFFF;
	s2 =	simm.s32 @!p0 $0x1C03  }
0xba: {  	[timem:s3], [sflag:s2] =	dma.local @!p0 [hbm:s0], s1  }
0xbb: {  	s0 =	simm.s32 @!p0 $0x3  }
0xbc: {  	_ =	swait.ge @!p0 [sflag:s0], s1  }
0xbd: {  	s1 =	ssub.s32 @!p0 $0x0, s1;
	[sflag:s0] =	ssyncset.done @!p0 $0x0  }
0xbe: {  	[sflag:s0] =	ssyncadd.s32 @!p0 s1  }
0xbf: {  	[bflag:$0x3] =	sbarrier.arrive $0xFFFF  }
0xc0: {  	_ =	shalt  }

</sc_bundles>
